<compile_context>
chip_gen: v7x
topology: tpu7x:2x2x1
jax: 0.10.2.dev20260603
libtpu: 0.0.44.dev20260713+nightly
codegen_flags: <defaults>
</compile_context>

<pallas_src>
import functools

import jax
import jax.numpy as jnp
from jax import lax
from jax.experimental import pallas as pl
from jax.experimental.pallas import tpu as pltpu
from jax.experimental.pallas import tpu_sc as plsc

_NUM_CORES = 2
_NUM_SUBCORES = 16
_LANES = 16
_NBUF = 4
_LOOKAHEAD = 3


def _embed_kernel(B, S, E, CW):
    NW = _NUM_CORES * _NUM_SUBCORES
    SP = S // NW
    NH = SP // CW

    mesh = plsc.VectorSubcoreMesh(core_axis_name="c", subcore_axis_name="s")

    scratch = [
        pltpu.VMEM((NH, B * CW), jnp.int32),
        pltpu.VMEM((_NBUF, CW, E), jnp.float32),
    ]
    scratch += [pltpu.VMEM((B * CW, E), jnp.float32) for _ in range(_NBUF)]
    scratch += [pltpu.SemaphoreType.DMA for _ in range(3 * _NBUF + 1)]

    @functools.partial(
        pl.kernel,
        mesh=mesh,
        out_type=jax.ShapeDtypeStruct((B, S, E), jnp.float32),
        scratch_types=scratch,
    )
    def k(x_hbm, tok_hbm, pos_hbm, out_hbm, idx_v, pos_v, *bufs):
        rows = bufs[0:_NBUF]
        sg = bufs[_NBUF:2 * _NBUF]
        so = bufs[2 * _NBUF:3 * _NBUF]
        s_idx = bufs[3 * _NBUF]
        s_pos = bufs[3 * _NBUF + 1:4 * _NBUF + 1]

        wid = lax.axis_index("s") * _NUM_CORES + lax.axis_index("c")
        p0 = wid * SP

        for h in range(NH):
            for b in range(B):
                pltpu.async_copy(
                    x_hbm.at[b, pl.ds(p0 + h * CW, CW)],
                    idx_v.at[h, pl.ds(b * CW, CW)],
                    s_idx,
                )
        for h in range(NH):
            for b in range(B):
                pltpu.make_async_copy(
                    x_hbm.at[b, pl.ds(p0 + h * CW, CW)],
                    idx_v.at[h, pl.ds(b * CW, CW)],
                    s_idx,
                ).wait()

        def pos_copy(h):
            g = h % _NBUF
            return pltpu.make_async_copy(
                pos_hbm.at[pl.ds(p0 + h * CW, CW)], pos_v.at[g], s_pos[g]
            )

        def start(h):
            g = h % _NBUF
            pltpu.async_copy(tok_hbm.at[idx_v.at[h]], rows[g], sg[g])

        def wait_in(h):
            g = h % _NBUF
            pltpu.make_async_copy(
                tok_hbm.at[idx_v.at[h]], rows[g], sg[g]
            ).wait()

        def out_copy(h, b):
            g = h % _NBUF
            return pltpu.make_async_copy(
                rows[g].at[pl.ds(b * CW, CW)],
                out_hbm.at[b, pl.ds(p0 + h * CW, CW)],
                so[g],
            )

        def wait_out(h):
            for b in range(B):
                out_copy(h, b).wait()

        def add_and_store(h):
            g = h % _NBUF

            @pl.loop(0, CW)
            def _pos(p):
                @plsc.parallel_loop(0, E, step=_LANES, unroll=4)
                def _col(e):
                    pv = pos_v.at[h % _NBUF, p, pl.ds(e, _LANES)][...]
                    for b in range(B):
                        plsc.addupdate(
                            rows[g].at[b * CW + p, pl.ds(e, _LANES)], pv
                        )

            for b in range(B):
                out_copy(h, b).start()

        for h in range(min(_LOOKAHEAD, NH)):
            start(h)
            pos_copy(h).start()
        for h in range(NH):
            pos_copy(h).wait()
            wait_in(h)
            add_and_store(h)
            n = h + _LOOKAHEAD
            if n < NH:
                if n - _NBUF >= 0:
                    wait_out(n - _NBUF)
                start(n)
                pos_copy(n).start()
        for h in range(max(0, NH - _NBUF), NH):
            wait_out(h)

    return k


def kernel(x, tok_table, pos_table):
    B, S = x.shape
    _, E = tok_table.shape
    return _embed_kernel(B, S, E, CW=8)(
        x.astype(jnp.int32), tok_table, pos_table
    )

# --- scband reference (transcript-rebuilt; emitter-appended) ---
"""Pipeline reference for scband-gptembedding-75935021794074 (READ-ONLY COPY).

The authoritative reference and input builder live on the scoring server;
editing this copy changes nothing except your own understanding.
"""

import jax, jax.numpy as jnp
import numpy as np

VOCAB = 100000
EMB = 768
CTX = 2048
BATCH = 4
SEQ = 2048


def setup_inputs(seed: int = 0) -> dict:
    key = jax.random.key(seed)
    k1, k2, k3 = jax.random.split(key, 3)
    x = jax.random.randint(k1, (BATCH, SEQ), 0, VOCAB, dtype=jnp.int64 if jax.config.jax_enable_x64 else jnp.int32)
    tok_table = jax.random.normal(k2, (VOCAB, EMB), dtype=jnp.float32) * 0.02
    pos_table = jax.random.normal(k3, (CTX, EMB), dtype=jnp.float32) * 0.02
    return {"x": x, "tok_table": tok_table, "pos_table": pos_table}


def reference(x, tok_table, pos_table):
    # TokenEmbedding: gather rows of tok_table by token id
    token_emb = jnp.take(tok_table, x, axis=0)  # [B, S, E]
    # PositionalEmbedding: learned positions 0..S-1 of the input sequence
    seq_len = x.shape[1]
    positions = jnp.arange(seq_len)
    position_emb = jnp.take(pos_table, positions, axis=0)[None, :, :]  # [1, S, E]
    out = token_emb + position_emb
    # dropout_rate = 0.0 (eval / p=0) -> identity
    return out

if __name__ == "__main__":
    import jax
    _d = setup_inputs()
    print(jax.jit(kernel)(*tuple(_d.values())))

</pallas_src>

<mosaic_0001>
#map = affine_map<(d0, d1) -> (0, 0)>
#map1 = affine_map<(d0, d1) -> (0, 0, 0)>
module attributes {stable_mosaic.version = 14 : i64} {
  func.func @k(%arg0: i32, %arg1: i32, %arg2: memref<4x2048xi32, #tpu.memory_space<hbm>>, %arg3: memref<100000x768xf32, #tpu.memory_space<hbm>>, %arg4: memref<2048x768xf32, #tpu.memory_space<hbm>>, %arg5: memref<4x2048x768xf32, #tpu.memory_space<hbm>>, %arg6: memref<8x32xi32, #tpu.memory_space<vmem>>, %arg7: memref<4x8x768xf32, #tpu.memory_space<vmem>>, %arg8: memref<32x768xf32, #tpu.memory_space<vmem>>, %arg9: memref<32x768xf32, #tpu.memory_space<vmem>>, %arg10: memref<32x768xf32, #tpu.memory_space<vmem>>, %arg11: memref<32x768xf32, #tpu.memory_space<vmem>>, %arg12: memref<!tpu.dma_semaphore, #tpu.memory_space<semaphore_mem>>, %arg13: memref<!tpu.dma_semaphore, #tpu.memory_space<semaphore_mem>>, %arg14: memref<!tpu.dma_semaphore, #tpu.memory_space<semaphore_mem>>, %arg15: memref<!tpu.dma_semaphore, #tpu.memory_space<semaphore_mem>>, %arg16: memref<!tpu.dma_semaphore, #tpu.memory_space<semaphore_mem>>, %arg17: memref<!tpu.dma_semaphore, #tpu.memory_space<semaphore_mem>>, %arg18: memref<!tpu.dma_semaphore, #tpu.memory_space<semaphore_mem>>, %arg19: memref<!tpu.dma_semaphore, #tpu.memory_space<semaphore_mem>>, %arg20: memref<!tpu.dma_semaphore, #tpu.memory_space<semaphore_mem>>, %arg21: memref<!tpu.dma_semaphore, #tpu.memory_space<semaphore_mem>>, %arg22: memref<!tpu.dma_semaphore, #tpu.memory_space<semaphore_mem>>, %arg23: memref<!tpu.dma_semaphore, #tpu.memory_space<semaphore_mem>>, %arg24: memref<!tpu.dma_semaphore, #tpu.memory_space<semaphore_mem>>) attributes {dimension_semantics = [#tpu.dimension_semantics<core_parallel>, #tpu.dimension_semantics<subcore_parallel>], iteration_bounds = array<i64: 2, 16>, scalar_prefetch = 0 : i64, scratch_operands = 19 : i64, tpu.core_type = #tpu.core_type<sc_vector_subcore>, window_params = [{transform_indices = #map}, {transform_indices = #map}, {transform_indices = #map}, {transform_indices = #map1}]} {
    %mul3A = arith.constant 2 : i32
    %mul3A_0 = arith.muli %arg1, %mul3A : i32
    %add3A = arith.addi %mul3A_0, %arg0 : i32
    %mul3A_1 = arith.constant 64 : i32
    %mul3A_2 = arith.muli %add3A, %mul3A_1 : i32
    %add3A_3 = arith.constant 0 : i32
    %add3A_4 = arith.addi %mul3A_2, %add3A_3 : i32
    %dma_start3A = arith.constant 0 : i32
    %dma_start3A_5 = arith.constant 0 : i32
    %dma_start3A_6 = arith.constant 0 : i32
    %dma_start3A_7 = tpu.memref_slice %arg6[%dma_start3A_5, %dma_start3A_6] : memref<8x32xi32, #tpu.memory_space<vmem>> -> memref<1x8xi32, #tpu.memory_space<vmem>>
    %dma_start3A_8 = tpu.memref_squeeze %dma_start3A_7 : memref<1x8xi32, #tpu.memory_space<vmem>> -> memref<8xi32, #tpu.memory_space<vmem>>
    %dma_start3A_9 = tpu.memref_slice %arg2[%dma_start3A, %add3A_4] : memref<4x2048xi32, #tpu.memory_space<hbm>> -> memref<1x8xi32, #tpu.memory_space<hbm>>
    %dma_start3A_10 = tpu.memref_squeeze %dma_start3A_9 : memref<1x8xi32, #tpu.memory_space<hbm>> -> memref<8xi32, #tpu.memory_space<hbm>>
    %dma_start3A_11 = arith.constant 0 : i32
    %dma_start3A_12 = tpu.memref_slice %arg6[%dma_start3A_5, %dma_start3A_11] : memref<8x32xi32, #tpu.memory_space<vmem>> -> memref<1x8xi32, #tpu.memory_space<vmem>>
    %dma_start3A_13 = tpu.memref_squeeze %dma_start3A_12 : memref<1x8xi32, #tpu.memory_space<vmem>> -> memref<8xi32, #tpu.memory_space<vmem>>
    %dma_start3A_14 = tpu.memref_slice %arg2[%dma_start3A, %add3A_4] : memref<4x2048xi32, #tpu.memory_space<hbm>> -> memref<1x8xi32, #tpu.memory_space<hbm>>
    %dma_start3A_15 = tpu.memref_squeeze %dma_start3A_14 : memref<1x8xi32, #tpu.memory_space<hbm>> -> memref<8xi32, #tpu.memory_space<hbm>>
    tpu.enqueue_dma source(%dma_start3A_15 : memref<8xi32, #tpu.memory_space<hbm>>) target(%dma_start3A_13 : memref<8xi32, #tpu.memory_space<vmem>>) target_semaphore(%arg20 : memref<!tpu.dma_semaphore, #tpu.memory_space<semaphore_mem>>)
    %add3A_16 = arith.constant 0 : i32
    %add3A_17 = arith.addi %mul3A_2, %add3A_16 : i32
    %dma_start3A_18 = arith.constant 1 : i32
    %dma_start3A_19 = arith.constant 0 : i32
    %dma_start3A_20 = arith.constant 8 : i32
    %dma_start3A_21 = tpu.memref_slice %arg6[%dma_start3A_19, %dma_start3A_20] : memref<8x32xi32, #tpu.memory_space<vmem>> -> memref<1x8xi32, #tpu.memory_space<vmem>>
    %dma_start3A_22 = tpu.memref_squeeze %dma_start3A_21 : memref<1x8xi32, #tpu.memory_space<vmem>> -> memref<8xi32, #tpu.memory_space<vmem>>
    %dma_start3A_23 = tpu.memref_slice %arg2[%dma_start3A_18, %add3A_17] : memref<4x2048xi32, #tpu.memory_space<hbm>> -> memref<1x8xi32, #tpu.memory_space<hbm>>
    %dma_start3A_24 = tpu.memref_squeeze %dma_start3A_23 : memref<1x8xi32, #tpu.memory_space<hbm>> -> memref<8xi32, #tpu.memory_space<hbm>>
    %dma_start3A_25 = arith.constant 8 : i32
    %dma_start3A_26 = tpu.memref_slice %arg6[%dma_start3A_19, %dma_start3A_25] : memref<8x32xi32, #tpu.memory_space<vmem>> -> memref<1x8xi32, #tpu.memory_space<vmem>>
    %dma_start3A_27 = tpu.memref_squeeze %dma_start3A_26 : memref<1x8xi32, #tpu.memory_space<vmem>> -> memref<8xi32, #tpu.memory_space<vmem>>
    %dma_start3A_28 = tpu.memref_slice %arg2[%dma_start3A_18, %add3A_17] : memref<4x2048xi32, #tpu.memory_space<hbm>> -> memref<1x8xi32, #tpu.memory_space<hbm>>
    %dma_start3A_29 = tpu.memref_squeeze %dma_start3A_28 : memref<1x8xi32, #tpu.memory_space<hbm>> -> memref<8xi32, #tpu.memory_space<hbm>>
    tpu.enqueue_dma source(%dma_start3A_29 : memref<8xi32, #tpu.memory_space<hbm>>) target(%dma_start3A_27 : memref<8xi32, #tpu.memory_space<vmem>>) target_semaphore(%arg20 : memref<!tpu.dma_semaphore, #tpu.memory_space<semaphore_mem>>)
    %add3A_30 = arith.constant 0 : i32
    %add3A_31 = arith.addi %mul3A_2, %add3A_30 : i32
    %dma_start3A_32 = arith.constant 2 : i32
    %dma_start3A_33 = arith.constant 0 : i32
    %dma_start3A_34 = arith.constant 16 : i32
    %dma_start3A_35 = tpu.memref_slice %arg6[%dma_start3A_33, %dma_start3A_34] : memref<8x32xi32, #tpu.memory_space<vmem>> -> memref<1x8xi32, #tpu.memory_space<vmem>>
    %dma_start3A_36 = tpu.memref_squeeze %dma_start3A_35 : memref<1x8xi32, #tpu.memory_space<vmem>> -> memref<8xi32, #tpu.memory_space<vmem>>
    %dma_start3A_37 = tpu.memref_slice %arg2[%dma_start3A_32, %add3A_31] : memref<4x2048xi32, #tpu.memory_space<hbm>> -> memref<1x8xi32, #tpu.memory_space<hbm>>
    %dma_start3A_38 = tpu.memref_squeeze %dma_start3A_37 : memref<1x8xi32, #tpu.memory_space<hbm>> -> memref<8xi32, #tpu.memory_space<hbm>>
    %dma_start3A_39 = arith.constant 16 : i32
    %dma_start3A_40 = tpu.memref_slice %arg6[%dma_start3A_33, %dma_start3A_39] : memref<8x32xi32, #tpu.memory_space<vmem>> -> memref<1x8xi32, #tpu.memory_space<vmem>>
    %dma_start3A_41 = tpu.memref_squeeze %dma_start3A_40 : memref<1x8xi32, #tpu.memory_space<vmem>> -> memref<8xi32, #tpu.memory_space<vmem>>
    %dma_start3A_42 = tpu.memref_slice %arg2[%dma_start3A_32, %add3A_31] : memref<4x2048xi32, #tpu.memory_space<hbm>> -> memref<1x8xi32, #tpu.memory_space<hbm>>
    %dma_start3A_43 = tpu.memref_squeeze %dma_start3A_42 : memref<1x8xi32, #tpu.memory_space<hbm>> -> memref<8xi32, #tpu.memory_space<hbm>>
    tpu.enqueue_dma source(%dma_start3A_43 : memref<8xi32, #tpu.memory_space<hbm>>) target(%dma_start3A_41 : memref<8xi32, #tpu.memory_space<vmem>>) target_semaphore(%arg20 : memref<!tpu.dma_semaphore, #tpu.memory_space<semaphore_mem>>)
    %add3A_44 = arith.constant 0 : i32
    %add3A_45 = arith.addi %mul3A_2, %add3A_44 : i32
    %dma_start3A_46 = arith.constant 3 : i32
    %dma_start3A_47 = arith.constant 0 : i32
    %dma_start3A_48 = arith.constant 24 : i32
    %dma_start3A_49 = tpu.memref_slice %arg6[%dma_start3A_47, %dma_start3A_48] : memref<8x32xi32, #tpu.memory_space<vmem>> -> memref<1x8xi32, #tpu.memory_space<vmem>>
    %dma_start3A_50 = tpu.memref_squeeze %dma_start3A_49 : memref<1x8xi32, #tpu.memory_space<vmem>> -> memref<8xi32, #tpu.memory_space<vmem>>
    %dma_start3A_51 = tpu.memref_slice %arg2[%dma_start3A_46, %add3A_45] : memref<4x2048xi32, #tpu.memory_space<hbm>> -> memref<1x8xi32, #tpu.memory_space<hbm>>
    %dma_start3A_52 = tpu.memref_squeeze %dma_start3A_51 : memref<1x8xi32, #tpu.memory_space<hbm>> -> memref<8xi32, #tpu.memory_space<hbm>>
    %dma_start3A_53 = arith.constant 24 : i32
    %dma_start3A_54 = tpu.memref_slice %arg6[%dma_start3A_47, %dma_start3A_53] : memref<8x32xi32, #tpu.memory_space<vmem>> -> memref<1x8xi32, #tpu.memory_space<vmem>>
    %dma_start3A_55 = tpu.memref_squeeze %dma_start3A_54 : memref<1x8xi32, #tpu.memory_space<vmem>> -> memref<8xi32, #tpu.memory_space<vmem>>
    %dma_start3A_56 = tpu.memref_slice %arg2[%dma_start3A_46, %add3A_45] : memref<4x2048xi32, #tpu.memory_space<hbm>> -> memref<1x8xi32, #tpu.memory_space<hbm>>
    %dma_start3A_57 = tpu.memref_squeeze %dma_start3A_56 : memref<1x8xi32, #tpu.memory_space<hbm>> -> memref<8xi32, #tpu.memory_space<hbm>>
    tpu.enqueue_dma source(%dma_start3A_57 : memref<8xi32, #tpu.memory_space<hbm>>) target(%dma_start3A_55 : memref<8xi32, #tpu.memory_space<vmem>>) target_semaphore(%arg20 : memref<!tpu.dma_semaphore, #tpu.memory_space<semaphore_mem>>)
    %add3A_58 = arith.constant 8 : i32
    %add3A_59 = arith.addi %mul3A_2, %add3A_58 : i32
    %dma_start3A_60 = arith.constant 0 : i32
    %dma_start3A_61 = arith.constant 1 : i32
    %dma_start3A_62 = arith.constant 0 : i32
    %dma_start3A_63 = tpu.memref_slice %arg6[%dma_start3A_61, %dma_start3A_62] : memref<8x32xi32, #tpu.memory_space<vmem>> -> memref<1x8xi32, #tpu.memory_space<vmem>>
    %dma_start3A_64 = tpu.memref_squeeze %dma_start3A_63 : memref<1x8xi32, #tpu.memory_space<vmem>> -> memref<8xi32, #tpu.memory_space<vmem>>
    %dma_start3A_65 = tpu.memref_slice %arg2[%dma_start3A_60, %add3A_59] : memref<4x2048xi32, #tpu.memory_space<hbm>> -> memref<1x8xi32, #tpu.memory_space<hbm>>
    %dma_start3A_66 = tpu.memref_squeeze %dma_start3A_65 : memref<1x8xi32, #tpu.memory_space<hbm>> -> memref<8xi32, #tpu.memory_space<hbm>>
    %dma_start3A_67 = arith.constant 0 : i32
    %dma_start3A_68 = tpu.memref_slice %arg6[%dma_start3A_61, %dma_start3A_67] : memref<8x32xi32, #tpu.memory_space<vmem>> -> memref<1x8xi32, #tpu.memory_space<vmem>>
    %dma_start3A_69 = tpu.memref_squeeze %dma_start3A_68 : memref<1x8xi32, #tpu.memory_space<vmem>> -> memref<8xi32, #tpu.memory_space<vmem>>
    %dma_start3A_70 = tpu.memref_slice %arg2[%dma_start3A_60, %add3A_59] : memref<4x2048xi32, #tpu.memory_space<hbm>> -> memref<1x8xi32, #tpu.memory_space<hbm>>
    %dma_start3A_71 = tpu.memref_squeeze %dma_start3A_70 : memref<1x8xi32, #tpu.memory_space<hbm>> -> memref<8xi32, #tpu.memory_space<hbm>>
    tpu.enqueue_dma source(%dma_start3A_71 : memref<8xi32, #tpu.memory_space<hbm>>) target(%dma_start3A_69 : memref<8xi32, #tpu.memory_space<vmem>>) target_semaphore(%arg20 : memref<!tpu.dma_semaphore, #tpu.memory_space<semaphore_mem>>)
    %add3A_72 = arith.constant 8 : i32
    %add3A_73 = arith.addi %mul3A_2, %add3A_72 : i32
    %dma_start3A_74 = arith.constant 1 : i32
    %dma_start3A_75 = arith.constant 1 : i32
    %dma_start3A_76 = arith.constant 8 : i32
    %dma_start3A_77 = tpu.memref_slice %arg6[%dma_start3A_75, %dma_start3A_76] : memref<8x32xi32, #tpu.memory_space<vmem>> -> memref<1x8xi32, #tpu.memory_space<vmem>>
    %dma_start3A_78 = tpu.memref_squeeze %dma_start3A_77 : memref<1x8xi32, #tpu.memory_space<vmem>> -> memref<8xi32, #tpu.memory_space<vmem>>
    %dma_start3A_79 = tpu.memref_slice %arg2[%dma_start3A_74, %add3A_73] : memref<4x2048xi32, #tpu.memory_space<hbm>> -> memref<1x8xi32, #tpu.memory_space<hbm>>
    %dma_start3A_80 = tpu.memref_squeeze %dma_start3A_79 : memref<1x8xi32, #tpu.memory_space<hbm>> -> memref<8xi32, #tpu.memory_space<hbm>>
    %dma_start3A_81 = arith.constant 8 : i32
    %dma_start3A_82 = tpu.memref_slice %arg6[%dma_start3A_75, %dma_start3A_81] : memref<8x32xi32, #tpu.memory_space<vmem>> -> memref<1x8xi32, #tpu.memory_space<vmem>>
    %dma_start3A_83 = tpu.memref_squeeze %dma_start3A_82 : memref<1x8xi32, #tpu.memory_space<vmem>> -> memref<8xi32, #tpu.memory_space<vmem>>
    %dma_start3A_84 = tpu.memref_slice %arg2[%dma_start3A_74, %add3A_73] : memref<4x2048xi32, #tpu.memory_space<hbm>> -> memref<1x8xi32, #tpu.memory_space<hbm>>
    %dma_start3A_85 = tpu.memref_squeeze %dma_start3A_84 : memref<1x8xi32, #tpu.memory_space<hbm>> -> memref<8xi32, #tpu.memory_space<hbm>>
    tpu.enqueue_dma source(%dma_start3A_85 : memref<8xi32, #tpu.memory_space<hbm>>) target(%dma_start3A_83 : memref<8xi32, #tpu.memory_space<vmem>>) target_semaphore(%arg20 : memref<!tpu.dma_semaphore, #tpu.memory_space<semaphore_mem>>)
    %add3A_86 = arith.constant 8 : i32
    %add3A_87 = arith.addi %mul3A_2, %add3A_86 : i32
    %dma_start3A_88 = arith.constant 2 : i32
    %dma_start3A_89 = arith.constant 1 : i32
    %dma_start3A_90 = arith.constant 16 : i32
    %dma_start3A_91 = tpu.memref_slice %arg6[%dma_start3A_89, %dma_start3A_90] : memref<8x32xi32, #tpu.memory_space<vmem>> -> memref<1x8xi32, #tpu.memory_space<vmem>>
    %dma_start3A_92 = tpu.memref_squeeze %dma_start3A_91 : memref<1x8xi32, #tpu.memory_space<vmem>> -> memref<8xi32, #tpu.memory_space<vmem>>
    %dma_start3A_93 = tpu.memref_slice %arg2[%dma_start3A_88, %add3A_87] : memref<4x2048xi32, #tpu.memory_space<hbm>> -> memref<1x8xi32, #tpu.memory_space<hbm>>
    %dma_start3A_94 = tpu.memref_squeeze %dma_start3A_93 : memref<1x8xi32, #tpu.memory_space<hbm>> -> memref<8xi32, #tpu.memory_space<hbm>>
    %dma_start3A_95 = arith.constant 16 : i32
    %dma_start3A_96 = tpu.memref_slice %arg6[%dma_start3A_89, %dma_start3A_95] : memref<8x32xi32, #tpu.memory_space<vmem>> -> memref<1x8xi32, #tpu.memory_space<vmem>>
    %dma_start3A_97 = tpu.memref_squeeze %dma_start3A_96 : memref<1x8xi32, #tpu.memory_space<vmem>> -> memref<8xi32, #tpu.memory_space<vmem>>
    %dma_start3A_98 = tpu.memref_slice %arg2[%dma_start3A_88, %add3A_87] : memref<4x2048xi32, #tpu.memory_space<hbm>> -> memref<1x8xi32, #tpu.memory_space<hbm>>
    %dma_start3A_99 = tpu.memref_squeeze %dma_start3A_98 : memref<1x8xi32, #tpu.memory_space<hbm>> -> memref<8xi32, #tpu.memory_space<hbm>>
    tpu.enqueue_dma source(%dma_start3A_99 : memref<8xi32, #tpu.memory_space<hbm>>) target(%dma_start3A_97 : memref<8xi32, #tpu.memory_space<vmem>>) target_semaphore(%arg20 : memref<!tpu.dma_semaphore, #tpu.memory_space<semaphore_mem>>)
    %add3A_100 = arith.constant 8 : i32
    %add3A_101 = arith.addi %mul3A_2, %add3A_100 : i32
    %dma_start3A_102 = arith.constant 3 : i32
    %dma_start3A_103 = arith.constant 1 : i32
    %dma_start3A_104 = arith.constant 24 : i32
    %dma_start3A_105 = tpu.memref_slice %arg6[%dma_start3A_103, %dma_start3A_104] : memref<8x32xi32, #tpu.memory_space<vmem>> -> memref<1x8xi32, #tpu.memory_space<vmem>>
    %dma_start3A_106 = tpu.memref_squeeze %dma_start3A_105 : memref<1x8xi32, #tpu.memory_space<vmem>> -> memref<8xi32, #tpu.memory_space<vmem>>
    %dma_start3A_107 = tpu.memref_slice %arg2[%dma_start3A_102, %add3A_101] : memref<4x2048xi32, #tpu.memory_space<hbm>> -> memref<1x8xi32, #tpu.memory_space<hbm>>
    %dma_start3A_108 = tpu.memref_squeeze %dma_start3A_107 : memref<1x8xi32, #tpu.memory_space<hbm>> -> memref<8xi32, #tpu.memory_space<hbm>>
    %dma_start3A_109 = arith.constant 24 : i32
    %dma_start3A_110 = tpu.memref_slice %arg6[%dma_start3A_103, %dma_start3A_109] : memref<8x32xi32, #tpu.memory_space<vmem>> -> memref<1x8xi32, #tpu.memory_space<vmem>>
    %dma_start3A_111 = tpu.memref_squeeze %dma_start3A_110 : memref<1x8xi32, #tpu.memory_space<vmem>> -> memref<8xi32, #tpu.memory_space<vmem>>
    %dma_start3A_112 = tpu.memref_slice %arg2[%dma_start3A_102, %add3A_101] : memref<4x2048xi32, #tpu.memory_space<hbm>> -> memref<1x8xi32, #tpu.memory_space<hbm>>
    %dma_start3A_113 = tpu.memref_squeeze %dma_start3A_112 : memref<1x8xi32, #tpu.memory_space<hbm>> -> memref<8xi32, #tpu.memory_space<hbm>>
    tpu.enqueue_dma source(%dma_start3A_113 : memref<8xi32, #tpu.memory_space<hbm>>) target(%dma_start3A_111 : memref<8xi32, #tpu.memory_space<vmem>>) target_semaphore(%arg20 : memref<!tpu.dma_semaphore, #tpu.memory_space<semaphore_mem>>)
    %add3A_114 = arith.constant 16 : i32
    %add3A_115 = arith.addi %mul3A_2, %add3A_114 : i32
    %dma_start3A_116 = arith.constant 0 : i32
    %dma_start3A_117 = arith.constant 2 : i32
    %dma_start3A_118 = arith.constant 0 : i32
    %dma_start3A_119 = tpu.memref_slice %arg6[%dma_start3A_117, %dma_start3A_118] : memref<8x32xi32, #tpu.memory_space<vmem>> -> memref<1x8xi32, #tpu.memory_space<vmem>>
    %dma_start3A_120 = tpu.memref_squeeze %dma_start3A_119 : memref<1x8xi32, #tpu.memory_space<vmem>> -> memref<8xi32, #tpu.memory_space<vmem>>
    %dma_start3A_121 = tpu.memref_slice %arg2[%dma_start3A_116, %add3A_115] : memref<4x2048xi32, #tpu.memory_space<hbm>> -> memref<1x8xi32, #tpu.memory_space<hbm>>
    %dma_start3A_122 = tpu.memref_squeeze %dma_start3A_121 : memref<1x8xi32, #tpu.memory_space<hbm>> -> memref<8xi32, #tpu.memory_space<hbm>>
    %dma_start3A_123 = arith.constant 0 : i32
    %dma_start3A_124 = tpu.memref_slice %arg6[%dma_start3A_117, %dma_start3A_123] : memref<8x32xi32, #tpu.memory_space<vmem>> -> memref<1x8xi32, #tpu.memory_space<vmem>>
    %dma_start3A_125 = tpu.memref_squeeze %dma_start3A_124 : memref<1x8xi32, #tpu.memory_space<vmem>> -> memref<8xi32, #tpu.memory_space<vmem>>
    %dma_start3A_126 = tpu.memref_slice %arg2[%dma_start3A_116, %add3A_115] : memref<4x2048xi32, #tpu.memory_space<hbm>> -> memref<1x8xi32, #tpu.memory_space<hbm>>
    %dma_start3A_127 = tpu.memref_squeeze %dma_start3A_126 : memref<1x8xi32, #tpu.memory_space<hbm>> -> memref<8xi32, #tpu.memory_space<hbm>>
    tpu.enqueue_dma source(%dma_start3A_127 : memref<8xi32, #tpu.memory_space<hbm>>) target(%dma_start3A_125 : memref<8xi32, #tpu.memory_space<vmem>>) target_semaphore(%arg20 : memref<!tpu.dma_semaphore, #tpu.memory_space<semaphore_mem>>)
    %add3A_128 = arith.constant 16 : i32
    %add3A_129 = arith.addi %mul3A_2, %add3A_128 : i32
    %dma_start3A_130 = arith.constant 1 : i32
    %dma_start3A_131 = arith.constant 2 : i32
    %dma_start3A_132 = arith.constant 8 : i32
    %dma_start3A_133 = tpu.memref_slice %arg6[%dma_start3A_131, %dma_start3A_132] : memref<8x32xi32, #tpu.memory_space<vmem>> -> memref<1x8xi32, #tpu.memory_space<vmem>>
    %dma_start3A_134 = tpu.memref_squeeze %dma_start3A_133 : memref<1x8xi32, #tpu.memory_space<vmem>> -> memref<8xi32, #tpu.memory_space<vmem>>
    %dma_start3A_135 = tpu.memref_slice %arg2[%dma_start3A_130, %add3A_129] : memref<4x2048xi32, #tpu.memory_space<hbm>> -> memref<1x8xi32, #tpu.memory_space<hbm>>
    %dma_start3A_136 = tpu.memref_squeeze %dma_start3A_135 : memref<1x8xi32, #tpu.memory_space<hbm>> -> memref<8xi32, #tpu.memory_space<hbm>>
    %dma_start3A_137 = arith.constant 8 : i32
    %dma_start3A_138 = tpu.memref_slice %arg6[%dma_start3A_131, %dma_start3A_137] : memref<8x32xi32, #tpu.memory_space<vmem>> -> memref<1x8xi32, #tpu.memory_space<vmem>>
    %dma_start3A_139 = tpu.memref_squeeze %dma_start3A_138 : memref<1x8xi32, #tpu.memory_space<vmem>> -> memref<8xi32, #tpu.memory_space<vmem>>
    %dma_start3A_140 = tpu.memref_slice %arg2[%dma_start3A_130, %add3A_129] : memref<4x2048xi32, #tpu.memory_space<hbm>> -> memref<1x8xi32, #tpu.memory_space<hbm>>
    %dma_start3A_141 = tpu.memref_squeeze %dma_start3A_140 : memref<1x8xi32, #tpu.memory_space<hbm>> -> memref<8xi32, #tpu.memory_space<hbm>>
    tpu.enqueue_dma source(%dma_start3A_141 : memref<8xi32, #tpu.memory_space<hbm>>) target(%dma_start3A_139 : memref<8xi32, #tpu.memory_space<vmem>>) target_semaphore(%arg20 : memref<!tpu.dma_semaphore, #tpu.memory_space<semaphore_mem>>)
    %add3A_142 = arith.constant 16 : i32
    %add3A_143 = arith.addi %mul3A_2, %add3A_142 : i32
    %dma_start3A_144 = arith.constant 2 : i32
    %dma_start3A_145 = arith.constant 2 : i32
    %dma_start3A_146 = arith.constant 16 : i32
    %dma_start3A_147 = tpu.memref_slice %arg6[%dma_start3A_145, %dma_start3A_146] : memref<8x32xi32, #tpu.memory_space<vmem>> -> memref<1x8xi32, #tpu.memory_space<vmem>>
    %dma_start3A_148 = tpu.memref_squeeze %dma_start3A_147 : memref<1x8xi32, #tpu.memory_space<vmem>> -> memref<8xi32, #tpu.memory_space<vmem>>
    %dma_start3A_149 = tpu.memref_slice %arg2[%dma_start3A_144, %add3A_143] : memref<4x2048xi32, #tpu.memory_space<hbm>> -> memref<1x8xi32, #tpu.memory_space<hbm>>
    %dma_start3A_150 = tpu.memref_squeeze %dma_start3A_149 : memref<1x8xi32, #tpu.memory_space<hbm>> -> memref<8xi32, #tpu.memory_space<hbm>>
    %dma_start3A_151 = arith.constant 16 : i32
    %dma_start3A_152 = tpu.memref_slice %arg6[%dma_start3A_145, %dma_start3A_151] : memref<8x32xi32, #tpu.memory_space<vmem>> -> memref<1x8xi32, #tpu.memory_space<vmem>>
    %dma_start3A_153 = tpu.memref_squeeze %dma_start3A_152 : memref<1x8xi32, #tpu.memory_space<vmem>> -> memref<8xi32, #tpu.memory_space<vmem>>
    %dma_start3A_154 = tpu.memref_slice %arg2[%dma_start3A_144, %add3A_143] : memref<4x2048xi32, #tpu.memory_space<hbm>> -> memref<1x8xi32, #tpu.memory_space<hbm>>
    %dma_start3A_155 = tpu.memref_squeeze %dma_start3A_154 : memref<1x8xi32, #tpu.memory_space<hbm>> -> memref<8xi32, #tpu.memory_space<hbm>>
    tpu.enqueue_dma source(%dma_start3A_155 : memref<8xi32, #tpu.memory_space<hbm>>) target(%dma_start3A_153 : memref<8xi32, #tpu.memory_space<vmem>>) target_semaphore(%arg20 : memref<!tpu.dma_semaphore, #tpu.memory_space<semaphore_mem>>)
    %add3A_156 = arith.constant 16 : i32
    %add3A_157 = arith.addi %mul3A_2, %add3A_156 : i32
    %dma_start3A_158 = arith.constant 3 : i32
    %dma_start3A_159 = arith.constant 2 : i32
    %dma_start3A_160 = arith.constant 24 : i32
    %dma_start3A_161 = tpu.memref_slice %arg6[%dma_start3A_159, %dma_start3A_160] : memref<8x32xi32, #tpu.memory_space<vmem>> -> memref<1x8xi32, #tpu.memory_space<vmem>>
    %dma_start3A_162 = tpu.memref_squeeze %dma_start3A_161 : memref<1x8xi32, #tpu.memory_space<vmem>> -> memref<8xi32, #tpu.memory_space<vmem>>
    %dma_start3A_163 = tpu.memref_slice %arg2[%dma_start3A_158, %add3A_157] : memref<4x2048xi32, #tpu.memory_space<hbm>> -> memref<1x8xi32, #tpu.memory_space<hbm>>
    %dma_start3A_164 = tpu.memref_squeeze %dma_start3A_163 : memref<1x8xi32, #tpu.memory_space<hbm>> -> memref<8xi32, #tpu.memory_space<hbm>>
    %dma_start3A_165 = arith.constant 24 : i32
    %dma_start3A_166 = tpu.memref_slice %arg6[%dma_start3A_159, %dma_start3A_165] : memref<8x32xi32, #tpu.memory_space<vmem>> -> memref<1x8xi32, #tpu.memory_space<vmem>>
    %dma_start3A_167 = tpu.memref_squeeze %dma_start3A_166 : memref<1x8xi32, #tpu.memory_space<vmem>> -> memref<8xi32, #tpu.memory_space<vmem>>
    %dma_start3A_168 = tpu.memref_slice %arg2[%dma_start3A_158, %add3A_157] : memref<4x2048xi32, #tpu.memory_space<hbm>> -> memref<1x8xi32, #tpu.memory_space<hbm>>
    %dma_start3A_169 = tpu.memref_squeeze %dma_start3A_168 : memref<1x8xi32, #tpu.memory_space<hbm>> -> memref<8xi32, #tpu.memory_space<hbm>>
    tpu.enqueue_dma source(%dma_start3A_169 : memref<8xi32, #tpu.memory_space<hbm>>) target(%dma_start3A_167 : memref<8xi32, #tpu.memory_space<vmem>>) target_semaphore(%arg20 : memref<!tpu.dma_semaphore, #tpu.memory_space<semaphore_mem>>)
    %add3A_170 = arith.constant 24 : i32
    %add3A_171 = arith.addi %mul3A_2, %add3A_170 : i32
    %dma_start3A_172 = arith.constant 0 : i32
    %dma_start3A_173 = arith.constant 3 : i32
    %dma_start3A_174 = arith.constant 0 : i32
    %dma_start3A_175 = tpu.memref_slice %arg6[%dma_start3A_173, %dma_start3A_174] : memref<8x32xi32, #tpu.memory_space<vmem>> -> memref<1x8xi32, #tpu.memory_space<vmem>>
    %dma_start3A_176 = tpu.memref_squeeze %dma_start3A_175 : memref<1x8xi32, #tpu.memory_space<vmem>> -> memref<8xi32, #tpu.memory_space<vmem>>
    %dma_start3A_177 = tpu.memref_slice %arg2[%dma_start3A_172, %add3A_171] : memref<4x2048xi32, #tpu.memory_space<hbm>> -> memref<1x8xi32, #tpu.memory_space<hbm>>
    %dma_start3A_178 = tpu.memref_squeeze %dma_start3A_177 : memref<1x8xi32, #tpu.memory_space<hbm>> -> memref<8xi32, #tpu.memory_space<hbm>>
    %dma_start3A_179 = arith.constant 0 : i32
    %dma_start3A_180 = tpu.memref_slice %arg6[%dma_start3A_173, %dma_start3A_179] : memref<8x32xi32, #tpu.memory_space<vmem>> -> memref<1x8xi32, #tpu.memory_space<vmem>>
    %dma_start3A_181 = tpu.memref_squeeze %dma_start3A_180 : memref<1x8xi32, #tpu.memory_space<vmem>> -> memref<8xi32, #tpu.memory_space<vmem>>
    %dma_start3A_182 = tpu.memref_slice %arg2[%dma_start3A_172, %add3A_171] : memref<4x2048xi32, #tpu.memory_space<hbm>> -> memref<1x8xi32, #tpu.memory_space<hbm>>
    %dma_start3A_183 = tpu.memref_squeeze %dma_start3A_182 : memref<1x8xi32, #tpu.memory_space<hbm>> -> memref<8xi32, #tpu.memory_space<hbm>>
    tpu.enqueue_dma source(%dma_start3A_183 : memref<8xi32, #tpu.memory_space<hbm>>) target(%dma_start3A_181 : memref<8xi32, #tpu.memory_space<vmem>>) target_semaphore(%arg20 : memref<!tpu.dma_semaphore, #tpu.memory_space<semaphore_mem>>)
    %add3A_184 = arith.constant 24 : i32
    %add3A_185 = arith.addi %mul3A_2, %add3A_184 : i32
    %dma_start3A_186 = arith.constant 1 : i32
    %dma_start3A_187 = arith.constant 3 : i32
    %dma_start3A_188 = arith.constant 8 : i32
    %dma_start3A_189 = tpu.memref_slice %arg6[%dma_start3A_187, %dma_start3A_188] : memref<8x32xi32, #tpu.memory_space<vmem>> -> memref<1x8xi32, #tpu.memory_space<vmem>>
    %dma_start3A_190 = tpu.memref_squeeze %dma_start3A_189 : memref<1x8xi32, #tpu.memory_space<vmem>> -> memref<8xi32, #tpu.memory_space<vmem>>
    %dma_start3A_191 = tpu.memref_slice %arg2[%dma_start3A_186, %add3A_185] : memref<4x2048xi32, #tpu.memory_space<hbm>> -> memref<1x8xi32, #tpu.memory_space<hbm>>
    %dma_start3A_192 = tpu.memref_squeeze %dma_start3A_191 : memref<1x8xi32, #tpu.memory_space<hbm>> -> memref<8xi32, #tpu.memory_space<hbm>>
    %dma_start3A_193 = arith.constant 8 : i32
    %dma_start3A_194 = tpu.memref_slice %arg6[%dma_start3A_187, %dma_start3A_193] : memref<8x32xi32, #tpu.memory_space<vmem>> -> memref<1x8xi32, #tpu.memory_space<vmem>>
    %dma_start3A_195 = tpu.memref_squeeze %dma_start3A_194 : memref<1x8xi32, #tpu.memory_space<vmem>> -> memref<8xi32, #tpu.memory_space<vmem>>
    %dma_start3A_196 = tpu.memref_slice %arg2[%dma_start3A_186, %add3A_185] : memref<4x2048xi32, #tpu.memory_space<hbm>> -> memref<1x8xi32, #tpu.memory_space<hbm>>
    %dma_start3A_197 = tpu.memref_squeeze %dma_start3A_196 : memref<1x8xi32, #tpu.memory_space<hbm>> -> memref<8xi32, #tpu.memory_space<hbm>>
    tpu.enqueue_dma source(%dma_start3A_197 : memref<8xi32, #tpu.memory_space<hbm>>) target(%dma_start3A_195 : memref<8xi32, #tpu.memory_space<vmem>>) target_semaphore(%arg20 : memref<!tpu.dma_semaphore, #tpu.memory_space<semaphore_mem>>)
    %add3A_198 = arith.constant 24 : i32
    %add3A_199 = arith.addi %mul3A_2, %add3A_198 : i32
    %dma_start3A_200 = arith.constant 2 : i32
    %dma_start3A_201 = arith.constant 3 : i32
    %dma_start3A_202 = arith.constant 16 : i32
    %dma_start3A_203 = tpu.memref_slice %arg6[%dma_start3A_201, %dma_start3A_202] : memref<8x32xi32, #tpu.memory_space<vmem>> -> memref<1x8xi32, #tpu.memory_space<vmem>>
    %dma_start3A_204 = tpu.memref_squeeze %dma_start3A_203 : memref<1x8xi32, #tpu.memory_space<vmem>> -> memref<8xi32, #tpu.memory_space<vmem>>
    %dma_start3A_205 = tpu.memref_slice %arg2[%dma_start3A_200, %add3A_199] : memref<4x2048xi32, #tpu.memory_space<hbm>> -> memref<1x8xi32, #tpu.memory_space<hbm>>
    %dma_start3A_206 = tpu.memref_squeeze %dma_start3A_205 : memref<1x8xi32, #tpu.memory_space<hbm>> -> memref<8xi32, #tpu.memory_space<hbm>>
    %dma_start3A_207 = arith.constant 16 : i32
    %dma_start3A_208 = tpu.memref_slice %arg6[%dma_start3A_201, %dma_start3A_207] : memref<8x32xi32, #tpu.memory_space<vmem>> -> memref<1x8xi32, #tpu.memory_space<vmem>>
    %dma_start3A_209 = tpu.memref_squeeze %dma_start3A_208 : memref<1x8xi32, #tpu.memory_space<vmem>> -> memref<8xi32, #tpu.memory_space<vmem>>
    %dma_start3A_210 = tpu.memref_slice %arg2[%dma_start3A_200, %add3A_199] : memref<4x2048xi32, #tpu.memory_space<hbm>> -> memref<1x8xi32, #tpu.memory_space<hbm>>
    %dma_start3A_211 = tpu.memref_squeeze %dma_start3A_210 : memref<1x8xi32, #tpu.memory_space<hbm>> -> memref<8xi32, #tpu.memory_space<hbm>>
    tpu.enqueue_dma source(%dma_start3A_211 : memref<8xi32, #tpu.memory_space<hbm>>) target(%dma_start3A_209 : memref<8xi32, #tpu.memory_space<vmem>>) target_semaphore(%arg20 : memref<!tpu.dma_semaphore, #tpu.memory_space<semaphore_mem>>)
    %add3A_212 = arith.constant 24 : i32
    %add3A_213 = arith.addi %mul3A_2, %add3A_212 : i32
    %dma_start3A_214 = arith.constant 3 : i32
    %dma_start3A_215 = arith.constant 3 : i32
    %dma_start3A_216 = arith.constant 24 : i32
    %dma_start3A_217 = tpu.memref_slice %arg6[%dma_start3A_215, %dma_start3A_216] : memref<8x32xi32, #tpu.memory_space<vmem>> -> memref<1x8xi32, #tpu.memory_space<vmem>>
    %dma_start3A_218 = tpu.memref_squeeze %dma_start3A_217 : memref<1x8xi32, #tpu.memory_space<vmem>> -> memref<8xi32, #tpu.memory_space<vmem>>
    %dma_start3A_219 = tpu.memref_slice %arg2[%dma_start3A_214, %add3A_213] : memref<4x2048xi32, #tpu.memory_space<hbm>> -> memref<1x8xi32, #tpu.memory_space<hbm>>
    %dma_start3A_220 = tpu.memref_squeeze %dma_start3A_219 : memref<1x8xi32, #tpu.memory_space<hbm>> -> memref<8xi32, #tpu.memory_space<hbm>>
    %dma_start3A_221 = arith.constant 24 : i32
    %dma_start3A_222 = tpu.memref_slice %arg6[%dma_start3A_215, %dma_start3A_221] : memref<8x32xi32, #tpu.memory_space<vmem>> -> memref<1x8xi32, #tpu.memory_space<vmem>>
    %dma_start3A_223 = tpu.memref_squeeze %dma_start3A_222 : memref<1x8xi32, #tpu.memory_space<vmem>> -> memref<8xi32, #tpu.memory_space<vmem>>
    %dma_start3A_224 = tpu.memref_slice %arg2[%dma_start3A_214, %add3A_213] : memref<4x2048xi32, #tpu.memory_space<hbm>> -> memref<1x8xi32, #tpu.memory_space<hbm>>
    %dma_start3A_225 = tpu.memref_squeeze %dma_start3A_224 : memref<1x8xi32, #tpu.memory_space<hbm>> -> memref<8xi32, #tpu.memory_space<hbm>>
    tpu.enqueue_dma source(%dma_start3A_225 : memref<8xi32, #tpu.memory_space<hbm>>) target(%dma_start3A_223 : memref<8xi32, #tpu.memory_space<vmem>>) target_semaphore(%arg20 : memref<!tpu.dma_semaphore, #tpu.memory_space<semaphore_mem>>)
    %add3A_226 = arith.constant 32 : i32
    %add3A_227 = arith.addi %mul3A_2, %add3A_226 : i32
    %dma_start3A_228 = arith.constant 0 : i32
    %dma_start3A_229 = arith.constant 4 : i32
    %dma_start3A_230 = arith.constant 0 : i32
    %dma_start3A_231 = tpu.memref_slice %arg6[%dma_start3A_229, %dma_start3A_230] : memref<8x32xi32, #tpu.memory_space<vmem>> -> memref<1x8xi32, #tpu.memory_space<vmem>>
    %dma_start3A_232 = tpu.memref_squeeze %dma_start3A_231 : memref<1x8xi32, #tpu.memory_space<vmem>> -> memref<8xi32, #tpu.memory_space<vmem>>
    %dma_start3A_233 = tpu.memref_slice %arg2[%dma_start3A_228, %add3A_227] : memref<4x2048xi32, #tpu.memory_space<hbm>> -> memref<1x8xi32, #tpu.memory_space<hbm>>
    %dma_start3A_234 = tpu.memref_squeeze %dma_start3A_233 : memref<1x8xi32, #tpu.memory_space<hbm>> -> memref<8xi32, #tpu.memory_space<hbm>>
    %dma_start3A_235 = arith.constant 0 : i32
    %dma_start3A_236 = tpu.memref_slice %arg6[%dma_start3A_229, %dma_start3A_235] : memref<8x32xi32, #tpu.memory_space<vmem>> -> memref<1x8xi32, #tpu.memory_space<vmem>>
    %dma_start3A_237 = tpu.memref_squeeze %dma_start3A_236 : memref<1x8xi32, #tpu.memory_space<vmem>> -> memref<8xi32, #tpu.memory_space<vmem>>
    %dma_start3A_238 = tpu.memref_slice %arg2[%dma_start3A_228, %add3A_227] : memref<4x2048xi32, #tpu.memory_space<hbm>> -> memref<1x8xi32, #tpu.memory_space<hbm>>
    %dma_start3A_239 = tpu.memref_squeeze %dma_start3A_238 : memref<1x8xi32, #tpu.memory_space<hbm>> -> memref<8xi32, #tpu.memory_space<hbm>>
    tpu.enqueue_dma source(%dma_start3A_239 : memref<8xi32, #tpu.memory_space<hbm>>) target(%dma_start3A_237 : memref<8xi32, #tpu.memory_space<vmem>>) target_semaphore(%arg20 : memref<!tpu.dma_semaphore, #tpu.memory_space<semaphore_mem>>)
    %add3A_240 = arith.constant 32 : i32
    %add3A_241 = arith.addi %mul3A_2, %add3A_240 : i32
    %dma_start3A_242 = arith.constant 1 : i32
    %dma_start3A_243 = arith.constant 4 : i32
    %dma_start3A_244 = arith.constant 8 : i32
    %dma_start3A_245 = tpu.memref_slice %arg6[%dma_start3A_243, %dma_start3A_244] : memref<8x32xi32, #tpu.memory_space<vmem>> -> memref<1x8xi32, #tpu.memory_space<vmem>>
    %dma_start3A_246 = tpu.memref_squeeze %dma_start3A_245 : memref<1x8xi32, #tpu.memory_space<vmem>> -> memref<8xi32, #tpu.memory_space<vmem>>
    %dma_start3A_247 = tpu.memref_slice %arg2[%dma_start3A_242, %add3A_241] : memref<4x2048xi32, #tpu.memory_space<hbm>> -> memref<1x8xi32, #tpu.memory_space<hbm>>
    %dma_start3A_248 = tpu.memref_squeeze %dma_start3A_247 : memref<1x8xi32, #tpu.memory_space<hbm>> -> memref<8xi32, #tpu.memory_space<hbm>>
    %dma_start3A_249 = arith.constant 8 : i32
    %dma_start3A_250 = tpu.memref_slice %arg6[%dma_start3A_243, %dma_start3A_249] : memref<8x32xi32, #tpu.memory_space<vmem>> -> memref<1x8xi32, #tpu.memory_space<vmem>>
    %dma_start3A_251 = tpu.memref_squeeze %dma_start3A_250 : memref<1x8xi32, #tpu.memory_space<vmem>> -> memref<8xi32, #tpu.memory_space<vmem>>
    %dma_start3A_252 = tpu.memref_slice %arg2[%dma_start3A_242, %add3A_241] : memref<4x2048xi32, #tpu.memory_space<hbm>> -> memref<1x8xi32, #tpu.memory_space<hbm>>
    %dma_start3A_253 = tpu.memref_squeeze %dma_start3A_252 : memref<1x8xi32, #tpu.memory_space<hbm>> -> memref<8xi32, #tpu.memory_space<hbm>>
    tpu.enqueue_dma source(%dma_start3A_253 : memref<8xi32, #tpu.memory_space<hbm>>) target(%dma_start3A_251 : memref<8xi32, #tpu.memory_space<vmem>>) target_semaphore(%arg20 : memref<!tpu.dma_semaphore, #tpu.memory_space<semaphore_mem>>)
    %add3A_254 = arith.constant 32 : i32
    %add3A_255 = arith.addi %mul3A_2, %add3A_254 : i32
    %dma_start3A_256 = arith.constant 2 : i32
    %dma_start3A_257 = arith.constant 4 : i32
    %dma_start3A_258 = arith.constant 16 : i32
    %dma_start3A_259 = tpu.memref_slice %arg6[%dma_start3A_257, %dma_start3A_258] : memref<8x32xi32, #tpu.memory_space<vmem>> -> memref<1x8xi32, #tpu.memory_space<vmem>>
    %dma_start3A_260 = tpu.memref_squeeze %dma_start3A_259 : memref<1x8xi32, #tpu.memory_space<vmem>> -> memref<8xi32, #tpu.memory_space<vmem>>
    %dma_start3A_261 = tpu.memref_slice %arg2[%dma_start3A_256, %add3A_255] : memref<4x2048xi32, #tpu.memory_space<hbm>> -> memref<1x8xi32, #tpu.memory_space<hbm>>
    %dma_start3A_262 = tpu.memref_squeeze %dma_start3A_261 : memref<1x8xi32, #tpu.memory_space<hbm>> -> memref<8xi32, #tpu.memory_space<hbm>>
    %dma_start3A_263 = arith.constant 16 : i32
    %dma_start3A_264 = tpu.memref_slice %arg6[%dma_start3A_257, %dma_start3A_263] : memref<8x32xi32, #tpu.memory_space<vmem>> -> memref<1x8xi32, #tpu.memory_space<vmem>>
    %dma_start3A_265 = tpu.memref_squeeze %dma_start3A_264 : memref<1x8xi32, #tpu.memory_space<vmem>> -> memref<8xi32, #tpu.memory_space<vmem>>
    %dma_start3A_266 = tpu.memref_slice %arg2[%dma_start3A_256, %add3A_255] : memref<4x2048xi32, #tpu.memory_space<hbm>> -> memref<1x8xi32, #tpu.memory_space<hbm>>
    %dma_start3A_267 = tpu.memref_squeeze %dma_start3A_266 : memref<1x8xi32, #tpu.memory_space<hbm>> -> memref<8xi32, #tpu.memory_space<hbm>>
    tpu.enqueue_dma source(%dma_start3A_267 : memref<8xi32, #tpu.memory_space<hbm>>) target(%dma_start3A_265 : memref<8xi32, #tpu.memory_space<vmem>>) target_semaphore(%arg20 : memref<!tpu.dma_semaphore, #tpu.memory_space<semaphore_mem>>)
    %add3A_268 = arith.constant 32 : i32
    %add3A_269 = arith.addi %mul3A_2, %add3A_268 : i32
    %dma_start3A_270 = arith.constant 3 : i32
    %dma_start3A_271 = arith.constant 4 : i32
    %dma_start3A_272 = arith.constant 24 : i32
    %dma_start3A_273 = tpu.memref_slice %arg6[%dma_start3A_271, %dma_start3A_272] : memref<8x32xi32, #tpu.memory_space<vmem>> -> memref<1x8xi32, #tpu.memory_space<vmem>>
    %dma_start3A_274 = tpu.memref_squeeze %dma_start3A_273 : memref<1x8xi32, #tpu.memory_space<vmem>> -> memref<8xi32, #tpu.memory_space<vmem>>
    %dma_start3A_275 = tpu.memref_slice %arg2[%dma_start3A_270, %add3A_269] : memref<4x2048xi32, #tpu.memory_space<hbm>> -> memref<1x8xi32, #tpu.memory_space<hbm>>
    %dma_start3A_276 = tpu.memref_squeeze %dma_start3A_275 : memref<1x8xi32, #tpu.memory_space<hbm>> -> memref<8xi32, #tpu.memory_space<hbm>>
    %dma_start3A_277 = arith.constant 24 : i32
    %dma_start3A_278 = tpu.memref_slice %arg6[%dma_start3A_271, %dma_start3A_277] : memref<8x32xi32, #tpu.memory_space<vmem>> -> memref<1x8xi32, #tpu.memory_space<vmem>>
    %dma_start3A_279 = tpu.memref_squeeze %dma_start3A_278 : memref<1x8xi32, #tpu.memory_space<vmem>> -> memref<8xi32, #tpu.memory_space<vmem>>
    %dma_start3A_280 = tpu.memref_slice %arg2[%dma_start3A_270, %add3A_269] : memref<4x2048xi32, #tpu.memory_space<hbm>> -> memref<1x8xi32, #tpu.memory_space<hbm>>
    %dma_start3A_281 = tpu.memref_squeeze %dma_start3A_280 : memref<1x8xi32, #tpu.memory_space<hbm>> -> memref<8xi32, #tpu.memory_space<hbm>>
    tpu.enqueue_dma source(%dma_start3A_281 : memref<8xi32, #tpu.memory_space<hbm>>) target(%dma_start3A_279 : memref<8xi32, #tpu.memory_space<vmem>>) target_semaphore(%arg20 : memref<!tpu.dma_semaphore, #tpu.memory_space<semaphore_mem>>)
    %add3A_282 = arith.constant 40 : i32
    %add3A_283 = arith.addi %mul3A_2, %add3A_282 : i32
    %dma_start3A_284 = arith.constant 0 : i32
    %dma_start3A_285 = arith.constant 5 : i32
    %dma_start3A_286 = arith.constant 0 : i32
    %dma_start3A_287 = tpu.memref_slice %arg6[%dma_start3A_285, %dma_start3A_286] : memref<8x32xi32, #tpu.memory_space<vmem>> -> memref<1x8xi32, #tpu.memory_space<vmem>>
    %dma_start3A_288 = tpu.memref_squeeze %dma_start3A_287 : memref<1x8xi32, #tpu.memory_space<vmem>> -> memref<8xi32, #tpu.memory_space<vmem>>
    %dma_start3A_289 = tpu.memref_slice %arg2[%dma_start3A_284, %add3A_283] : memref<4x2048xi32, #tpu.memory_space<hbm>> -> memref<1x8xi32, #tpu.memory_space<hbm>>
    %dma_start3A_290 = tpu.memref_squeeze %dma_start3A_289 : memref<1x8xi32, #tpu.memory_space<hbm>> -> memref<8xi32, #tpu.memory_space<hbm>>
    %dma_start3A_291 = arith.constant 0 : i32
    %dma_start3A_292 = tpu.memref_slice %arg6[%dma_start3A_285, %dma_start3A_291] : memref<8x32xi32, #tpu.memory_space<vmem>> -> memref<1x8xi32, #tpu.memory_space<vmem>>
    %dma_start3A_293 = tpu.memref_squeeze %dma_start3A_292 : memref<1x8xi32, #tpu.memory_space<vmem>> -> memref<8xi32, #tpu.memory_space<vmem>>
    %dma_start3A_294 = tpu.memref_slice %arg2[%dma_start3A_284, %add3A_283] : memref<4x2048xi32, #tpu.memory_space<hbm>> -> memref<1x8xi32, #tpu.memory_space<hbm>>
    %dma_start3A_295 = tpu.memref_squeeze %dma_start3A_294 : memref<1x8xi32, #tpu.memory_space<hbm>> -> memref<8xi32, #tpu.memory_space<hbm>>
    tpu.enqueue_dma source(%dma_start3A_295 : memref<8xi32, #tpu.memory_space<hbm>>) target(%dma_start3A_293 : memref<8xi32, #tpu.memory_space<vmem>>) target_semaphore(%arg20 : memref<!tpu.dma_semaphore, #tpu.memory_space<semaphore_mem>>)
    %add3A_296 = arith.constant 40 : i32
    %add3A_297 = arith.addi %mul3A_2, %add3A_296 : i32
    %dma_start3A_298 = arith.constant 1 : i32
    %dma_start3A_299 = arith.constant 5 : i32
    %dma_start3A_300 = arith.constant 8 : i32
    %dma_start3A_301 = tpu.memref_slice %arg6[%dma_start3A_299, %dma_start3A_300] : memref<8x32xi32, #tpu.memory_space<vmem>> -> memref<1x8xi32, #tpu.memory_space<vmem>>
    %dma_start3A_302 = tpu.memref_squeeze %dma_start3A_301 : memref<1x8xi32, #tpu.memory_space<vmem>> -> memref<8xi32, #tpu.memory_space<vmem>>
    %dma_start3A_303 = tpu.memref_slice %arg2[%dma_start3A_298, %add3A_297] : memref<4x2048xi32, #tpu.memory_space<hbm>> -> memref<1x8xi32, #tpu.memory_space<hbm>>
    %dma_start3A_304 = tpu.memref_squeeze %dma_start3A_303 : memref<1x8xi32, #tpu.memory_space<hbm>> -> memref<8xi32, #tpu.memory_space<hbm>>
    %dma_start3A_305 = arith.constant 8 : i32
    %dma_start3A_306 = tpu.memref_slice %arg6[%dma_start3A_299, %dma_start3A_305] : memref<8x32xi32, #tpu.memory_space<vmem>> -> memref<1x8xi32, #tpu.memory_space<vmem>>
    %dma_start3A_307 = tpu.memref_squeeze %dma_start3A_306 : memref<1x8xi32, #tpu.memory_space<vmem>> -> memref<8xi32, #tpu.memory_space<vmem>>
    %dma_start3A_308 = tpu.memref_slice %arg2[%dma_start3A_298, %add3A_297] : memref<4x2048xi32, #tpu.memory_space<hbm>> -> memref<1x8xi32, #tpu.memory_space<hbm>>
    %dma_start3A_309 = tpu.memref_squeeze %dma_start3A_308 : memref<1x8xi32, #tpu.memory_space<hbm>> -> memref<8xi32, #tpu.memory_space<hbm>>
    tpu.enqueue_dma source(%dma_start3A_309 : memref<8xi32, #tpu.memory_space<hbm>>) target(%dma_start3A_307 : memref<8xi32, #tpu.memory_space<vmem>>) target_semaphore(%arg20 : memref<!tpu.dma_semaphore, #tpu.memory_space<semaphore_mem>>)
    %add3A_310 = arith.constant 40 : i32
    %add3A_311 = arith.addi %mul3A_2, %add3A_310 : i32
    %dma_start3A_312 = arith.constant 2 : i32
    %dma_start3A_313 = arith.constant 5 : i32
    %dma_start3A_314 = arith.constant 16 : i32
    %dma_start3A_315 = tpu.memref_slice %arg6[%dma_start3A_313, %dma_start3A_314] : memref<8x32xi32, #tpu.memory_space<vmem>> -> memref<1x8xi32, #tpu.memory_space<vmem>>
    %dma_start3A_316 = tpu.memref_squeeze %dma_start3A_315 : memref<1x8xi32, #tpu.memory_space<vmem>> -> memref<8xi32, #tpu.memory_space<vmem>>
    %dma_start3A_317 = tpu.memref_slice %arg2[%dma_start3A_312, %add3A_311] : memref<4x2048xi32, #tpu.memory_space<hbm>> -> memref<1x8xi32, #tpu.memory_space<hbm>>
    %dma_start3A_318 = tpu.memref_squeeze %dma_start3A_317 : memref<1x8xi32, #tpu.memory_space<hbm>> -> memref<8xi32, #tpu.memory_space<hbm>>
    %dma_start3A_319 = arith.constant 16 : i32
    %dma_start3A_320 = tpu.memref_slice %arg6[%dma_start3A_313, %dma_start3A_319] : memref<8x32xi32, #tpu.memory_space<vmem>> -> memref<1x8xi32, #tpu.memory_space<vmem>>
    %dma_start3A_321 = tpu.memref_squeeze %dma_start3A_320 : memref<1x8xi32, #tpu.memory_space<vmem>> -> memref<8xi32, #tpu.memory_space<vmem>>
    %dma_start3A_322 = tpu.memref_slice %arg2[%dma_start3A_312, %add3A_311] : memref<4x2048xi32, #tpu.memory_space<hbm>> -> memref<1x8xi32, #tpu.memory_space<hbm>>
    %dma_start3A_323 = tpu.memref_squeeze %dma_start3A_322 : memref<1x8xi32, #tpu.memory_space<hbm>> -> memref<8xi32, #tpu.memory_space<hbm>>
    tpu.enqueue_dma source(%dma_start3A_323 : memref<8xi32, #tpu.memory_space<hbm>>) target(%dma_start3A_321 : memref<8xi32, #tpu.memory_space<vmem>>) target_semaphore(%arg20 : memref<!tpu.dma_semaphore, #tpu.memory_space<semaphore_mem>>)
    %add3A_324 = arith.constant 40 : i32
    %add3A_325 = arith.addi %mul3A_2, %add3A_324 : i32
    %dma_start3A_326 = arith.constant 3 : i32
    %dma_start3A_327 = arith.constant 5 : i32
    %dma_start3A_328 = arith.constant 24 : i32
    %dma_start3A_329 = tpu.memref_slice %arg6[%dma_start3A_327, %dma_start3A_328] : memref<8x32xi32, #tpu.memory_space<vmem>> -> memref<1x8xi32, #tpu.memory_space<vmem>>
    %dma_start3A_330 = tpu.memref_squeeze %dma_start3A_329 : memref<1x8xi32, #tpu.memory_space<vmem>> -> memref<8xi32, #tpu.memory_space<vmem>>
    %dma_start3A_331 = tpu.memref_slice %arg2[%dma_start3A_326, %add3A_325] : memref<4x2048xi32, #tpu.memory_space<hbm>> -> memref<1x8xi32, #tpu.memory_space<hbm>>
    %dma_start3A_332 = tpu.memref_squeeze %dma_start3A_331 : memref<1x8xi32, #tpu.memory_space<hbm>> -> memref<8xi32, #tpu.memory_space<hbm>>
    %dma_start3A_333 = arith.constant 24 : i32
    %dma_start3A_334 = tpu.memref_slice %arg6[%dma_start3A_327, %dma_start3A_333] : memref<8x32xi32, #tpu.memory_space<vmem>> -> memref<1x8xi32, #tpu.memory_space<vmem>>
    %dma_start3A_335 = tpu.memref_squeeze %dma_start3A_334 : memref<1x8xi32, #tpu.memory_space<vmem>> -> memref<8xi32, #tpu.memory_space<vmem>>
    %dma_start3A_336 = tpu.memref_slice %arg2[%dma_start3A_326, %add3A_325] : memref<4x2048xi32, #tpu.memory_space<hbm>> -> memref<1x8xi32, #tpu.memory_space<hbm>>
    %dma_start3A_337 = tpu.memref_squeeze %dma_start3A_336 : memref<1x8xi32, #tpu.memory_space<hbm>> -> memref<8xi32, #tpu.memory_space<hbm>>
    tpu.enqueue_dma source(%dma_start3A_337 : memref<8xi32, #tpu.memory_space<hbm>>) target(%dma_start3A_335 : memref<8xi32, #tpu.memory_space<vmem>>) target_semaphore(%arg20 : memref<!tpu.dma_semaphore, #tpu.memory_space<semaphore_mem>>)
    %add3A_338 = arith.constant 48 : i32
    %add3A_339 = arith.addi %mul3A_2, %add3A_338 : i32
    %dma_start3A_340 = arith.constant 0 : i32
    %dma_start3A_341 = arith.constant 6 : i32
    %dma_start3A_342 = arith.constant 0 : i32
    %dma_start3A_343 = tpu.memref_slice %arg6[%dma_start3A_341, %dma_start3A_342] : memref<8x32xi32, #tpu.memory_space<vmem>> -> memref<1x8xi32, #tpu.memory_space<vmem>>
    %dma_start3A_344 = tpu.memref_squeeze %dma_start3A_343 : memref<1x8xi32, #tpu.memory_space<vmem>> -> memref<8xi32, #tpu.memory_space<vmem>>
    %dma_start3A_345 = tpu.memref_slice %arg2[%dma_start3A_340, %add3A_339] : memref<4x2048xi32, #tpu.memory_space<hbm>> -> memref<1x8xi32, #tpu.memory_space<hbm>>
    %dma_start3A_346 = tpu.memref_squeeze %dma_start3A_345 : memref<1x8xi32, #tpu.memory_space<hbm>> -> memref<8xi32, #tpu.memory_space<hbm>>
    %dma_start3A_347 = arith.constant 0 : i32
    %dma_start3A_348 = tpu.memref_slice %arg6[%dma_start3A_341, %dma_start3A_347] : memref<8x32xi32, #tpu.memory_space<vmem>> -> memref<1x8xi32, #tpu.memory_space<vmem>>
    %dma_start3A_349 = tpu.memref_squeeze %dma_start3A_348 : memref<1x8xi32, #tpu.memory_space<vmem>> -> memref<8xi32, #tpu.memory_space<vmem>>
    %dma_start3A_350 = tpu.memref_slice %arg2[%dma_start3A_340, %add3A_339] : memref<4x2048xi32, #tpu.memory_space<hbm>> -> memref<1x8xi32, #tpu.memory_space<hbm>>
    %dma_start3A_351 = tpu.memref_squeeze %dma_start3A_350 : memref<1x8xi32, #tpu.memory_space<hbm>> -> memref<8xi32, #tpu.memory_space<hbm>>
    tpu.enqueue_dma source(%dma_start3A_351 : memref<8xi32, #tpu.memory_space<hbm>>) target(%dma_start3A_349 : memref<8xi32, #tpu.memory_space<vmem>>) target_semaphore(%arg20 : memref<!tpu.dma_semaphore, #tpu.memory_space<semaphore_mem>>)
    %add3A_352 = arith.constant 48 : i32
    %add3A_353 = arith.addi %mul3A_2, %add3A_352 : i32
    %dma_start3A_354 = arith.constant 1 : i32
    %dma_start3A_355 = arith.constant 6 : i32
    %dma_start3A_356 = arith.constant 8 : i32
    %dma_start3A_357 = tpu.memref_slice %arg6[%dma_start3A_355, %dma_start3A_356] : memref<8x32xi32, #tpu.memory_space<vmem>> -> memref<1x8xi32, #tpu.memory_space<vmem>>
    %dma_start3A_358 = tpu.memref_squeeze %dma_start3A_357 : memref<1x8xi32, #tpu.memory_space<vmem>> -> memref<8xi32, #tpu.memory_space<vmem>>
    %dma_start3A_359 = tpu.memref_slice %arg2[%dma_start3A_354, %add3A_353] : memref<4x2048xi32, #tpu.memory_space<hbm>> -> memref<1x8xi32, #tpu.memory_space<hbm>>
    %dma_start3A_360 = tpu.memref_squeeze %dma_start3A_359 : memref<1x8xi32, #tpu.memory_space<hbm>> -> memref<8xi32, #tpu.memory_space<hbm>>
    %dma_start3A_361 = arith.constant 8 : i32
    %dma_start3A_362 = tpu.memref_slice %arg6[%dma_start3A_355, %dma_start3A_361] : memref<8x32xi32, #tpu.memory_space<vmem>> -> memref<1x8xi32, #tpu.memory_space<vmem>>
    %dma_start3A_363 = tpu.memref_squeeze %dma_start3A_362 : memref<1x8xi32, #tpu.memory_space<vmem>> -> memref<8xi32, #tpu.memory_space<vmem>>
    %dma_start3A_364 = tpu.memref_slice %arg2[%dma_start3A_354, %add3A_353] : memref<4x2048xi32, #tpu.memory_space<hbm>> -> memref<1x8xi32, #tpu.memory_space<hbm>>
    %dma_start3A_365 = tpu.memref_squeeze %dma_start3A_364 : memref<1x8xi32, #tpu.memory_space<hbm>> -> memref<8xi32, #tpu.memory_space<hbm>>
    tpu.enqueue_dma source(%dma_start3A_365 : memref<8xi32, #tpu.memory_space<hbm>>) target(%dma_start3A_363 : memref<8xi32, #tpu.memory_space<vmem>>) target_semaphore(%arg20 : memref<!tpu.dma_semaphore, #tpu.memory_space<semaphore_mem>>)
    %add3A_366 = arith.constant 48 : i32
    %add3A_367 = arith.addi %mul3A_2, %add3A_366 : i32
    %dma_start3A_368 = arith.constant 2 : i32
    %dma_start3A_369 = arith.constant 6 : i32
    %dma_start3A_370 = arith.constant 16 : i32
    %dma_start3A_371 = tpu.memref_slice %arg6[%dma_start3A_369, %dma_start3A_370] : memref<8x32xi32, #tpu.memory_space<vmem>> -> memref<1x8xi32, #tpu.memory_space<vmem>>
    %dma_start3A_372 = tpu.memref_squeeze %dma_start3A_371 : memref<1x8xi32, #tpu.memory_space<vmem>> -> memref<8xi32, #tpu.memory_space<vmem>>
    %dma_start3A_373 = tpu.memref_slice %arg2[%dma_start3A_368, %add3A_367] : memref<4x2048xi32, #tpu.memory_space<hbm>> -> memref<1x8xi32, #tpu.memory_space<hbm>>
    %dma_start3A_374 = tpu.memref_squeeze %dma_start3A_373 : memref<1x8xi32, #tpu.memory_space<hbm>> -> memref<8xi32, #tpu.memory_space<hbm>>
    %dma_start3A_375 = arith.constant 16 : i32
    %dma_start3A_376 = tpu.memref_slice %arg6[%dma_start3A_369, %dma_start3A_375] : memref<8x32xi32, #tpu.memory_space<vmem>> -> memref<1x8xi32, #tpu.memory_space<vmem>>
    %dma_start3A_377 = tpu.memref_squeeze %dma_start3A_376 : memref<1x8xi32, #tpu.memory_space<vmem>> -> memref<8xi32, #tpu.memory_space<vmem>>
    %dma_start3A_378 = tpu.memref_slice %arg2[%dma_start3A_368, %add3A_367] : memref<4x2048xi32, #tpu.memory_space<hbm>> -> memref<1x8xi32, #tpu.memory_space<hbm>>
    %dma_start3A_379 = tpu.memref_squeeze %dma_start3A_378 : memref<1x8xi32, #tpu.memory_space<hbm>> -> memref<8xi32, #tpu.memory_space<hbm>>
    tpu.enqueue_dma source(%dma_start3A_379 : memref<8xi32, #tpu.memory_space<hbm>>) target(%dma_start3A_377 : memref<8xi32, #tpu.memory_space<vmem>>) target_semaphore(%arg20 : memref<!tpu.dma_semaphore, #tpu.memory_space<semaphore_mem>>)
    %add3A_380 = arith.constant 48 : i32
    %add3A_381 = arith.addi %mul3A_2, %add3A_380 : i32
    %dma_start3A_382 = arith.constant 3 : i32
    %dma_start3A_383 = arith.constant 6 : i32
    %dma_start3A_384 = arith.constant 24 : i32
    %dma_start3A_385 = tpu.memref_slice %arg6[%dma_start3A_383, %dma_start3A_384] : memref<8x32xi32, #tpu.memory_space<vmem>> -> memref<1x8xi32, #tpu.memory_space<vmem>>
    %dma_start3A_386 = tpu.memref_squeeze %dma_start3A_385 : memref<1x8xi32, #tpu.memory_space<vmem>> -> memref<8xi32, #tpu.memory_space<vmem>>
    %dma_start3A_387 = tpu.memref_slice %arg2[%dma_start3A_382, %add3A_381] : memref<4x2048xi32, #tpu.memory_space<hbm>> -> memref<1x8xi32, #tpu.memory_space<hbm>>
    %dma_start3A_388 = tpu.memref_squeeze %dma_start3A_387 : memref<1x8xi32, #tpu.memory_space<hbm>> -> memref<8xi32, #tpu.memory_space<hbm>>
    %dma_start3A_389 = arith.constant 24 : i32
    %dma_start3A_390 = tpu.memref_slice %arg6[%dma_start3A_383, %dma_start3A_389] : memref<8x32xi32, #tpu.memory_space<vmem>> -> memref<1x8xi32, #tpu.memory_space<vmem>>
    %dma_start3A_391 = tpu.memref_squeeze %dma_start3A_390 : memref<1x8xi32, #tpu.memory_space<vmem>> -> memref<8xi32, #tpu.memory_space<vmem>>
    %dma_start3A_392 = tpu.memref_slice %arg2[%dma_start3A_382, %add3A_381] : memref<4x2048xi32, #tpu.memory_space<hbm>> -> memref<1x8xi32, #tpu.memory_space<hbm>>
    %dma_start3A_393 = tpu.memref_squeeze %dma_start3A_392 : memref<1x8xi32, #tpu.memory_space<hbm>> -> memref<8xi32, #tpu.memory_space<hbm>>
    tpu.enqueue_dma source(%dma_start3A_393 : memref<8xi32, #tpu.memory_space<hbm>>) target(%dma_start3A_391 : memref<8xi32, #tpu.memory_space<vmem>>) target_semaphore(%arg20 : memref<!tpu.dma_semaphore, #tpu.memory_space<semaphore_mem>>)
    %add3A_394 = arith.constant 56 : i32
    %add3A_395 = arith.addi %mul3A_2, %add3A_394 : i32
    %dma_start3A_396 = arith.constant 0 : i32
    %dma_start3A_397 = arith.constant 7 : i32
    %dma_start3A_398 = arith.constant 0 : i32
    %dma_start3A_399 = tpu.memref_slice %arg6[%dma_start3A_397, %dma_start3A_398] : memref<8x32xi32, #tpu.memory_space<vmem>> -> memref<1x8xi32, #tpu.memory_space<vmem>>
    %dma_start3A_400 = tpu.memref_squeeze %dma_start3A_399 : memref<1x8xi32, #tpu.memory_space<vmem>> -> memref<8xi32, #tpu.memory_space<vmem>>
    %dma_start3A_401 = tpu.memref_slice %arg2[%dma_start3A_396, %add3A_395] : memref<4x2048xi32, #tpu.memory_space<hbm>> -> memref<1x8xi32, #tpu.memory_space<hbm>>
    %dma_start3A_402 = tpu.memref_squeeze %dma_start3A_401 : memref<1x8xi32, #tpu.memory_space<hbm>> -> memref<8xi32, #tpu.memory_space<hbm>>
    %dma_start3A_403 = arith.constant 0 : i32
    %dma_start3A_404 = tpu.memref_slice %arg6[%dma_start3A_397, %dma_start3A_403] : memref<8x32xi32, #tpu.memory_space<vmem>> -> memref<1x8xi32, #tpu.memory_space<vmem>>
    %dma_start3A_405 = tpu.memref_squeeze %dma_start3A_404 : memref<1x8xi32, #tpu.memory_space<vmem>> -> memref<8xi32, #tpu.memory_space<vmem>>
    %dma_start3A_406 = tpu.memref_slice %arg2[%dma_start3A_396, %add3A_395] : memref<4x2048xi32, #tpu.memory_space<hbm>> -> memref<1x8xi32, #tpu.memory_space<hbm>>
    %dma_start3A_407 = tpu.memref_squeeze %dma_start3A_406 : memref<1x8xi32, #tpu.memory_space<hbm>> -> memref<8xi32, #tpu.memory_space<hbm>>
    tpu.enqueue_dma source(%dma_start3A_407 : memref<8xi32, #tpu.memory_space<hbm>>) target(%dma_start3A_405 : memref<8xi32, #tpu.memory_space<vmem>>) target_semaphore(%arg20 : memref<!tpu.dma_semaphore, #tpu.memory_space<semaphore_mem>>)
    %add3A_408 = arith.constant 56 : i32
    %add3A_409 = arith.addi %mul3A_2, %add3A_408 : i32
    %dma_start3A_410 = arith.constant 1 : i32
    %dma_start3A_411 = arith.constant 7 : i32
    %dma_start3A_412 = arith.constant 8 : i32
    %dma_start3A_413 = tpu.memref_slice %arg6[%dma_start3A_411, %dma_start3A_412] : memref<8x32xi32, #tpu.memory_space<vmem>> -> memref<1x8xi32, #tpu.memory_space<vmem>>
    %dma_start3A_414 = tpu.memref_squeeze %dma_start3A_413 : memref<1x8xi32, #tpu.memory_space<vmem>> -> memref<8xi32, #tpu.memory_space<vmem>>
    %dma_start3A_415 = tpu.memref_slice %arg2[%dma_start3A_410, %add3A_409] : memref<4x2048xi32, #tpu.memory_space<hbm>> -> memref<1x8xi32, #tpu.memory_space<hbm>>
    %dma_start3A_416 = tpu.memref_squeeze %dma_start3A_415 : memref<1x8xi32, #tpu.memory_space<hbm>> -> memref<8xi32, #tpu.memory_space<hbm>>
    %dma_start3A_417 = arith.constant 8 : i32
    %dma_start3A_418 = tpu.memref_slice %arg6[%dma_start3A_411, %dma_start3A_417] : memref<8x32xi32, #tpu.memory_space<vmem>> -> memref<1x8xi32, #tpu.memory_space<vmem>>
    %dma_start3A_419 = tpu.memref_squeeze %dma_start3A_418 : memref<1x8xi32, #tpu.memory_space<vmem>> -> memref<8xi32, #tpu.memory_space<vmem>>
    %dma_start3A_420 = tpu.memref_slice %arg2[%dma_start3A_410, %add3A_409] : memref<4x2048xi32, #tpu.memory_space<hbm>> -> memref<1x8xi32, #tpu.memory_space<hbm>>
    %dma_start3A_421 = tpu.memref_squeeze %dma_start3A_420 : memref<1x8xi32, #tpu.memory_space<hbm>> -> memref<8xi32, #tpu.memory_space<hbm>>
    tpu.enqueue_dma source(%dma_start3A_421 : memref<8xi32, #tpu.memory_space<hbm>>) target(%dma_start3A_419 : memref<8xi32, #tpu.memory_space<vmem>>) target_semaphore(%arg20 : memref<!tpu.dma_semaphore, #tpu.memory_space<semaphore_mem>>)
    %add3A_422 = arith.constant 56 : i32
    %add3A_423 = arith.addi %mul3A_2, %add3A_422 : i32
    %dma_start3A_424 = arith.constant 2 : i32
    %dma_start3A_425 = arith.constant 7 : i32
    %dma_start3A_426 = arith.constant 16 : i32
    %dma_start3A_427 = tpu.memref_slice %arg6[%dma_start3A_425, %dma_start3A_426] : memref<8x32xi32, #tpu.memory_space<vmem>> -> memref<1x8xi32, #tpu.memory_space<vmem>>
    %dma_start3A_428 = tpu.memref_squeeze %dma_start3A_427 : memref<1x8xi32, #tpu.memory_space<vmem>> -> memref<8xi32, #tpu.memory_space<vmem>>
    %dma_start3A_429 = tpu.memref_slice %arg2[%dma_start3A_424, %add3A_423] : memref<4x2048xi32, #tpu.memory_space<hbm>> -> memref<1x8xi32, #tpu.memory_space<hbm>>
    %dma_start3A_430 = tpu.memref_squeeze %dma_start3A_429 : memref<1x8xi32, #tpu.memory_space<hbm>> -> memref<8xi32, #tpu.memory_space<hbm>>
    %dma_start3A_431 = arith.constant 16 : i32
    %dma_start3A_432 = tpu.memref_slice %arg6[%dma_start3A_425, %dma_start3A_431] : memref<8x32xi32, #tpu.memory_space<vmem>> -> memref<1x8xi32, #tpu.memory_space<vmem>>
    %dma_start3A_433 = tpu.memref_squeeze %dma_start3A_432 : memref<1x8xi32, #tpu.memory_space<vmem>> -> memref<8xi32, #tpu.memory_space<vmem>>
    %dma_start3A_434 = tpu.memref_slice %arg2[%dma_start3A_424, %add3A_423] : memref<4x2048xi32, #tpu.memory_space<hbm>> -> memref<1x8xi32, #tpu.memory_space<hbm>>
    %dma_start3A_435 = tpu.memref_squeeze %dma_start3A_434 : memref<1x8xi32, #tpu.memory_space<hbm>> -> memref<8xi32, #tpu.memory_space<hbm>>
    tpu.enqueue_dma source(%dma_start3A_435 : memref<8xi32, #tpu.memory_space<hbm>>) target(%dma_start3A_433 : memref<8xi32, #tpu.memory_space<vmem>>) target_semaphore(%arg20 : memref<!tpu.dma_semaphore, #tpu.memory_space<semaphore_mem>>)
    %add3A_436 = arith.constant 56 : i32
    %add3A_437 = arith.addi %mul3A_2, %add3A_436 : i32
    %dma_start3A_438 = arith.constant 3 : i32
    %dma_start3A_439 = arith.constant 7 : i32
    %dma_start3A_440 = arith.constant 24 : i32
    %dma_start3A_441 = tpu.memref_slice %arg6[%dma_start3A_439, %dma_start3A_440] : memref<8x32xi32, #tpu.memory_space<vmem>> -> memref<1x8xi32, #tpu.memory_space<vmem>>
    %dma_start3A_442 = tpu.memref_squeeze %dma_start3A_441 : memref<1x8xi32, #tpu.memory_space<vmem>> -> memref<8xi32, #tpu.memory_space<vmem>>
    %dma_start3A_443 = tpu.memref_slice %arg2[%dma_start3A_438, %add3A_437] : memref<4x2048xi32, #tpu.memory_space<hbm>> -> memref<1x8xi32, #tpu.memory_space<hbm>>
    %dma_start3A_444 = tpu.memref_squeeze %dma_start3A_443 : memref<1x8xi32, #tpu.memory_space<hbm>> -> memref<8xi32, #tpu.memory_space<hbm>>
    %dma_start3A_445 = arith.constant 24 : i32
    %dma_start3A_446 = tpu.memref_slice %arg6[%dma_start3A_439, %dma_start3A_445] : memref<8x32xi32, #tpu.memory_space<vmem>> -> memref<1x8xi32, #tpu.memory_space<vmem>>
    %dma_start3A_447 = tpu.memref_squeeze %dma_start3A_446 : memref<1x8xi32, #tpu.memory_space<vmem>> -> memref<8xi32, #tpu.memory_space<vmem>>
    %dma_start3A_448 = tpu.memref_slice %arg2[%dma_start3A_438, %add3A_437] : memref<4x2048xi32, #tpu.memory_space<hbm>> -> memref<1x8xi32, #tpu.memory_space<hbm>>
    %dma_start3A_449 = tpu.memref_squeeze %dma_start3A_448 : memref<1x8xi32, #tpu.memory_space<hbm>> -> memref<8xi32, #tpu.memory_space<hbm>>
    tpu.enqueue_dma source(%dma_start3A_449 : memref<8xi32, #tpu.memory_space<hbm>>) target(%dma_start3A_447 : memref<8xi32, #tpu.memory_space<vmem>>) target_semaphore(%arg20 : memref<!tpu.dma_semaphore, #tpu.memory_space<semaphore_mem>>)
    %add3A_450 = arith.constant 0 : i32
    %add3A_451 = arith.addi %mul3A_2, %add3A_450 : i32
    %dma_wait3A = arith.constant 0 : i32
    %dma_wait3A_452 = arith.constant 0 : i32
    %dma_wait3A_453 = arith.constant 0 : i32
    %dma_wait3A_454 = tpu.memref_slice %arg6[%dma_wait3A_452, %dma_wait3A_453] : memref<8x32xi32, #tpu.memory_space<vmem>> -> memref<1x8xi32, #tpu.memory_space<vmem>>
    %dma_wait3A_455 = tpu.memref_squeeze %dma_wait3A_454 : memref<1x8xi32, #tpu.memory_space<vmem>> -> memref<8xi32, #tpu.memory_space<vmem>>
    %dma_wait3A_456 = tpu.memref_slice %arg2[%dma_wait3A, %add3A_451] : memref<4x2048xi32, #tpu.memory_space<hbm>> -> memref<1x8xi32, #tpu.memory_space<hbm>>
    %dma_wait3A_457 = tpu.memref_squeeze %dma_wait3A_456 : memref<1x8xi32, #tpu.memory_space<hbm>> -> memref<8xi32, #tpu.memory_space<hbm>>
    %dma_wait3A_458 = arith.constant 0 : i32
    %dma_wait3A_459 = tpu.memref_slice %arg6[%dma_wait3A_452, %dma_wait3A_458] : memref<8x32xi32, #tpu.memory_space<vmem>> -> memref<1x8xi32, #tpu.memory_space<vmem>>
    %dma_wait3A_460 = tpu.memref_squeeze %dma_wait3A_459 : memref<1x8xi32, #tpu.memory_space<vmem>> -> memref<8xi32, #tpu.memory_space<vmem>>
    %dma_wait3A_461 = tpu.memref_slice %arg2[%dma_wait3A, %add3A_451] : memref<4x2048xi32, #tpu.memory_space<hbm>> -> memref<1x8xi32, #tpu.memory_space<hbm>>
    %dma_wait3A_462 = tpu.memref_squeeze %dma_wait3A_461 : memref<1x8xi32, #tpu.memory_space<hbm>> -> memref<8xi32, #tpu.memory_space<hbm>>
    tpu.wait_dma2 semaphore(%arg20 : memref<!tpu.dma_semaphore, #tpu.memory_space<semaphore_mem>>) src(%dma_wait3A_462 : memref<8xi32, #tpu.memory_space<hbm>>) dst(%dma_wait3A_460 : memref<8xi32, #tpu.memory_space<vmem>>)
    %add3A_463 = arith.constant 0 : i32
    %add3A_464 = arith.addi %mul3A_2, %add3A_463 : i32
    %dma_wait3A_465 = arith.constant 1 : i32
    %dma_wait3A_466 = arith.constant 0 : i32
    %dma_wait3A_467 = arith.constant 8 : i32
    %dma_wait3A_468 = tpu.memref_slice %arg6[%dma_wait3A_466, %dma_wait3A_467] : memref<8x32xi32, #tpu.memory_space<vmem>> -> memref<1x8xi32, #tpu.memory_space<vmem>>
    %dma_wait3A_469 = tpu.memref_squeeze %dma_wait3A_468 : memref<1x8xi32, #tpu.memory_space<vmem>> -> memref<8xi32, #tpu.memory_space<vmem>>
    %dma_wait3A_470 = tpu.memref_slice %arg2[%dma_wait3A_465, %add3A_464] : memref<4x2048xi32, #tpu.memory_space<hbm>> -> memref<1x8xi32, #tpu.memory_space<hbm>>
    %dma_wait3A_471 = tpu.memref_squeeze %dma_wait3A_470 : memref<1x8xi32, #tpu.memory_space<hbm>> -> memref<8xi32, #tpu.memory_space<hbm>>
    %dma_wait3A_472 = arith.constant 8 : i32
    %dma_wait3A_473 = tpu.memref_slice %arg6[%dma_wait3A_466, %dma_wait3A_472] : memref<8x32xi32, #tpu.memory_space<vmem>> -> memref<1x8xi32, #tpu.memory_space<vmem>>
    %dma_wait3A_474 = tpu.memref_squeeze %dma_wait3A_473 : memref<1x8xi32, #tpu.memory_space<vmem>> -> memref<8xi32, #tpu.memory_space<vmem>>
    %dma_wait3A_475 = tpu.memref_slice %arg2[%dma_wait3A_465, %add3A_464] : memref<4x2048xi32, #tpu.memory_space<hbm>> -> memref<1x8xi32, #tpu.memory_space<hbm>>
    %dma_wait3A_476 = tpu.memref_squeeze %dma_wait3A_475 : memref<1x8xi32, #tpu.memory_space<hbm>> -> memref<8xi32, #tpu.memory_space<hbm>>
    tpu.wait_dma2 semaphore(%arg20 : memref<!tpu.dma_semaphore, #tpu.memory_space<semaphore_mem>>) src(%dma_wait3A_476 : memref<8xi32, #tpu.memory_space<hbm>>) dst(%dma_wait3A_474 : memref<8xi32, #tpu.memory_space<vmem>>)
    %add3A_477 = arith.constant 0 : i32
    %add3A_478 = arith.addi %mul3A_2, %add3A_477 : i32
    %dma_wait3A_479 = arith.constant 2 : i32
    %dma_wait3A_480 = arith.constant 0 : i32
    %dma_wait3A_481 = arith.constant 16 : i32
    %dma_wait3A_482 = tpu.memref_slice %arg6[%dma_wait3A_480, %dma_wait3A_481] : memref<8x32xi32, #tpu.memory_space<vmem>> -> memref<1x8xi32, #tpu.memory_space<vmem>>
    %dma_wait3A_483 = tpu.memref_squeeze %dma_wait3A_482 : memref<1x8xi32, #tpu.memory_space<vmem>> -> memref<8xi32, #tpu.memory_space<vmem>>
    %dma_wait3A_484 = tpu.memref_slice %arg2[%dma_wait3A_479, %add3A_478] : memref<4x2048xi32, #tpu.memory_space<hbm>> -> memref<1x8xi32, #tpu.memory_space<hbm>>
    %dma_wait3A_485 = tpu.memref_squeeze %dma_wait3A_484 : memref<1x8xi32, #tpu.memory_space<hbm>> -> memref<8xi32, #tpu.memory_space<hbm>>
    %dma_wait3A_486 = arith.constant 16 : i32
    %dma_wait3A_487 = tpu.memref_slice %arg6[%dma_wait3A_480, %dma_wait3A_486] : memref<8x32xi32, #tpu.memory_space<vmem>> -> memref<1x8xi32, #tpu.memory_space<vmem>>
    %dma_wait3A_488 = tpu.memref_squeeze %dma_wait3A_487 : memref<1x8xi32, #tpu.memory_space<vmem>> -> memref<8xi32, #tpu.memory_space<vmem>>
    %dma_wait3A_489 = tpu.memref_slice %arg2[%dma_wait3A_479, %add3A_478] : memref<4x2048xi32, #tpu.memory_space<hbm>> -> memref<1x8xi32, #tpu.memory_space<hbm>>
    %dma_wait3A_490 = tpu.memref_squeeze %dma_wait3A_489 : memref<1x8xi32, #tpu.memory_space<hbm>> -> memref<8xi32, #tpu.memory_space<hbm>>
    tpu.wait_dma2 semaphore(%arg20 : memref<!tpu.dma_semaphore, #tpu.memory_space<semaphore_mem>>) src(%dma_wait3A_490 : memref<8xi32, #tpu.memory_space<hbm>>) dst(%dma_wait3A_488 : memref<8xi32, #tpu.memory_space<vmem>>)
    %add3A_491 = arith.constant 0 : i32
    %add3A_492 = arith.addi %mul3A_2, %add3A_491 : i32
    %dma_wait3A_493 = arith.constant 3 : i32
    %dma_wait3A_494 = arith.constant 0 : i32
    %dma_wait3A_495 = arith.constant 24 : i32
    %dma_wait3A_496 = tpu.memref_slice %arg6[%dma_wait3A_494, %dma_wait3A_495] : memref<8x32xi32, #tpu.memory_space<vmem>> -> memref<1x8xi32, #tpu.memory_space<vmem>>
    %dma_wait3A_497 = tpu.memref_squeeze %dma_wait3A_496 : memref<1x8xi32, #tpu.memory_space<vmem>> -> memref<8xi32, #tpu.memory_space<vmem>>
    %dma_wait3A_498 = tpu.memref_slice %arg2[%dma_wait3A_493, %add3A_492] : memref<4x2048xi32, #tpu.memory_space<hbm>> -> memref<1x8xi32, #tpu.memory_space<hbm>>
    %dma_wait3A_499 = tpu.memref_squeeze %dma_wait3A_498 : memref<1x8xi32, #tpu.memory_space<hbm>> -> memref<8xi32, #tpu.memory_space<hbm>>
    %dma_wait3A_500 = arith.constant 24 : i32
    %dma_wait3A_501 = tpu.memref_slice %arg6[%dma_wait3A_494, %dma_wait3A_500] : memref<8x32xi32, #tpu.memory_space<vmem>> -> memref<1x8xi32, #tpu.memory_space<vmem>>
    %dma_wait3A_502 = tpu.memref_squeeze %dma_wait3A_501 : memref<1x8xi32, #tpu.memory_space<vmem>> -> memref<8xi32, #tpu.memory_space<vmem>>
    %dma_wait3A_503 = tpu.memref_slice %arg2[%dma_wait3A_493, %add3A_492] : memref<4x2048xi32, #tpu.memory_space<hbm>> -> memref<1x8xi32, #tpu.memory_space<hbm>>
    %dma_wait3A_504 = tpu.memref_squeeze %dma_wait3A_503 : memref<1x8xi32, #tpu.memory_space<hbm>> -> memref<8xi32, #tpu.memory_space<hbm>>
    tpu.wait_dma2 semaphore(%arg20 : memref<!tpu.dma_semaphore, #tpu.memory_space<semaphore_mem>>) src(%dma_wait3A_504 : memref<8xi32, #tpu.memory_space<hbm>>) dst(%dma_wait3A_502 : memref<8xi32, #tpu.memory_space<vmem>>)
    %add3A_505 = arith.constant 8 : i32
    %add3A_506 = arith.addi %mul3A_2, %add3A_505 : i32
    %dma_wait3A_507 = arith.constant 0 : i32
    %dma_wait3A_508 = arith.constant 1 : i32
    %dma_wait3A_509 = arith.constant 0 : i32
    %dma_wait3A_510 = tpu.memref_slice %arg6[%dma_wait3A_508, %dma_wait3A_509] : memref<8x32xi32, #tpu.memory_space<vmem>> -> memref<1x8xi32, #tpu.memory_space<vmem>>
    %dma_wait3A_511 = tpu.memref_squeeze %dma_wait3A_510 : memref<1x8xi32, #tpu.memory_space<vmem>> -> memref<8xi32, #tpu.memory_space<vmem>>
    %dma_wait3A_512 = tpu.memref_slice %arg2[%dma_wait3A_507, %add3A_506] : memref<4x2048xi32, #tpu.memory_space<hbm>> -> memref<1x8xi32, #tpu.memory_space<hbm>>
    %dma_wait3A_513 = tpu.memref_squeeze %dma_wait3A_512 : memref<1x8xi32, #tpu.memory_space<hbm>> -> memref<8xi32, #tpu.memory_space<hbm>>
    %dma_wait3A_514 = arith.constant 0 : i32
    %dma_wait3A_515 = tpu.memref_slice %arg6[%dma_wait3A_508, %dma_wait3A_514] : memref<8x32xi32, #tpu.memory_space<vmem>> -> memref<1x8xi32, #tpu.memory_space<vmem>>
    %dma_wait3A_516 = tpu.memref_squeeze %dma_wait3A_515 : memref<1x8xi32, #tpu.memory_space<vmem>> -> memref<8xi32, #tpu.memory_space<vmem>>
    %dma_wait3A_517 = tpu.memref_slice %arg2[%dma_wait3A_507, %add3A_506] : memref<4x2048xi32, #tpu.memory_space<hbm>> -> memref<1x8xi32, #tpu.memory_space<hbm>>
    %dma_wait3A_518 = tpu.memref_squeeze %dma_wait3A_517 : memref<1x8xi32, #tpu.memory_space<hbm>> -> memref<8xi32, #tpu.memory_space<hbm>>
    tpu.wait_dma2 semaphore(%arg20 : memref<!tpu.dma_semaphore, #tpu.memory_space<semaphore_mem>>) src(%dma_wait3A_518 : memref<8xi32, #tpu.memory_space<hbm>>) dst(%dma_wait3A_516 : memref<8xi32, #tpu.memory_space<vmem>>)
    %add3A_519 = arith.constant 8 : i32
    %add3A_520 = arith.addi %mul3A_2, %add3A_519 : i32
    %dma_wait3A_521 = arith.constant 1 : i32
    %dma_wait3A_522 = arith.constant 1 : i32
    %dma_wait3A_523 = arith.constant 8 : i32
    %dma_wait3A_524 = tpu.memref_slice %arg6[%dma_wait3A_522, %dma_wait3A_523] : memref<8x32xi32, #tpu.memory_space<vmem>> -> memref<1x8xi32, #tpu.memory_space<vmem>>
    %dma_wait3A_525 = tpu.memref_squeeze %dma_wait3A_524 : memref<1x8xi32, #tpu.memory_space<vmem>> -> memref<8xi32, #tpu.memory_space<vmem>>
    %dma_wait3A_526 = tpu.memref_slice %arg2[%dma_wait3A_521, %add3A_520] : memref<4x2048xi32, #tpu.memory_space<hbm>> -> memref<1x8xi32, #tpu.memory_space<hbm>>
    %dma_wait3A_527 = tpu.memref_squeeze %dma_wait3A_526 : memref<1x8xi32, #tpu.memory_space<hbm>> -> memref<8xi32, #tpu.memory_space<hbm>>
    %dma_wait3A_528 = arith.constant 8 : i32
    %dma_wait3A_529 = tpu.memref_slice %arg6[%dma_wait3A_522, %dma_wait3A_528] : memref<8x32xi32, #tpu.memory_space<vmem>> -> memref<1x8xi32, #tpu.memory_space<vmem>>
    %dma_wait3A_530 = tpu.memref_squeeze %dma_wait3A_529 : memref<1x8xi32, #tpu.memory_space<vmem>> -> memref<8xi32, #tpu.memory_space<vmem>>
    %dma_wait3A_531 = tpu.memref_slice %arg2[%dma_wait3A_521, %add3A_520] : memref<4x2048xi32, #tpu.memory_space<hbm>> -> memref<1x8xi32, #tpu.memory_space<hbm>>
    %dma_wait3A_532 = tpu.memref_squeeze %dma_wait3A_531 : memref<1x8xi32, #tpu.memory_space<hbm>> -> memref<8xi32, #tpu.memory_space<hbm>>
    tpu.wait_dma2 semaphore(%arg20 : memref<!tpu.dma_semaphore, #tpu.memory_space<semaphore_mem>>) src(%dma_wait3A_532 : memref<8xi32, #tpu.memory_space<hbm>>) dst(%dma_wait3A_530 : memref<8xi32, #tpu.memory_space<vmem>>)
    %add3A_533 = arith.constant 8 : i32
    %add3A_534 = arith.addi %mul3A_2, %add3A_533 : i32
    %dma_wait3A_535 = arith.constant 2 : i32
    %dma_wait3A_536 = arith.constant 1 : i32
    %dma_wait3A_537 = arith.constant 16 : i32
    %dma_wait3A_538 = tpu.memref_slice %arg6[%dma_wait3A_536, %dma_wait3A_537] : memref<8x32xi32, #tpu.memory_space<vmem>> -> memref<1x8xi32, #tpu.memory_space<vmem>>
    %dma_wait3A_539 = tpu.memref_squeeze %dma_wait3A_538 : memref<1x8xi32, #tpu.memory_space<vmem>> -> memref<8xi32, #tpu.memory_space<vmem>>
    %dma_wait3A_540 = tpu.memref_slice %arg2[%dma_wait3A_535, %add3A_534] : memref<4x2048xi32, #tpu.memory_space<hbm>> -> memref<1x8xi32, #tpu.memory_space<hbm>>
    %dma_wait3A_541 = tpu.memref_squeeze %dma_wait3A_540 : memref<1x8xi32, #tpu.memory_space<hbm>> -> memref<8xi32, #tpu.memory_space<hbm>>
    %dma_wait3A_542 = arith.constant 16 : i32
    %dma_wait3A_543 = tpu.memref_slice %arg6[%dma_wait3A_536, %dma_wait3A_542] : memref<8x32xi32, #tpu.memory_space<vmem>> -> memref<1x8xi32, #tpu.memory_space<vmem>>
    %dma_wait3A_544 = tpu.memref_squeeze %dma_wait3A_543 : memref<1x8xi32, #tpu.memory_space<vmem>> -> memref<8xi32, #tpu.memory_space<vmem>>
    %dma_wait3A_545 = tpu.memref_slice %arg2[%dma_wait3A_535, %add3A_534] : memref<4x2048xi32, #tpu.memory_space<hbm>> -> memref<1x8xi32, #tpu.memory_space<hbm>>
    %dma_wait3A_546 = tpu.memref_squeeze %dma_wait3A_545 : memref<1x8xi32, #tpu.memory_space<hbm>> -> memref<8xi32, #tpu.memory_space<hbm>>
    tpu.wait_dma2 semaphore(%arg20 : memref<!tpu.dma_semaphore, #tpu.memory_space<semaphore_mem>>) src(%dma_wait3A_546 : memref<8xi32, #tpu.memory_space<hbm>>) dst(%dma_wait3A_544 : memref<8xi32, #tpu.memory_space<vmem>>)
    %add3A_547 = arith.constant 8 : i32
    %add3A_548 = arith.addi %mul3A_2, %add3A_547 : i32
    %dma_wait3A_549 = arith.constant 3 : i32
    %dma_wait3A_550 = arith.constant 1 : i32
    %dma_wait3A_551 = arith.constant 24 : i32
    %dma_wait3A_552 = tpu.memref_slice %arg6[%dma_wait3A_550, %dma_wait3A_551] : memref<8x32xi32, #tpu.memory_space<vmem>> -> memref<1x8xi32, #tpu.memory_space<vmem>>
    %dma_wait3A_553 = tpu.memref_squeeze %dma_wait3A_552 : memref<1x8xi32, #tpu.memory_space<vmem>> -> memref<8xi32, #tpu.memory_space<vmem>>
    %dma_wait3A_554 = tpu.memref_slice %arg2[%dma_wait3A_549, %add3A_548] : memref<4x2048xi32, #tpu.memory_space<hbm>> -> memref<1x8xi32, #tpu.memory_space<hbm>>
    %dma_wait3A_555 = tpu.memref_squeeze %dma_wait3A_554 : memref<1x8xi32, #tpu.memory_space<hbm>> -> memref<8xi32, #tpu.memory_space<hbm>>
    %dma_wait3A_556 = arith.constant 24 : i32
    %dma_wait3A_557 = tpu.memref_slice %arg6[%dma_wait3A_550, %dma_wait3A_556] : memref<8x32xi32, #tpu.memory_space<vmem>> -> memref<1x8xi32, #tpu.memory_space<vmem>>
    %dma_wait3A_558 = tpu.memref_squeeze %dma_wait3A_557 : memref<1x8xi32, #tpu.memory_space<vmem>> -> memref<8xi32, #tpu.memory_space<vmem>>
    %dma_wait3A_559 = tpu.memref_slice %arg2[%dma_wait3A_549, %add3A_548] : memref<4x2048xi32, #tpu.memory_space<hbm>> -> memref<1x8xi32, #tpu.memory_space<hbm>>
    %dma_wait3A_560 = tpu.memref_squeeze %dma_wait3A_559 : memref<1x8xi32, #tpu.memory_space<hbm>> -> memref<8xi32, #tpu.memory_space<hbm>>
    tpu.wait_dma2 semaphore(%arg20 : memref<!tpu.dma_semaphore, #tpu.memory_space<semaphore_mem>>) src(%dma_wait3A_560 : memref<8xi32, #tpu.memory_space<hbm>>) dst(%dma_wait3A_558 : memref<8xi32, #tpu.memory_space<vmem>>)
    %add3A_561 = arith.constant 16 : i32
    %add3A_562 = arith.addi %mul3A_2, %add3A_561 : i32
    %dma_wait3A_563 = arith.constant 0 : i32
    %dma_wait3A_564 = arith.constant 2 : i32
    %dma_wait3A_565 = arith.constant 0 : i32
    %dma_wait3A_566 = tpu.memref_slice %arg6[%dma_wait3A_564, %dma_wait3A_565] : memref<8x32xi32, #tpu.memory_space<vmem>> -> memref<1x8xi32, #tpu.memory_space<vmem>>
    %dma_wait3A_567 = tpu.memref_squeeze %dma_wait3A_566 : memref<1x8xi32, #tpu.memory_space<vmem>> -> memref<8xi32, #tpu.memory_space<vmem>>
    %dma_wait3A_568 = tpu.memref_slice %arg2[%dma_wait3A_563, %add3A_562] : memref<4x2048xi32, #tpu.memory_space<hbm>> -> memref<1x8xi32, #tpu.memory_space<hbm>>
    %dma_wait3A_569 = tpu.memref_squeeze %dma_wait3A_568 : memref<1x8xi32, #tpu.memory_space<hbm>> -> memref<8xi32, #tpu.memory_space<hbm>>
    %dma_wait3A_570 = arith.constant 0 : i32
    %dma_wait3A_571 = tpu.memref_slice %arg6[%dma_wait3A_564, %dma_wait3A_570] : memref<8x32xi32, #tpu.memory_space<vmem>> -> memref<1x8xi32, #tpu.memory_space<vmem>>
    %dma_wait3A_572 = tpu.memref_squeeze %dma_wait3A_571 : memref<1x8xi32, #tpu.memory_space<vmem>> -> memref<8xi32, #tpu.memory_space<vmem>>
    %dma_wait3A_573 = tpu.memref_slice %arg2[%dma_wait3A_563, %add3A_562] : memref<4x2048xi32, #tpu.memory_space<hbm>> -> memref<1x8xi32, #tpu.memory_space<hbm>>
    %dma_wait3A_574 = tpu.memref_squeeze %dma_wait3A_573 : memref<1x8xi32, #tpu.memory_space<hbm>> -> memref<8xi32, #tpu.memory_space<hbm>>
    tpu.wait_dma2 semaphore(%arg20 : memref<!tpu.dma_semaphore, #tpu.memory_space<semaphore_mem>>) src(%dma_wait3A_574 : memref<8xi32, #tpu.memory_space<hbm>>) dst(%dma_wait3A_572 : memref<8xi32, #tpu.memory_space<vmem>>)
    %add3A_575 = arith.constant 16 : i32
    %add3A_576 = arith.addi %mul3A_2, %add3A_575 : i32
    %dma_wait3A_577 = arith.constant 1 : i32
    %dma_wait3A_578 = arith.constant 2 : i32
    %dma_wait3A_579 = arith.constant 8 : i32
    %dma_wait3A_580 = tpu.memref_slice %arg6[%dma_wait3A_578, %dma_wait3A_579] : memref<8x32xi32, #tpu.memory_space<vmem>> -> memref<1x8xi32, #tpu.memory_space<vmem>>
    %dma_wait3A_581 = tpu.memref_squeeze %dma_wait3A_580 : memref<1x8xi32, #tpu.memory_space<vmem>> -> memref<8xi32, #tpu.memory_space<vmem>>
    %dma_wait3A_582 = tpu.memref_slice %arg2[%dma_wait3A_577, %add3A_576] : memref<4x2048xi32, #tpu.memory_space<hbm>> -> memref<1x8xi32, #tpu.memory_space<hbm>>
    %dma_wait3A_583 = tpu.memref_squeeze %dma_wait3A_582 : memref<1x8xi32, #tpu.memory_space<hbm>> -> memref<8xi32, #tpu.memory_space<hbm>>
    %dma_wait3A_584 = arith.constant 8 : i32
    %dma_wait3A_585 = tpu.memref_slice %arg6[%dma_wait3A_578, %dma_wait3A_584] : memref<8x32xi32, #tpu.memory_space<vmem>> -> memref<1x8xi32, #tpu.memory_space<vmem>>
    %dma_wait3A_586 = tpu.memref_squeeze %dma_wait3A_585 : memref<1x8xi32, #tpu.memory_space<vmem>> -> memref<8xi32, #tpu.memory_space<vmem>>
    %dma_wait3A_587 = tpu.memref_slice %arg2[%dma_wait3A_577, %add3A_576] : memref<4x2048xi32, #tpu.memory_space<hbm>> -> memref<1x8xi32, #tpu.memory_space<hbm>>
    %dma_wait3A_588 = tpu.memref_squeeze %dma_wait3A_587 : memref<1x8xi32, #tpu.memory_space<hbm>> -> memref<8xi32, #tpu.memory_space<hbm>>
    tpu.wait_dma2 semaphore(%arg20 : memref<!tpu.dma_semaphore, #tpu.memory_space<semaphore_mem>>) src(%dma_wait3A_588 : memref<8xi32, #tpu.memory_space<hbm>>) dst(%dma_wait3A_586 : memref<8xi32, #tpu.memory_space<vmem>>)
    %add3A_589 = arith.constant 16 : i32
    %add3A_590 = arith.addi %mul3A_2, %add3A_589 : i32
    %dma_wait3A_591 = arith.constant 2 : i32
    %dma_wait3A_592 = arith.constant 2 : i32
    %dma_wait3A_593 = arith.constant 16 : i32
    %dma_wait3A_594 = tpu.memref_slice %arg6[%dma_wait3A_592, %dma_wait3A_593] : memref<8x32xi32, #tpu.memory_space<vmem>> -> memref<1x8xi32, #tpu.memory_space<vmem>>
    %dma_wait3A_595 = tpu.memref_squeeze %dma_wait3A_594 : memref<1x8xi32, #tpu.memory_space<vmem>> -> memref<8xi32, #tpu.memory_space<vmem>>
    %dma_wait3A_596 = tpu.memref_slice %arg2[%dma_wait3A_591, %add3A_590] : memref<4x2048xi32, #tpu.memory_space<hbm>> -> memref<1x8xi32, #tpu.memory_space<hbm>>
    %dma_wait3A_597 = tpu.memref_squeeze %dma_wait3A_596 : memref<1x8xi32, #tpu.memory_space<hbm>> -> memref<8xi32, #tpu.memory_space<hbm>>
    %dma_wait3A_598 = arith.constant 16 : i32
    %dma_wait3A_599 = tpu.memref_slice %arg6[%dma_wait3A_592, %dma_wait3A_598] : memref<8x32xi32, #tpu.memory_space<vmem>> -> memref<1x8xi32, #tpu.memory_space<vmem>>
    %dma_wait3A_600 = tpu.memref_squeeze %dma_wait3A_599 : memref<1x8xi32, #tpu.memory_space<vmem>> -> memref<8xi32, #tpu.memory_space<vmem>>
    %dma_wait3A_601 = tpu.memref_slice %arg2[%dma_wait3A_591, %add3A_590] : memref<4x2048xi32, #tpu.memory_space<hbm>> -> memref<1x8xi32, #tpu.memory_space<hbm>>
    %dma_wait3A_602 = tpu.memref_squeeze %dma_wait3A_601 : memref<1x8xi32, #tpu.memory_space<hbm>> -> memref<8xi32, #tpu.memory_space<hbm>>
    tpu.wait_dma2 semaphore(%arg20 : memref<!tpu.dma_semaphore, #tpu.memory_space<semaphore_mem>>) src(%dma_wait3A_602 : memref<8xi32, #tpu.memory_space<hbm>>) dst(%dma_wait3A_600 : memref<8xi32, #tpu.memory_space<vmem>>)
    %add3A_603 = arith.constant 16 : i32
    %add3A_604 = arith.addi %mul3A_2, %add3A_603 : i32
    %dma_wait3A_605 = arith.constant 3 : i32
    %dma_wait3A_606 = arith.constant 2 : i32
    %dma_wait3A_607 = arith.constant 24 : i32
    %dma_wait3A_608 = tpu.memref_slice %arg6[%dma_wait3A_606, %dma_wait3A_607] : memref<8x32xi32, #tpu.memory_space<vmem>> -> memref<1x8xi32, #tpu.memory_space<vmem>>
    %dma_wait3A_609 = tpu.memref_squeeze %dma_wait3A_608 : memref<1x8xi32, #tpu.memory_space<vmem>> -> memref<8xi32, #tpu.memory_space<vmem>>
    %dma_wait3A_610 = tpu.memref_slice %arg2[%dma_wait3A_605, %add3A_604] : memref<4x2048xi32, #tpu.memory_space<hbm>> -> memref<1x8xi32, #tpu.memory_space<hbm>>
    %dma_wait3A_611 = tpu.memref_squeeze %dma_wait3A_610 : memref<1x8xi32, #tpu.memory_space<hbm>> -> memref<8xi32, #tpu.memory_space<hbm>>
    %dma_wait3A_612 = arith.constant 24 : i32
    %dma_wait3A_613 = tpu.memref_slice %arg6[%dma_wait3A_606, %dma_wait3A_612] : memref<8x32xi32, #tpu.memory_space<vmem>> -> memref<1x8xi32, #tpu.memory_space<vmem>>
    %dma_wait3A_614 = tpu.memref_squeeze %dma_wait3A_613 : memref<1x8xi32, #tpu.memory_space<vmem>> -> memref<8xi32, #tpu.memory_space<vmem>>
    %dma_wait3A_615 = tpu.memref_slice %arg2[%dma_wait3A_605, %add3A_604] : memref<4x2048xi32, #tpu.memory_space<hbm>> -> memref<1x8xi32, #tpu.memory_space<hbm>>
    %dma_wait3A_616 = tpu.memref_squeeze %dma_wait3A_615 : memref<1x8xi32, #tpu.memory_space<hbm>> -> memref<8xi32, #tpu.memory_space<hbm>>
    tpu.wait_dma2 semaphore(%arg20 : memref<!tpu.dma_semaphore, #tpu.memory_space<semaphore_mem>>) src(%dma_wait3A_616 : memref<8xi32, #tpu.memory_space<hbm>>) dst(%dma_wait3A_614 : memref<8xi32, #tpu.memory_space<vmem>>)
    %add3A_617 = arith.constant 24 : i32
    %add3A_618 = arith.addi %mul3A_2, %add3A_617 : i32
    %dma_wait3A_619 = arith.constant 0 : i32
    %dma_wait3A_620 = arith.constant 3 : i32
    %dma_wait3A_621 = arith.constant 0 : i32
    %dma_wait3A_622 = tpu.memref_slice %arg6[%dma_wait3A_620, %dma_wait3A_621] : memref<8x32xi32, #tpu.memory_space<vmem>> -> memref<1x8xi32, #tpu.memory_space<vmem>>
    %dma_wait3A_623 = tpu.memref_squeeze %dma_wait3A_622 : memref<1x8xi32, #tpu.memory_space<vmem>> -> memref<8xi32, #tpu.memory_space<vmem>>
    %dma_wait3A_624 = tpu.memref_slice %arg2[%dma_wait3A_619, %add3A_618] : memref<4x2048xi32, #tpu.memory_space<hbm>> -> memref<1x8xi32, #tpu.memory_space<hbm>>
    %dma_wait3A_625 = tpu.memref_squeeze %dma_wait3A_624 : memref<1x8xi32, #tpu.memory_space<hbm>> -> memref<8xi32, #tpu.memory_space<hbm>>
    %dma_wait3A_626 = arith.constant 0 : i32
    %dma_wait3A_627 = tpu.memref_slice %arg6[%dma_wait3A_620, %dma_wait3A_626] : memref<8x32xi32, #tpu.memory_space<vmem>> -> memref<1x8xi32, #tpu.memory_space<vmem>>
    %dma_wait3A_628 = tpu.memref_squeeze %dma_wait3A_627 : memref<1x8xi32, #tpu.memory_space<vmem>> -> memref<8xi32, #tpu.memory_space<vmem>>
    %dma_wait3A_629 = tpu.memref_slice %arg2[%dma_wait3A_619, %add3A_618] : memref<4x2048xi32, #tpu.memory_space<hbm>> -> memref<1x8xi32, #tpu.memory_space<hbm>>
    %dma_wait3A_630 = tpu.memref_squeeze %dma_wait3A_629 : memref<1x8xi32, #tpu.memory_space<hbm>> -> memref<8xi32, #tpu.memory_space<hbm>>
    tpu.wait_dma2 semaphore(%arg20 : memref<!tpu.dma_semaphore, #tpu.memory_space<semaphore_mem>>) src(%dma_wait3A_630 : memref<8xi32, #tpu.memory_space<hbm>>) dst(%dma_wait3A_628 : memref<8xi32, #tpu.memory_space<vmem>>)
    %add3A_631 = arith.constant 24 : i32
    %add3A_632 = arith.addi %mul3A_2, %add3A_631 : i32
    %dma_wait3A_633 = arith.constant 1 : i32
    %dma_wait3A_634 = arith.constant 3 : i32
    %dma_wait3A_635 = arith.constant 8 : i32
    %dma_wait3A_636 = tpu.memref_slice %arg6[%dma_wait3A_634, %dma_wait3A_635] : memref<8x32xi32, #tpu.memory_space<vmem>> -> memref<1x8xi32, #tpu.memory_space<vmem>>
    %dma_wait3A_637 = tpu.memref_squeeze %dma_wait3A_636 : memref<1x8xi32, #tpu.memory_space<vmem>> -> memref<8xi32, #tpu.memory_space<vmem>>
    %dma_wait3A_638 = tpu.memref_slice %arg2[%dma_wait3A_633, %add3A_632] : memref<4x2048xi32, #tpu.memory_space<hbm>> -> memref<1x8xi32, #tpu.memory_space<hbm>>
    %dma_wait3A_639 = tpu.memref_squeeze %dma_wait3A_638 : memref<1x8xi32, #tpu.memory_space<hbm>> -> memref<8xi32, #tpu.memory_space<hbm>>
    %dma_wait3A_640 = arith.constant 8 : i32
    %dma_wait3A_641 = tpu.memref_slice %arg6[%dma_wait3A_634, %dma_wait3A_640] : memref<8x32xi32, #tpu.memory_space<vmem>> -> memref<1x8xi32, #tpu.memory_space<vmem>>
    %dma_wait3A_642 = tpu.memref_squeeze %dma_wait3A_641 : memref<1x8xi32, #tpu.memory_space<vmem>> -> memref<8xi32, #tpu.memory_space<vmem>>
    %dma_wait3A_643 = tpu.memref_slice %arg2[%dma_wait3A_633, %add3A_632] : memref<4x2048xi32, #tpu.memory_space<hbm>> -> memref<1x8xi32, #tpu.memory_space<hbm>>
    %dma_wait3A_644 = tpu.memref_squeeze %dma_wait3A_643 : memref<1x8xi32, #tpu.memory_space<hbm>> -> memref<8xi32, #tpu.memory_space<hbm>>
    tpu.wait_dma2 semaphore(%arg20 : memref<!tpu.dma_semaphore, #tpu.memory_space<semaphore_mem>>) src(%dma_wait3A_644 : memref<8xi32, #tpu.memory_space<hbm>>) dst(%dma_wait3A_642 : memref<8xi32, #tpu.memory_space<vmem>>)
    %add3A_645 = arith.constant 24 : i32
    %add3A_646 = arith.addi %mul3A_2, %add3A_645 : i32
    %dma_wait3A_647 = arith.constant 2 : i32
    %dma_wait3A_648 = arith.constant 3 : i32
    %dma_wait3A_649 = arith.constant 16 : i32
    %dma_wait3A_650 = tpu.memref_slice %arg6[%dma_wait3A_648, %dma_wait3A_649] : memref<8x32xi32, #tpu.memory_space<vmem>> -> memref<1x8xi32, #tpu.memory_space<vmem>>
    %dma_wait3A_651 = tpu.memref_squeeze %dma_wait3A_650 : memref<1x8xi32, #tpu.memory_space<vmem>> -> memref<8xi32, #tpu.memory_space<vmem>>
    %dma_wait3A_652 = tpu.memref_slice %arg2[%dma_wait3A_647, %add3A_646] : memref<4x2048xi32, #tpu.memory_space<hbm>> -> memref<1x8xi32, #tpu.memory_space<hbm>>
    %dma_wait3A_653 = tpu.memref_squeeze %dma_wait3A_652 : memref<1x8xi32, #tpu.memory_space<hbm>> -> memref<8xi32, #tpu.memory_space<hbm>>
    %dma_wait3A_654 = arith.constant 16 : i32
    %dma_wait3A_655 = tpu.memref_slice %arg6[%dma_wait3A_648, %dma_wait3A_654] : memref<8x32xi32, #tpu.memory_space<vmem>> -> memref<1x8xi32, #tpu.memory_space<vmem>>
    %dma_wait3A_656 = tpu.memref_squeeze %dma_wait3A_655 : memref<1x8xi32, #tpu.memory_space<vmem>> -> memref<8xi32, #tpu.memory_space<vmem>>
    %dma_wait3A_657 = tpu.memref_slice %arg2[%dma_wait3A_647, %add3A_646] : memref<4x2048xi32, #tpu.memory_space<hbm>> -> memref<1x8xi32, #tpu.memory_space<hbm>>
    %dma_wait3A_658 = tpu.memref_squeeze %dma_wait3A_657 : memref<1x8xi32, #tpu.memory_space<hbm>> -> memref<8xi32, #tpu.memory_space<hbm>>
    tpu.wait_dma2 semaphore(%arg20 : memref<!tpu.dma_semaphore, #tpu.memory_space<semaphore_mem>>) src(%dma_wait3A_658 : memref<8xi32, #tpu.memory_space<hbm>>) dst(%dma_wait3A_656 : memref<8xi32, #tpu.memory_space<vmem>>)
    %add3A_659 = arith.constant 24 : i32
    %add3A_660 = arith.addi %mul3A_2, %add3A_659 : i32
    %dma_wait3A_661 = arith.constant 3 : i32
    %dma_wait3A_662 = arith.constant 3 : i32
    %dma_wait3A_663 = arith.constant 24 : i32
    %dma_wait3A_664 = tpu.memref_slice %arg6[%dma_wait3A_662, %dma_wait3A_663] : memref<8x32xi32, #tpu.memory_space<vmem>> -> memref<1x8xi32, #tpu.memory_space<vmem>>
    %dma_wait3A_665 = tpu.memref_squeeze %dma_wait3A_664 : memref<1x8xi32, #tpu.memory_space<vmem>> -> memref<8xi32, #tpu.memory_space<vmem>>
    %dma_wait3A_666 = tpu.memref_slice %arg2[%dma_wait3A_661, %add3A_660] : memref<4x2048xi32, #tpu.memory_space<hbm>> -> memref<1x8xi32, #tpu.memory_space<hbm>>
    %dma_wait3A_667 = tpu.memref_squeeze %dma_wait3A_666 : memref<1x8xi32, #tpu.memory_space<hbm>> -> memref<8xi32, #tpu.memory_space<hbm>>
    %dma_wait3A_668 = arith.constant 24 : i32
    %dma_wait3A_669 = tpu.memref_slice %arg6[%dma_wait3A_662, %dma_wait3A_668] : memref<8x32xi32, #tpu.memory_space<vmem>> -> memref<1x8xi32, #tpu.memory_space<vmem>>
    %dma_wait3A_670 = tpu.memref_squeeze %dma_wait3A_669 : memref<1x8xi32, #tpu.memory_space<vmem>> -> memref<8xi32, #tpu.memory_space<vmem>>
    %dma_wait3A_671 = tpu.memref_slice %arg2[%dma_wait3A_661, %add3A_660] : memref<4x2048xi32, #tpu.memory_space<hbm>> -> memref<1x8xi32, #tpu.memory_space<hbm>>
    %dma_wait3A_672 = tpu.memref_squeeze %dma_wait3A_671 : memref<1x8xi32, #tpu.memory_space<hbm>> -> memref<8xi32, #tpu.memory_space<hbm>>
    tpu.wait_dma2 semaphore(%arg20 : memref<!tpu.dma_semaphore, #tpu.memory_space<semaphore_mem>>) src(%dma_wait3A_672 : memref<8xi32, #tpu.memory_space<hbm>>) dst(%dma_wait3A_670 : memref<8xi32, #tpu.memory_space<vmem>>)
    %add3A_673 = arith.constant 32 : i32
    %add3A_674 = arith.addi %mul3A_2, %add3A_673 : i32
    %dma_wait3A_675 = arith.constant 0 : i32
    %dma_wait3A_676 = arith.constant 4 : i32
    %dma_wait3A_677 = arith.constant 0 : i32
    %dma_wait3A_678 = tpu.memref_slice %arg6[%dma_wait3A_676, %dma_wait3A_677] : memref<8x32xi32, #tpu.memory_space<vmem>> -> memref<1x8xi32, #tpu.memory_space<vmem>>
    %dma_wait3A_679 = tpu.memref_squeeze %dma_wait3A_678 : memref<1x8xi32, #tpu.memory_space<vmem>> -> memref<8xi32, #tpu.memory_space<vmem>>
    %dma_wait3A_680 = tpu.memref_slice %arg2[%dma_wait3A_675, %add3A_674] : memref<4x2048xi32, #tpu.memory_space<hbm>> -> memref<1x8xi32, #tpu.memory_space<hbm>>
    %dma_wait3A_681 = tpu.memref_squeeze %dma_wait3A_680 : memref<1x8xi32, #tpu.memory_space<hbm>> -> memref<8xi32, #tpu.memory_space<hbm>>
    %dma_wait3A_682 = arith.constant 0 : i32
    %dma_wait3A_683 = tpu.memref_slice %arg6[%dma_wait3A_676, %dma_wait3A_682] : memref<8x32xi32, #tpu.memory_space<vmem>> -> memref<1x8xi32, #tpu.memory_space<vmem>>
    %dma_wait3A_684 = tpu.memref_squeeze %dma_wait3A_683 : memref<1x8xi32, #tpu.memory_space<vmem>> -> memref<8xi32, #tpu.memory_space<vmem>>
    %dma_wait3A_685 = tpu.memref_slice %arg2[%dma_wait3A_675, %add3A_674] : memref<4x2048xi32, #tpu.memory_space<hbm>> -> memref<1x8xi32, #tpu.memory_space<hbm>>
    %dma_wait3A_686 = tpu.memref_squeeze %dma_wait3A_685 : memref<1x8xi32, #tpu.memory_space<hbm>> -> memref<8xi32, #tpu.memory_space<hbm>>
    tpu.wait_dma2 semaphore(%arg20 : memref<!tpu.dma_semaphore, #tpu.memory_space<semaphore_mem>>) src(%dma_wait3A_686 : memref<8xi32, #tpu.memory_space<hbm>>) dst(%dma_wait3A_684 : memref<8xi32, #tpu.memory_space<vmem>>)
    %add3A_687 = arith.constant 32 : i32
    %add3A_688 = arith.addi %mul3A_2, %add3A_687 : i32
    %dma_wait3A_689 = arith.constant 1 : i32
    %dma_wait3A_690 = arith.constant 4 : i32
    %dma_wait3A_691 = arith.constant 8 : i32
    %dma_wait3A_692 = tpu.memref_slice %arg6[%dma_wait3A_690, %dma_wait3A_691] : memref<8x32xi32, #tpu.memory_space<vmem>> -> memref<1x8xi32, #tpu.memory_space<vmem>>
    %dma_wait3A_693 = tpu.memref_squeeze %dma_wait3A_692 : memref<1x8xi32, #tpu.memory_space<vmem>> -> memref<8xi32, #tpu.memory_space<vmem>>
    %dma_wait3A_694 = tpu.memref_slice %arg2[%dma_wait3A_689, %add3A_688] : memref<4x2048xi32, #tpu.memory_space<hbm>> -> memref<1x8xi32, #tpu.memory_space<hbm>>
    %dma_wait3A_695 = tpu.memref_squeeze %dma_wait3A_694 : memref<1x8xi32, #tpu.memory_space<hbm>> -> memref<8xi32, #tpu.memory_space<hbm>>
    %dma_wait3A_696 = arith.constant 8 : i32
    %dma_wait3A_697 = tpu.memref_slice %arg6[%dma_wait3A_690, %dma_wait3A_696] : memref<8x32xi32, #tpu.memory_space<vmem>> -> memref<1x8xi32, #tpu.memory_space<vmem>>
    %dma_wait3A_698 = tpu.memref_squeeze %dma_wait3A_697 : memref<1x8xi32, #tpu.memory_space<vmem>> -> memref<8xi32, #tpu.memory_space<vmem>>
    %dma_wait3A_699 = tpu.memref_slice %arg2[%dma_wait3A_689, %add3A_688] : memref<4x2048xi32, #tpu.memory_space<hbm>> -> memref<1x8xi32, #tpu.memory_space<hbm>>
    %dma_wait3A_700 = tpu.memref_squeeze %dma_wait3A_699 : memref<1x8xi32, #tpu.memory_space<hbm>> -> memref<8xi32, #tpu.memory_space<hbm>>
    tpu.wait_dma2 semaphore(%arg20 : memref<!tpu.dma_semaphore, #tpu.memory_space<semaphore_mem>>) src(%dma_wait3A_700 : memref<8xi32, #tpu.memory_space<hbm>>) dst(%dma_wait3A_698 : memref<8xi32, #tpu.memory_space<vmem>>)
    %add3A_701 = arith.constant 32 : i32
    %add3A_702 = arith.addi %mul3A_2, %add3A_701 : i32
    %dma_wait3A_703 = arith.constant 2 : i32
    %dma_wait3A_704 = arith.constant 4 : i32
    %dma_wait3A_705 = arith.constant 16 : i32
    %dma_wait3A_706 = tpu.memref_slice %arg6[%dma_wait3A_704, %dma_wait3A_705] : memref<8x32xi32, #tpu.memory_space<vmem>> -> memref<1x8xi32, #tpu.memory_space<vmem>>
    %dma_wait3A_707 = tpu.memref_squeeze %dma_wait3A_706 : memref<1x8xi32, #tpu.memory_space<vmem>> -> memref<8xi32, #tpu.memory_space<vmem>>
    %dma_wait3A_708 = tpu.memref_slice %arg2[%dma_wait3A_703, %add3A_702] : memref<4x2048xi32, #tpu.memory_space<hbm>> -> memref<1x8xi32, #tpu.memory_space<hbm>>
    %dma_wait3A_709 = tpu.memref_squeeze %dma_wait3A_708 : memref<1x8xi32, #tpu.memory_space<hbm>> -> memref<8xi32, #tpu.memory_space<hbm>>
    %dma_wait3A_710 = arith.constant 16 : i32
    %dma_wait3A_711 = tpu.memref_slice %arg6[%dma_wait3A_704, %dma_wait3A_710] : memref<8x32xi32, #tpu.memory_space<vmem>> -> memref<1x8xi32, #tpu.memory_space<vmem>>
    %dma_wait3A_712 = tpu.memref_squeeze %dma_wait3A_711 : memref<1x8xi32, #tpu.memory_space<vmem>> -> memref<8xi32, #tpu.memory_space<vmem>>
    %dma_wait3A_713 = tpu.memref_slice %arg2[%dma_wait3A_703, %add3A_702] : memref<4x2048xi32, #tpu.memory_space<hbm>> -> memref<1x8xi32, #tpu.memory_space<hbm>>
    %dma_wait3A_714 = tpu.memref_squeeze %dma_wait3A_713 : memref<1x8xi32, #tpu.memory_space<hbm>> -> memref<8xi32, #tpu.memory_space<hbm>>
    tpu.wait_dma2 semaphore(%arg20 : memref<!tpu.dma_semaphore, #tpu.memory_space<semaphore_mem>>) src(%dma_wait3A_714 : memref<8xi32, #tpu.memory_space<hbm>>) dst(%dma_wait3A_712 : memref<8xi32, #tpu.memory_space<vmem>>)
    %add3A_715 = arith.constant 32 : i32
    %add3A_716 = arith.addi %mul3A_2, %add3A_715 : i32
    %dma_wait3A_717 = arith.constant 3 : i32
    %dma_wait3A_718 = arith.constant 4 : i32
    %dma_wait3A_719 = arith.constant 24 : i32
    %dma_wait3A_720 = tpu.memref_slice %arg6[%dma_wait3A_718, %dma_wait3A_719] : memref<8x32xi32, #tpu.memory_space<vmem>> -> memref<1x8xi32, #tpu.memory_space<vmem>>
    %dma_wait3A_721 = tpu.memref_squeeze %dma_wait3A_720 : memref<1x8xi32, #tpu.memory_space<vmem>> -> memref<8xi32, #tpu.memory_space<vmem>>
    %dma_wait3A_722 = tpu.memref_slice %arg2[%dma_wait3A_717, %add3A_716] : memref<4x2048xi32, #tpu.memory_space<hbm>> -> memref<1x8xi32, #tpu.memory_space<hbm>>
    %dma_wait3A_723 = tpu.memref_squeeze %dma_wait3A_722 : memref<1x8xi32, #tpu.memory_space<hbm>> -> memref<8xi32, #tpu.memory_space<hbm>>
    %dma_wait3A_724 = arith.constant 24 : i32
    %dma_wait3A_725 = tpu.memref_slice %arg6[%dma_wait3A_718, %dma_wait3A_724] : memref<8x32xi32, #tpu.memory_space<vmem>> -> memref<1x8xi32, #tpu.memory_space<vmem>>
    %dma_wait3A_726 = tpu.memref_squeeze %dma_wait3A_725 : memref<1x8xi32, #tpu.memory_space<vmem>> -> memref<8xi32, #tpu.memory_space<vmem>>
    %dma_wait3A_727 = tpu.memref_slice %arg2[%dma_wait3A_717, %add3A_716] : memref<4x2048xi32, #tpu.memory_space<hbm>> -> memref<1x8xi32, #tpu.memory_space<hbm>>
    %dma_wait3A_728 = tpu.memref_squeeze %dma_wait3A_727 : memref<1x8xi32, #tpu.memory_space<hbm>> -> memref<8xi32, #tpu.memory_space<hbm>>
    tpu.wait_dma2 semaphore(%arg20 : memref<!tpu.dma_semaphore, #tpu.memory_space<semaphore_mem>>) src(%dma_wait3A_728 : memref<8xi32, #tpu.memory_space<hbm>>) dst(%dma_wait3A_726 : memref<8xi32, #tpu.memory_space<vmem>>)
    %add3A_729 = arith.constant 40 : i32
    %add3A_730 = arith.addi %mul3A_2, %add3A_729 : i32
    %dma_wait3A_731 = arith.constant 0 : i32
    %dma_wait3A_732 = arith.constant 5 : i32
    %dma_wait3A_733 = arith.constant 0 : i32
    %dma_wait3A_734 = tpu.memref_slice %arg6[%dma_wait3A_732, %dma_wait3A_733] : memref<8x32xi32, #tpu.memory_space<vmem>> -> memref<1x8xi32, #tpu.memory_space<vmem>>
    %dma_wait3A_735 = tpu.memref_squeeze %dma_wait3A_734 : memref<1x8xi32, #tpu.memory_space<vmem>> -> memref<8xi32, #tpu.memory_space<vmem>>
    %dma_wait3A_736 = tpu.memref_slice %arg2[%dma_wait3A_731, %add3A_730] : memref<4x2048xi32, #tpu.memory_space<hbm>> -> memref<1x8xi32, #tpu.memory_space<hbm>>
    %dma_wait3A_737 = tpu.memref_squeeze %dma_wait3A_736 : memref<1x8xi32, #tpu.memory_space<hbm>> -> memref<8xi32, #tpu.memory_space<hbm>>
    %dma_wait3A_738 = arith.constant 0 : i32
    %dma_wait3A_739 = tpu.memref_slice %arg6[%dma_wait3A_732, %dma_wait3A_738] : memref<8x32xi32, #tpu.memory_space<vmem>> -> memref<1x8xi32, #tpu.memory_space<vmem>>
    %dma_wait3A_740 = tpu.memref_squeeze %dma_wait3A_739 : memref<1x8xi32, #tpu.memory_space<vmem>> -> memref<8xi32, #tpu.memory_space<vmem>>
    %dma_wait3A_741 = tpu.memref_slice %arg2[%dma_wait3A_731, %add3A_730] : memref<4x2048xi32, #tpu.memory_space<hbm>> -> memref<1x8xi32, #tpu.memory_space<hbm>>
    %dma_wait3A_742 = tpu.memref_squeeze %dma_wait3A_741 : memref<1x8xi32, #tpu.memory_space<hbm>> -> memref<8xi32, #tpu.memory_space<hbm>>
    tpu.wait_dma2 semaphore(%arg20 : memref<!tpu.dma_semaphore, #tpu.memory_space<semaphore_mem>>) src(%dma_wait3A_742 : memref<8xi32, #tpu.memory_space<hbm>>) dst(%dma_wait3A_740 : memref<8xi32, #tpu.memory_space<vmem>>)
    %add3A_743 = arith.constant 40 : i32
    %add3A_744 = arith.addi %mul3A_2, %add3A_743 : i32
    %dma_wait3A_745 = arith.constant 1 : i32
    %dma_wait3A_746 = arith.constant 5 : i32
    %dma_wait3A_747 = arith.constant 8 : i32
    %dma_wait3A_748 = tpu.memref_slice %arg6[%dma_wait3A_746, %dma_wait3A_747] : memref<8x32xi32, #tpu.memory_space<vmem>> -> memref<1x8xi32, #tpu.memory_space<vmem>>
    %dma_wait3A_749 = tpu.memref_squeeze %dma_wait3A_748 : memref<1x8xi32, #tpu.memory_space<vmem>> -> memref<8xi32, #tpu.memory_space<vmem>>
    %dma_wait3A_750 = tpu.memref_slice %arg2[%dma_wait3A_745, %add3A_744] : memref<4x2048xi32, #tpu.memory_space<hbm>> -> memref<1x8xi32, #tpu.memory_space<hbm>>
    %dma_wait3A_751 = tpu.memref_squeeze %dma_wait3A_750 : memref<1x8xi32, #tpu.memory_space<hbm>> -> memref<8xi32, #tpu.memory_space<hbm>>
    %dma_wait3A_752 = arith.constant 8 : i32
    %dma_wait3A_753 = tpu.memref_slice %arg6[%dma_wait3A_746, %dma_wait3A_752] : memref<8x32xi32, #tpu.memory_space<vmem>> -> memref<1x8xi32, #tpu.memory_space<vmem>>
    %dma_wait3A_754 = tpu.memref_squeeze %dma_wait3A_753 : memref<1x8xi32, #tpu.memory_space<vmem>> -> memref<8xi32, #tpu.memory_space<vmem>>
    %dma_wait3A_755 = tpu.memref_slice %arg2[%dma_wait3A_745, %add3A_744] : memref<4x2048xi32, #tpu.memory_space<hbm>> -> memref<1x8xi32, #tpu.memory_space<hbm>>
    %dma_wait3A_756 = tpu.memref_squeeze %dma_wait3A_755 : memref<1x8xi32, #tpu.memory_space<hbm>> -> memref<8xi32, #tpu.memory_space<hbm>>
    tpu.wait_dma2 semaphore(%arg20 : memref<!tpu.dma_semaphore, #tpu.memory_space<semaphore_mem>>) src(%dma_wait3A_756 : memref<8xi32, #tpu.memory_space<hbm>>) dst(%dma_wait3A_754 : memref<8xi32, #tpu.memory_space<vmem>>)
    %add3A_757 = arith.constant 40 : i32
    %add3A_758 = arith.addi %mul3A_2, %add3A_757 : i32
    %dma_wait3A_759 = arith.constant 2 : i32
    %dma_wait3A_760 = arith.constant 5 : i32
    %dma_wait3A_761 = arith.constant 16 : i32
    %dma_wait3A_762 = tpu.memref_slice %arg6[%dma_wait3A_760, %dma_wait3A_761] : memref<8x32xi32, #tpu.memory_space<vmem>> -> memref<1x8xi32, #tpu.memory_space<vmem>>
    %dma_wait3A_763 = tpu.memref_squeeze %dma_wait3A_762 : memref<1x8xi32, #tpu.memory_space<vmem>> -> memref<8xi32, #tpu.memory_space<vmem>>
    %dma_wait3A_764 = tpu.memref_slice %arg2[%dma_wait3A_759, %add3A_758] : memref<4x2048xi32, #tpu.memory_space<hbm>> -> memref<1x8xi32, #tpu.memory_space<hbm>>
    %dma_wait3A_765 = tpu.memref_squeeze %dma_wait3A_764 : memref<1x8xi32, #tpu.memory_space<hbm>> -> memref<8xi32, #tpu.memory_space<hbm>>
    %dma_wait3A_766 = arith.constant 16 : i32
    %dma_wait3A_767 = tpu.memref_slice %arg6[%dma_wait3A_760, %dma_wait3A_766] : memref<8x32xi32, #tpu.memory_space<vmem>> -> memref<1x8xi32, #tpu.memory_space<vmem>>
    %dma_wait3A_768 = tpu.memref_squeeze %dma_wait3A_767 : memref<1x8xi32, #tpu.memory_space<vmem>> -> memref<8xi32, #tpu.memory_space<vmem>>
    %dma_wait3A_769 = tpu.memref_slice %arg2[%dma_wait3A_759, %add3A_758] : memref<4x2048xi32, #tpu.memory_space<hbm>> -> memref<1x8xi32, #tpu.memory_space<hbm>>
    %dma_wait3A_770 = tpu.memref_squeeze %dma_wait3A_769 : memref<1x8xi32, #tpu.memory_space<hbm>> -> memref<8xi32, #tpu.memory_space<hbm>>
    tpu.wait_dma2 semaphore(%arg20 : memref<!tpu.dma_semaphore, #tpu.memory_space<semaphore_mem>>) src(%dma_wait3A_770 : memref<8xi32, #tpu.memory_space<hbm>>) dst(%dma_wait3A_768 : memref<8xi32, #tpu.memory_space<vmem>>)
    %add3A_771 = arith.constant 40 : i32
    %add3A_772 = arith.addi %mul3A_2, %add3A_771 : i32
    %dma_wait3A_773 = arith.constant 3 : i32
    %dma_wait3A_774 = arith.constant 5 : i32
    %dma_wait3A_775 = arith.constant 24 : i32
    %dma_wait3A_776 = tpu.memref_slice %arg6[%dma_wait3A_774, %dma_wait3A_775] : memref<8x32xi32, #tpu.memory_space<vmem>> -> memref<1x8xi32, #tpu.memory_space<vmem>>
    %dma_wait3A_777 = tpu.memref_squeeze %dma_wait3A_776 : memref<1x8xi32, #tpu.memory_space<vmem>> -> memref<8xi32, #tpu.memory_space<vmem>>
    %dma_wait3A_778 = tpu.memref_slice %arg2[%dma_wait3A_773, %add3A_772] : memref<4x2048xi32, #tpu.memory_space<hbm>> -> memref<1x8xi32, #tpu.memory_space<hbm>>
    %dma_wait3A_779 = tpu.memref_squeeze %dma_wait3A_778 : memref<1x8xi32, #tpu.memory_space<hbm>> -> memref<8xi32, #tpu.memory_space<hbm>>
    %dma_wait3A_780 = arith.constant 24 : i32
    %dma_wait3A_781 = tpu.memref_slice %arg6[%dma_wait3A_774, %dma_wait3A_780] : memref<8x32xi32, #tpu.memory_space<vmem>> -> memref<1x8xi32, #tpu.memory_space<vmem>>
    %dma_wait3A_782 = tpu.memref_squeeze %dma_wait3A_781 : memref<1x8xi32, #tpu.memory_space<vmem>> -> memref<8xi32, #tpu.memory_space<vmem>>
    %dma_wait3A_783 = tpu.memref_slice %arg2[%dma_wait3A_773, %add3A_772] : memref<4x2048xi32, #tpu.memory_space<hbm>> -> memref<1x8xi32, #tpu.memory_space<hbm>>
    %dma_wait3A_784 = tpu.memref_squeeze %dma_wait3A_783 : memref<1x8xi32, #tpu.memory_space<hbm>> -> memref<8xi32, #tpu.memory_space<hbm>>
    tpu.wait_dma2 semaphore(%arg20 : memref<!tpu.dma_semaphore, #tpu.memory_space<semaphore_mem>>) src(%dma_wait3A_784 : memref<8xi32, #tpu.memory_space<hbm>>) dst(%dma_wait3A_782 : memref<8xi32, #tpu.memory_space<vmem>>)
    %add3A_785 = arith.constant 48 : i32
    %add3A_786 = arith.addi %mul3A_2, %add3A_785 : i32
    %dma_wait3A_787 = arith.constant 0 : i32
    %dma_wait3A_788 = arith.constant 6 : i32
    %dma_wait3A_789 = arith.constant 0 : i32
    %dma_wait3A_790 = tpu.memref_slice %arg6[%dma_wait3A_788, %dma_wait3A_789] : memref<8x32xi32, #tpu.memory_space<vmem>> -> memref<1x8xi32, #tpu.memory_space<vmem>>
    %dma_wait3A_791 = tpu.memref_squeeze %dma_wait3A_790 : memref<1x8xi32, #tpu.memory_space<vmem>> -> memref<8xi32, #tpu.memory_space<vmem>>
    %dma_wait3A_792 = tpu.memref_slice %arg2[%dma_wait3A_787, %add3A_786] : memref<4x2048xi32, #tpu.memory_space<hbm>> -> memref<1x8xi32, #tpu.memory_space<hbm>>
    %dma_wait3A_793 = tpu.memref_squeeze %dma_wait3A_792 : memref<1x8xi32, #tpu.memory_space<hbm>> -> memref<8xi32, #tpu.memory_space<hbm>>
    %dma_wait3A_794 = arith.constant 0 : i32
    %dma_wait3A_795 = tpu.memref_slice %arg6[%dma_wait3A_788, %dma_wait3A_794] : memref<8x32xi32, #tpu.memory_space<vmem>> -> memref<1x8xi32, #tpu.memory_space<vmem>>
    %dma_wait3A_796 = tpu.memref_squeeze %dma_wait3A_795 : memref<1x8xi32, #tpu.memory_space<vmem>> -> memref<8xi32, #tpu.memory_space<vmem>>
    %dma_wait3A_797 = tpu.memref_slice %arg2[%dma_wait3A_787, %add3A_786] : memref<4x2048xi32, #tpu.memory_space<hbm>> -> memref<1x8xi32, #tpu.memory_space<hbm>>
    %dma_wait3A_798 = tpu.memref_squeeze %dma_wait3A_797 : memref<1x8xi32, #tpu.memory_space<hbm>> -> memref<8xi32, #tpu.memory_space<hbm>>
    tpu.wait_dma2 semaphore(%arg20 : memref<!tpu.dma_semaphore, #tpu.memory_space<semaphore_mem>>) src(%dma_wait3A_798 : memref<8xi32, #tpu.memory_space<hbm>>) dst(%dma_wait3A_796 : memref<8xi32, #tpu.memory_space<vmem>>)
    %add3A_799 = arith.constant 48 : i32
    %add3A_800 = arith.addi %mul3A_2, %add3A_799 : i32
    %dma_wait3A_801 = arith.constant 1 : i32
    %dma_wait3A_802 = arith.constant 6 : i32
    %dma_wait3A_803 = arith.constant 8 : i32
    %dma_wait3A_804 = tpu.memref_slice %arg6[%dma_wait3A_802, %dma_wait3A_803] : memref<8x32xi32, #tpu.memory_space<vmem>> -> memref<1x8xi32, #tpu.memory_space<vmem>>
    %dma_wait3A_805 = tpu.memref_squeeze %dma_wait3A_804 : memref<1x8xi32, #tpu.memory_space<vmem>> -> memref<8xi32, #tpu.memory_space<vmem>>
    %dma_wait3A_806 = tpu.memref_slice %arg2[%dma_wait3A_801, %add3A_800] : memref<4x2048xi32, #tpu.memory_space<hbm>> -> memref<1x8xi32, #tpu.memory_space<hbm>>
    %dma_wait3A_807 = tpu.memref_squeeze %dma_wait3A_806 : memref<1x8xi32, #tpu.memory_space<hbm>> -> memref<8xi32, #tpu.memory_space<hbm>>
    %dma_wait3A_808 = arith.constant 8 : i32
    %dma_wait3A_809 = tpu.memref_slice %arg6[%dma_wait3A_802, %dma_wait3A_808] : memref<8x32xi32, #tpu.memory_space<vmem>> -> memref<1x8xi32, #tpu.memory_space<vmem>>
    %dma_wait3A_810 = tpu.memref_squeeze %dma_wait3A_809 : memref<1x8xi32, #tpu.memory_space<vmem>> -> memref<8xi32, #tpu.memory_space<vmem>>
    %dma_wait3A_811 = tpu.memref_slice %arg2[%dma_wait3A_801, %add3A_800] : memref<4x2048xi32, #tpu.memory_space<hbm>> -> memref<1x8xi32, #tpu.memory_space<hbm>>
    %dma_wait3A_812 = tpu.memref_squeeze %dma_wait3A_811 : memref<1x8xi32, #tpu.memory_space<hbm>> -> memref<8xi32, #tpu.memory_space<hbm>>
    tpu.wait_dma2 semaphore(%arg20 : memref<!tpu.dma_semaphore, #tpu.memory_space<semaphore_mem>>) src(%dma_wait3A_812 : memref<8xi32, #tpu.memory_space<hbm>>) dst(%dma_wait3A_810 : memref<8xi32, #tpu.memory_space<vmem>>)
    %add3A_813 = arith.constant 48 : i32
    %add3A_814 = arith.addi %mul3A_2, %add3A_813 : i32
    %dma_wait3A_815 = arith.constant 2 : i32
    %dma_wait3A_816 = arith.constant 6 : i32
    %dma_wait3A_817 = arith.constant 16 : i32
    %dma_wait3A_818 = tpu.memref_slice %arg6[%dma_wait3A_816, %dma_wait3A_817] : memref<8x32xi32, #tpu.memory_space<vmem>> -> memref<1x8xi32, #tpu.memory_space<vmem>>
    %dma_wait3A_819 = tpu.memref_squeeze %dma_wait3A_818 : memref<1x8xi32, #tpu.memory_space<vmem>> -> memref<8xi32, #tpu.memory_space<vmem>>
    %dma_wait3A_820 = tpu.memref_slice %arg2[%dma_wait3A_815, %add3A_814] : memref<4x2048xi32, #tpu.memory_space<hbm>> -> memref<1x8xi32, #tpu.memory_space<hbm>>
    %dma_wait3A_821 = tpu.memref_squeeze %dma_wait3A_820 : memref<1x8xi32, #tpu.memory_space<hbm>> -> memref<8xi32, #tpu.memory_space<hbm>>
    %dma_wait3A_822 = arith.constant 16 : i32
    %dma_wait3A_823 = tpu.memref_slice %arg6[%dma_wait3A_816, %dma_wait3A_822] : memref<8x32xi32, #tpu.memory_space<vmem>> -> memref<1x8xi32, #tpu.memory_space<vmem>>
    %dma_wait3A_824 = tpu.memref_squeeze %dma_wait3A_823 : memref<1x8xi32, #tpu.memory_space<vmem>> -> memref<8xi32, #tpu.memory_space<vmem>>
    %dma_wait3A_825 = tpu.memref_slice %arg2[%dma_wait3A_815, %add3A_814] : memref<4x2048xi32, #tpu.memory_space<hbm>> -> memref<1x8xi32, #tpu.memory_space<hbm>>
    %dma_wait3A_826 = tpu.memref_squeeze %dma_wait3A_825 : memref<1x8xi32, #tpu.memory_space<hbm>> -> memref<8xi32, #tpu.memory_space<hbm>>
    tpu.wait_dma2 semaphore(%arg20 : memref<!tpu.dma_semaphore, #tpu.memory_space<semaphore_mem>>) src(%dma_wait3A_826 : memref<8xi32, #tpu.memory_space<hbm>>) dst(%dma_wait3A_824 : memref<8xi32, #tpu.memory_space<vmem>>)
    %add3A_827 = arith.constant 48 : i32
    %add3A_828 = arith.addi %mul3A_2, %add3A_827 : i32
    %dma_wait3A_829 = arith.constant 3 : i32
    %dma_wait3A_830 = arith.constant 6 : i32
    %dma_wait3A_831 = arith.constant 24 : i32
    %dma_wait3A_832 = tpu.memref_slice %arg6[%dma_wait3A_830, %dma_wait3A_831] : memref<8x32xi32, #tpu.memory_space<vmem>> -> memref<1x8xi32, #tpu.memory_space<vmem>>
    %dma_wait3A_833 = tpu.memref_squeeze %dma_wait3A_832 : memref<1x8xi32, #tpu.memory_space<vmem>> -> memref<8xi32, #tpu.memory_space<vmem>>
    %dma_wait3A_834 = tpu.memref_slice %arg2[%dma_wait3A_829, %add3A_828] : memref<4x2048xi32, #tpu.memory_space<hbm>> -> memref<1x8xi32, #tpu.memory_space<hbm>>
    %dma_wait3A_835 = tpu.memref_squeeze %dma_wait3A_834 : memref<1x8xi32, #tpu.memory_space<hbm>> -> memref<8xi32, #tpu.memory_space<hbm>>
    %dma_wait3A_836 = arith.constant 24 : i32
    %dma_wait3A_837 = tpu.memref_slice %arg6[%dma_wait3A_830, %dma_wait3A_836] : memref<8x32xi32, #tpu.memory_space<vmem>> -> memref<1x8xi32, #tpu.memory_space<vmem>>
    %dma_wait3A_838 = tpu.memref_squeeze %dma_wait3A_837 : memref<1x8xi32, #tpu.memory_space<vmem>> -> memref<8xi32, #tpu.memory_space<vmem>>
    %dma_wait3A_839 = tpu.memref_slice %arg2[%dma_wait3A_829, %add3A_828] : memref<4x2048xi32, #tpu.memory_space<hbm>> -> memref<1x8xi32, #tpu.memory_space<hbm>>
    %dma_wait3A_840 = tpu.memref_squeeze %dma_wait3A_839 : memref<1x8xi32, #tpu.memory_space<hbm>> -> memref<8xi32, #tpu.memory_space<hbm>>
    tpu.wait_dma2 semaphore(%arg20 : memref<!tpu.dma_semaphore, #tpu.memory_space<semaphore_mem>>) src(%dma_wait3A_840 : memref<8xi32, #tpu.memory_space<hbm>>) dst(%dma_wait3A_838 : memref<8xi32, #tpu.memory_space<vmem>>)
    %add3A_841 = arith.constant 56 : i32
    %add3A_842 = arith.addi %mul3A_2, %add3A_841 : i32
    %dma_wait3A_843 = arith.constant 0 : i32
    %dma_wait3A_844 = arith.constant 7 : i32
    %dma_wait3A_845 = arith.constant 0 : i32
    %dma_wait3A_846 = tpu.memref_slice %arg6[%dma_wait3A_844, %dma_wait3A_845] : memref<8x32xi32, #tpu.memory_space<vmem>> -> memref<1x8xi32, #tpu.memory_space<vmem>>
    %dma_wait3A_847 = tpu.memref_squeeze %dma_wait3A_846 : memref<1x8xi32, #tpu.memory_space<vmem>> -> memref<8xi32, #tpu.memory_space<vmem>>
    %dma_wait3A_848 = tpu.memref_slice %arg2[%dma_wait3A_843, %add3A_842] : memref<4x2048xi32, #tpu.memory_space<hbm>> -> memref<1x8xi32, #tpu.memory_space<hbm>>
    %dma_wait3A_849 = tpu.memref_squeeze %dma_wait3A_848 : memref<1x8xi32, #tpu.memory_space<hbm>> -> memref<8xi32, #tpu.memory_space<hbm>>
    %dma_wait3A_850 = arith.constant 0 : i32
    %dma_wait3A_851 = tpu.memref_slice %arg6[%dma_wait3A_844, %dma_wait3A_850] : memref<8x32xi32, #tpu.memory_space<vmem>> -> memref<1x8xi32, #tpu.memory_space<vmem>>
    %dma_wait3A_852 = tpu.memref_squeeze %dma_wait3A_851 : memref<1x8xi32, #tpu.memory_space<vmem>> -> memref<8xi32, #tpu.memory_space<vmem>>
    %dma_wait3A_853 = tpu.memref_slice %arg2[%dma_wait3A_843, %add3A_842] : memref<4x2048xi32, #tpu.memory_space<hbm>> -> memref<1x8xi32, #tpu.memory_space<hbm>>
    %dma_wait3A_854 = tpu.memref_squeeze %dma_wait3A_853 : memref<1x8xi32, #tpu.memory_space<hbm>> -> memref<8xi32, #tpu.memory_space<hbm>>
    tpu.wait_dma2 semaphore(%arg20 : memref<!tpu.dma_semaphore, #tpu.memory_space<semaphore_mem>>) src(%dma_wait3A_854 : memref<8xi32, #tpu.memory_space<hbm>>) dst(%dma_wait3A_852 : memref<8xi32, #tpu.memory_space<vmem>>)
    %add3A_855 = arith.constant 56 : i32
    %add3A_856 = arith.addi %mul3A_2, %add3A_855 : i32
    %dma_wait3A_857 = arith.constant 1 : i32
    %dma_wait3A_858 = arith.constant 7 : i32
    %dma_wait3A_859 = arith.constant 8 : i32
    %dma_wait3A_860 = tpu.memref_slice %arg6[%dma_wait3A_858, %dma_wait3A_859] : memref<8x32xi32, #tpu.memory_space<vmem>> -> memref<1x8xi32, #tpu.memory_space<vmem>>
    %dma_wait3A_861 = tpu.memref_squeeze %dma_wait3A_860 : memref<1x8xi32, #tpu.memory_space<vmem>> -> memref<8xi32, #tpu.memory_space<vmem>>
    %dma_wait3A_862 = tpu.memref_slice %arg2[%dma_wait3A_857, %add3A_856] : memref<4x2048xi32, #tpu.memory_space<hbm>> -> memref<1x8xi32, #tpu.memory_space<hbm>>
    %dma_wait3A_863 = tpu.memref_squeeze %dma_wait3A_862 : memref<1x8xi32, #tpu.memory_space<hbm>> -> memref<8xi32, #tpu.memory_space<hbm>>
    %dma_wait3A_864 = arith.constant 8 : i32
    %dma_wait3A_865 = tpu.memref_slice %arg6[%dma_wait3A_858, %dma_wait3A_864] : memref<8x32xi32, #tpu.memory_space<vmem>> -> memref<1x8xi32, #tpu.memory_space<vmem>>
    %dma_wait3A_866 = tpu.memref_squeeze %dma_wait3A_865 : memref<1x8xi32, #tpu.memory_space<vmem>> -> memref<8xi32, #tpu.memory_space<vmem>>
    %dma_wait3A_867 = tpu.memref_slice %arg2[%dma_wait3A_857, %add3A_856] : memref<4x2048xi32, #tpu.memory_space<hbm>> -> memref<1x8xi32, #tpu.memory_space<hbm>>
    %dma_wait3A_868 = tpu.memref_squeeze %dma_wait3A_867 : memref<1x8xi32, #tpu.memory_space<hbm>> -> memref<8xi32, #tpu.memory_space<hbm>>
    tpu.wait_dma2 semaphore(%arg20 : memref<!tpu.dma_semaphore, #tpu.memory_space<semaphore_mem>>) src(%dma_wait3A_868 : memref<8xi32, #tpu.memory_space<hbm>>) dst(%dma_wait3A_866 : memref<8xi32, #tpu.memory_space<vmem>>)
    %add3A_869 = arith.constant 56 : i32
    %add3A_870 = arith.addi %mul3A_2, %add3A_869 : i32
    %dma_wait3A_871 = arith.constant 2 : i32
    %dma_wait3A_872 = arith.constant 7 : i32
    %dma_wait3A_873 = arith.constant 16 : i32
    %dma_wait3A_874 = tpu.memref_slice %arg6[%dma_wait3A_872, %dma_wait3A_873] : memref<8x32xi32, #tpu.memory_space<vmem>> -> memref<1x8xi32, #tpu.memory_space<vmem>>
    %dma_wait3A_875 = tpu.memref_squeeze %dma_wait3A_874 : memref<1x8xi32, #tpu.memory_space<vmem>> -> memref<8xi32, #tpu.memory_space<vmem>>
    %dma_wait3A_876 = tpu.memref_slice %arg2[%dma_wait3A_871, %add3A_870] : memref<4x2048xi32, #tpu.memory_space<hbm>> -> memref<1x8xi32, #tpu.memory_space<hbm>>
    %dma_wait3A_877 = tpu.memref_squeeze %dma_wait3A_876 : memref<1x8xi32, #tpu.memory_space<hbm>> -> memref<8xi32, #tpu.memory_space<hbm>>
    %dma_wait3A_878 = arith.constant 16 : i32
    %dma_wait3A_879 = tpu.memref_slice %arg6[%dma_wait3A_872, %dma_wait3A_878] : memref<8x32xi32, #tpu.memory_space<vmem>> -> memref<1x8xi32, #tpu.memory_space<vmem>>
    %dma_wait3A_880 = tpu.memref_squeeze %dma_wait3A_879 : memref<1x8xi32, #tpu.memory_space<vmem>> -> memref<8xi32, #tpu.memory_space<vmem>>
    %dma_wait3A_881 = tpu.memref_slice %arg2[%dma_wait3A_871, %add3A_870] : memref<4x2048xi32, #tpu.memory_space<hbm>> -> memref<1x8xi32, #tpu.memory_space<hbm>>
    %dma_wait3A_882 = tpu.memref_squeeze %dma_wait3A_881 : memref<1x8xi32, #tpu.memory_space<hbm>> -> memref<8xi32, #tpu.memory_space<hbm>>
    tpu.wait_dma2 semaphore(%arg20 : memref<!tpu.dma_semaphore, #tpu.memory_space<semaphore_mem>>) src(%dma_wait3A_882 : memref<8xi32, #tpu.memory_space<hbm>>) dst(%dma_wait3A_880 : memref<8xi32, #tpu.memory_space<vmem>>)
    %add3A_883 = arith.constant 56 : i32
    %add3A_884 = arith.addi %mul3A_2, %add3A_883 : i32
    %dma_wait3A_885 = arith.constant 3 : i32
    %dma_wait3A_886 = arith.constant 7 : i32
    %dma_wait3A_887 = arith.constant 24 : i32
    %dma_wait3A_888 = tpu.memref_slice %arg6[%dma_wait3A_886, %dma_wait3A_887] : memref<8x32xi32, #tpu.memory_space<vmem>> -> memref<1x8xi32, #tpu.memory_space<vmem>>
    %dma_wait3A_889 = tpu.memref_squeeze %dma_wait3A_888 : memref<1x8xi32, #tpu.memory_space<vmem>> -> memref<8xi32, #tpu.memory_space<vmem>>
    %dma_wait3A_890 = tpu.memref_slice %arg2[%dma_wait3A_885, %add3A_884] : memref<4x2048xi32, #tpu.memory_space<hbm>> -> memref<1x8xi32, #tpu.memory_space<hbm>>
    %dma_wait3A_891 = tpu.memref_squeeze %dma_wait3A_890 : memref<1x8xi32, #tpu.memory_space<hbm>> -> memref<8xi32, #tpu.memory_space<hbm>>
    %dma_wait3A_892 = arith.constant 24 : i32
    %dma_wait3A_893 = tpu.memref_slice %arg6[%dma_wait3A_886, %dma_wait3A_892] : memref<8x32xi32, #tpu.memory_space<vmem>> -> memref<1x8xi32, #tpu.memory_space<vmem>>
    %dma_wait3A_894 = tpu.memref_squeeze %dma_wait3A_893 : memref<1x8xi32, #tpu.memory_space<vmem>> -> memref<8xi32, #tpu.memory_space<vmem>>
    %dma_wait3A_895 = tpu.memref_slice %arg2[%dma_wait3A_885, %add3A_884] : memref<4x2048xi32, #tpu.memory_space<hbm>> -> memref<1x8xi32, #tpu.memory_space<hbm>>
    %dma_wait3A_896 = tpu.memref_squeeze %dma_wait3A_895 : memref<1x8xi32, #tpu.memory_space<hbm>> -> memref<8xi32, #tpu.memory_space<hbm>>
    tpu.wait_dma2 semaphore(%arg20 : memref<!tpu.dma_semaphore, #tpu.memory_space<semaphore_mem>>) src(%dma_wait3A_896 : memref<8xi32, #tpu.memory_space<hbm>>) dst(%dma_wait3A_894 : memref<8xi32, #tpu.memory_space<vmem>>)
    %dma_start3A_897 = arith.constant 0 : i32
    %dma_start3A_898 = arith.constant 0 : i32
    %dma_start3A_899 = tpu.memref_slice %arg6[%dma_start3A_897, %dma_start3A_898] : memref<8x32xi32, #tpu.memory_space<vmem>> -> memref<1x32xi32, #tpu.memory_space<vmem>>
    %dma_start3A_900 = tpu.memref_squeeze %dma_start3A_899 : memref<1x32xi32, #tpu.memory_space<vmem>> -> memref<32xi32, #tpu.memory_space<vmem>>
    %dma_start3A_901 = arith.constant 0 : i32
    %dma_start3A_902 = arith.constant 0 : i32
    %dma_start3A_903 = tpu.memref_slice %arg3[%dma_start3A_901, %dma_start3A_902] : memref<100000x768xf32, #tpu.memory_space<hbm>> -> memref<100000x768xf32, #tpu.memory_space<hbm>>
    tpu.enqueue_indirect_dma source(%dma_start3A_903 : memref<100000x768xf32, #tpu.memory_space<hbm>>) target(%arg8 : memref<32x768xf32, #tpu.memory_space<vmem>>) offsets(%dma_start3A_900 : memref<32xi32, #tpu.memory_space<vmem>>) semaphore(%arg12 : memref<!tpu.dma_semaphore, #tpu.memory_space<semaphore_mem>>)
    %add3A_904 = arith.constant 0 : i32
    %add3A_905 = arith.addi %mul3A_2, %add3A_904 : i32
    %dma_start3A_906 = arith.constant 0 : i32
    %dma_start3A_907 = arith.constant 0 : i32
    %dma_start3A_908 = arith.constant 0 : i32
    %dma_start3A_909 = tpu.memref_slice %arg7[%dma_start3A_906, %dma_start3A_907, %dma_start3A_908] : memref<4x8x768xf32, #tpu.memory_space<vmem>> -> memref<1x8x768xf32, #tpu.memory_space<vmem>>
    %dma_start3A_910 = tpu.memref_squeeze %dma_start3A_909 : memref<1x8x768xf32, #tpu.memory_space<vmem>> -> memref<8x768xf32, #tpu.memory_space<vmem>>
    %dma_start3A_911 = arith.constant 0 : i32
    %dma_start3A_912 = tpu.memref_slice %arg4[%add3A_905, %dma_start3A_911] : memref<2048x768xf32, #tpu.memory_space<hbm>> -> memref<8x768xf32, #tpu.memory_space<hbm>>
    %dma_start3A_913 = arith.constant 0 : i32
    %dma_start3A_914 = arith.constant 0 : i32
    %dma_start3A_915 = tpu.memref_slice %arg7[%dma_start3A_906, %dma_start3A_913, %dma_start3A_914] : memref<4x8x768xf32, #tpu.memory_space<vmem>> -> memref<1x8x768xf32, #tpu.memory_space<vmem>>
    %dma_start3A_916 = tpu.memref_squeeze %dma_start3A_915 : memref<1x8x768xf32, #tpu.memory_space<vmem>> -> memref<8x768xf32, #tpu.memory_space<vmem>>
    %dma_start3A_917 = arith.constant 0 : i32
    %dma_start3A_918 = tpu.memref_slice %arg4[%add3A_905, %dma_start3A_917] : memref<2048x768xf32, #tpu.memory_space<hbm>> -> memref<8x768xf32, #tpu.memory_space<hbm>>
    tpu.enqueue_dma source(%dma_start3A_918 : memref<8x768xf32, #tpu.memory_space<hbm>>) target(%dma_start3A_916 : memref<8x768xf32, #tpu.memory_space<vmem>>) target_semaphore(%arg21 : memref<!tpu.dma_semaphore, #tpu.memory_space<semaphore_mem>>)
    %dma_start3A_919 = arith.constant 1 : i32
    %dma_start3A_920 = arith.constant 0 : i32
    %dma_start3A_921 = tpu.memref_slice %arg6[%dma_start3A_919, %dma_start3A_920] : memref<8x32xi32, #tpu.memory_space<vmem>> -> memref<1x32xi32, #tpu.memory_space<vmem>>
    %dma_start3A_922 = tpu.memref_squeeze %dma_start3A_921 : memref<1x32xi32, #tpu.memory_space<vmem>> -> memref<32xi32, #tpu.memory_space<vmem>>
    %dma_start3A_923 = arith.constant 0 : i32
    %dma_start3A_924 = arith.constant 0 : i32
    %dma_start3A_925 = tpu.memref_slice %arg3[%dma_start3A_923, %dma_start3A_924] : memref<100000x768xf32, #tpu.memory_space<hbm>> -> memref<100000x768xf32, #tpu.memory_space<hbm>>
    tpu.enqueue_indirect_dma source(%dma_start3A_925 : memref<100000x768xf32, #tpu.memory_space<hbm>>) target(%arg9 : memref<32x768xf32, #tpu.memory_space<vmem>>) offsets(%dma_start3A_922 : memref<32xi32, #tpu.memory_space<vmem>>) semaphore(%arg13 : memref<!tpu.dma_semaphore, #tpu.memory_space<semaphore_mem>>)
    %add3A_926 = arith.constant 8 : i32
    %add3A_927 = arith.addi %mul3A_2, %add3A_926 : i32
    %dma_start3A_928 = arith.constant 1 : i32
    %dma_start3A_929 = arith.constant 0 : i32
    %dma_start3A_930 = arith.constant 0 : i32
    %dma_start3A_931 = tpu.memref_slice %arg7[%dma_start3A_928, %dma_start3A_929, %dma_start3A_930] : memref<4x8x768xf32, #tpu.memory_space<vmem>> -> memref<1x8x768xf32, #tpu.memory_space<vmem>>
    %dma_start3A_932 = tpu.memref_squeeze %dma_start3A_931 : memref<1x8x768xf32, #tpu.memory_space<vmem>> -> memref<8x768xf32, #tpu.memory_space<vmem>>
    %dma_start3A_933 = arith.constant 0 : i32
    %dma_start3A_934 = tpu.memref_slice %arg4[%add3A_927, %dma_start3A_933] : memref<2048x768xf32, #tpu.memory_space<hbm>> -> memref<8x768xf32, #tpu.memory_space<hbm>>
    %dma_start3A_935 = arith.constant 0 : i32
    %dma_start3A_936 = arith.constant 0 : i32
    %dma_start3A_937 = tpu.memref_slice %arg7[%dma_start3A_928, %dma_start3A_935, %dma_start3A_936] : memref<4x8x768xf32, #tpu.memory_space<vmem>> -> memref<1x8x768xf32, #tpu.memory_space<vmem>>
    %dma_start3A_938 = tpu.memref_squeeze %dma_start3A_937 : memref<1x8x768xf32, #tpu.memory_space<vmem>> -> memref<8x768xf32, #tpu.memory_space<vmem>>
    %dma_start3A_939 = arith.constant 0 : i32
    %dma_start3A_940 = tpu.memref_slice %arg4[%add3A_927, %dma_start3A_939] : memref<2048x768xf32, #tpu.memory_space<hbm>> -> memref<8x768xf32, #tpu.memory_space<hbm>>
    tpu.enqueue_dma source(%dma_start3A_940 : memref<8x768xf32, #tpu.memory_space<hbm>>) target(%dma_start3A_938 : memref<8x768xf32, #tpu.memory_space<vmem>>) target_semaphore(%arg22 : memref<!tpu.dma_semaphore, #tpu.memory_space<semaphore_mem>>)
    %dma_start3A_941 = arith.constant 2 : i32
    %dma_start3A_942 = arith.constant 0 : i32
    %dma_start3A_943 = tpu.memref_slice %arg6[%dma_start3A_941, %dma_start3A_942] : memref<8x32xi32, #tpu.memory_space<vmem>> -> memref<1x32xi32, #tpu.memory_space<vmem>>
    %dma_start3A_944 = tpu.memref_squeeze %dma_start3A_943 : memref<1x32xi32, #tpu.memory_space<vmem>> -> memref<32xi32, #tpu.memory_space<vmem>>
    %dma_start3A_945 = arith.constant 0 : i32
    %dma_start3A_946 = arith.constant 0 : i32
    %dma_start3A_947 = tpu.memref_slice %arg3[%dma_start3A_945, %dma_start3A_946] : memref<100000x768xf32, #tpu.memory_space<hbm>> -> memref<100000x768xf32, #tpu.memory_space<hbm>>
    tpu.enqueue_indirect_dma source(%dma_start3A_947 : memref<100000x768xf32, #tpu.memory_space<hbm>>) target(%arg10 : memref<32x768xf32, #tpu.memory_space<vmem>>) offsets(%dma_start3A_944 : memref<32xi32, #tpu.memory_space<vmem>>) semaphore(%arg14 : memref<!tpu.dma_semaphore, #tpu.memory_space<semaphore_mem>>)
    %add3A_948 = arith.constant 16 : i32
    %add3A_949 = arith.addi %mul3A_2, %add3A_948 : i32
    %dma_start3A_950 = arith.constant 2 : i32
    %dma_start3A_951 = arith.constant 0 : i32
    %dma_start3A_952 = arith.constant 0 : i32
    %dma_start3A_953 = tpu.memref_slice %arg7[%dma_start3A_950, %dma_start3A_951, %dma_start3A_952] : memref<4x8x768xf32, #tpu.memory_space<vmem>> -> memref<1x8x768xf32, #tpu.memory_space<vmem>>
    %dma_start3A_954 = tpu.memref_squeeze %dma_start3A_953 : memref<1x8x768xf32, #tpu.memory_space<vmem>> -> memref<8x768xf32, #tpu.memory_space<vmem>>
    %dma_start3A_955 = arith.constant 0 : i32
    %dma_start3A_956 = tpu.memref_slice %arg4[%add3A_949, %dma_start3A_955] : memref<2048x768xf32, #tpu.memory_space<hbm>> -> memref<8x768xf32, #tpu.memory_space<hbm>>
    %dma_start3A_957 = arith.constant 0 : i32
    %dma_start3A_958 = arith.constant 0 : i32
    %dma_start3A_959 = tpu.memref_slice %arg7[%dma_start3A_950, %dma_start3A_957, %dma_start3A_958] : memref<4x8x768xf32, #tpu.memory_space<vmem>> -> memref<1x8x768xf32, #tpu.memory_space<vmem>>
    %dma_start3A_960 = tpu.memref_squeeze %dma_start3A_959 : memref<1x8x768xf32, #tpu.memory_space<vmem>> -> memref<8x768xf32, #tpu.memory_space<vmem>>
    %dma_start3A_961 = arith.constant 0 : i32
    %dma_start3A_962 = tpu.memref_slice %arg4[%add3A_949, %dma_start3A_961] : memref<2048x768xf32, #tpu.memory_space<hbm>> -> memref<8x768xf32, #tpu.memory_space<hbm>>
    tpu.enqueue_dma source(%dma_start3A_962 : memref<8x768xf32, #tpu.memory_space<hbm>>) target(%dma_start3A_960 : memref<8x768xf32, #tpu.memory_space<vmem>>) target_semaphore(%arg23 : memref<!tpu.dma_semaphore, #tpu.memory_space<semaphore_mem>>)
    %add3A_963 = arith.constant 0 : i32
    %add3A_964 = arith.addi %mul3A_2, %add3A_963 : i32
    %dma_wait3A_965 = arith.constant 0 : i32
    %dma_wait3A_966 = arith.constant 0 : i32
    %dma_wait3A_967 = arith.constant 0 : i32
    %dma_wait3A_968 = tpu.memref_slice %arg7[%dma_wait3A_965, %dma_wait3A_966, %dma_wait3A_967] : memref<4x8x768xf32, #tpu.memory_space<vmem>> -> memref<1x8x768xf32, #tpu.memory_space<vmem>>
    %dma_wait3A_969 = tpu.memref_squeeze %dma_wait3A_968 : memref<1x8x768xf32, #tpu.memory_space<vmem>> -> memref<8x768xf32, #tpu.memory_space<vmem>>
    %dma_wait3A_970 = arith.constant 0 : i32
    %dma_wait3A_971 = tpu.memref_slice %arg4[%add3A_964, %dma_wait3A_970] : memref<2048x768xf32, #tpu.memory_space<hbm>> -> memref<8x768xf32, #tpu.memory_space<hbm>>
    %dma_wait3A_972 = arith.constant 0 : i32
    %dma_wait3A_973 = arith.constant 0 : i32
    %dma_wait3A_974 = tpu.memref_slice %arg7[%dma_wait3A_965, %dma_wait3A_972, %dma_wait3A_973] : memref<4x8x768xf32, #tpu.memory_space<vmem>> -> memref<1x8x768xf32, #tpu.memory_space<vmem>>
    %dma_wait3A_975 = tpu.memref_squeeze %dma_wait3A_974 : memref<1x8x768xf32, #tpu.memory_space<vmem>> -> memref<8x768xf32, #tpu.memory_space<vmem>>
    %dma_wait3A_976 = arith.constant 0 : i32
    %dma_wait3A_977 = tpu.memref_slice %arg4[%add3A_964, %dma_wait3A_976] : memref<2048x768xf32, #tpu.memory_space<hbm>> -> memref<8x768xf32, #tpu.memory_space<hbm>>
    tpu.wait_dma2 semaphore(%arg21 : memref<!tpu.dma_semaphore, #tpu.memory_space<semaphore_mem>>) src(%dma_wait3A_977 : memref<8x768xf32, #tpu.memory_space<hbm>>) dst(%dma_wait3A_975 : memref<8x768xf32, #tpu.memory_space<vmem>>)
    %dma_wait3A_978 = arith.constant 0 : i32
    %dma_wait3A_979 = arith.constant 0 : i32
    %dma_wait3A_980 = tpu.memref_slice %arg6[%dma_wait3A_978, %dma_wait3A_979] : memref<8x32xi32, #tpu.memory_space<vmem>> -> memref<1x32xi32, #tpu.memory_space<vmem>>
    %dma_wait3A_981 = tpu.memref_squeeze %dma_wait3A_980 : memref<1x32xi32, #tpu.memory_space<vmem>> -> memref<32xi32, #tpu.memory_space<vmem>>
    %dma_wait3A_982 = arith.constant 0 : i32
    %dma_wait3A_983 = arith.constant 0 : i32
    %dma_wait3A_984 = tpu.memref_slice %arg3[%dma_wait3A_982, %dma_wait3A_983] : memref<100000x768xf32, #tpu.memory_space<hbm>> -> memref<100000x768xf32, #tpu.memory_space<hbm>>
    tpu.wait_indirect_dma semaphore(%arg12 : memref<!tpu.dma_semaphore, #tpu.memory_space<semaphore_mem>>) src(%dma_wait3A_984 : memref<100000x768xf32, #tpu.memory_space<hbm>>) dst(%arg8 : memref<32x768xf32, #tpu.memory_space<vmem>>)
    %scan3A = arith.constant 0 : i32
    %scan3A_985 = arith.constant 8 : i32
    %scan3A_986 = arith.addi %scan3A, %scan3A_985 : i32
    %scan3A_987 = arith.constant 1 : i32
    scf.for %scan3A_2248 = %scan3A to %scan3A_986 step %scan3A_987  : i32 {
      %mul3A_2249 = arith.constant 1 : i32
      %mul3A_2250 = arith.muli %scan3A_2248, %mul3A_2249 : i32
      %add3A_2251 = arith.constant 0 : i32
      %add3A_2252 = arith.addi %add3A_2251, %mul3A_2250 : i32
      %parallel_loop3A = arith.constant 0 : i32
      %parallel_loop3A_2253 = arith.constant 768 : i32
      %parallel_loop3A_2254 = arith.constant 16 : i32
      scf.for %parallel_loop3A_2255 = %parallel_loop3A to %parallel_loop3A_2253 step %parallel_loop3A_2254  : i32 {
        %parallel_loop3A_2256 = arith.constant 0 : i32
        %parallel_loop3A_2257 = arith.index_cast %parallel_loop3A_2256 : i32 to index
        %parallel_loop3A_2258 = arith.index_cast %add3A_2252 : i32 to index
        %parallel_loop3A_2259 = arith.index_cast %parallel_loop3A_2255 : i32 to index
        %parallel_loop3A_2260 = tpu.vector_load %arg7[%parallel_loop3A_2257, %parallel_loop3A_2258, %parallel_loop3A_2259] {strides = array<i32>} : memref<4x8x768xf32, #tpu.memory_space<vmem>>, vector<1x1x16xf32>,
        %parallel_loop3A_2261 = vector.shape_cast %parallel_loop3A_2260 : vector<1x1x16xf32> to vector<16xf32>
        %parallel_loop3A_2262 = arith.constant 0 : i32
        %parallel_loop3A_2263 = arith.addi %parallel_loop3A_2262, %add3A_2252 : i32
        %parallel_loop3A_2264 = arith.index_cast %parallel_loop3A_2263 : i32 to index
        %parallel_loop3A_2265 = arith.index_cast %parallel_loop3A_2255 : i32 to index
        %parallel_loop3A_2266 = tpu.vector_load %arg8[%parallel_loop3A_2264, %parallel_loop3A_2265] {strides = array<i32>} : memref<32x768xf32, #tpu.memory_space<vmem>>, vector<1x16xf32>,
        %parallel_loop3A_2267 = vector.shape_cast %parallel_loop3A_2266 : vector<1x16xf32> to vector<16xf32>
        %parallel_loop3A_2268 = vector.shape_cast %parallel_loop3A_2261 : vector<16xf32> to vector<1x16xf32>
        tpu.vector_store %arg8[%parallel_loop3A_2264, %parallel_loop3A_2265], %parallel_loop3A_2268 {add = true, strides = array<i32>} : memref<32x768xf32, #tpu.memory_space<vmem>>, vector<1x16xf32>,
        %parallel_loop3A_2269 = arith.constant 8 : i32
        %parallel_loop3A_2270 = arith.addi %parallel_loop3A_2269, %add3A_2252 : i32
        %parallel_loop3A_2271 = arith.index_cast %parallel_loop3A_2270 : i32 to index
        %parallel_loop3A_2272 = arith.index_cast %parallel_loop3A_2255 : i32 to index
        %parallel_loop3A_2273 = tpu.vector_load %arg8[%parallel_loop3A_2271, %parallel_loop3A_2272] {strides = array<i32>} : memref<32x768xf32, #tpu.memory_space<vmem>>, vector<1x16xf32>,
        %parallel_loop3A_2274 = vector.shape_cast %parallel_loop3A_2273 : vector<1x16xf32> to vector<16xf32>
        %parallel_loop3A_2275 = vector.shape_cast %parallel_loop3A_2261 : vector<16xf32> to vector<1x16xf32>
        tpu.vector_store %arg8[%parallel_loop3A_2271, %parallel_loop3A_2272], %parallel_loop3A_2275 {add = true, strides = array<i32>} : memref<32x768xf32, #tpu.memory_space<vmem>>, vector<1x16xf32>,
        %parallel_loop3A_2276 = arith.constant 16 : i32
        %parallel_loop3A_2277 = arith.addi %parallel_loop3A_2276, %add3A_2252 : i32
        %parallel_loop3A_2278 = arith.index_cast %parallel_loop3A_2277 : i32 to index
        %parallel_loop3A_2279 = arith.index_cast %parallel_loop3A_2255 : i32 to index
        %parallel_loop3A_2280 = tpu.vector_load %arg8[%parallel_loop3A_2278, %parallel_loop3A_2279] {strides = array<i32>} : memref<32x768xf32, #tpu.memory_space<vmem>>, vector<1x16xf32>,
        %parallel_loop3A_2281 = vector.shape_cast %parallel_loop3A_2280 : vector<1x16xf32> to vector<16xf32>
        %parallel_loop3A_2282 = vector.shape_cast %parallel_loop3A_2261 : vector<16xf32> to vector<1x16xf32>
        tpu.vector_store %arg8[%parallel_loop3A_2278, %parallel_loop3A_2279], %parallel_loop3A_2282 {add = true, strides = array<i32>} : memref<32x768xf32, #tpu.memory_space<vmem>>, vector<1x16xf32>,
        %parallel_loop3A_2283 = arith.constant 24 : i32
        %parallel_loop3A_2284 = arith.addi %parallel_loop3A_2283, %add3A_2252 : i32
        %parallel_loop3A_2285 = arith.index_cast %parallel_loop3A_2284 : i32 to index
        %parallel_loop3A_2286 = arith.index_cast %parallel_loop3A_2255 : i32 to index
        %parallel_loop3A_2287 = tpu.vector_load %arg8[%parallel_loop3A_2285, %parallel_loop3A_2286] {strides = array<i32>} : memref<32x768xf32, #tpu.memory_space<vmem>>, vector<1x16xf32>,
        %parallel_loop3A_2288 = vector.shape_cast %parallel_loop3A_2287 : vector<1x16xf32> to vector<16xf32>
        %parallel_loop3A_2289 = vector.shape_cast %parallel_loop3A_2261 : vector<16xf32> to vector<1x16xf32>
        tpu.vector_store %arg8[%parallel_loop3A_2285, %parallel_loop3A_2286], %parallel_loop3A_2289 {add = true, strides = array<i32>} : memref<32x768xf32, #tpu.memory_space<vmem>>, vector<1x16xf32>,
      } {sc.loop_unroll_factor = 4 : i64, sc.parallel_access}
    }
    %scan3A_988 = arith.constant 8 : i32
    %add3A_989 = arith.constant 0 : i32
    %add3A_990 = arith.addi %mul3A_2, %add3A_989 : i32
    %dma_start3A_991 = arith.constant 0 : i32
    %dma_start3A_992 = arith.constant 0 : i32
    %dma_start3A_993 = arith.constant 0 : i32
    %dma_start3A_994 = tpu.memref_slice %arg8[%dma_start3A_992, %dma_start3A_993] : memref<32x768xf32, #tpu.memory_space<vmem>> -> memref<8x768xf32, #tpu.memory_space<vmem>>
    %dma_start3A_995 = arith.constant 0 : i32
    %dma_start3A_996 = tpu.memref_slice %arg5[%dma_start3A_991, %add3A_990, %dma_start3A_995] : memref<4x2048x768xf32, #tpu.memory_space<hbm>> -> memref<1x8x768xf32, #tpu.memory_space<hbm>>
    %dma_start3A_997 = tpu.memref_squeeze %dma_start3A_996 : memref<1x8x768xf32, #tpu.memory_space<hbm>> -> memref<8x768xf32, #tpu.memory_space<hbm>>
    %dma_start3A_998 = arith.constant 0 : i32
    %dma_start3A_999 = tpu.memref_slice %arg5[%dma_start3A_991, %add3A_990, %dma_start3A_998] : memref<4x2048x768xf32, #tpu.memory_space<hbm>> -> memref<1x8x768xf32, #tpu.memory_space<hbm>>
    %dma_start3A_1000 = tpu.memref_squeeze %dma_start3A_999 : memref<1x8x768xf32, #tpu.memory_space<hbm>> -> memref<8x768xf32, #tpu.memory_space<hbm>>
    %dma_start3A_1001 = arith.constant 0 : i32
    %dma_start3A_1002 = arith.constant 0 : i32
    %dma_start3A_1003 = tpu.memref_slice %arg8[%dma_start3A_1001, %dma_start3A_1002] : memref<32x768xf32, #tpu.memory_space<vmem>> -> memref<8x768xf32, #tpu.memory_space<vmem>>
    tpu.enqueue_dma source(%dma_start3A_1003 : memref<8x768xf32, #tpu.memory_space<vmem>>) target(%dma_start3A_1000 : memref<8x768xf32, #tpu.memory_space<hbm>>) target_semaphore(%arg16 : memref<!tpu.dma_semaphore, #tpu.memory_space<semaphore_mem>>)
    %add3A_1004 = arith.constant 0 : i32
    %add3A_1005 = arith.addi %mul3A_2, %add3A_1004 : i32
    %dma_start3A_1006 = arith.constant 1 : i32
    %dma_start3A_1007 = arith.constant 8 : i32
    %dma_start3A_1008 = arith.constant 0 : i32
    %dma_start3A_1009 = tpu.memref_slice %arg8[%dma_start3A_1007, %dma_start3A_1008] : memref<32x768xf32, #tpu.memory_space<vmem>> -> memref<8x768xf32, #tpu.memory_space<vmem>>
    %dma_start3A_1010 = arith.constant 0 : i32
    %dma_start3A_1011 = tpu.memref_slice %arg5[%dma_start3A_1006, %add3A_1005, %dma_start3A_1010] : memref<4x2048x768xf32, #tpu.memory_space<hbm>> -> memref<1x8x768xf32, #tpu.memory_space<hbm>>
    %dma_start3A_1012 = tpu.memref_squeeze %dma_start3A_1011 : memref<1x8x768xf32, #tpu.memory_space<hbm>> -> memref<8x768xf32, #tpu.memory_space<hbm>>
    %dma_start3A_1013 = arith.constant 0 : i32
    %dma_start3A_1014 = tpu.memref_slice %arg5[%dma_start3A_1006, %add3A_1005, %dma_start3A_1013] : memref<4x2048x768xf32, #tpu.memory_space<hbm>> -> memref<1x8x768xf32, #tpu.memory_space<hbm>>
    %dma_start3A_1015 = tpu.memref_squeeze %dma_start3A_1014 : memref<1x8x768xf32, #tpu.memory_space<hbm>> -> memref<8x768xf32, #tpu.memory_space<hbm>>
    %dma_start3A_1016 = arith.constant 8 : i32
    %dma_start3A_1017 = arith.constant 0 : i32
    %dma_start3A_1018 = tpu.memref_slice %arg8[%dma_start3A_1016, %dma_start3A_1017] : memref<32x768xf32, #tpu.memory_space<vmem>> -> memref<8x768xf32, #tpu.memory_space<vmem>>
    tpu.enqueue_dma source(%dma_start3A_1018 : memref<8x768xf32, #tpu.memory_space<vmem>>) target(%dma_start3A_1015 : memref<8x768xf32, #tpu.memory_space<hbm>>) target_semaphore(%arg16 : memref<!tpu.dma_semaphore, #tpu.memory_space<semaphore_mem>>)
    %add3A_1019 = arith.constant 0 : i32
    %add3A_1020 = arith.addi %mul3A_2, %add3A_1019 : i32
    %dma_start3A_1021 = arith.constant 2 : i32
    %dma_start3A_1022 = arith.constant 16 : i32
    %dma_start3A_1023 = arith.constant 0 : i32
    %dma_start3A_1024 = tpu.memref_slice %arg8[%dma_start3A_1022, %dma_start3A_1023] : memref<32x768xf32, #tpu.memory_space<vmem>> -> memref<8x768xf32, #tpu.memory_space<vmem>>
    %dma_start3A_1025 = arith.constant 0 : i32
    %dma_start3A_1026 = tpu.memref_slice %arg5[%dma_start3A_1021, %add3A_1020, %dma_start3A_1025] : memref<4x2048x768xf32, #tpu.memory_space<hbm>> -> memref<1x8x768xf32, #tpu.memory_space<hbm>>
    %dma_start3A_1027 = tpu.memref_squeeze %dma_start3A_1026 : memref<1x8x768xf32, #tpu.memory_space<hbm>> -> memref<8x768xf32, #tpu.memory_space<hbm>>
    %dma_start3A_1028 = arith.constant 0 : i32
    %dma_start3A_1029 = tpu.memref_slice %arg5[%dma_start3A_1021, %add3A_1020, %dma_start3A_1028] : memref<4x2048x768xf32, #tpu.memory_space<hbm>> -> memref<1x8x768xf32, #tpu.memory_space<hbm>>
    %dma_start3A_1030 = tpu.memref_squeeze %dma_start3A_1029 : memref<1x8x768xf32, #tpu.memory_space<hbm>> -> memref<8x768xf32, #tpu.memory_space<hbm>>
    %dma_start3A_1031 = arith.constant 16 : i32
    %dma_start3A_1032 = arith.constant 0 : i32
    %dma_start3A_1033 = tpu.memref_slice %arg8[%dma_start3A_1031, %dma_start3A_1032] : memref<32x768xf32, #tpu.memory_space<vmem>> -> memref<8x768xf32, #tpu.memory_space<vmem>>
    tpu.enqueue_dma source(%dma_start3A_1033 : memref<8x768xf32, #tpu.memory_space<vmem>>) target(%dma_start3A_1030 : memref<8x768xf32, #tpu.memory_space<hbm>>) target_semaphore(%arg16 : memref<!tpu.dma_semaphore, #tpu.memory_space<semaphore_mem>>)
    %add3A_1034 = arith.constant 0 : i32
    %add3A_1035 = arith.addi %mul3A_2, %add3A_1034 : i32
    %dma_start3A_1036 = arith.constant 3 : i32
    %dma_start3A_1037 = arith.constant 24 : i32
    %dma_start3A_1038 = arith.constant 0 : i32
    %dma_start3A_1039 = tpu.memref_slice %arg8[%dma_start3A_1037, %dma_start3A_1038] : memref<32x768xf32, #tpu.memory_space<vmem>> -> memref<8x768xf32, #tpu.memory_space<vmem>>
    %dma_start3A_1040 = arith.constant 0 : i32
    %dma_start3A_1041 = tpu.memref_slice %arg5[%dma_start3A_1036, %add3A_1035, %dma_start3A_1040] : memref<4x2048x768xf32, #tpu.memory_space<hbm>> -> memref<1x8x768xf32, #tpu.memory_space<hbm>>
    %dma_start3A_1042 = tpu.memref_squeeze %dma_start3A_1041 : memref<1x8x768xf32, #tpu.memory_space<hbm>> -> memref<8x768xf32, #tpu.memory_space<hbm>>
    %dma_start3A_1043 = arith.constant 0 : i32
    %dma_start3A_1044 = tpu.memref_slice %arg5[%dma_start3A_1036, %add3A_1035, %dma_start3A_1043] : memref<4x2048x768xf32, #tpu.memory_space<hbm>> -> memref<1x8x768xf32, #tpu.memory_space<hbm>>
    %dma_start3A_1045 = tpu.memref_squeeze %dma_start3A_1044 : memref<1x8x768xf32, #tpu.memory_space<hbm>> -> memref<8x768xf32, #tpu.memory_space<hbm>>
    %dma_start3A_1046 = arith.constant 24 : i32
    %dma_start3A_1047 = arith.constant 0 : i32
    %dma_start3A_1048 = tpu.memref_slice %arg8[%dma_start3A_1046, %dma_start3A_1047] : memref<32x768xf32, #tpu.memory_space<vmem>> -> memref<8x768xf32, #tpu.memory_space<vmem>>
    tpu.enqueue_dma source(%dma_start3A_1048 : memref<8x768xf32, #tpu.memory_space<vmem>>) target(%dma_start3A_1045 : memref<8x768xf32, #tpu.memory_space<hbm>>) target_semaphore(%arg16 : memref<!tpu.dma_semaphore, #tpu.memory_space<semaphore_mem>>)
    %dma_start3A_1049 = arith.constant 3 : i32
    %dma_start3A_1050 = arith.constant 0 : i32
    %dma_start3A_1051 = tpu.memref_slice %arg6[%dma_start3A_1049, %dma_start3A_1050] : memref<8x32xi32, #tpu.memory_space<vmem>> -> memref<1x32xi32, #tpu.memory_space<vmem>>
    %dma_start3A_1052 = tpu.memref_squeeze %dma_start3A_1051 : memref<1x32xi32, #tpu.memory_space<vmem>> -> memref<32xi32, #tpu.memory_space<vmem>>
    %dma_start3A_1053 = arith.constant 0 : i32
    %dma_start3A_1054 = arith.constant 0 : i32
    %dma_start3A_1055 = tpu.memref_slice %arg3[%dma_start3A_1053, %dma_start3A_1054] : memref<100000x768xf32, #tpu.memory_space<hbm>> -> memref<100000x768xf32, #tpu.memory_space<hbm>>
    tpu.enqueue_indirect_dma source(%dma_start3A_1055 : memref<100000x768xf32, #tpu.memory_space<hbm>>) target(%arg11 : memref<32x768xf32, #tpu.memory_space<vmem>>) offsets(%dma_start3A_1052 : memref<32xi32, #tpu.memory_space<vmem>>) semaphore(%arg15 : memref<!tpu.dma_semaphore, #tpu.memory_space<semaphore_mem>>)
    %add3A_1056 = arith.constant 24 : i32
    %add3A_1057 = arith.addi %mul3A_2, %add3A_1056 : i32
    %dma_start3A_1058 = arith.constant 3 : i32
    %dma_start3A_1059 = arith.constant 0 : i32
    %dma_start3A_1060 = arith.constant 0 : i32
    %dma_start3A_1061 = tpu.memref_slice %arg7[%dma_start3A_1058, %dma_start3A_1059, %dma_start3A_1060] : memref<4x8x768xf32, #tpu.memory_space<vmem>> -> memref<1x8x768xf32, #tpu.memory_space<vmem>>
    %dma_start3A_1062 = tpu.memref_squeeze %dma_start3A_1061 : memref<1x8x768xf32, #tpu.memory_space<vmem>> -> memref<8x768xf32, #tpu.memory_space<vmem>>
    %dma_start3A_1063 = arith.constant 0 : i32
    %dma_start3A_1064 = tpu.memref_slice %arg4[%add3A_1057, %dma_start3A_1063] : memref<2048x768xf32, #tpu.memory_space<hbm>> -> memref<8x768xf32, #tpu.memory_space<hbm>>
    %dma_start3A_1065 = arith.constant 0 : i32
    %dma_start3A_1066 = arith.constant 0 : i32
    %dma_start3A_1067 = tpu.memref_slice %arg7[%dma_start3A_1058, %dma_start3A_1065, %dma_start3A_1066] : memref<4x8x768xf32, #tpu.memory_space<vmem>> -> memref<1x8x768xf32, #tpu.memory_space<vmem>>
    %dma_start3A_1068 = tpu.memref_squeeze %dma_start3A_1067 : memref<1x8x768xf32, #tpu.memory_space<vmem>> -> memref<8x768xf32, #tpu.memory_space<vmem>>
    %dma_start3A_1069 = arith.constant 0 : i32
    %dma_start3A_1070 = tpu.memref_slice %arg4[%add3A_1057, %dma_start3A_1069] : memref<2048x768xf32, #tpu.memory_space<hbm>> -> memref<8x768xf32, #tpu.memory_space<hbm>>
    tpu.enqueue_dma source(%dma_start3A_1070 : memref<8x768xf32, #tpu.memory_space<hbm>>) target(%dma_start3A_1068 : memref<8x768xf32, #tpu.memory_space<vmem>>) target_semaphore(%arg24 : memref<!tpu.dma_semaphore, #tpu.memory_space<semaphore_mem>>)
    %add3A_1071 = arith.constant 8 : i32
    %add3A_1072 = arith.addi %mul3A_2, %add3A_1071 : i32
    %dma_wait3A_1073 = arith.constant 1 : i32
    %dma_wait3A_1074 = arith.constant 0 : i32
    %dma_wait3A_1075 = arith.constant 0 : i32
    %dma_wait3A_1076 = tpu.memref_slice %arg7[%dma_wait3A_1073, %dma_wait3A_1074, %dma_wait3A_1075] : memref<4x8x768xf32, #tpu.memory_space<vmem>> -> memref<1x8x768xf32, #tpu.memory_space<vmem>>
    %dma_wait3A_1077 = tpu.memref_squeeze %dma_wait3A_1076 : memref<1x8x768xf32, #tpu.memory_space<vmem>> -> memref<8x768xf32, #tpu.memory_space<vmem>>
    %dma_wait3A_1078 = arith.constant 0 : i32
    %dma_wait3A_1079 = tpu.memref_slice %arg4[%add3A_1072, %dma_wait3A_1078] : memref<2048x768xf32, #tpu.memory_space<hbm>> -> memref<8x768xf32, #tpu.memory_space<hbm>>
    %dma_wait3A_1080 = arith.constant 0 : i32
    %dma_wait3A_1081 = arith.constant 0 : i32
    %dma_wait3A_1082 = tpu.memref_slice %arg7[%dma_wait3A_1073, %dma_wait3A_1080, %dma_wait3A_1081] : memref<4x8x768xf32, #tpu.memory_space<vmem>> -> memref<1x8x768xf32, #tpu.memory_space<vmem>>
    %dma_wait3A_1083 = tpu.memref_squeeze %dma_wait3A_1082 : memref<1x8x768xf32, #tpu.memory_space<vmem>> -> memref<8x768xf32, #tpu.memory_space<vmem>>
    %dma_wait3A_1084 = arith.constant 0 : i32
    %dma_wait3A_1085 = tpu.memref_slice %arg4[%add3A_1072, %dma_wait3A_1084] : memref<2048x768xf32, #tpu.memory_space<hbm>> -> memref<8x768xf32, #tpu.memory_space<hbm>>
    tpu.wait_dma2 semaphore(%arg22 : memref<!tpu.dma_semaphore, #tpu.memory_space<semaphore_mem>>) src(%dma_wait3A_1085 : memref<8x768xf32, #tpu.memory_space<hbm>>) dst(%dma_wait3A_1083 : memref<8x768xf32, #tpu.memory_space<vmem>>)
    %dma_wait3A_1086 = arith.constant 1 : i32
    %dma_wait3A_1087 = arith.constant 0 : i32
    %dma_wait3A_1088 = tpu.memref_slice %arg6[%dma_wait3A_1086, %dma_wait3A_1087] : memref<8x32xi32, #tpu.memory_space<vmem>> -> memref<1x32xi32, #tpu.memory_space<vmem>>
    %dma_wait3A_1089 = tpu.memref_squeeze %dma_wait3A_1088 : memref<1x32xi32, #tpu.memory_space<vmem>> -> memref<32xi32, #tpu.memory_space<vmem>>
    %dma_wait3A_1090 = arith.constant 0 : i32
    %dma_wait3A_1091 = arith.constant 0 : i32
    %dma_wait3A_1092 = tpu.memref_slice %arg3[%dma_wait3A_1090, %dma_wait3A_1091] : memref<100000x768xf32, #tpu.memory_space<hbm>> -> memref<100000x768xf32, #tpu.memory_space<hbm>>
    tpu.wait_indirect_dma semaphore(%arg13 : memref<!tpu.dma_semaphore, #tpu.memory_space<semaphore_mem>>) src(%dma_wait3A_1092 : memref<100000x768xf32, #tpu.memory_space<hbm>>) dst(%arg9 : memref<32x768xf32, #tpu.memory_space<vmem>>)
    %scan3A_1093 = arith.constant 0 : i32
    %scan3A_1094 = arith.constant 8 : i32
    %scan3A_1095 = arith.addi %scan3A_1093, %scan3A_1094 : i32
    %scan3A_1096 = arith.constant 1 : i32
    scf.for %scan3A_2248 = %scan3A_1093 to %scan3A_1095 step %scan3A_1096  : i32 {
      %mul3A_2249 = arith.constant 1 : i32
      %mul3A_2250 = arith.muli %scan3A_2248, %mul3A_2249 : i32
      %add3A_2251 = arith.constant 0 : i32
      %add3A_2252 = arith.addi %add3A_2251, %mul3A_2250 : i32
      %parallel_loop3A = arith.constant 0 : i32
      %parallel_loop3A_2253 = arith.constant 768 : i32
      %parallel_loop3A_2254 = arith.constant 16 : i32
      scf.for %parallel_loop3A_2255 = %parallel_loop3A to %parallel_loop3A_2253 step %parallel_loop3A_2254  : i32 {
        %parallel_loop3A_2256 = arith.constant 1 : i32
        %parallel_loop3A_2257 = arith.index_cast %parallel_loop3A_2256 : i32 to index
        %parallel_loop3A_2258 = arith.index_cast %add3A_2252 : i32 to index
        %parallel_loop3A_2259 = arith.index_cast %parallel_loop3A_2255 : i32 to index
        %parallel_loop3A_2260 = tpu.vector_load %arg7[%parallel_loop3A_2257, %parallel_loop3A_2258, %parallel_loop3A_2259] {strides = array<i32>} : memref<4x8x768xf32, #tpu.memory_space<vmem>>, vector<1x1x16xf32>,
        %parallel_loop3A_2261 = vector.shape_cast %parallel_loop3A_2260 : vector<1x1x16xf32> to vector<16xf32>
        %parallel_loop3A_2262 = arith.constant 0 : i32
        %parallel_loop3A_2263 = arith.addi %parallel_loop3A_2262, %add3A_2252 : i32
        %parallel_loop3A_2264 = arith.index_cast %parallel_loop3A_2263 : i32 to index
        %parallel_loop3A_2265 = arith.index_cast %parallel_loop3A_2255 : i32 to index
        %parallel_loop3A_2266 = tpu.vector_load %arg9[%parallel_loop3A_2264, %parallel_loop3A_2265] {strides = array<i32>} : memref<32x768xf32, #tpu.memory_space<vmem>>, vector<1x16xf32>,
        %parallel_loop3A_2267 = vector.shape_cast %parallel_loop3A_2266 : vector<1x16xf32> to vector<16xf32>
        %parallel_loop3A_2268 = vector.shape_cast %parallel_loop3A_2261 : vector<16xf32> to vector<1x16xf32>
        tpu.vector_store %arg9[%parallel_loop3A_2264, %parallel_loop3A_2265], %parallel_loop3A_2268 {add = true, strides = array<i32>} : memref<32x768xf32, #tpu.memory_space<vmem>>, vector<1x16xf32>,
        %parallel_loop3A_2269 = arith.constant 8 : i32
        %parallel_loop3A_2270 = arith.addi %parallel_loop3A_2269, %add3A_2252 : i32
        %parallel_loop3A_2271 = arith.index_cast %parallel_loop3A_2270 : i32 to index
        %parallel_loop3A_2272 = arith.index_cast %parallel_loop3A_2255 : i32 to index
        %parallel_loop3A_2273 = tpu.vector_load %arg9[%parallel_loop3A_2271, %parallel_loop3A_2272] {strides = array<i32>} : memref<32x768xf32, #tpu.memory_space<vmem>>, vector<1x16xf32>,
        %parallel_loop3A_2274 = vector.shape_cast %parallel_loop3A_2273 : vector<1x16xf32> to vector<16xf32>
        %parallel_loop3A_2275 = vector.shape_cast %parallel_loop3A_2261 : vector<16xf32> to vector<1x16xf32>
        tpu.vector_store %arg9[%parallel_loop3A_2271, %parallel_loop3A_2272], %parallel_loop3A_2275 {add = true, strides = array<i32>} : memref<32x768xf32, #tpu.memory_space<vmem>>, vector<1x16xf32>,
        %parallel_loop3A_2276 = arith.constant 16 : i32
        %parallel_loop3A_2277 = arith.addi %parallel_loop3A_2276, %add3A_2252 : i32
        %parallel_loop3A_2278 = arith.index_cast %parallel_loop3A_2277 : i32 to index
        %parallel_loop3A_2279 = arith.index_cast %parallel_loop3A_2255 : i32 to index
        %parallel_loop3A_2280 = tpu.vector_load %arg9[%parallel_loop3A_2278, %parallel_loop3A_2279] {strides = array<i32>} : memref<32x768xf32, #tpu.memory_space<vmem>>, vector<1x16xf32>,
        %parallel_loop3A_2281 = vector.shape_cast %parallel_loop3A_2280 : vector<1x16xf32> to vector<16xf32>
        %parallel_loop3A_2282 = vector.shape_cast %parallel_loop3A_2261 : vector<16xf32> to vector<1x16xf32>
        tpu.vector_store %arg9[%parallel_loop3A_2278, %parallel_loop3A_2279], %parallel_loop3A_2282 {add = true, strides = array<i32>} : memref<32x768xf32, #tpu.memory_space<vmem>>, vector<1x16xf32>,
        %parallel_loop3A_2283 = arith.constant 24 : i32
        %parallel_loop3A_2284 = arith.addi %parallel_loop3A_2283, %add3A_2252 : i32
        %parallel_loop3A_2285 = arith.index_cast %parallel_loop3A_2284 : i32 to index
        %parallel_loop3A_2286 = arith.index_cast %parallel_loop3A_2255 : i32 to index
        %parallel_loop3A_2287 = tpu.vector_load %arg9[%parallel_loop3A_2285, %parallel_loop3A_2286] {strides = array<i32>} : memref<32x768xf32, #tpu.memory_space<vmem>>, vector<1x16xf32>,
        %parallel_loop3A_2288 = vector.shape_cast %parallel_loop3A_2287 : vector<1x16xf32> to vector<16xf32>
        %parallel_loop3A_2289 = vector.shape_cast %parallel_loop3A_2261 : vector<16xf32> to vector<1x16xf32>
        tpu.vector_store %arg9[%parallel_loop3A_2285, %parallel_loop3A_2286], %parallel_loop3A_2289 {add = true, strides = array<i32>} : memref<32x768xf32, #tpu.memory_space<vmem>>, vector<1x16xf32>,
      } {sc.loop_unroll_factor = 4 : i64, sc.parallel_access}
    }
    %scan3A_1097 = arith.constant 8 : i32
    %add3A_1098 = arith.constant 8 : i32
    %add3A_1099 = arith.addi %mul3A_2, %add3A_1098 : i32
    %dma_start3A_1100 = arith.constant 0 : i32
    %dma_start3A_1101 = arith.constant 0 : i32
    %dma_start3A_1102 = arith.constant 0 : i32
    %dma_start3A_1103 = tpu.memref_slice %arg9[%dma_start3A_1101, %dma_start3A_1102] : memref<32x768xf32, #tpu.memory_space<vmem>> -> memref<8x768xf32, #tpu.memory_space<vmem>>
    %dma_start3A_1104 = arith.constant 0 : i32
    %dma_start3A_1105 = tpu.memref_slice %arg5[%dma_start3A_1100, %add3A_1099, %dma_start3A_1104] : memref<4x2048x768xf32, #tpu.memory_space<hbm>> -> memref<1x8x768xf32, #tpu.memory_space<hbm>>
    %dma_start3A_1106 = tpu.memref_squeeze %dma_start3A_1105 : memref<1x8x768xf32, #tpu.memory_space<hbm>> -> memref<8x768xf32, #tpu.memory_space<hbm>>
    %dma_start3A_1107 = arith.constant 0 : i32
    %dma_start3A_1108 = tpu.memref_slice %arg5[%dma_start3A_1100, %add3A_1099, %dma_start3A_1107] : memref<4x2048x768xf32, #tpu.memory_space<hbm>> -> memref<1x8x768xf32, #tpu.memory_space<hbm>>
    %dma_start3A_1109 = tpu.memref_squeeze %dma_start3A_1108 : memref<1x8x768xf32, #tpu.memory_space<hbm>> -> memref<8x768xf32, #tpu.memory_space<hbm>>
    %dma_start3A_1110 = arith.constant 0 : i32
    %dma_start3A_1111 = arith.constant 0 : i32
    %dma_start3A_1112 = tpu.memref_slice %arg9[%dma_start3A_1110, %dma_start3A_1111] : memref<32x768xf32, #tpu.memory_space<vmem>> -> memref<8x768xf32, #tpu.memory_space<vmem>>
    tpu.enqueue_dma source(%dma_start3A_1112 : memref<8x768xf32, #tpu.memory_space<vmem>>) target(%dma_start3A_1109 : memref<8x768xf32, #tpu.memory_space<hbm>>) target_semaphore(%arg17 : memref<!tpu.dma_semaphore, #tpu.memory_space<semaphore_mem>>)
    %add3A_1113 = arith.constant 8 : i32
    %add3A_1114 = arith.addi %mul3A_2, %add3A_1113 : i32
    %dma_start3A_1115 = arith.constant 1 : i32
    %dma_start3A_1116 = arith.constant 8 : i32
    %dma_start3A_1117 = arith.constant 0 : i32
    %dma_start3A_1118 = tpu.memref_slice %arg9[%dma_start3A_1116, %dma_start3A_1117] : memref<32x768xf32, #tpu.memory_space<vmem>> -> memref<8x768xf32, #tpu.memory_space<vmem>>
    %dma_start3A_1119 = arith.constant 0 : i32
    %dma_start3A_1120 = tpu.memref_slice %arg5[%dma_start3A_1115, %add3A_1114, %dma_start3A_1119] : memref<4x2048x768xf32, #tpu.memory_space<hbm>> -> memref<1x8x768xf32, #tpu.memory_space<hbm>>
    %dma_start3A_1121 = tpu.memref_squeeze %dma_start3A_1120 : memref<1x8x768xf32, #tpu.memory_space<hbm>> -> memref<8x768xf32, #tpu.memory_space<hbm>>
    %dma_start3A_1122 = arith.constant 0 : i32
    %dma_start3A_1123 = tpu.memref_slice %arg5[%dma_start3A_1115, %add3A_1114, %dma_start3A_1122] : memref<4x2048x768xf32, #tpu.memory_space<hbm>> -> memref<1x8x768xf32, #tpu.memory_space<hbm>>
    %dma_start3A_1124 = tpu.memref_squeeze %dma_start3A_1123 : memref<1x8x768xf32, #tpu.memory_space<hbm>> -> memref<8x768xf32, #tpu.memory_space<hbm>>
    %dma_start3A_1125 = arith.constant 8 : i32
    %dma_start3A_1126 = arith.constant 0 : i32
    %dma_start3A_1127 = tpu.memref_slice %arg9[%dma_start3A_1125, %dma_start3A_1126] : memref<32x768xf32, #tpu.memory_space<vmem>> -> memref<8x768xf32, #tpu.memory_space<vmem>>
    tpu.enqueue_dma source(%dma_start3A_1127 : memref<8x768xf32, #tpu.memory_space<vmem>>) target(%dma_start3A_1124 : memref<8x768xf32, #tpu.memory_space<hbm>>) target_semaphore(%arg17 : memref<!tpu.dma_semaphore, #tpu.memory_space<semaphore_mem>>)
    %add3A_1128 = arith.constant 8 : i32
    %add3A_1129 = arith.addi %mul3A_2, %add3A_1128 : i32
    %dma_start3A_1130 = arith.constant 2 : i32
    %dma_start3A_1131 = arith.constant 16 : i32
    %dma_start3A_1132 = arith.constant 0 : i32
    %dma_start3A_1133 = tpu.memref_slice %arg9[%dma_start3A_1131, %dma_start3A_1132] : memref<32x768xf32, #tpu.memory_space<vmem>> -> memref<8x768xf32, #tpu.memory_space<vmem>>
    %dma_start3A_1134 = arith.constant 0 : i32
    %dma_start3A_1135 = tpu.memref_slice %arg5[%dma_start3A_1130, %add3A_1129, %dma_start3A_1134] : memref<4x2048x768xf32, #tpu.memory_space<hbm>> -> memref<1x8x768xf32, #tpu.memory_space<hbm>>
    %dma_start3A_1136 = tpu.memref_squeeze %dma_start3A_1135 : memref<1x8x768xf32, #tpu.memory_space<hbm>> -> memref<8x768xf32, #tpu.memory_space<hbm>>
    %dma_start3A_1137 = arith.constant 0 : i32
    %dma_start3A_1138 = tpu.memref_slice %arg5[%dma_start3A_1130, %add3A_1129, %dma_start3A_1137] : memref<4x2048x768xf32, #tpu.memory_space<hbm>> -> memref<1x8x768xf32, #tpu.memory_space<hbm>>
    %dma_start3A_1139 = tpu.memref_squeeze %dma_start3A_1138 : memref<1x8x768xf32, #tpu.memory_space<hbm>> -> memref<8x768xf32, #tpu.memory_space<hbm>>
    %dma_start3A_1140 = arith.constant 16 : i32
    %dma_start3A_1141 = arith.constant 0 : i32
    %dma_start3A_1142 = tpu.memref_slice %arg9[%dma_start3A_1140, %dma_start3A_1141] : memref<32x768xf32, #tpu.memory_space<vmem>> -> memref<8x768xf32, #tpu.memory_space<vmem>>
    tpu.enqueue_dma source(%dma_start3A_1142 : memref<8x768xf32, #tpu.memory_space<vmem>>) target(%dma_start3A_1139 : memref<8x768xf32, #tpu.memory_space<hbm>>) target_semaphore(%arg17 : memref<!tpu.dma_semaphore, #tpu.memory_space<semaphore_mem>>)
    %add3A_1143 = arith.constant 8 : i32
    %add3A_1144 = arith.addi %mul3A_2, %add3A_1143 : i32
    %dma_start3A_1145 = arith.constant 3 : i32
    %dma_start3A_1146 = arith.constant 24 : i32
    %dma_start3A_1147 = arith.constant 0 : i32
    %dma_start3A_1148 = tpu.memref_slice %arg9[%dma_start3A_1146, %dma_start3A_1147] : memref<32x768xf32, #tpu.memory_space<vmem>> -> memref<8x768xf32, #tpu.memory_space<vmem>>
    %dma_start3A_1149 = arith.constant 0 : i32
    %dma_start3A_1150 = tpu.memref_slice %arg5[%dma_start3A_1145, %add3A_1144, %dma_start3A_1149] : memref<4x2048x768xf32, #tpu.memory_space<hbm>> -> memref<1x8x768xf32, #tpu.memory_space<hbm>>
    %dma_start3A_1151 = tpu.memref_squeeze %dma_start3A_1150 : memref<1x8x768xf32, #tpu.memory_space<hbm>> -> memref<8x768xf32, #tpu.memory_space<hbm>>
    %dma_start3A_1152 = arith.constant 0 : i32
    %dma_start3A_1153 = tpu.memref_slice %arg5[%dma_start3A_1145, %add3A_1144, %dma_start3A_1152] : memref<4x2048x768xf32, #tpu.memory_space<hbm>> -> memref<1x8x768xf32, #tpu.memory_space<hbm>>
    %dma_start3A_1154 = tpu.memref_squeeze %dma_start3A_1153 : memref<1x8x768xf32, #tpu.memory_space<hbm>> -> memref<8x768xf32, #tpu.memory_space<hbm>>
    %dma_start3A_1155 = arith.constant 24 : i32
    %dma_start3A_1156 = arith.constant 0 : i32
    %dma_start3A_1157 = tpu.memref_slice %arg9[%dma_start3A_1155, %dma_start3A_1156] : memref<32x768xf32, #tpu.memory_space<vmem>> -> memref<8x768xf32, #tpu.memory_space<vmem>>
    tpu.enqueue_dma source(%dma_start3A_1157 : memref<8x768xf32, #tpu.memory_space<vmem>>) target(%dma_start3A_1154 : memref<8x768xf32, #tpu.memory_space<hbm>>) target_semaphore(%arg17 : memref<!tpu.dma_semaphore, #tpu.memory_space<semaphore_mem>>)
    %add3A_1158 = arith.constant 0 : i32
    %add3A_1159 = arith.addi %mul3A_2, %add3A_1158 : i32
    %dma_wait3A_1160 = arith.constant 0 : i32
    %dma_wait3A_1161 = arith.constant 0 : i32
    %dma_wait3A_1162 = arith.constant 0 : i32
    %dma_wait3A_1163 = tpu.memref_slice %arg8[%dma_wait3A_1161, %dma_wait3A_1162] : memref<32x768xf32, #tpu.memory_space<vmem>> -> memref<8x768xf32, #tpu.memory_space<vmem>>
    %dma_wait3A_1164 = arith.constant 0 : i32
    %dma_wait3A_1165 = tpu.memref_slice %arg5[%dma_wait3A_1160, %add3A_1159, %dma_wait3A_1164] : memref<4x2048x768xf32, #tpu.memory_space<hbm>> -> memref<1x8x768xf32, #tpu.memory_space<hbm>>
    %dma_wait3A_1166 = tpu.memref_squeeze %dma_wait3A_1165 : memref<1x8x768xf32, #tpu.memory_space<hbm>> -> memref<8x768xf32, #tpu.memory_space<hbm>>
    %dma_wait3A_1167 = arith.constant 0 : i32
    %dma_wait3A_1168 = tpu.memref_slice %arg5[%dma_wait3A_1160, %add3A_1159, %dma_wait3A_1167] : memref<4x2048x768xf32, #tpu.memory_space<hbm>> -> memref<1x8x768xf32, #tpu.memory_space<hbm>>
    %dma_wait3A_1169 = tpu.memref_squeeze %dma_wait3A_1168 : memref<1x8x768xf32, #tpu.memory_space<hbm>> -> memref<8x768xf32, #tpu.memory_space<hbm>>
    %dma_wait3A_1170 = arith.constant 0 : i32
    %dma_wait3A_1171 = arith.constant 0 : i32
    %dma_wait3A_1172 = tpu.memref_slice %arg8[%dma_wait3A_1170, %dma_wait3A_1171] : memref<32x768xf32, #tpu.memory_space<vmem>> -> memref<8x768xf32, #tpu.memory_space<vmem>>
    tpu.wait_dma2 semaphore(%arg16 : memref<!tpu.dma_semaphore, #tpu.memory_space<semaphore_mem>>) src(%dma_wait3A_1172 : memref<8x768xf32, #tpu.memory_space<vmem>>) dst(%dma_wait3A_1169 : memref<8x768xf32, #tpu.memory_space<hbm>>)
    %add3A_1173 = arith.constant 0 : i32
    %add3A_1174 = arith.addi %mul3A_2, %add3A_1173 : i32
    %dma_wait3A_1175 = arith.constant 1 : i32
    %dma_wait3A_1176 = arith.constant 8 : i32
    %dma_wait3A_1177 = arith.constant 0 : i32
    %dma_wait3A_1178 = tpu.memref_slice %arg8[%dma_wait3A_1176, %dma_wait3A_1177] : memref<32x768xf32, #tpu.memory_space<vmem>> -> memref<8x768xf32, #tpu.memory_space<vmem>>
    %dma_wait3A_1179 = arith.constant 0 : i32
    %dma_wait3A_1180 = tpu.memref_slice %arg5[%dma_wait3A_1175, %add3A_1174, %dma_wait3A_1179] : memref<4x2048x768xf32, #tpu.memory_space<hbm>> -> memref<1x8x768xf32, #tpu.memory_space<hbm>>
    %dma_wait3A_1181 = tpu.memref_squeeze %dma_wait3A_1180 : memref<1x8x768xf32, #tpu.memory_space<hbm>> -> memref<8x768xf32, #tpu.memory_space<hbm>>
    %dma_wait3A_1182 = arith.constant 0 : i32
    %dma_wait3A_1183 = tpu.memref_slice %arg5[%dma_wait3A_1175, %add3A_1174, %dma_wait3A_1182] : memref<4x2048x768xf32, #tpu.memory_space<hbm>> -> memref<1x8x768xf32, #tpu.memory_space<hbm>>
    %dma_wait3A_1184 = tpu.memref_squeeze %dma_wait3A_1183 : memref<1x8x768xf32, #tpu.memory_space<hbm>> -> memref<8x768xf32, #tpu.memory_space<hbm>>
    %dma_wait3A_1185 = arith.constant 8 : i32
    %dma_wait3A_1186 = arith.constant 0 : i32
    %dma_wait3A_1187 = tpu.memref_slice %arg8[%dma_wait3A_1185, %dma_wait3A_1186] : memref<32x768xf32, #tpu.memory_space<vmem>> -> memref<8x768xf32, #tpu.memory_space<vmem>>
    tpu.wait_dma2 semaphore(%arg16 : memref<!tpu.dma_semaphore, #tpu.memory_space<semaphore_mem>>) src(%dma_wait3A_1187 : memref<8x768xf32, #tpu.memory_space<vmem>>) dst(%dma_wait3A_1184 : memref<8x768xf32, #tpu.memory_space<hbm>>)
    %add3A_1188 = arith.constant 0 : i32
    %add3A_1189 = arith.addi %mul3A_2, %add3A_1188 : i32
    %dma_wait3A_1190 = arith.constant 2 : i32
    %dma_wait3A_1191 = arith.constant 16 : i32
    %dma_wait3A_1192 = arith.constant 0 : i32
    %dma_wait3A_1193 = tpu.memref_slice %arg8[%dma_wait3A_1191, %dma_wait3A_1192] : memref<32x768xf32, #tpu.memory_space<vmem>> -> memref<8x768xf32, #tpu.memory_space<vmem>>
    %dma_wait3A_1194 = arith.constant 0 : i32
    %dma_wait3A_1195 = tpu.memref_slice %arg5[%dma_wait3A_1190, %add3A_1189, %dma_wait3A_1194] : memref<4x2048x768xf32, #tpu.memory_space<hbm>> -> memref<1x8x768xf32, #tpu.memory_space<hbm>>
    %dma_wait3A_1196 = tpu.memref_squeeze %dma_wait3A_1195 : memref<1x8x768xf32, #tpu.memory_space<hbm>> -> memref<8x768xf32, #tpu.memory_space<hbm>>
    %dma_wait3A_1197 = arith.constant 0 : i32
    %dma_wait3A_1198 = tpu.memref_slice %arg5[%dma_wait3A_1190, %add3A_1189, %dma_wait3A_1197] : memref<4x2048x768xf32, #tpu.memory_space<hbm>> -> memref<1x8x768xf32, #tpu.memory_space<hbm>>
    %dma_wait3A_1199 = tpu.memref_squeeze %dma_wait3A_1198 : memref<1x8x768xf32, #tpu.memory_space<hbm>> -> memref<8x768xf32, #tpu.memory_space<hbm>>
    %dma_wait3A_1200 = arith.constant 16 : i32
    %dma_wait3A_1201 = arith.constant 0 : i32
    %dma_wait3A_1202 = tpu.memref_slice %arg8[%dma_wait3A_1200, %dma_wait3A_1201] : memref<32x768xf32, #tpu.memory_space<vmem>> -> memref<8x768xf32, #tpu.memory_space<vmem>>
    tpu.wait_dma2 semaphore(%arg16 : memref<!tpu.dma_semaphore, #tpu.memory_space<semaphore_mem>>) src(%dma_wait3A_1202 : memref<8x768xf32, #tpu.memory_space<vmem>>) dst(%dma_wait3A_1199 : memref<8x768xf32, #tpu.memory_space<hbm>>)
    %add3A_1203 = arith.constant 0 : i32
    %add3A_1204 = arith.addi %mul3A_2, %add3A_1203 : i32
    %dma_wait3A_1205 = arith.constant 3 : i32
    %dma_wait3A_1206 = arith.constant 24 : i32
    %dma_wait3A_1207 = arith.constant 0 : i32
    %dma_wait3A_1208 = tpu.memref_slice %arg8[%dma_wait3A_1206, %dma_wait3A_1207] : memref<32x768xf32, #tpu.memory_space<vmem>> -> memref<8x768xf32, #tpu.memory_space<vmem>>
    %dma_wait3A_1209 = arith.constant 0 : i32
    %dma_wait3A_1210 = tpu.memref_slice %arg5[%dma_wait3A_1205, %add3A_1204, %dma_wait3A_1209] : memref<4x2048x768xf32, #tpu.memory_space<hbm>> -> memref<1x8x768xf32, #tpu.memory_space<hbm>>
    %dma_wait3A_1211 = tpu.memref_squeeze %dma_wait3A_1210 : memref<1x8x768xf32, #tpu.memory_space<hbm>> -> memref<8x768xf32, #tpu.memory_space<hbm>>
    %dma_wait3A_1212 = arith.constant 0 : i32
    %dma_wait3A_1213 = tpu.memref_slice %arg5[%dma_wait3A_1205, %add3A_1204, %dma_wait3A_1212] : memref<4x2048x768xf32, #tpu.memory_space<hbm>> -> memref<1x8x768xf32, #tpu.memory_space<hbm>>
    %dma_wait3A_1214 = tpu.memref_squeeze %dma_wait3A_1213 : memref<1x8x768xf32, #tpu.memory_space<hbm>> -> memref<8x768xf32, #tpu.memory_space<hbm>>
    %dma_wait3A_1215 = arith.constant 24 : i32
    %dma_wait3A_1216 = arith.constant 0 : i32
    %dma_wait3A_1217 = tpu.memref_slice %arg8[%dma_wait3A_1215, %dma_wait3A_1216] : memref<32x768xf32, #tpu.memory_space<vmem>> -> memref<8x768xf32, #tpu.memory_space<vmem>>
    tpu.wait_dma2 semaphore(%arg16 : memref<!tpu.dma_semaphore, #tpu.memory_space<semaphore_mem>>) src(%dma_wait3A_1217 : memref<8x768xf32, #tpu.memory_space<vmem>>) dst(%dma_wait3A_1214 : memref<8x768xf32, #tpu.memory_space<hbm>>)
    %dma_start3A_1218 = arith.constant 4 : i32
    %dma_start3A_1219 = arith.constant 0 : i32
    %dma_start3A_1220 = tpu.memref_slice %arg6[%dma_start3A_1218, %dma_start3A_1219] : memref<8x32xi32, #tpu.memory_space<vmem>> -> memref<1x32xi32, #tpu.memory_space<vmem>>
    %dma_start3A_1221 = tpu.memref_squeeze %dma_start3A_1220 : memref<1x32xi32, #tpu.memory_space<vmem>> -> memref<32xi32, #tpu.memory_space<vmem>>
    %dma_start3A_1222 = arith.constant 0 : i32
    %dma_start3A_1223 = arith.constant 0 : i32
    %dma_start3A_1224 = tpu.memref_slice %arg3[%dma_start3A_1222, %dma_start3A_1223] : memref<100000x768xf32, #tpu.memory_space<hbm>> -> memref<100000x768xf32, #tpu.memory_space<hbm>>
    tpu.enqueue_indirect_dma source(%dma_start3A_1224 : memref<100000x768xf32, #tpu.memory_space<hbm>>) target(%arg8 : memref<32x768xf32, #tpu.memory_space<vmem>>) offsets(%dma_start3A_1221 : memref<32xi32, #tpu.memory_space<vmem>>) semaphore(%arg12 : memref<!tpu.dma_semaphore, #tpu.memory_space<semaphore_mem>>)
    %add3A_1225 = arith.constant 32 : i32
    %add3A_1226 = arith.addi %mul3A_2, %add3A_1225 : i32
    %dma_start3A_1227 = arith.constant 0 : i32
    %dma_start3A_1228 = arith.constant 0 : i32
    %dma_start3A_1229 = arith.constant 0 : i32
    %dma_start3A_1230 = tpu.memref_slice %arg7[%dma_start3A_1227, %dma_start3A_1228, %dma_start3A_1229] : memref<4x8x768xf32, #tpu.memory_space<vmem>> -> memref<1x8x768xf32, #tpu.memory_space<vmem>>
    %dma_start3A_1231 = tpu.memref_squeeze %dma_start3A_1230 : memref<1x8x768xf32, #tpu.memory_space<vmem>> -> memref<8x768xf32, #tpu.memory_space<vmem>>
    %dma_start3A_1232 = arith.constant 0 : i32
    %dma_start3A_1233 = tpu.memref_slice %arg4[%add3A_1226, %dma_start3A_1232] : memref<2048x768xf32, #tpu.memory_space<hbm>> -> memref<8x768xf32, #tpu.memory_space<hbm>>
    %dma_start3A_1234 = arith.constant 0 : i32
    %dma_start3A_1235 = arith.constant 0 : i32
    %dma_start3A_1236 = tpu.memref_slice %arg7[%dma_start3A_1227, %dma_start3A_1234, %dma_start3A_1235] : memref<4x8x768xf32, #tpu.memory_space<vmem>> -> memref<1x8x768xf32, #tpu.memory_space<vmem>>
    %dma_start3A_1237 = tpu.memref_squeeze %dma_start3A_1236 : memref<1x8x768xf32, #tpu.memory_space<vmem>> -> memref<8x768xf32, #tpu.memory_space<vmem>>
    %dma_start3A_1238 = arith.constant 0 : i32
    %dma_start3A_1239 = tpu.memref_slice %arg4[%add3A_1226, %dma_start3A_1238] : memref<2048x768xf32, #tpu.memory_space<hbm>> -> memref<8x768xf32, #tpu.memory_space<hbm>>
    tpu.enqueue_dma source(%dma_start3A_1239 : memref<8x768xf32, #tpu.memory_space<hbm>>) target(%dma_start3A_1237 : memref<8x768xf32, #tpu.memory_space<vmem>>) target_semaphore(%arg21 : memref<!tpu.dma_semaphore, #tpu.memory_space<semaphore_mem>>)
    %add3A_1240 = arith.constant 16 : i32
    %add3A_1241 = arith.addi %mul3A_2, %add3A_1240 : i32
    %dma_wait3A_1242 = arith.constant 2 : i32
    %dma_wait3A_1243 = arith.constant 0 : i32
    %dma_wait3A_1244 = arith.constant 0 : i32
    %dma_wait3A_1245 = tpu.memref_slice %arg7[%dma_wait3A_1242, %dma_wait3A_1243, %dma_wait3A_1244] : memref<4x8x768xf32, #tpu.memory_space<vmem>> -> memref<1x8x768xf32, #tpu.memory_space<vmem>>
    %dma_wait3A_1246 = tpu.memref_squeeze %dma_wait3A_1245 : memref<1x8x768xf32, #tpu.memory_space<vmem>> -> memref<8x768xf32, #tpu.memory_space<vmem>>
    %dma_wait3A_1247 = arith.constant 0 : i32
    %dma_wait3A_1248 = tpu.memref_slice %arg4[%add3A_1241, %dma_wait3A_1247] : memref<2048x768xf32, #tpu.memory_space<hbm>> -> memref<8x768xf32, #tpu.memory_space<hbm>>
    %dma_wait3A_1249 = arith.constant 0 : i32
    %dma_wait3A_1250 = arith.constant 0 : i32
    %dma_wait3A_1251 = tpu.memref_slice %arg7[%dma_wait3A_1242, %dma_wait3A_1249, %dma_wait3A_1250] : memref<4x8x768xf32, #tpu.memory_space<vmem>> -> memref<1x8x768xf32, #tpu.memory_space<vmem>>
    %dma_wait3A_1252 = tpu.memref_squeeze %dma_wait3A_1251 : memref<1x8x768xf32, #tpu.memory_space<vmem>> -> memref<8x768xf32, #tpu.memory_space<vmem>>
    %dma_wait3A_1253 = arith.constant 0 : i32
    %dma_wait3A_1254 = tpu.memref_slice %arg4[%add3A_1241, %dma_wait3A_1253] : memref<2048x768xf32, #tpu.memory_space<hbm>> -> memref<8x768xf32, #tpu.memory_space<hbm>>
    tpu.wait_dma2 semaphore(%arg23 : memref<!tpu.dma_semaphore, #tpu.memory_space<semaphore_mem>>) src(%dma_wait3A_1254 : memref<8x768xf32, #tpu.memory_space<hbm>>) dst(%dma_wait3A_1252 : memref<8x768xf32, #tpu.memory_space<vmem>>)
    %dma_wait3A_1255 = arith.constant 2 : i32
    %dma_wait3A_1256 = arith.constant 0 : i32
    %dma_wait3A_1257 = tpu.memref_slice %arg6[%dma_wait3A_1255, %dma_wait3A_1256] : memref<8x32xi32, #tpu.memory_space<vmem>> -> memref<1x32xi32, #tpu.memory_space<vmem>>
    %dma_wait3A_1258 = tpu.memref_squeeze %dma_wait3A_1257 : memref<1x32xi32, #tpu.memory_space<vmem>> -> memref<32xi32, #tpu.memory_space<vmem>>
    %dma_wait3A_1259 = arith.constant 0 : i32
    %dma_wait3A_1260 = arith.constant 0 : i32
    %dma_wait3A_1261 = tpu.memref_slice %arg3[%dma_wait3A_1259, %dma_wait3A_1260] : memref<100000x768xf32, #tpu.memory_space<hbm>> -> memref<100000x768xf32, #tpu.memory_space<hbm>>
    tpu.wait_indirect_dma semaphore(%arg14 : memref<!tpu.dma_semaphore, #tpu.memory_space<semaphore_mem>>) src(%dma_wait3A_1261 : memref<100000x768xf32, #tpu.memory_space<hbm>>) dst(%arg10 : memref<32x768xf32, #tpu.memory_space<vmem>>)
    %scan3A_1262 = arith.constant 0 : i32
    %scan3A_1263 = arith.constant 8 : i32
    %scan3A_1264 = arith.addi %scan3A_1262, %scan3A_1263 : i32
    %scan3A_1265 = arith.constant 1 : i32
    scf.for %scan3A_2248 = %scan3A_1262 to %scan3A_1264 step %scan3A_1265  : i32 {
      %mul3A_2249 = arith.constant 1 : i32
      %mul3A_2250 = arith.muli %scan3A_2248, %mul3A_2249 : i32
      %add3A_2251 = arith.constant 0 : i32
      %add3A_2252 = arith.addi %add3A_2251, %mul3A_2250 : i32
      %parallel_loop3A = arith.constant 0 : i32
      %parallel_loop3A_2253 = arith.constant 768 : i32
      %parallel_loop3A_2254 = arith.constant 16 : i32
      scf.for %parallel_loop3A_2255 = %parallel_loop3A to %parallel_loop3A_2253 step %parallel_loop3A_2254  : i32 {
        %parallel_loop3A_2256 = arith.constant 2 : i32
        %parallel_loop3A_2257 = arith.index_cast %parallel_loop3A_2256 : i32 to index
        %parallel_loop3A_2258 = arith.index_cast %add3A_2252 : i32 to index
        %parallel_loop3A_2259 = arith.index_cast %parallel_loop3A_2255 : i32 to index
        %parallel_loop3A_2260 = tpu.vector_load %arg7[%parallel_loop3A_2257, %parallel_loop3A_2258, %parallel_loop3A_2259] {strides = array<i32>} : memref<4x8x768xf32, #tpu.memory_space<vmem>>, vector<1x1x16xf32>,
        %parallel_loop3A_2261 = vector.shape_cast %parallel_loop3A_2260 : vector<1x1x16xf32> to vector<16xf32>
        %parallel_loop3A_2262 = arith.constant 0 : i32
        %parallel_loop3A_2263 = arith.addi %parallel_loop3A_2262, %add3A_2252 : i32
        %parallel_loop3A_2264 = arith.index_cast %parallel_loop3A_2263 : i32 to index
        %parallel_loop3A_2265 = arith.index_cast %parallel_loop3A_2255 : i32 to index
        %parallel_loop3A_2266 = tpu.vector_load %arg10[%parallel_loop3A_2264, %parallel_loop3A_2265] {strides = array<i32>} : memref<32x768xf32, #tpu.memory_space<vmem>>, vector<1x16xf32>,
        %parallel_loop3A_2267 = vector.shape_cast %parallel_loop3A_2266 : vector<1x16xf32> to vector<16xf32>
        %parallel_loop3A_2268 = vector.shape_cast %parallel_loop3A_2261 : vector<16xf32> to vector<1x16xf32>
        tpu.vector_store %arg10[%parallel_loop3A_2264, %parallel_loop3A_2265], %parallel_loop3A_2268 {add = true, strides = array<i32>} : memref<32x768xf32, #tpu.memory_space<vmem>>, vector<1x16xf32>,
        %parallel_loop3A_2269 = arith.constant 8 : i32
        %parallel_loop3A_2270 = arith.addi %parallel_loop3A_2269, %add3A_2252 : i32
        %parallel_loop3A_2271 = arith.index_cast %parallel_loop3A_2270 : i32 to index
        %parallel_loop3A_2272 = arith.index_cast %parallel_loop3A_2255 : i32 to index
        %parallel_loop3A_2273 = tpu.vector_load %arg10[%parallel_loop3A_2271, %parallel_loop3A_2272] {strides = array<i32>} : memref<32x768xf32, #tpu.memory_space<vmem>>, vector<1x16xf32>,
        %parallel_loop3A_2274 = vector.shape_cast %parallel_loop3A_2273 : vector<1x16xf32> to vector<16xf32>
        %parallel_loop3A_2275 = vector.shape_cast %parallel_loop3A_2261 : vector<16xf32> to vector<1x16xf32>
        tpu.vector_store %arg10[%parallel_loop3A_2271, %parallel_loop3A_2272], %parallel_loop3A_2275 {add = true, strides = array<i32>} : memref<32x768xf32, #tpu.memory_space<vmem>>, vector<1x16xf32>,
        %parallel_loop3A_2276 = arith.constant 16 : i32
        %parallel_loop3A_2277 = arith.addi %parallel_loop3A_2276, %add3A_2252 : i32
        %parallel_loop3A_2278 = arith.index_cast %parallel_loop3A_2277 : i32 to index
        %parallel_loop3A_2279 = arith.index_cast %parallel_loop3A_2255 : i32 to index
        %parallel_loop3A_2280 = tpu.vector_load %arg10[%parallel_loop3A_2278, %parallel_loop3A_2279] {strides = array<i32>} : memref<32x768xf32, #tpu.memory_space<vmem>>, vector<1x16xf32>,
        %parallel_loop3A_2281 = vector.shape_cast %parallel_loop3A_2280 : vector<1x16xf32> to vector<16xf32>
        %parallel_loop3A_2282 = vector.shape_cast %parallel_loop3A_2261 : vector<16xf32> to vector<1x16xf32>
        tpu.vector_store %arg10[%parallel_loop3A_2278, %parallel_loop3A_2279], %parallel_loop3A_2282 {add = true, strides = array<i32>} : memref<32x768xf32, #tpu.memory_space<vmem>>, vector<1x16xf32>,
        %parallel_loop3A_2283 = arith.constant 24 : i32
        %parallel_loop3A_2284 = arith.addi %parallel_loop3A_2283, %add3A_2252 : i32
        %parallel_loop3A_2285 = arith.index_cast %parallel_loop3A_2284 : i32 to index
        %parallel_loop3A_2286 = arith.index_cast %parallel_loop3A_2255 : i32 to index
        %parallel_loop3A_2287 = tpu.vector_load %arg10[%parallel_loop3A_2285, %parallel_loop3A_2286] {strides = array<i32>} : memref<32x768xf32, #tpu.memory_space<vmem>>, vector<1x16xf32>,
        %parallel_loop3A_2288 = vector.shape_cast %parallel_loop3A_2287 : vector<1x16xf32> to vector<16xf32>
        %parallel_loop3A_2289 = vector.shape_cast %parallel_loop3A_2261 : vector<16xf32> to vector<1x16xf32>
        tpu.vector_store %arg10[%parallel_loop3A_2285, %parallel_loop3A_2286], %parallel_loop3A_2289 {add = true, strides = array<i32>} : memref<32x768xf32, #tpu.memory_space<vmem>>, vector<1x16xf32>,
      } {sc.loop_unroll_factor = 4 : i64, sc.parallel_access}
    }
    %scan3A_1266 = arith.constant 8 : i32
    %add3A_1267 = arith.constant 16 : i32
    %add3A_1268 = arith.addi %mul3A_2, %add3A_1267 : i32
    %dma_start3A_1269 = arith.constant 0 : i32
    %dma_start3A_1270 = arith.constant 0 : i32
    %dma_start3A_1271 = arith.constant 0 : i32
    %dma_start3A_1272 = tpu.memref_slice %arg10[%dma_start3A_1270, %dma_start3A_1271] : memref<32x768xf32, #tpu.memory_space<vmem>> -> memref<8x768xf32, #tpu.memory_space<vmem>>
    %dma_start3A_1273 = arith.constant 0 : i32
    %dma_start3A_1274 = tpu.memref_slice %arg5[%dma_start3A_1269, %add3A_1268, %dma_start3A_1273] : memref<4x2048x768xf32, #tpu.memory_space<hbm>> -> memref<1x8x768xf32, #tpu.memory_space<hbm>>
    %dma_start3A_1275 = tpu.memref_squeeze %dma_start3A_1274 : memref<1x8x768xf32, #tpu.memory_space<hbm>> -> memref<8x768xf32, #tpu.memory_space<hbm>>
    %dma_start3A_1276 = arith.constant 0 : i32
    %dma_start3A_1277 = tpu.memref_slice %arg5[%dma_start3A_1269, %add3A_1268, %dma_start3A_1276] : memref<4x2048x768xf32, #tpu.memory_space<hbm>> -> memref<1x8x768xf32, #tpu.memory_space<hbm>>
    %dma_start3A_1278 = tpu.memref_squeeze %dma_start3A_1277 : memref<1x8x768xf32, #tpu.memory_space<hbm>> -> memref<8x768xf32, #tpu.memory_space<hbm>>
    %dma_start3A_1279 = arith.constant 0 : i32
    %dma_start3A_1280 = arith.constant 0 : i32
    %dma_start3A_1281 = tpu.memref_slice %arg10[%dma_start3A_1279, %dma_start3A_1280] : memref<32x768xf32, #tpu.memory_space<vmem>> -> memref<8x768xf32, #tpu.memory_space<vmem>>
    tpu.enqueue_dma source(%dma_start3A_1281 : memref<8x768xf32, #tpu.memory_space<vmem>>) target(%dma_start3A_1278 : memref<8x768xf32, #tpu.memory_space<hbm>>) target_semaphore(%arg18 : memref<!tpu.dma_semaphore, #tpu.memory_space<semaphore_mem>>)
    %add3A_1282 = arith.constant 16 : i32
    %add3A_1283 = arith.addi %mul3A_2, %add3A_1282 : i32
    %dma_start3A_1284 = arith.constant 1 : i32
    %dma_start3A_1285 = arith.constant 8 : i32
    %dma_start3A_1286 = arith.constant 0 : i32
    %dma_start3A_1287 = tpu.memref_slice %arg10[%dma_start3A_1285, %dma_start3A_1286] : memref<32x768xf32, #tpu.memory_space<vmem>> -> memref<8x768xf32, #tpu.memory_space<vmem>>
    %dma_start3A_1288 = arith.constant 0 : i32
    %dma_start3A_1289 = tpu.memref_slice %arg5[%dma_start3A_1284, %add3A_1283, %dma_start3A_1288] : memref<4x2048x768xf32, #tpu.memory_space<hbm>> -> memref<1x8x768xf32, #tpu.memory_space<hbm>>
    %dma_start3A_1290 = tpu.memref_squeeze %dma_start3A_1289 : memref<1x8x768xf32, #tpu.memory_space<hbm>> -> memref<8x768xf32, #tpu.memory_space<hbm>>
    %dma_start3A_1291 = arith.constant 0 : i32
    %dma_start3A_1292 = tpu.memref_slice %arg5[%dma_start3A_1284, %add3A_1283, %dma_start3A_1291] : memref<4x2048x768xf32, #tpu.memory_space<hbm>> -> memref<1x8x768xf32, #tpu.memory_space<hbm>>
    %dma_start3A_1293 = tpu.memref_squeeze %dma_start3A_1292 : memref<1x8x768xf32, #tpu.memory_space<hbm>> -> memref<8x768xf32, #tpu.memory_space<hbm>>
    %dma_start3A_1294 = arith.constant 8 : i32
    %dma_start3A_1295 = arith.constant 0 : i32
    %dma_start3A_1296 = tpu.memref_slice %arg10[%dma_start3A_1294, %dma_start3A_1295] : memref<32x768xf32, #tpu.memory_space<vmem>> -> memref<8x768xf32, #tpu.memory_space<vmem>>
    tpu.enqueue_dma source(%dma_start3A_1296 : memref<8x768xf32, #tpu.memory_space<vmem>>) target(%dma_start3A_1293 : memref<8x768xf32, #tpu.memory_space<hbm>>) target_semaphore(%arg18 : memref<!tpu.dma_semaphore, #tpu.memory_space<semaphore_mem>>)
    %add3A_1297 = arith.constant 16 : i32
    %add3A_1298 = arith.addi %mul3A_2, %add3A_1297 : i32
    %dma_start3A_1299 = arith.constant 2 : i32
    %dma_start3A_1300 = arith.constant 16 : i32
    %dma_start3A_1301 = arith.constant 0 : i32
    %dma_start3A_1302 = tpu.memref_slice %arg10[%dma_start3A_1300, %dma_start3A_1301] : memref<32x768xf32, #tpu.memory_space<vmem>> -> memref<8x768xf32, #tpu.memory_space<vmem>>
    %dma_start3A_1303 = arith.constant 0 : i32
    %dma_start3A_1304 = tpu.memref_slice %arg5[%dma_start3A_1299, %add3A_1298, %dma_start3A_1303] : memref<4x2048x768xf32, #tpu.memory_space<hbm>> -> memref<1x8x768xf32, #tpu.memory_space<hbm>>
    %dma_start3A_1305 = tpu.memref_squeeze %dma_start3A_1304 : memref<1x8x768xf32, #tpu.memory_space<hbm>> -> memref<8x768xf32, #tpu.memory_space<hbm>>
    %dma_start3A_1306 = arith.constant 0 : i32
    %dma_start3A_1307 = tpu.memref_slice %arg5[%dma_start3A_1299, %add3A_1298, %dma_start3A_1306] : memref<4x2048x768xf32, #tpu.memory_space<hbm>> -> memref<1x8x768xf32, #tpu.memory_space<hbm>>
    %dma_start3A_1308 = tpu.memref_squeeze %dma_start3A_1307 : memref<1x8x768xf32, #tpu.memory_space<hbm>> -> memref<8x768xf32, #tpu.memory_space<hbm>>
    %dma_start3A_1309 = arith.constant 16 : i32
    %dma_start3A_1310 = arith.constant 0 : i32
    %dma_start3A_1311 = tpu.memref_slice %arg10[%dma_start3A_1309, %dma_start3A_1310] : memref<32x768xf32, #tpu.memory_space<vmem>> -> memref<8x768xf32, #tpu.memory_space<vmem>>
    tpu.enqueue_dma source(%dma_start3A_1311 : memref<8x768xf32, #tpu.memory_space<vmem>>) target(%dma_start3A_1308 : memref<8x768xf32, #tpu.memory_space<hbm>>) target_semaphore(%arg18 : memref<!tpu.dma_semaphore, #tpu.memory_space<semaphore_mem>>)
    %add3A_1312 = arith.constant 16 : i32
    %add3A_1313 = arith.addi %mul3A_2, %add3A_1312 : i32
    %dma_start3A_1314 = arith.constant 3 : i32
    %dma_start3A_1315 = arith.constant 24 : i32
    %dma_start3A_1316 = arith.constant 0 : i32
    %dma_start3A_1317 = tpu.memref_slice %arg10[%dma_start3A_1315, %dma_start3A_1316] : memref<32x768xf32, #tpu.memory_space<vmem>> -> memref<8x768xf32, #tpu.memory_space<vmem>>
    %dma_start3A_1318 = arith.constant 0 : i32
    %dma_start3A_1319 = tpu.memref_slice %arg5[%dma_start3A_1314, %add3A_1313, %dma_start3A_1318] : memref<4x2048x768xf32, #tpu.memory_space<hbm>> -> memref<1x8x768xf32, #tpu.memory_space<hbm>>
    %dma_start3A_1320 = tpu.memref_squeeze %dma_start3A_1319 : memref<1x8x768xf32, #tpu.memory_space<hbm>> -> memref<8x768xf32, #tpu.memory_space<hbm>>
    %dma_start3A_1321 = arith.constant 0 : i32
    %dma_start3A_1322 = tpu.memref_slice %arg5[%dma_start3A_1314, %add3A_1313, %dma_start3A_1321] : memref<4x2048x768xf32, #tpu.memory_space<hbm>> -> memref<1x8x768xf32, #tpu.memory_space<hbm>>
    %dma_start3A_1323 = tpu.memref_squeeze %dma_start3A_1322 : memref<1x8x768xf32, #tpu.memory_space<hbm>> -> memref<8x768xf32, #tpu.memory_space<hbm>>
    %dma_start3A_1324 = arith.constant 24 : i32
    %dma_start3A_1325 = arith.constant 0 : i32
    %dma_start3A_1326 = tpu.memref_slice %arg10[%dma_start3A_1324, %dma_start3A_1325] : memref<32x768xf32, #tpu.memory_space<vmem>> -> memref<8x768xf32, #tpu.memory_space<vmem>>
    tpu.enqueue_dma source(%dma_start3A_1326 : memref<8x768xf32, #tpu.memory_space<vmem>>) target(%dma_start3A_1323 : memref<8x768xf32, #tpu.memory_space<hbm>>) target_semaphore(%arg18 : memref<!tpu.dma_semaphore, #tpu.memory_space<semaphore_mem>>)
    %add3A_1327 = arith.constant 8 : i32
    %add3A_1328 = arith.addi %mul3A_2, %add3A_1327 : i32
    %dma_wait3A_1329 = arith.constant 0 : i32
    %dma_wait3A_1330 = arith.constant 0 : i32
    %dma_wait3A_1331 = arith.constant 0 : i32
    %dma_wait3A_1332 = tpu.memref_slice %arg9[%dma_wait3A_1330, %dma_wait3A_1331] : memref<32x768xf32, #tpu.memory_space<vmem>> -> memref<8x768xf32, #tpu.memory_space<vmem>>
    %dma_wait3A_1333 = arith.constant 0 : i32
    %dma_wait3A_1334 = tpu.memref_slice %arg5[%dma_wait3A_1329, %add3A_1328, %dma_wait3A_1333] : memref<4x2048x768xf32, #tpu.memory_space<hbm>> -> memref<1x8x768xf32, #tpu.memory_space<hbm>>
    %dma_wait3A_1335 = tpu.memref_squeeze %dma_wait3A_1334 : memref<1x8x768xf32, #tpu.memory_space<hbm>> -> memref<8x768xf32, #tpu.memory_space<hbm>>
    %dma_wait3A_1336 = arith.constant 0 : i32
    %dma_wait3A_1337 = tpu.memref_slice %arg5[%dma_wait3A_1329, %add3A_1328, %dma_wait3A_1336] : memref<4x2048x768xf32, #tpu.memory_space<hbm>> -> memref<1x8x768xf32, #tpu.memory_space<hbm>>
    %dma_wait3A_1338 = tpu.memref_squeeze %dma_wait3A_1337 : memref<1x8x768xf32, #tpu.memory_space<hbm>> -> memref<8x768xf32, #tpu.memory_space<hbm>>
    %dma_wait3A_1339 = arith.constant 0 : i32
    %dma_wait3A_1340 = arith.constant 0 : i32
    %dma_wait3A_1341 = tpu.memref_slice %arg9[%dma_wait3A_1339, %dma_wait3A_1340] : memref<32x768xf32, #tpu.memory_space<vmem>> -> memref<8x768xf32, #tpu.memory_space<vmem>>
    tpu.wait_dma2 semaphore(%arg17 : memref<!tpu.dma_semaphore, #tpu.memory_space<semaphore_mem>>) src(%dma_wait3A_1341 : memref<8x768xf32, #tpu.memory_space<vmem>>) dst(%dma_wait3A_1338 : memref<8x768xf32, #tpu.memory_space<hbm>>)
    %add3A_1342 = arith.constant 8 : i32
    %add3A_1343 = arith.addi %mul3A_2, %add3A_1342 : i32
    %dma_wait3A_1344 = arith.constant 1 : i32
    %dma_wait3A_1345 = arith.constant 8 : i32
    %dma_wait3A_1346 = arith.constant 0 : i32
    %dma_wait3A_1347 = tpu.memref_slice %arg9[%dma_wait3A_1345, %dma_wait3A_1346] : memref<32x768xf32, #tpu.memory_space<vmem>> -> memref<8x768xf32, #tpu.memory_space<vmem>>
    %dma_wait3A_1348 = arith.constant 0 : i32
    %dma_wait3A_1349 = tpu.memref_slice %arg5[%dma_wait3A_1344, %add3A_1343, %dma_wait3A_1348] : memref<4x2048x768xf32, #tpu.memory_space<hbm>> -> memref<1x8x768xf32, #tpu.memory_space<hbm>>
    %dma_wait3A_1350 = tpu.memref_squeeze %dma_wait3A_1349 : memref<1x8x768xf32, #tpu.memory_space<hbm>> -> memref<8x768xf32, #tpu.memory_space<hbm>>
    %dma_wait3A_1351 = arith.constant 0 : i32
    %dma_wait3A_1352 = tpu.memref_slice %arg5[%dma_wait3A_1344, %add3A_1343, %dma_wait3A_1351] : memref<4x2048x768xf32, #tpu.memory_space<hbm>> -> memref<1x8x768xf32, #tpu.memory_space<hbm>>
    %dma_wait3A_1353 = tpu.memref_squeeze %dma_wait3A_1352 : memref<1x8x768xf32, #tpu.memory_space<hbm>> -> memref<8x768xf32, #tpu.memory_space<hbm>>
    %dma_wait3A_1354 = arith.constant 8 : i32
    %dma_wait3A_1355 = arith.constant 0 : i32
    %dma_wait3A_1356 = tpu.memref_slice %arg9[%dma_wait3A_1354, %dma_wait3A_1355] : memref<32x768xf32, #tpu.memory_space<vmem>> -> memref<8x768xf32, #tpu.memory_space<vmem>>
    tpu.wait_dma2 semaphore(%arg17 : memref<!tpu.dma_semaphore, #tpu.memory_space<semaphore_mem>>) src(%dma_wait3A_1356 : memref<8x768xf32, #tpu.memory_space<vmem>>) dst(%dma_wait3A_1353 : memref<8x768xf32, #tpu.memory_space<hbm>>)
    %add3A_1357 = arith.constant 8 : i32
    %add3A_1358 = arith.addi %mul3A_2, %add3A_1357 : i32
    %dma_wait3A_1359 = arith.constant 2 : i32
    %dma_wait3A_1360 = arith.constant 16 : i32
    %dma_wait3A_1361 = arith.constant 0 : i32
    %dma_wait3A_1362 = tpu.memref_slice %arg9[%dma_wait3A_1360, %dma_wait3A_1361] : memref<32x768xf32, #tpu.memory_space<vmem>> -> memref<8x768xf32, #tpu.memory_space<vmem>>
    %dma_wait3A_1363 = arith.constant 0 : i32
    %dma_wait3A_1364 = tpu.memref_slice %arg5[%dma_wait3A_1359, %add3A_1358, %dma_wait3A_1363] : memref<4x2048x768xf32, #tpu.memory_space<hbm>> -> memref<1x8x768xf32, #tpu.memory_space<hbm>>
    %dma_wait3A_1365 = tpu.memref_squeeze %dma_wait3A_1364 : memref<1x8x768xf32, #tpu.memory_space<hbm>> -> memref<8x768xf32, #tpu.memory_space<hbm>>
    %dma_wait3A_1366 = arith.constant 0 : i32
    %dma_wait3A_1367 = tpu.memref_slice %arg5[%dma_wait3A_1359, %add3A_1358, %dma_wait3A_1366] : memref<4x2048x768xf32, #tpu.memory_space<hbm>> -> memref<1x8x768xf32, #tpu.memory_space<hbm>>
    %dma_wait3A_1368 = tpu.memref_squeeze %dma_wait3A_1367 : memref<1x8x768xf32, #tpu.memory_space<hbm>> -> memref<8x768xf32, #tpu.memory_space<hbm>>
    %dma_wait3A_1369 = arith.constant 16 : i32
    %dma_wait3A_1370 = arith.constant 0 : i32
    %dma_wait3A_1371 = tpu.memref_slice %arg9[%dma_wait3A_1369, %dma_wait3A_1370] : memref<32x768xf32, #tpu.memory_space<vmem>> -> memref<8x768xf32, #tpu.memory_space<vmem>>
    tpu.wait_dma2 semaphore(%arg17 : memref<!tpu.dma_semaphore, #tpu.memory_space<semaphore_mem>>) src(%dma_wait3A_1371 : memref<8x768xf32, #tpu.memory_space<vmem>>) dst(%dma_wait3A_1368 : memref<8x768xf32, #tpu.memory_space<hbm>>)
    %add3A_1372 = arith.constant 8 : i32
    %add3A_1373 = arith.addi %mul3A_2, %add3A_1372 : i32
    %dma_wait3A_1374 = arith.constant 3 : i32
    %dma_wait3A_1375 = arith.constant 24 : i32
    %dma_wait3A_1376 = arith.constant 0 : i32
    %dma_wait3A_1377 = tpu.memref_slice %arg9[%dma_wait3A_1375, %dma_wait3A_1376] : memref<32x768xf32, #tpu.memory_space<vmem>> -> memref<8x768xf32, #tpu.memory_space<vmem>>
    %dma_wait3A_1378 = arith.constant 0 : i32
    %dma_wait3A_1379 = tpu.memref_slice %arg5[%dma_wait3A_1374, %add3A_1373, %dma_wait3A_1378] : memref<4x2048x768xf32, #tpu.memory_space<hbm>> -> memref<1x8x768xf32, #tpu.memory_space<hbm>>
    %dma_wait3A_1380 = tpu.memref_squeeze %dma_wait3A_1379 : memref<1x8x768xf32, #tpu.memory_space<hbm>> -> memref<8x768xf32, #tpu.memory_space<hbm>>
    %dma_wait3A_1381 = arith.constant 0 : i32
    %dma_wait3A_1382 = tpu.memref_slice %arg5[%dma_wait3A_1374, %add3A_1373, %dma_wait3A_1381] : memref<4x2048x768xf32, #tpu.memory_space<hbm>> -> memref<1x8x768xf32, #tpu.memory_space<hbm>>
    %dma_wait3A_1383 = tpu.memref_squeeze %dma_wait3A_1382 : memref<1x8x768xf32, #tpu.memory_space<hbm>> -> memref<8x768xf32, #tpu.memory_space<hbm>>
    %dma_wait3A_1384 = arith.constant 24 : i32
    %dma_wait3A_1385 = arith.constant 0 : i32
    %dma_wait3A_1386 = tpu.memref_slice %arg9[%dma_wait3A_1384, %dma_wait3A_1385] : memref<32x768xf32, #tpu.memory_space<vmem>> -> memref<8x768xf32, #tpu.memory_space<vmem>>
    tpu.wait_dma2 semaphore(%arg17 : memref<!tpu.dma_semaphore, #tpu.memory_space<semaphore_mem>>) src(%dma_wait3A_1386 : memref<8x768xf32, #tpu.memory_space<vmem>>) dst(%dma_wait3A_1383 : memref<8x768xf32, #tpu.memory_space<hbm>>)
    %dma_start3A_1387 = arith.constant 5 : i32
    %dma_start3A_1388 = arith.constant 0 : i32
    %dma_start3A_1389 = tpu.memref_slice %arg6[%dma_start3A_1387, %dma_start3A_1388] : memref<8x32xi32, #tpu.memory_space<vmem>> -> memref<1x32xi32, #tpu.memory_space<vmem>>
    %dma_start3A_1390 = tpu.memref_squeeze %dma_start3A_1389 : memref<1x32xi32, #tpu.memory_space<vmem>> -> memref<32xi32, #tpu.memory_space<vmem>>
    %dma_start3A_1391 = arith.constant 0 : i32
    %dma_start3A_1392 = arith.constant 0 : i32
    %dma_start3A_1393 = tpu.memref_slice %arg3[%dma_start3A_1391, %dma_start3A_1392] : memref<100000x768xf32, #tpu.memory_space<hbm>> -> memref<100000x768xf32, #tpu.memory_space<hbm>>
    tpu.enqueue_indirect_dma source(%dma_start3A_1393 : memref<100000x768xf32, #tpu.memory_space<hbm>>) target(%arg9 : memref<32x768xf32, #tpu.memory_space<vmem>>) offsets(%dma_start3A_1390 : memref<32xi32, #tpu.memory_space<vmem>>) semaphore(%arg13 : memref<!tpu.dma_semaphore, #tpu.memory_space<semaphore_mem>>)
    %add3A_1394 = arith.constant 40 : i32
    %add3A_1395 = arith.addi %mul3A_2, %add3A_1394 : i32
    %dma_start3A_1396 = arith.constant 1 : i32
    %dma_start3A_1397 = arith.constant 0 : i32
    %dma_start3A_1398 = arith.constant 0 : i32
    %dma_start3A_1399 = tpu.memref_slice %arg7[%dma_start3A_1396, %dma_start3A_1397, %dma_start3A_1398] : memref<4x8x768xf32, #tpu.memory_space<vmem>> -> memref<1x8x768xf32, #tpu.memory_space<vmem>>
    %dma_start3A_1400 = tpu.memref_squeeze %dma_start3A_1399 : memref<1x8x768xf32, #tpu.memory_space<vmem>> -> memref<8x768xf32, #tpu.memory_space<vmem>>
    %dma_start3A_1401 = arith.constant 0 : i32
    %dma_start3A_1402 = tpu.memref_slice %arg4[%add3A_1395, %dma_start3A_1401] : memref<2048x768xf32, #tpu.memory_space<hbm>> -> memref<8x768xf32, #tpu.memory_space<hbm>>
    %dma_start3A_1403 = arith.constant 0 : i32
    %dma_start3A_1404 = arith.constant 0 : i32
    %dma_start3A_1405 = tpu.memref_slice %arg7[%dma_start3A_1396, %dma_start3A_1403, %dma_start3A_1404] : memref<4x8x768xf32, #tpu.memory_space<vmem>> -> memref<1x8x768xf32, #tpu.memory_space<vmem>>
    %dma_start3A_1406 = tpu.memref_squeeze %dma_start3A_1405 : memref<1x8x768xf32, #tpu.memory_space<vmem>> -> memref<8x768xf32, #tpu.memory_space<vmem>>
    %dma_start3A_1407 = arith.constant 0 : i32
    %dma_start3A_1408 = tpu.memref_slice %arg4[%add3A_1395, %dma_start3A_1407] : memref<2048x768xf32, #tpu.memory_space<hbm>> -> memref<8x768xf32, #tpu.memory_space<hbm>>
    tpu.enqueue_dma source(%dma_start3A_1408 : memref<8x768xf32, #tpu.memory_space<hbm>>) target(%dma_start3A_1406 : memref<8x768xf32, #tpu.memory_space<vmem>>) target_semaphore(%arg22 : memref<!tpu.dma_semaphore, #tpu.memory_space<semaphore_mem>>)
    %add3A_1409 = arith.constant 24 : i32
    %add3A_1410 = arith.addi %mul3A_2, %add3A_1409 : i32
    %dma_wait3A_1411 = arith.constant 3 : i32
    %dma_wait3A_1412 = arith.constant 0 : i32
    %dma_wait3A_1413 = arith.constant 0 : i32
    %dma_wait3A_1414 = tpu.memref_slice %arg7[%dma_wait3A_1411, %dma_wait3A_1412, %dma_wait3A_1413] : memref<4x8x768xf32, #tpu.memory_space<vmem>> -> memref<1x8x768xf32, #tpu.memory_space<vmem>>
    %dma_wait3A_1415 = tpu.memref_squeeze %dma_wait3A_1414 : memref<1x8x768xf32, #tpu.memory_space<vmem>> -> memref<8x768xf32, #tpu.memory_space<vmem>>
    %dma_wait3A_1416 = arith.constant 0 : i32
    %dma_wait3A_1417 = tpu.memref_slice %arg4[%add3A_1410, %dma_wait3A_1416] : memref<2048x768xf32, #tpu.memory_space<hbm>> -> memref<8x768xf32, #tpu.memory_space<hbm>>
    %dma_wait3A_1418 = arith.constant 0 : i32
    %dma_wait3A_1419 = arith.constant 0 : i32
    %dma_wait3A_1420 = tpu.memref_slice %arg7[%dma_wait3A_1411, %dma_wait3A_1418, %dma_wait3A_1419] : memref<4x8x768xf32, #tpu.memory_space<vmem>> -> memref<1x8x768xf32, #tpu.memory_space<vmem>>
    %dma_wait3A_1421 = tpu.memref_squeeze %dma_wait3A_1420 : memref<1x8x768xf32, #tpu.memory_space<vmem>> -> memref<8x768xf32, #tpu.memory_space<vmem>>
    %dma_wait3A_1422 = arith.constant 0 : i32
    %dma_wait3A_1423 = tpu.memref_slice %arg4[%add3A_1410, %dma_wait3A_1422] : memref<2048x768xf32, #tpu.memory_space<hbm>> -> memref<8x768xf32, #tpu.memory_space<hbm>>
    tpu.wait_dma2 semaphore(%arg24 : memref<!tpu.dma_semaphore, #tpu.memory_space<semaphore_mem>>) src(%dma_wait3A_1423 : memref<8x768xf32, #tpu.memory_space<hbm>>) dst(%dma_wait3A_1421 : memref<8x768xf32, #tpu.memory_space<vmem>>)
    %dma_wait3A_1424 = arith.constant 3 : i32
    %dma_wait3A_1425 = arith.constant 0 : i32
    %dma_wait3A_1426 = tpu.memref_slice %arg6[%dma_wait3A_1424, %dma_wait3A_1425] : memref<8x32xi32, #tpu.memory_space<vmem>> -> memref<1x32xi32, #tpu.memory_space<vmem>>
    %dma_wait3A_1427 = tpu.memref_squeeze %dma_wait3A_1426 : memref<1x32xi32, #tpu.memory_space<vmem>> -> memref<32xi32, #tpu.memory_space<vmem>>
    %dma_wait3A_1428 = arith.constant 0 : i32
    %dma_wait3A_1429 = arith.constant 0 : i32
    %dma_wait3A_1430 = tpu.memref_slice %arg3[%dma_wait3A_1428, %dma_wait3A_1429] : memref<100000x768xf32, #tpu.memory_space<hbm>> -> memref<100000x768xf32, #tpu.memory_space<hbm>>
    tpu.wait_indirect_dma semaphore(%arg15 : memref<!tpu.dma_semaphore, #tpu.memory_space<semaphore_mem>>) src(%dma_wait3A_1430 : memref<100000x768xf32, #tpu.memory_space<hbm>>) dst(%arg11 : memref<32x768xf32, #tpu.memory_space<vmem>>)
    %scan3A_1431 = arith.constant 0 : i32
    %scan3A_1432 = arith.constant 8 : i32
    %scan3A_1433 = arith.addi %scan3A_1431, %scan3A_1432 : i32
    %scan3A_1434 = arith.constant 1 : i32
    scf.for %scan3A_2248 = %scan3A_1431 to %scan3A_1433 step %scan3A_1434  : i32 {
      %mul3A_2249 = arith.constant 1 : i32
      %mul3A_2250 = arith.muli %scan3A_2248, %mul3A_2249 : i32
      %add3A_2251 = arith.constant 0 : i32
      %add3A_2252 = arith.addi %add3A_2251, %mul3A_2250 : i32
      %parallel_loop3A = arith.constant 0 : i32
      %parallel_loop3A_2253 = arith.constant 768 : i32
      %parallel_loop3A_2254 = arith.constant 16 : i32
      scf.for %parallel_loop3A_2255 = %parallel_loop3A to %parallel_loop3A_2253 step %parallel_loop3A_2254  : i32 {
        %parallel_loop3A_2256 = arith.constant 3 : i32
        %parallel_loop3A_2257 = arith.index_cast %parallel_loop3A_2256 : i32 to index
        %parallel_loop3A_2258 = arith.index_cast %add3A_2252 : i32 to index
        %parallel_loop3A_2259 = arith.index_cast %parallel_loop3A_2255 : i32 to index
        %parallel_loop3A_2260 = tpu.vector_load %arg7[%parallel_loop3A_2257, %parallel_loop3A_2258, %parallel_loop3A_2259] {strides = array<i32>} : memref<4x8x768xf32, #tpu.memory_space<vmem>>, vector<1x1x16xf32>,
        %parallel_loop3A_2261 = vector.shape_cast %parallel_loop3A_2260 : vector<1x1x16xf32> to vector<16xf32>
        %parallel_loop3A_2262 = arith.constant 0 : i32
        %parallel_loop3A_2263 = arith.addi %parallel_loop3A_2262, %add3A_2252 : i32
        %parallel_loop3A_2264 = arith.index_cast %parallel_loop3A_2263 : i32 to index
        %parallel_loop3A_2265 = arith.index_cast %parallel_loop3A_2255 : i32 to index
        %parallel_loop3A_2266 = tpu.vector_load %arg11[%parallel_loop3A_2264, %parallel_loop3A_2265] {strides = array<i32>} : memref<32x768xf32, #tpu.memory_space<vmem>>, vector<1x16xf32>,
        %parallel_loop3A_2267 = vector.shape_cast %parallel_loop3A_2266 : vector<1x16xf32> to vector<16xf32>
        %parallel_loop3A_2268 = vector.shape_cast %parallel_loop3A_2261 : vector<16xf32> to vector<1x16xf32>
        tpu.vector_store %arg11[%parallel_loop3A_2264, %parallel_loop3A_2265], %parallel_loop3A_2268 {add = true, strides = array<i32>} : memref<32x768xf32, #tpu.memory_space<vmem>>, vector<1x16xf32>,
        %parallel_loop3A_2269 = arith.constant 8 : i32
        %parallel_loop3A_2270 = arith.addi %parallel_loop3A_2269, %add3A_2252 : i32
        %parallel_loop3A_2271 = arith.index_cast %parallel_loop3A_2270 : i32 to index
        %parallel_loop3A_2272 = arith.index_cast %parallel_loop3A_2255 : i32 to index
        %parallel_loop3A_2273 = tpu.vector_load %arg11[%parallel_loop3A_2271, %parallel_loop3A_2272] {strides = array<i32>} : memref<32x768xf32, #tpu.memory_space<vmem>>, vector<1x16xf32>,
        %parallel_loop3A_2274 = vector.shape_cast %parallel_loop3A_2273 : vector<1x16xf32> to vector<16xf32>
        %parallel_loop3A_2275 = vector.shape_cast %parallel_loop3A_2261 : vector<16xf32> to vector<1x16xf32>
        tpu.vector_store %arg11[%parallel_loop3A_2271, %parallel_loop3A_2272], %parallel_loop3A_2275 {add = true, strides = array<i32>} : memref<32x768xf32, #tpu.memory_space<vmem>>, vector<1x16xf32>,
        %parallel_loop3A_2276 = arith.constant 16 : i32
        %parallel_loop3A_2277 = arith.addi %parallel_loop3A_2276, %add3A_2252 : i32
        %parallel_loop3A_2278 = arith.index_cast %parallel_loop3A_2277 : i32 to index
        %parallel_loop3A_2279 = arith.index_cast %parallel_loop3A_2255 : i32 to index
        %parallel_loop3A_2280 = tpu.vector_load %arg11[%parallel_loop3A_2278, %parallel_loop3A_2279] {strides = array<i32>} : memref<32x768xf32, #tpu.memory_space<vmem>>, vector<1x16xf32>,
        %parallel_loop3A_2281 = vector.shape_cast %parallel_loop3A_2280 : vector<1x16xf32> to vector<16xf32>
        %parallel_loop3A_2282 = vector.shape_cast %parallel_loop3A_2261 : vector<16xf32> to vector<1x16xf32>
        tpu.vector_store %arg11[%parallel_loop3A_2278, %parallel_loop3A_2279], %parallel_loop3A_2282 {add = true, strides = array<i32>} : memref<32x768xf32, #tpu.memory_space<vmem>>, vector<1x16xf32>,
        %parallel_loop3A_2283 = arith.constant 24 : i32
        %parallel_loop3A_2284 = arith.addi %parallel_loop3A_2283, %add3A_2252 : i32
        %parallel_loop3A_2285 = arith.index_cast %parallel_loop3A_2284 : i32 to index
        %parallel_loop3A_2286 = arith.index_cast %parallel_loop3A_2255 : i32 to index
        %parallel_loop3A_2287 = tpu.vector_load %arg11[%parallel_loop3A_2285, %parallel_loop3A_2286] {strides = array<i32>} : memref<32x768xf32, #tpu.memory_space<vmem>>, vector<1x16xf32>,
        %parallel_loop3A_2288 = vector.shape_cast %parallel_loop3A_2287 : vector<1x16xf32> to vector<16xf32>
        %parallel_loop3A_2289 = vector.shape_cast %parallel_loop3A_2261 : vector<16xf32> to vector<1x16xf32>
        tpu.vector_store %arg11[%parallel_loop3A_2285, %parallel_loop3A_2286], %parallel_loop3A_2289 {add = true, strides = array<i32>} : memref<32x768xf32, #tpu.memory_space<vmem>>, vector<1x16xf32>,
      } {sc.loop_unroll_factor = 4 : i64, sc.parallel_access}
    }
    %scan3A_1435 = arith.constant 8 : i32
    %add3A_1436 = arith.constant 24 : i32
    %add3A_1437 = arith.addi %mul3A_2, %add3A_1436 : i32
    %dma_start3A_1438 = arith.constant 0 : i32
    %dma_start3A_1439 = arith.constant 0 : i32
    %dma_start3A_1440 = arith.constant 0 : i32
    %dma_start3A_1441 = tpu.memref_slice %arg11[%dma_start3A_1439, %dma_start3A_1440] : memref<32x768xf32, #tpu.memory_space<vmem>> -> memref<8x768xf32, #tpu.memory_space<vmem>>
    %dma_start3A_1442 = arith.constant 0 : i32
    %dma_start3A_1443 = tpu.memref_slice %arg5[%dma_start3A_1438, %add3A_1437, %dma_start3A_1442] : memref<4x2048x768xf32, #tpu.memory_space<hbm>> -> memref<1x8x768xf32, #tpu.memory_space<hbm>>
    %dma_start3A_1444 = tpu.memref_squeeze %dma_start3A_1443 : memref<1x8x768xf32, #tpu.memory_space<hbm>> -> memref<8x768xf32, #tpu.memory_space<hbm>>
    %dma_start3A_1445 = arith.constant 0 : i32
    %dma_start3A_1446 = tpu.memref_slice %arg5[%dma_start3A_1438, %add3A_1437, %dma_start3A_1445] : memref<4x2048x768xf32, #tpu.memory_space<hbm>> -> memref<1x8x768xf32, #tpu.memory_space<hbm>>
    %dma_start3A_1447 = tpu.memref_squeeze %dma_start3A_1446 : memref<1x8x768xf32, #tpu.memory_space<hbm>> -> memref<8x768xf32, #tpu.memory_space<hbm>>
    %dma_start3A_1448 = arith.constant 0 : i32
    %dma_start3A_1449 = arith.constant 0 : i32
    %dma_start3A_1450 = tpu.memref_slice %arg11[%dma_start3A_1448, %dma_start3A_1449] : memref<32x768xf32, #tpu.memory_space<vmem>> -> memref<8x768xf32, #tpu.memory_space<vmem>>
    tpu.enqueue_dma source(%dma_start3A_1450 : memref<8x768xf32, #tpu.memory_space<vmem>>) target(%dma_start3A_1447 : memref<8x768xf32, #tpu.memory_space<hbm>>) target_semaphore(%arg19 : memref<!tpu.dma_semaphore, #tpu.memory_space<semaphore_mem>>)
    %add3A_1451 = arith.constant 24 : i32
    %add3A_1452 = arith.addi %mul3A_2, %add3A_1451 : i32
    %dma_start3A_1453 = arith.constant 1 : i32
    %dma_start3A_1454 = arith.constant 8 : i32
    %dma_start3A_1455 = arith.constant 0 : i32
    %dma_start3A_1456 = tpu.memref_slice %arg11[%dma_start3A_1454, %dma_start3A_1455] : memref<32x768xf32, #tpu.memory_space<vmem>> -> memref<8x768xf32, #tpu.memory_space<vmem>>
    %dma_start3A_1457 = arith.constant 0 : i32
    %dma_start3A_1458 = tpu.memref_slice %arg5[%dma_start3A_1453, %add3A_1452, %dma_start3A_1457] : memref<4x2048x768xf32, #tpu.memory_space<hbm>> -> memref<1x8x768xf32, #tpu.memory_space<hbm>>
    %dma_start3A_1459 = tpu.memref_squeeze %dma_start3A_1458 : memref<1x8x768xf32, #tpu.memory_space<hbm>> -> memref<8x768xf32, #tpu.memory_space<hbm>>
    %dma_start3A_1460 = arith.constant 0 : i32
    %dma_start3A_1461 = tpu.memref_slice %arg5[%dma_start3A_1453, %add3A_1452, %dma_start3A_1460] : memref<4x2048x768xf32, #tpu.memory_space<hbm>> -> memref<1x8x768xf32, #tpu.memory_space<hbm>>
    %dma_start3A_1462 = tpu.memref_squeeze %dma_start3A_1461 : memref<1x8x768xf32, #tpu.memory_space<hbm>> -> memref<8x768xf32, #tpu.memory_space<hbm>>
    %dma_start3A_1463 = arith.constant 8 : i32
    %dma_start3A_1464 = arith.constant 0 : i32
    %dma_start3A_1465 = tpu.memref_slice %arg11[%dma_start3A_1463, %dma_start3A_1464] : memref<32x768xf32, #tpu.memory_space<vmem>> -> memref<8x768xf32, #tpu.memory_space<vmem>>
    tpu.enqueue_dma source(%dma_start3A_1465 : memref<8x768xf32, #tpu.memory_space<vmem>>) target(%dma_start3A_1462 : memref<8x768xf32, #tpu.memory_space<hbm>>) target_semaphore(%arg19 : memref<!tpu.dma_semaphore, #tpu.memory_space<semaphore_mem>>)
    %add3A_1466 = arith.constant 24 : i32
    %add3A_1467 = arith.addi %mul3A_2, %add3A_1466 : i32
    %dma_start3A_1468 = arith.constant 2 : i32
    %dma_start3A_1469 = arith.constant 16 : i32
    %dma_start3A_1470 = arith.constant 0 : i32
    %dma_start3A_1471 = tpu.memref_slice %arg11[%dma_start3A_1469, %dma_start3A_1470] : memref<32x768xf32, #tpu.memory_space<vmem>> -> memref<8x768xf32, #tpu.memory_space<vmem>>
    %dma_start3A_1472 = arith.constant 0 : i32
    %dma_start3A_1473 = tpu.memref_slice %arg5[%dma_start3A_1468, %add3A_1467, %dma_start3A_1472] : memref<4x2048x768xf32, #tpu.memory_space<hbm>> -> memref<1x8x768xf32, #tpu.memory_space<hbm>>
    %dma_start3A_1474 = tpu.memref_squeeze %dma_start3A_1473 : memref<1x8x768xf32, #tpu.memory_space<hbm>> -> memref<8x768xf32, #tpu.memory_space<hbm>>
    %dma_start3A_1475 = arith.constant 0 : i32
    %dma_start3A_1476 = tpu.memref_slice %arg5[%dma_start3A_1468, %add3A_1467, %dma_start3A_1475] : memref<4x2048x768xf32, #tpu.memory_space<hbm>> -> memref<1x8x768xf32, #tpu.memory_space<hbm>>
    %dma_start3A_1477 = tpu.memref_squeeze %dma_start3A_1476 : memref<1x8x768xf32, #tpu.memory_space<hbm>> -> memref<8x768xf32, #tpu.memory_space<hbm>>
    %dma_start3A_1478 = arith.constant 16 : i32
    %dma_start3A_1479 = arith.constant 0 : i32
    %dma_start3A_1480 = tpu.memref_slice %arg11[%dma_start3A_1478, %dma_start3A_1479] : memref<32x768xf32, #tpu.memory_space<vmem>> -> memref<8x768xf32, #tpu.memory_space<vmem>>
    tpu.enqueue_dma source(%dma_start3A_1480 : memref<8x768xf32, #tpu.memory_space<vmem>>) target(%dma_start3A_1477 : memref<8x768xf32, #tpu.memory_space<hbm>>) target_semaphore(%arg19 : memref<!tpu.dma_semaphore, #tpu.memory_space<semaphore_mem>>)
    %add3A_1481 = arith.constant 24 : i32
    %add3A_1482 = arith.addi %mul3A_2, %add3A_1481 : i32
    %dma_start3A_1483 = arith.constant 3 : i32
    %dma_start3A_1484 = arith.constant 24 : i32
    %dma_start3A_1485 = arith.constant 0 : i32
    %dma_start3A_1486 = tpu.memref_slice %arg11[%dma_start3A_1484, %dma_start3A_1485] : memref<32x768xf32, #tpu.memory_space<vmem>> -> memref<8x768xf32, #tpu.memory_space<vmem>>
    %dma_start3A_1487 = arith.constant 0 : i32
    %dma_start3A_1488 = tpu.memref_slice %arg5[%dma_start3A_1483, %add3A_1482, %dma_start3A_1487] : memref<4x2048x768xf32, #tpu.memory_space<hbm>> -> memref<1x8x768xf32, #tpu.memory_space<hbm>>
    %dma_start3A_1489 = tpu.memref_squeeze %dma_start3A_1488 : memref<1x8x768xf32, #tpu.memory_space<hbm>> -> memref<8x768xf32, #tpu.memory_space<hbm>>
    %dma_start3A_1490 = arith.constant 0 : i32
    %dma_start3A_1491 = tpu.memref_slice %arg5[%dma_start3A_1483, %add3A_1482, %dma_start3A_1490] : memref<4x2048x768xf32, #tpu.memory_space<hbm>> -> memref<1x8x768xf32, #tpu.memory_space<hbm>>
    %dma_start3A_1492 = tpu.memref_squeeze %dma_start3A_1491 : memref<1x8x768xf32, #tpu.memory_space<hbm>> -> memref<8x768xf32, #tpu.memory_space<hbm>>
    %dma_start3A_1493 = arith.constant 24 : i32
    %dma_start3A_1494 = arith.constant 0 : i32
    %dma_start3A_1495 = tpu.memref_slice %arg11[%dma_start3A_1493, %dma_start3A_1494] : memref<32x768xf32, #tpu.memory_space<vmem>> -> memref<8x768xf32, #tpu.memory_space<vmem>>
    tpu.enqueue_dma source(%dma_start3A_1495 : memref<8x768xf32, #tpu.memory_space<vmem>>) target(%dma_start3A_1492 : memref<8x768xf32, #tpu.memory_space<hbm>>) target_semaphore(%arg19 : memref<!tpu.dma_semaphore, #tpu.memory_space<semaphore_mem>>)
    %add3A_1496 = arith.constant 16 : i32
    %add3A_1497 = arith.addi %mul3A_2, %add3A_1496 : i32
    %dma_wait3A_1498 = arith.constant 0 : i32
    %dma_wait3A_1499 = arith.constant 0 : i32
    %dma_wait3A_1500 = arith.constant 0 : i32
    %dma_wait3A_1501 = tpu.memref_slice %arg10[%dma_wait3A_1499, %dma_wait3A_1500] : memref<32x768xf32, #tpu.memory_space<vmem>> -> memref<8x768xf32, #tpu.memory_space<vmem>>
    %dma_wait3A_1502 = arith.constant 0 : i32
    %dma_wait3A_1503 = tpu.memref_slice %arg5[%dma_wait3A_1498, %add3A_1497, %dma_wait3A_1502] : memref<4x2048x768xf32, #tpu.memory_space<hbm>> -> memref<1x8x768xf32, #tpu.memory_space<hbm>>
    %dma_wait3A_1504 = tpu.memref_squeeze %dma_wait3A_1503 : memref<1x8x768xf32, #tpu.memory_space<hbm>> -> memref<8x768xf32, #tpu.memory_space<hbm>>
    %dma_wait3A_1505 = arith.constant 0 : i32
    %dma_wait3A_1506 = tpu.memref_slice %arg5[%dma_wait3A_1498, %add3A_1497, %dma_wait3A_1505] : memref<4x2048x768xf32, #tpu.memory_space<hbm>> -> memref<1x8x768xf32, #tpu.memory_space<hbm>>
    %dma_wait3A_1507 = tpu.memref_squeeze %dma_wait3A_1506 : memref<1x8x768xf32, #tpu.memory_space<hbm>> -> memref<8x768xf32, #tpu.memory_space<hbm>>
    %dma_wait3A_1508 = arith.constant 0 : i32
    %dma_wait3A_1509 = arith.constant 0 : i32
    %dma_wait3A_1510 = tpu.memref_slice %arg10[%dma_wait3A_1508, %dma_wait3A_1509] : memref<32x768xf32, #tpu.memory_space<vmem>> -> memref<8x768xf32, #tpu.memory_space<vmem>>
    tpu.wait_dma2 semaphore(%arg18 : memref<!tpu.dma_semaphore, #tpu.memory_space<semaphore_mem>>) src(%dma_wait3A_1510 : memref<8x768xf32, #tpu.memory_space<vmem>>) dst(%dma_wait3A_1507 : memref<8x768xf32, #tpu.memory_space<hbm>>)
    %add3A_1511 = arith.constant 16 : i32
    %add3A_1512 = arith.addi %mul3A_2, %add3A_1511 : i32
    %dma_wait3A_1513 = arith.constant 1 : i32
    %dma_wait3A_1514 = arith.constant 8 : i32
    %dma_wait3A_1515 = arith.constant 0 : i32
    %dma_wait3A_1516 = tpu.memref_slice %arg10[%dma_wait3A_1514, %dma_wait3A_1515] : memref<32x768xf32, #tpu.memory_space<vmem>> -> memref<8x768xf32, #tpu.memory_space<vmem>>
    %dma_wait3A_1517 = arith.constant 0 : i32
    %dma_wait3A_1518 = tpu.memref_slice %arg5[%dma_wait3A_1513, %add3A_1512, %dma_wait3A_1517] : memref<4x2048x768xf32, #tpu.memory_space<hbm>> -> memref<1x8x768xf32, #tpu.memory_space<hbm>>
    %dma_wait3A_1519 = tpu.memref_squeeze %dma_wait3A_1518 : memref<1x8x768xf32, #tpu.memory_space<hbm>> -> memref<8x768xf32, #tpu.memory_space<hbm>>
    %dma_wait3A_1520 = arith.constant 0 : i32
    %dma_wait3A_1521 = tpu.memref_slice %arg5[%dma_wait3A_1513, %add3A_1512, %dma_wait3A_1520] : memref<4x2048x768xf32, #tpu.memory_space<hbm>> -> memref<1x8x768xf32, #tpu.memory_space<hbm>>
    %dma_wait3A_1522 = tpu.memref_squeeze %dma_wait3A_1521 : memref<1x8x768xf32, #tpu.memory_space<hbm>> -> memref<8x768xf32, #tpu.memory_space<hbm>>
    %dma_wait3A_1523 = arith.constant 8 : i32
    %dma_wait3A_1524 = arith.constant 0 : i32
    %dma_wait3A_1525 = tpu.memref_slice %arg10[%dma_wait3A_1523, %dma_wait3A_1524] : memref<32x768xf32, #tpu.memory_space<vmem>> -> memref<8x768xf32, #tpu.memory_space<vmem>>
    tpu.wait_dma2 semaphore(%arg18 : memref<!tpu.dma_semaphore, #tpu.memory_space<semaphore_mem>>) src(%dma_wait3A_1525 : memref<8x768xf32, #tpu.memory_space<vmem>>) dst(%dma_wait3A_1522 : memref<8x768xf32, #tpu.memory_space<hbm>>)
    %add3A_1526 = arith.constant 16 : i32
    %add3A_1527 = arith.addi %mul3A_2, %add3A_1526 : i32
    %dma_wait3A_1528 = arith.constant 2 : i32
    %dma_wait3A_1529 = arith.constant 16 : i32
    %dma_wait3A_1530 = arith.constant 0 : i32
    %dma_wait3A_1531 = tpu.memref_slice %arg10[%dma_wait3A_1529, %dma_wait3A_1530] : memref<32x768xf32, #tpu.memory_space<vmem>> -> memref<8x768xf32, #tpu.memory_space<vmem>>
    %dma_wait3A_1532 = arith.constant 0 : i32
    %dma_wait3A_1533 = tpu.memref_slice %arg5[%dma_wait3A_1528, %add3A_1527, %dma_wait3A_1532] : memref<4x2048x768xf32, #tpu.memory_space<hbm>> -> memref<1x8x768xf32, #tpu.memory_space<hbm>>
    %dma_wait3A_1534 = tpu.memref_squeeze %dma_wait3A_1533 : memref<1x8x768xf32, #tpu.memory_space<hbm>> -> memref<8x768xf32, #tpu.memory_space<hbm>>
    %dma_wait3A_1535 = arith.constant 0 : i32
    %dma_wait3A_1536 = tpu.memref_slice %arg5[%dma_wait3A_1528, %add3A_1527, %dma_wait3A_1535] : memref<4x2048x768xf32, #tpu.memory_space<hbm>> -> memref<1x8x768xf32, #tpu.memory_space<hbm>>
    %dma_wait3A_1537 = tpu.memref_squeeze %dma_wait3A_1536 : memref<1x8x768xf32, #tpu.memory_space<hbm>> -> memref<8x768xf32, #tpu.memory_space<hbm>>
    %dma_wait3A_1538 = arith.constant 16 : i32
    %dma_wait3A_1539 = arith.constant 0 : i32
    %dma_wait3A_1540 = tpu.memref_slice %arg10[%dma_wait3A_1538, %dma_wait3A_1539] : memref<32x768xf32, #tpu.memory_space<vmem>> -> memref<8x768xf32, #tpu.memory_space<vmem>>
    tpu.wait_dma2 semaphore(%arg18 : memref<!tpu.dma_semaphore, #tpu.memory_space<semaphore_mem>>) src(%dma_wait3A_1540 : memref<8x768xf32, #tpu.memory_space<vmem>>) dst(%dma_wait3A_1537 : memref<8x768xf32, #tpu.memory_space<hbm>>)
    %add3A_1541 = arith.constant 16 : i32
    %add3A_1542 = arith.addi %mul3A_2, %add3A_1541 : i32
    %dma_wait3A_1543 = arith.constant 3 : i32
    %dma_wait3A_1544 = arith.constant 24 : i32
    %dma_wait3A_1545 = arith.constant 0 : i32
    %dma_wait3A_1546 = tpu.memref_slice %arg10[%dma_wait3A_1544, %dma_wait3A_1545] : memref<32x768xf32, #tpu.memory_space<vmem>> -> memref<8x768xf32, #tpu.memory_space<vmem>>
    %dma_wait3A_1547 = arith.constant 0 : i32
    %dma_wait3A_1548 = tpu.memref_slice %arg5[%dma_wait3A_1543, %add3A_1542, %dma_wait3A_1547] : memref<4x2048x768xf32, #tpu.memory_space<hbm>> -> memref<1x8x768xf32, #tpu.memory_space<hbm>>
    %dma_wait3A_1549 = tpu.memref_squeeze %dma_wait3A_1548 : memref<1x8x768xf32, #tpu.memory_space<hbm>> -> memref<8x768xf32, #tpu.memory_space<hbm>>
    %dma_wait3A_1550 = arith.constant 0 : i32
    %dma_wait3A_1551 = tpu.memref_slice %arg5[%dma_wait3A_1543, %add3A_1542, %dma_wait3A_1550] : memref<4x2048x768xf32, #tpu.memory_space<hbm>> -> memref<1x8x768xf32, #tpu.memory_space<hbm>>
    %dma_wait3A_1552 = tpu.memref_squeeze %dma_wait3A_1551 : memref<1x8x768xf32, #tpu.memory_space<hbm>> -> memref<8x768xf32, #tpu.memory_space<hbm>>
    %dma_wait3A_1553 = arith.constant 24 : i32
    %dma_wait3A_1554 = arith.constant 0 : i32
    %dma_wait3A_1555 = tpu.memref_slice %arg10[%dma_wait3A_1553, %dma_wait3A_1554] : memref<32x768xf32, #tpu.memory_space<vmem>> -> memref<8x768xf32, #tpu.memory_space<vmem>>
    tpu.wait_dma2 semaphore(%arg18 : memref<!tpu.dma_semaphore, #tpu.memory_space<semaphore_mem>>) src(%dma_wait3A_1555 : memref<8x768xf32, #tpu.memory_space<vmem>>) dst(%dma_wait3A_1552 : memref<8x768xf32, #tpu.memory_space<hbm>>)
    %dma_start3A_1556 = arith.constant 6 : i32
    %dma_start3A_1557 = arith.constant 0 : i32
    %dma_start3A_1558 = tpu.memref_slice %arg6[%dma_start3A_1556, %dma_start3A_1557] : memref<8x32xi32, #tpu.memory_space<vmem>> -> memref<1x32xi32, #tpu.memory_space<vmem>>
    %dma_start3A_1559 = tpu.memref_squeeze %dma_start3A_1558 : memref<1x32xi32, #tpu.memory_space<vmem>> -> memref<32xi32, #tpu.memory_space<vmem>>
    %dma_start3A_1560 = arith.constant 0 : i32
    %dma_start3A_1561 = arith.constant 0 : i32
    %dma_start3A_1562 = tpu.memref_slice %arg3[%dma_start3A_1560, %dma_start3A_1561] : memref<100000x768xf32, #tpu.memory_space<hbm>> -> memref<100000x768xf32, #tpu.memory_space<hbm>>
    tpu.enqueue_indirect_dma source(%dma_start3A_1562 : memref<100000x768xf32, #tpu.memory_space<hbm>>) target(%arg10 : memref<32x768xf32, #tpu.memory_space<vmem>>) offsets(%dma_start3A_1559 : memref<32xi32, #tpu.memory_space<vmem>>) semaphore(%arg14 : memref<!tpu.dma_semaphore, #tpu.memory_space<semaphore_mem>>)
    %add3A_1563 = arith.constant 48 : i32
    %add3A_1564 = arith.addi %mul3A_2, %add3A_1563 : i32
    %dma_start3A_1565 = arith.constant 2 : i32
    %dma_start3A_1566 = arith.constant 0 : i32
    %dma_start3A_1567 = arith.constant 0 : i32
    %dma_start3A_1568 = tpu.memref_slice %arg7[%dma_start3A_1565, %dma_start3A_1566, %dma_start3A_1567] : memref<4x8x768xf32, #tpu.memory_space<vmem>> -> memref<1x8x768xf32, #tpu.memory_space<vmem>>
    %dma_start3A_1569 = tpu.memref_squeeze %dma_start3A_1568 : memref<1x8x768xf32, #tpu.memory_space<vmem>> -> memref<8x768xf32, #tpu.memory_space<vmem>>
    %dma_start3A_1570 = arith.constant 0 : i32
    %dma_start3A_1571 = tpu.memref_slice %arg4[%add3A_1564, %dma_start3A_1570] : memref<2048x768xf32, #tpu.memory_space<hbm>> -> memref<8x768xf32, #tpu.memory_space<hbm>>
    %dma_start3A_1572 = arith.constant 0 : i32
    %dma_start3A_1573 = arith.constant 0 : i32
    %dma_start3A_1574 = tpu.memref_slice %arg7[%dma_start3A_1565, %dma_start3A_1572, %dma_start3A_1573] : memref<4x8x768xf32, #tpu.memory_space<vmem>> -> memref<1x8x768xf32, #tpu.memory_space<vmem>>
    %dma_start3A_1575 = tpu.memref_squeeze %dma_start3A_1574 : memref<1x8x768xf32, #tpu.memory_space<vmem>> -> memref<8x768xf32, #tpu.memory_space<vmem>>
    %dma_start3A_1576 = arith.constant 0 : i32
    %dma_start3A_1577 = tpu.memref_slice %arg4[%add3A_1564, %dma_start3A_1576] : memref<2048x768xf32, #tpu.memory_space<hbm>> -> memref<8x768xf32, #tpu.memory_space<hbm>>
    tpu.enqueue_dma source(%dma_start3A_1577 : memref<8x768xf32, #tpu.memory_space<hbm>>) target(%dma_start3A_1575 : memref<8x768xf32, #tpu.memory_space<vmem>>) target_semaphore(%arg23 : memref<!tpu.dma_semaphore, #tpu.memory_space<semaphore_mem>>)
    %add3A_1578 = arith.constant 32 : i32
    %add3A_1579 = arith.addi %mul3A_2, %add3A_1578 : i32
    %dma_wait3A_1580 = arith.constant 0 : i32
    %dma_wait3A_1581 = arith.constant 0 : i32
    %dma_wait3A_1582 = arith.constant 0 : i32
    %dma_wait3A_1583 = tpu.memref_slice %arg7[%dma_wait3A_1580, %dma_wait3A_1581, %dma_wait3A_1582] : memref<4x8x768xf32, #tpu.memory_space<vmem>> -> memref<1x8x768xf32, #tpu.memory_space<vmem>>
    %dma_wait3A_1584 = tpu.memref_squeeze %dma_wait3A_1583 : memref<1x8x768xf32, #tpu.memory_space<vmem>> -> memref<8x768xf32, #tpu.memory_space<vmem>>
    %dma_wait3A_1585 = arith.constant 0 : i32
    %dma_wait3A_1586 = tpu.memref_slice %arg4[%add3A_1579, %dma_wait3A_1585] : memref<2048x768xf32, #tpu.memory_space<hbm>> -> memref<8x768xf32, #tpu.memory_space<hbm>>
    %dma_wait3A_1587 = arith.constant 0 : i32
    %dma_wait3A_1588 = arith.constant 0 : i32
    %dma_wait3A_1589 = tpu.memref_slice %arg7[%dma_wait3A_1580, %dma_wait3A_1587, %dma_wait3A_1588] : memref<4x8x768xf32, #tpu.memory_space<vmem>> -> memref<1x8x768xf32, #tpu.memory_space<vmem>>
    %dma_wait3A_1590 = tpu.memref_squeeze %dma_wait3A_1589 : memref<1x8x768xf32, #tpu.memory_space<vmem>> -> memref<8x768xf32, #tpu.memory_space<vmem>>
    %dma_wait3A_1591 = arith.constant 0 : i32
    %dma_wait3A_1592 = tpu.memref_slice %arg4[%add3A_1579, %dma_wait3A_1591] : memref<2048x768xf32, #tpu.memory_space<hbm>> -> memref<8x768xf32, #tpu.memory_space<hbm>>
    tpu.wait_dma2 semaphore(%arg21 : memref<!tpu.dma_semaphore, #tpu.memory_space<semaphore_mem>>) src(%dma_wait3A_1592 : memref<8x768xf32, #tpu.memory_space<hbm>>) dst(%dma_wait3A_1590 : memref<8x768xf32, #tpu.memory_space<vmem>>)
    %dma_wait3A_1593 = arith.constant 4 : i32
    %dma_wait3A_1594 = arith.constant 0 : i32
    %dma_wait3A_1595 = tpu.memref_slice %arg6[%dma_wait3A_1593, %dma_wait3A_1594] : memref<8x32xi32, #tpu.memory_space<vmem>> -> memref<1x32xi32, #tpu.memory_space<vmem>>
    %dma_wait3A_1596 = tpu.memref_squeeze %dma_wait3A_1595 : memref<1x32xi32, #tpu.memory_space<vmem>> -> memref<32xi32, #tpu.memory_space<vmem>>
    %dma_wait3A_1597 = arith.constant 0 : i32
    %dma_wait3A_1598 = arith.constant 0 : i32
    %dma_wait3A_1599 = tpu.memref_slice %arg3[%dma_wait3A_1597, %dma_wait3A_1598] : memref<100000x768xf32, #tpu.memory_space<hbm>> -> memref<100000x768xf32, #tpu.memory_space<hbm>>
    tpu.wait_indirect_dma semaphore(%arg12 : memref<!tpu.dma_semaphore, #tpu.memory_space<semaphore_mem>>) src(%dma_wait3A_1599 : memref<100000x768xf32, #tpu.memory_space<hbm>>) dst(%arg8 : memref<32x768xf32, #tpu.memory_space<vmem>>)
    %scan3A_1600 = arith.constant 0 : i32
    %scan3A_1601 = arith.constant 8 : i32
    %scan3A_1602 = arith.addi %scan3A_1600, %scan3A_1601 : i32
    %scan3A_1603 = arith.constant 1 : i32
    scf.for %scan3A_2248 = %scan3A_1600 to %scan3A_1602 step %scan3A_1603  : i32 {
      %mul3A_2249 = arith.constant 1 : i32
      %mul3A_2250 = arith.muli %scan3A_2248, %mul3A_2249 : i32
      %add3A_2251 = arith.constant 0 : i32
      %add3A_2252 = arith.addi %add3A_2251, %mul3A_2250 : i32
      %parallel_loop3A = arith.constant 0 : i32
      %parallel_loop3A_2253 = arith.constant 768 : i32
      %parallel_loop3A_2254 = arith.constant 16 : i32
      scf.for %parallel_loop3A_2255 = %parallel_loop3A to %parallel_loop3A_2253 step %parallel_loop3A_2254  : i32 {
        %parallel_loop3A_2256 = arith.constant 0 : i32
        %parallel_loop3A_2257 = arith.index_cast %parallel_loop3A_2256 : i32 to index
        %parallel_loop3A_2258 = arith.index_cast %add3A_2252 : i32 to index
        %parallel_loop3A_2259 = arith.index_cast %parallel_loop3A_2255 : i32 to index
        %parallel_loop3A_2260 = tpu.vector_load %arg7[%parallel_loop3A_2257, %parallel_loop3A_2258, %parallel_loop3A_2259] {strides = array<i32>} : memref<4x8x768xf32, #tpu.memory_space<vmem>>, vector<1x1x16xf32>,
        %parallel_loop3A_2261 = vector.shape_cast %parallel_loop3A_2260 : vector<1x1x16xf32> to vector<16xf32>
        %parallel_loop3A_2262 = arith.constant 0 : i32
        %parallel_loop3A_2263 = arith.addi %parallel_loop3A_2262, %add3A_2252 : i32
        %parallel_loop3A_2264 = arith.index_cast %parallel_loop3A_2263 : i32 to index
        %parallel_loop3A_2265 = arith.index_cast %parallel_loop3A_2255 : i32 to index
        %parallel_loop3A_2266 = tpu.vector_load %arg8[%parallel_loop3A_2264, %parallel_loop3A_2265] {strides = array<i32>} : memref<32x768xf32, #tpu.memory_space<vmem>>, vector<1x16xf32>,
        %parallel_loop3A_2267 = vector.shape_cast %parallel_loop3A_2266 : vector<1x16xf32> to vector<16xf32>
        %parallel_loop3A_2268 = vector.shape_cast %parallel_loop3A_2261 : vector<16xf32> to vector<1x16xf32>
        tpu.vector_store %arg8[%parallel_loop3A_2264, %parallel_loop3A_2265], %parallel_loop3A_2268 {add = true, strides = array<i32>} : memref<32x768xf32, #tpu.memory_space<vmem>>, vector<1x16xf32>,
        %parallel_loop3A_2269 = arith.constant 8 : i32
        %parallel_loop3A_2270 = arith.addi %parallel_loop3A_2269, %add3A_2252 : i32
        %parallel_loop3A_2271 = arith.index_cast %parallel_loop3A_2270 : i32 to index
        %parallel_loop3A_2272 = arith.index_cast %parallel_loop3A_2255 : i32 to index
        %parallel_loop3A_2273 = tpu.vector_load %arg8[%parallel_loop3A_2271, %parallel_loop3A_2272] {strides = array<i32>} : memref<32x768xf32, #tpu.memory_space<vmem>>, vector<1x16xf32>,
        %parallel_loop3A_2274 = vector.shape_cast %parallel_loop3A_2273 : vector<1x16xf32> to vector<16xf32>
        %parallel_loop3A_2275 = vector.shape_cast %parallel_loop3A_2261 : vector<16xf32> to vector<1x16xf32>
        tpu.vector_store %arg8[%parallel_loop3A_2271, %parallel_loop3A_2272], %parallel_loop3A_2275 {add = true, strides = array<i32>} : memref<32x768xf32, #tpu.memory_space<vmem>>, vector<1x16xf32>,
        %parallel_loop3A_2276 = arith.constant 16 : i32
        %parallel_loop3A_2277 = arith.addi %parallel_loop3A_2276, %add3A_2252 : i32
        %parallel_loop3A_2278 = arith.index_cast %parallel_loop3A_2277 : i32 to index
        %parallel_loop3A_2279 = arith.index_cast %parallel_loop3A_2255 : i32 to index
        %parallel_loop3A_2280 = tpu.vector_load %arg8[%parallel_loop3A_2278, %parallel_loop3A_2279] {strides = array<i32>} : memref<32x768xf32, #tpu.memory_space<vmem>>, vector<1x16xf32>,
        %parallel_loop3A_2281 = vector.shape_cast %parallel_loop3A_2280 : vector<1x16xf32> to vector<16xf32>
        %parallel_loop3A_2282 = vector.shape_cast %parallel_loop3A_2261 : vector<16xf32> to vector<1x16xf32>
        tpu.vector_store %arg8[%parallel_loop3A_2278, %parallel_loop3A_2279], %parallel_loop3A_2282 {add = true, strides = array<i32>} : memref<32x768xf32, #tpu.memory_space<vmem>>, vector<1x16xf32>,
        %parallel_loop3A_2283 = arith.constant 24 : i32
        %parallel_loop3A_2284 = arith.addi %parallel_loop3A_2283, %add3A_2252 : i32
        %parallel_loop3A_2285 = arith.index_cast %parallel_loop3A_2284 : i32 to index
        %parallel_loop3A_2286 = arith.index_cast %parallel_loop3A_2255 : i32 to index
        %parallel_loop3A_2287 = tpu.vector_load %arg8[%parallel_loop3A_2285, %parallel_loop3A_2286] {strides = array<i32>} : memref<32x768xf32, #tpu.memory_space<vmem>>, vector<1x16xf32>,
        %parallel_loop3A_2288 = vector.shape_cast %parallel_loop3A_2287 : vector<1x16xf32> to vector<16xf32>
        %parallel_loop3A_2289 = vector.shape_cast %parallel_loop3A_2261 : vector<16xf32> to vector<1x16xf32>
        tpu.vector_store %arg8[%parallel_loop3A_2285, %parallel_loop3A_2286], %parallel_loop3A_2289 {add = true, strides = array<i32>} : memref<32x768xf32, #tpu.memory_space<vmem>>, vector<1x16xf32>,
      } {sc.loop_unroll_factor = 4 : i64, sc.parallel_access}
    }
    %scan3A_1604 = arith.constant 8 : i32
    %add3A_1605 = arith.constant 32 : i32
    %add3A_1606 = arith.addi %mul3A_2, %add3A_1605 : i32
    %dma_start3A_1607 = arith.constant 0 : i32
    %dma_start3A_1608 = arith.constant 0 : i32
    %dma_start3A_1609 = arith.constant 0 : i32
    %dma_start3A_1610 = tpu.memref_slice %arg8[%dma_start3A_1608, %dma_start3A_1609] : memref<32x768xf32, #tpu.memory_space<vmem>> -> memref<8x768xf32, #tpu.memory_space<vmem>>
    %dma_start3A_1611 = arith.constant 0 : i32
    %dma_start3A_1612 = tpu.memref_slice %arg5[%dma_start3A_1607, %add3A_1606, %dma_start3A_1611] : memref<4x2048x768xf32, #tpu.memory_space<hbm>> -> memref<1x8x768xf32, #tpu.memory_space<hbm>>
    %dma_start3A_1613 = tpu.memref_squeeze %dma_start3A_1612 : memref<1x8x768xf32, #tpu.memory_space<hbm>> -> memref<8x768xf32, #tpu.memory_space<hbm>>
    %dma_start3A_1614 = arith.constant 0 : i32
    %dma_start3A_1615 = tpu.memref_slice %arg5[%dma_start3A_1607, %add3A_1606, %dma_start3A_1614] : memref<4x2048x768xf32, #tpu.memory_space<hbm>> -> memref<1x8x768xf32, #tpu.memory_space<hbm>>
    %dma_start3A_1616 = tpu.memref_squeeze %dma_start3A_1615 : memref<1x8x768xf32, #tpu.memory_space<hbm>> -> memref<8x768xf32, #tpu.memory_space<hbm>>
    %dma_start3A_1617 = arith.constant 0 : i32
    %dma_start3A_1618 = arith.constant 0 : i32
    %dma_start3A_1619 = tpu.memref_slice %arg8[%dma_start3A_1617, %dma_start3A_1618] : memref<32x768xf32, #tpu.memory_space<vmem>> -> memref<8x768xf32, #tpu.memory_space<vmem>>
    tpu.enqueue_dma source(%dma_start3A_1619 : memref<8x768xf32, #tpu.memory_space<vmem>>) target(%dma_start3A_1616 : memref<8x768xf32, #tpu.memory_space<hbm>>) target_semaphore(%arg16 : memref<!tpu.dma_semaphore, #tpu.memory_space<semaphore_mem>>)
    %add3A_1620 = arith.constant 32 : i32
    %add3A_1621 = arith.addi %mul3A_2, %add3A_1620 : i32
    %dma_start3A_1622 = arith.constant 1 : i32
    %dma_start3A_1623 = arith.constant 8 : i32
    %dma_start3A_1624 = arith.constant 0 : i32
    %dma_start3A_1625 = tpu.memref_slice %arg8[%dma_start3A_1623, %dma_start3A_1624] : memref<32x768xf32, #tpu.memory_space<vmem>> -> memref<8x768xf32, #tpu.memory_space<vmem>>
    %dma_start3A_1626 = arith.constant 0 : i32
    %dma_start3A_1627 = tpu.memref_slice %arg5[%dma_start3A_1622, %add3A_1621, %dma_start3A_1626] : memref<4x2048x768xf32, #tpu.memory_space<hbm>> -> memref<1x8x768xf32, #tpu.memory_space<hbm>>
    %dma_start3A_1628 = tpu.memref_squeeze %dma_start3A_1627 : memref<1x8x768xf32, #tpu.memory_space<hbm>> -> memref<8x768xf32, #tpu.memory_space<hbm>>
    %dma_start3A_1629 = arith.constant 0 : i32
    %dma_start3A_1630 = tpu.memref_slice %arg5[%dma_start3A_1622, %add3A_1621, %dma_start3A_1629] : memref<4x2048x768xf32, #tpu.memory_space<hbm>> -> memref<1x8x768xf32, #tpu.memory_space<hbm>>
    %dma_start3A_1631 = tpu.memref_squeeze %dma_start3A_1630 : memref<1x8x768xf32, #tpu.memory_space<hbm>> -> memref<8x768xf32, #tpu.memory_space<hbm>>
    %dma_start3A_1632 = arith.constant 8 : i32
    %dma_start3A_1633 = arith.constant 0 : i32
    %dma_start3A_1634 = tpu.memref_slice %arg8[%dma_start3A_1632, %dma_start3A_1633] : memref<32x768xf32, #tpu.memory_space<vmem>> -> memref<8x768xf32, #tpu.memory_space<vmem>>
    tpu.enqueue_dma source(%dma_start3A_1634 : memref<8x768xf32, #tpu.memory_space<vmem>>) target(%dma_start3A_1631 : memref<8x768xf32, #tpu.memory_space<hbm>>) target_semaphore(%arg16 : memref<!tpu.dma_semaphore, #tpu.memory_space<semaphore_mem>>)
    %add3A_1635 = arith.constant 32 : i32
    %add3A_1636 = arith.addi %mul3A_2, %add3A_1635 : i32
    %dma_start3A_1637 = arith.constant 2 : i32
    %dma_start3A_1638 = arith.constant 16 : i32
    %dma_start3A_1639 = arith.constant 0 : i32
    %dma_start3A_1640 = tpu.memref_slice %arg8[%dma_start3A_1638, %dma_start3A_1639] : memref<32x768xf32, #tpu.memory_space<vmem>> -> memref<8x768xf32, #tpu.memory_space<vmem>>
    %dma_start3A_1641 = arith.constant 0 : i32
    %dma_start3A_1642 = tpu.memref_slice %arg5[%dma_start3A_1637, %add3A_1636, %dma_start3A_1641] : memref<4x2048x768xf32, #tpu.memory_space<hbm>> -> memref<1x8x768xf32, #tpu.memory_space<hbm>>
    %dma_start3A_1643 = tpu.memref_squeeze %dma_start3A_1642 : memref<1x8x768xf32, #tpu.memory_space<hbm>> -> memref<8x768xf32, #tpu.memory_space<hbm>>
    %dma_start3A_1644 = arith.constant 0 : i32
    %dma_start3A_1645 = tpu.memref_slice %arg5[%dma_start3A_1637, %add3A_1636, %dma_start3A_1644] : memref<4x2048x768xf32, #tpu.memory_space<hbm>> -> memref<1x8x768xf32, #tpu.memory_space<hbm>>
    %dma_start3A_1646 = tpu.memref_squeeze %dma_start3A_1645 : memref<1x8x768xf32, #tpu.memory_space<hbm>> -> memref<8x768xf32, #tpu.memory_space<hbm>>
    %dma_start3A_1647 = arith.constant 16 : i32
    %dma_start3A_1648 = arith.constant 0 : i32
    %dma_start3A_1649 = tpu.memref_slice %arg8[%dma_start3A_1647, %dma_start3A_1648] : memref<32x768xf32, #tpu.memory_space<vmem>> -> memref<8x768xf32, #tpu.memory_space<vmem>>
    tpu.enqueue_dma source(%dma_start3A_1649 : memref<8x768xf32, #tpu.memory_space<vmem>>) target(%dma_start3A_1646 : memref<8x768xf32, #tpu.memory_space<hbm>>) target_semaphore(%arg16 : memref<!tpu.dma_semaphore, #tpu.memory_space<semaphore_mem>>)
    %add3A_1650 = arith.constant 32 : i32
    %add3A_1651 = arith.addi %mul3A_2, %add3A_1650 : i32
    %dma_start3A_1652 = arith.constant 3 : i32
    %dma_start3A_1653 = arith.constant 24 : i32
    %dma_start3A_1654 = arith.constant 0 : i32
    %dma_start3A_1655 = tpu.memref_slice %arg8[%dma_start3A_1653, %dma_start3A_1654] : memref<32x768xf32, #tpu.memory_space<vmem>> -> memref<8x768xf32, #tpu.memory_space<vmem>>
    %dma_start3A_1656 = arith.constant 0 : i32
    %dma_start3A_1657 = tpu.memref_slice %arg5[%dma_start3A_1652, %add3A_1651, %dma_start3A_1656] : memref<4x2048x768xf32, #tpu.memory_space<hbm>> -> memref<1x8x768xf32, #tpu.memory_space<hbm>>
    %dma_start3A_1658 = tpu.memref_squeeze %dma_start3A_1657 : memref<1x8x768xf32, #tpu.memory_space<hbm>> -> memref<8x768xf32, #tpu.memory_space<hbm>>
    %dma_start3A_1659 = arith.constant 0 : i32
    %dma_start3A_1660 = tpu.memref_slice %arg5[%dma_start3A_1652, %add3A_1651, %dma_start3A_1659] : memref<4x2048x768xf32, #tpu.memory_space<hbm>> -> memref<1x8x768xf32, #tpu.memory_space<hbm>>
    %dma_start3A_1661 = tpu.memref_squeeze %dma_start3A_1660 : memref<1x8x768xf32, #tpu.memory_space<hbm>> -> memref<8x768xf32, #tpu.memory_space<hbm>>
    %dma_start3A_1662 = arith.constant 24 : i32
    %dma_start3A_1663 = arith.constant 0 : i32
    %dma_start3A_1664 = tpu.memref_slice %arg8[%dma_start3A_1662, %dma_start3A_1663] : memref<32x768xf32, #tpu.memory_space<vmem>> -> memref<8x768xf32, #tpu.memory_space<vmem>>
    tpu.enqueue_dma source(%dma_start3A_1664 : memref<8x768xf32, #tpu.memory_space<vmem>>) target(%dma_start3A_1661 : memref<8x768xf32, #tpu.memory_space<hbm>>) target_semaphore(%arg16 : memref<!tpu.dma_semaphore, #tpu.memory_space<semaphore_mem>>)
    %add3A_1665 = arith.constant 24 : i32
    %add3A_1666 = arith.addi %mul3A_2, %add3A_1665 : i32
    %dma_wait3A_1667 = arith.constant 0 : i32
    %dma_wait3A_1668 = arith.constant 0 : i32
    %dma_wait3A_1669 = arith.constant 0 : i32
    %dma_wait3A_1670 = tpu.memref_slice %arg11[%dma_wait3A_1668, %dma_wait3A_1669] : memref<32x768xf32, #tpu.memory_space<vmem>> -> memref<8x768xf32, #tpu.memory_space<vmem>>
    %dma_wait3A_1671 = arith.constant 0 : i32
    %dma_wait3A_1672 = tpu.memref_slice %arg5[%dma_wait3A_1667, %add3A_1666, %dma_wait3A_1671] : memref<4x2048x768xf32, #tpu.memory_space<hbm>> -> memref<1x8x768xf32, #tpu.memory_space<hbm>>
    %dma_wait3A_1673 = tpu.memref_squeeze %dma_wait3A_1672 : memref<1x8x768xf32, #tpu.memory_space<hbm>> -> memref<8x768xf32, #tpu.memory_space<hbm>>
    %dma_wait3A_1674 = arith.constant 0 : i32
    %dma_wait3A_1675 = tpu.memref_slice %arg5[%dma_wait3A_1667, %add3A_1666, %dma_wait3A_1674] : memref<4x2048x768xf32, #tpu.memory_space<hbm>> -> memref<1x8x768xf32, #tpu.memory_space<hbm>>
    %dma_wait3A_1676 = tpu.memref_squeeze %dma_wait3A_1675 : memref<1x8x768xf32, #tpu.memory_space<hbm>> -> memref<8x768xf32, #tpu.memory_space<hbm>>
    %dma_wait3A_1677 = arith.constant 0 : i32
    %dma_wait3A_1678 = arith.constant 0 : i32
    %dma_wait3A_1679 = tpu.memref_slice %arg11[%dma_wait3A_1677, %dma_wait3A_1678] : memref<32x768xf32, #tpu.memory_space<vmem>> -> memref<8x768xf32, #tpu.memory_space<vmem>>
    tpu.wait_dma2 semaphore(%arg19 : memref<!tpu.dma_semaphore, #tpu.memory_space<semaphore_mem>>) src(%dma_wait3A_1679 : memref<8x768xf32, #tpu.memory_space<vmem>>) dst(%dma_wait3A_1676 : memref<8x768xf32, #tpu.memory_space<hbm>>)
    %add3A_1680 = arith.constant 24 : i32
    %add3A_1681 = arith.addi %mul3A_2, %add3A_1680 : i32
    %dma_wait3A_1682 = arith.constant 1 : i32
    %dma_wait3A_1683 = arith.constant 8 : i32
    %dma_wait3A_1684 = arith.constant 0 : i32
    %dma_wait3A_1685 = tpu.memref_slice %arg11[%dma_wait3A_1683, %dma_wait3A_1684] : memref<32x768xf32, #tpu.memory_space<vmem>> -> memref<8x768xf32, #tpu.memory_space<vmem>>
    %dma_wait3A_1686 = arith.constant 0 : i32
    %dma_wait3A_1687 = tpu.memref_slice %arg5[%dma_wait3A_1682, %add3A_1681, %dma_wait3A_1686] : memref<4x2048x768xf32, #tpu.memory_space<hbm>> -> memref<1x8x768xf32, #tpu.memory_space<hbm>>
    %dma_wait3A_1688 = tpu.memref_squeeze %dma_wait3A_1687 : memref<1x8x768xf32, #tpu.memory_space<hbm>> -> memref<8x768xf32, #tpu.memory_space<hbm>>
    %dma_wait3A_1689 = arith.constant 0 : i32
    %dma_wait3A_1690 = tpu.memref_slice %arg5[%dma_wait3A_1682, %add3A_1681, %dma_wait3A_1689] : memref<4x2048x768xf32, #tpu.memory_space<hbm>> -> memref<1x8x768xf32, #tpu.memory_space<hbm>>
    %dma_wait3A_1691 = tpu.memref_squeeze %dma_wait3A_1690 : memref<1x8x768xf32, #tpu.memory_space<hbm>> -> memref<8x768xf32, #tpu.memory_space<hbm>>
    %dma_wait3A_1692 = arith.constant 8 : i32
    %dma_wait3A_1693 = arith.constant 0 : i32
    %dma_wait3A_1694 = tpu.memref_slice %arg11[%dma_wait3A_1692, %dma_wait3A_1693] : memref<32x768xf32, #tpu.memory_space<vmem>> -> memref<8x768xf32, #tpu.memory_space<vmem>>
    tpu.wait_dma2 semaphore(%arg19 : memref<!tpu.dma_semaphore, #tpu.memory_space<semaphore_mem>>) src(%dma_wait3A_1694 : memref<8x768xf32, #tpu.memory_space<vmem>>) dst(%dma_wait3A_1691 : memref<8x768xf32, #tpu.memory_space<hbm>>)
    %add3A_1695 = arith.constant 24 : i32
    %add3A_1696 = arith.addi %mul3A_2, %add3A_1695 : i32
    %dma_wait3A_1697 = arith.constant 2 : i32
    %dma_wait3A_1698 = arith.constant 16 : i32
    %dma_wait3A_1699 = arith.constant 0 : i32
    %dma_wait3A_1700 = tpu.memref_slice %arg11[%dma_wait3A_1698, %dma_wait3A_1699] : memref<32x768xf32, #tpu.memory_space<vmem>> -> memref<8x768xf32, #tpu.memory_space<vmem>>
    %dma_wait3A_1701 = arith.constant 0 : i32
    %dma_wait3A_1702 = tpu.memref_slice %arg5[%dma_wait3A_1697, %add3A_1696, %dma_wait3A_1701] : memref<4x2048x768xf32, #tpu.memory_space<hbm>> -> memref<1x8x768xf32, #tpu.memory_space<hbm>>
    %dma_wait3A_1703 = tpu.memref_squeeze %dma_wait3A_1702 : memref<1x8x768xf32, #tpu.memory_space<hbm>> -> memref<8x768xf32, #tpu.memory_space<hbm>>
    %dma_wait3A_1704 = arith.constant 0 : i32
    %dma_wait3A_1705 = tpu.memref_slice %arg5[%dma_wait3A_1697, %add3A_1696, %dma_wait3A_1704] : memref<4x2048x768xf32, #tpu.memory_space<hbm>> -> memref<1x8x768xf32, #tpu.memory_space<hbm>>
    %dma_wait3A_1706 = tpu.memref_squeeze %dma_wait3A_1705 : memref<1x8x768xf32, #tpu.memory_space<hbm>> -> memref<8x768xf32, #tpu.memory_space<hbm>>
    %dma_wait3A_1707 = arith.constant 16 : i32
    %dma_wait3A_1708 = arith.constant 0 : i32
    %dma_wait3A_1709 = tpu.memref_slice %arg11[%dma_wait3A_1707, %dma_wait3A_1708] : memref<32x768xf32, #tpu.memory_space<vmem>> -> memref<8x768xf32, #tpu.memory_space<vmem>>
    tpu.wait_dma2 semaphore(%arg19 : memref<!tpu.dma_semaphore, #tpu.memory_space<semaphore_mem>>) src(%dma_wait3A_1709 : memref<8x768xf32, #tpu.memory_space<vmem>>) dst(%dma_wait3A_1706 : memref<8x768xf32, #tpu.memory_space<hbm>>)
    %add3A_1710 = arith.constant 24 : i32
    %add3A_1711 = arith.addi %mul3A_2, %add3A_1710 : i32
    %dma_wait3A_1712 = arith.constant 3 : i32
    %dma_wait3A_1713 = arith.constant 24 : i32
    %dma_wait3A_1714 = arith.constant 0 : i32
    %dma_wait3A_1715 = tpu.memref_slice %arg11[%dma_wait3A_1713, %dma_wait3A_1714] : memref<32x768xf32, #tpu.memory_space<vmem>> -> memref<8x768xf32, #tpu.memory_space<vmem>>
    %dma_wait3A_1716 = arith.constant 0 : i32
    %dma_wait3A_1717 = tpu.memref_slice %arg5[%dma_wait3A_1712, %add3A_1711, %dma_wait3A_1716] : memref<4x2048x768xf32, #tpu.memory_space<hbm>> -> memref<1x8x768xf32, #tpu.memory_space<hbm>>
    %dma_wait3A_1718 = tpu.memref_squeeze %dma_wait3A_1717 : memref<1x8x768xf32, #tpu.memory_space<hbm>> -> memref<8x768xf32, #tpu.memory_space<hbm>>
    %dma_wait3A_1719 = arith.constant 0 : i32
    %dma_wait3A_1720 = tpu.memref_slice %arg5[%dma_wait3A_1712, %add3A_1711, %dma_wait3A_1719] : memref<4x2048x768xf32, #tpu.memory_space<hbm>> -> memref<1x8x768xf32, #tpu.memory_space<hbm>>
    %dma_wait3A_1721 = tpu.memref_squeeze %dma_wait3A_1720 : memref<1x8x768xf32, #tpu.memory_space<hbm>> -> memref<8x768xf32, #tpu.memory_space<hbm>>
    %dma_wait3A_1722 = arith.constant 24 : i32
    %dma_wait3A_1723 = arith.constant 0 : i32
    %dma_wait3A_1724 = tpu.memref_slice %arg11[%dma_wait3A_1722, %dma_wait3A_1723] : memref<32x768xf32, #tpu.memory_space<vmem>> -> memref<8x768xf32, #tpu.memory_space<vmem>>
    tpu.wait_dma2 semaphore(%arg19 : memref<!tpu.dma_semaphore, #tpu.memory_space<semaphore_mem>>) src(%dma_wait3A_1724 : memref<8x768xf32, #tpu.memory_space<vmem>>) dst(%dma_wait3A_1721 : memref<8x768xf32, #tpu.memory_space<hbm>>)
    %dma_start3A_1725 = arith.constant 7 : i32
    %dma_start3A_1726 = arith.constant 0 : i32
    %dma_start3A_1727 = tpu.memref_slice %arg6[%dma_start3A_1725, %dma_start3A_1726] : memref<8x32xi32, #tpu.memory_space<vmem>> -> memref<1x32xi32, #tpu.memory_space<vmem>>
    %dma_start3A_1728 = tpu.memref_squeeze %dma_start3A_1727 : memref<1x32xi32, #tpu.memory_space<vmem>> -> memref<32xi32, #tpu.memory_space<vmem>>
    %dma_start3A_1729 = arith.constant 0 : i32
    %dma_start3A_1730 = arith.constant 0 : i32
    %dma_start3A_1731 = tpu.memref_slice %arg3[%dma_start3A_1729, %dma_start3A_1730] : memref<100000x768xf32, #tpu.memory_space<hbm>> -> memref<100000x768xf32, #tpu.memory_space<hbm>>
    tpu.enqueue_indirect_dma source(%dma_start3A_1731 : memref<100000x768xf32, #tpu.memory_space<hbm>>) target(%arg11 : memref<32x768xf32, #tpu.memory_space<vmem>>) offsets(%dma_start3A_1728 : memref<32xi32, #tpu.memory_space<vmem>>) semaphore(%arg15 : memref<!tpu.dma_semaphore, #tpu.memory_space<semaphore_mem>>)
    %add3A_1732 = arith.constant 56 : i32
    %add3A_1733 = arith.addi %mul3A_2, %add3A_1732 : i32
    %dma_start3A_1734 = arith.constant 3 : i32
    %dma_start3A_1735 = arith.constant 0 : i32
    %dma_start3A_1736 = arith.constant 0 : i32
    %dma_start3A_1737 = tpu.memref_slice %arg7[%dma_start3A_1734, %dma_start3A_1735, %dma_start3A_1736] : memref<4x8x768xf32, #tpu.memory_space<vmem>> -> memref<1x8x768xf32, #tpu.memory_space<vmem>>
    %dma_start3A_1738 = tpu.memref_squeeze %dma_start3A_1737 : memref<1x8x768xf32, #tpu.memory_space<vmem>> -> memref<8x768xf32, #tpu.memory_space<vmem>>
    %dma_start3A_1739 = arith.constant 0 : i32
    %dma_start3A_1740 = tpu.memref_slice %arg4[%add3A_1733, %dma_start3A_1739] : memref<2048x768xf32, #tpu.memory_space<hbm>> -> memref<8x768xf32, #tpu.memory_space<hbm>>
    %dma_start3A_1741 = arith.constant 0 : i32
    %dma_start3A_1742 = arith.constant 0 : i32
    %dma_start3A_1743 = tpu.memref_slice %arg7[%dma_start3A_1734, %dma_start3A_1741, %dma_start3A_1742] : memref<4x8x768xf32, #tpu.memory_space<vmem>> -> memref<1x8x768xf32, #tpu.memory_space<vmem>>
    %dma_start3A_1744 = tpu.memref_squeeze %dma_start3A_1743 : memref<1x8x768xf32, #tpu.memory_space<vmem>> -> memref<8x768xf32, #tpu.memory_space<vmem>>
    %dma_start3A_1745 = arith.constant 0 : i32
    %dma_start3A_1746 = tpu.memref_slice %arg4[%add3A_1733, %dma_start3A_1745] : memref<2048x768xf32, #tpu.memory_space<hbm>> -> memref<8x768xf32, #tpu.memory_space<hbm>>
    tpu.enqueue_dma source(%dma_start3A_1746 : memref<8x768xf32, #tpu.memory_space<hbm>>) target(%dma_start3A_1744 : memref<8x768xf32, #tpu.memory_space<vmem>>) target_semaphore(%arg24 : memref<!tpu.dma_semaphore, #tpu.memory_space<semaphore_mem>>)
    %add3A_1747 = arith.constant 40 : i32
    %add3A_1748 = arith.addi %mul3A_2, %add3A_1747 : i32
    %dma_wait3A_1749 = arith.constant 1 : i32
    %dma_wait3A_1750 = arith.constant 0 : i32
    %dma_wait3A_1751 = arith.constant 0 : i32
    %dma_wait3A_1752 = tpu.memref_slice %arg7[%dma_wait3A_1749, %dma_wait3A_1750, %dma_wait3A_1751] : memref<4x8x768xf32, #tpu.memory_space<vmem>> -> memref<1x8x768xf32, #tpu.memory_space<vmem>>
    %dma_wait3A_1753 = tpu.memref_squeeze %dma_wait3A_1752 : memref<1x8x768xf32, #tpu.memory_space<vmem>> -> memref<8x768xf32, #tpu.memory_space<vmem>>
    %dma_wait3A_1754 = arith.constant 0 : i32
    %dma_wait3A_1755 = tpu.memref_slice %arg4[%add3A_1748, %dma_wait3A_1754] : memref<2048x768xf32, #tpu.memory_space<hbm>> -> memref<8x768xf32, #tpu.memory_space<hbm>>
    %dma_wait3A_1756 = arith.constant 0 : i32
    %dma_wait3A_1757 = arith.constant 0 : i32
    %dma_wait3A_1758 = tpu.memref_slice %arg7[%dma_wait3A_1749, %dma_wait3A_1756, %dma_wait3A_1757] : memref<4x8x768xf32, #tpu.memory_space<vmem>> -> memref<1x8x768xf32, #tpu.memory_space<vmem>>
    %dma_wait3A_1759 = tpu.memref_squeeze %dma_wait3A_1758 : memref<1x8x768xf32, #tpu.memory_space<vmem>> -> memref<8x768xf32, #tpu.memory_space<vmem>>
    %dma_wait3A_1760 = arith.constant 0 : i32
    %dma_wait3A_1761 = tpu.memref_slice %arg4[%add3A_1748, %dma_wait3A_1760] : memref<2048x768xf32, #tpu.memory_space<hbm>> -> memref<8x768xf32, #tpu.memory_space<hbm>>
    tpu.wait_dma2 semaphore(%arg22 : memref<!tpu.dma_semaphore, #tpu.memory_space<semaphore_mem>>) src(%dma_wait3A_1761 : memref<8x768xf32, #tpu.memory_space<hbm>>) dst(%dma_wait3A_1759 : memref<8x768xf32, #tpu.memory_space<vmem>>)
    %dma_wait3A_1762 = arith.constant 5 : i32
    %dma_wait3A_1763 = arith.constant 0 : i32
    %dma_wait3A_1764 = tpu.memref_slice %arg6[%dma_wait3A_1762, %dma_wait3A_1763] : memref<8x32xi32, #tpu.memory_space<vmem>> -> memref<1x32xi32, #tpu.memory_space<vmem>>
    %dma_wait3A_1765 = tpu.memref_squeeze %dma_wait3A_1764 : memref<1x32xi32, #tpu.memory_space<vmem>> -> memref<32xi32, #tpu.memory_space<vmem>>
    %dma_wait3A_1766 = arith.constant 0 : i32
    %dma_wait3A_1767 = arith.constant 0 : i32
    %dma_wait3A_1768 = tpu.memref_slice %arg3[%dma_wait3A_1766, %dma_wait3A_1767] : memref<100000x768xf32, #tpu.memory_space<hbm>> -> memref<100000x768xf32, #tpu.memory_space<hbm>>
    tpu.wait_indirect_dma semaphore(%arg13 : memref<!tpu.dma_semaphore, #tpu.memory_space<semaphore_mem>>) src(%dma_wait3A_1768 : memref<100000x768xf32, #tpu.memory_space<hbm>>) dst(%arg9 : memref<32x768xf32, #tpu.memory_space<vmem>>)
    %scan3A_1769 = arith.constant 0 : i32
    %scan3A_1770 = arith.constant 8 : i32
    %scan3A_1771 = arith.addi %scan3A_1769, %scan3A_1770 : i32
    %scan3A_1772 = arith.constant 1 : i32
    scf.for %scan3A_2248 = %scan3A_1769 to %scan3A_1771 step %scan3A_1772  : i32 {
      %mul3A_2249 = arith.constant 1 : i32
      %mul3A_2250 = arith.muli %scan3A_2248, %mul3A_2249 : i32
      %add3A_2251 = arith.constant 0 : i32
      %add3A_2252 = arith.addi %add3A_2251, %mul3A_2250 : i32
      %parallel_loop3A = arith.constant 0 : i32
      %parallel_loop3A_2253 = arith.constant 768 : i32
      %parallel_loop3A_2254 = arith.constant 16 : i32
      scf.for %parallel_loop3A_2255 = %parallel_loop3A to %parallel_loop3A_2253 step %parallel_loop3A_2254  : i32 {
        %parallel_loop3A_2256 = arith.constant 1 : i32
        %parallel_loop3A_2257 = arith.index_cast %parallel_loop3A_2256 : i32 to index
        %parallel_loop3A_2258 = arith.index_cast %add3A_2252 : i32 to index
        %parallel_loop3A_2259 = arith.index_cast %parallel_loop3A_2255 : i32 to index
        %parallel_loop3A_2260 = tpu.vector_load %arg7[%parallel_loop3A_2257, %parallel_loop3A_2258, %parallel_loop3A_2259] {strides = array<i32>} : memref<4x8x768xf32, #tpu.memory_space<vmem>>, vector<1x1x16xf32>,
        %parallel_loop3A_2261 = vector.shape_cast %parallel_loop3A_2260 : vector<1x1x16xf32> to vector<16xf32>
        %parallel_loop3A_2262 = arith.constant 0 : i32
        %parallel_loop3A_2263 = arith.addi %parallel_loop3A_2262, %add3A_2252 : i32
        %parallel_loop3A_2264 = arith.index_cast %parallel_loop3A_2263 : i32 to index
        %parallel_loop3A_2265 = arith.index_cast %parallel_loop3A_2255 : i32 to index
        %parallel_loop3A_2266 = tpu.vector_load %arg9[%parallel_loop3A_2264, %parallel_loop3A_2265] {strides = array<i32>} : memref<32x768xf32, #tpu.memory_space<vmem>>, vector<1x16xf32>,
        %parallel_loop3A_2267 = vector.shape_cast %parallel_loop3A_2266 : vector<1x16xf32> to vector<16xf32>
        %parallel_loop3A_2268 = vector.shape_cast %parallel_loop3A_2261 : vector<16xf32> to vector<1x16xf32>
        tpu.vector_store %arg9[%parallel_loop3A_2264, %parallel_loop3A_2265], %parallel_loop3A_2268 {add = true, strides = array<i32>} : memref<32x768xf32, #tpu.memory_space<vmem>>, vector<1x16xf32>,
        %parallel_loop3A_2269 = arith.constant 8 : i32
        %parallel_loop3A_2270 = arith.addi %parallel_loop3A_2269, %add3A_2252 : i32
        %parallel_loop3A_2271 = arith.index_cast %parallel_loop3A_2270 : i32 to index
        %parallel_loop3A_2272 = arith.index_cast %parallel_loop3A_2255 : i32 to index
        %parallel_loop3A_2273 = tpu.vector_load %arg9[%parallel_loop3A_2271, %parallel_loop3A_2272] {strides = array<i32>} : memref<32x768xf32, #tpu.memory_space<vmem>>, vector<1x16xf32>,
        %parallel_loop3A_2274 = vector.shape_cast %parallel_loop3A_2273 : vector<1x16xf32> to vector<16xf32>
        %parallel_loop3A_2275 = vector.shape_cast %parallel_loop3A_2261 : vector<16xf32> to vector<1x16xf32>
        tpu.vector_store %arg9[%parallel_loop3A_2271, %parallel_loop3A_2272], %parallel_loop3A_2275 {add = true, strides = array<i32>} : memref<32x768xf32, #tpu.memory_space<vmem>>, vector<1x16xf32>,
        %parallel_loop3A_2276 = arith.constant 16 : i32
        %parallel_loop3A_2277 = arith.addi %parallel_loop3A_2276, %add3A_2252 : i32
        %parallel_loop3A_2278 = arith.index_cast %parallel_loop3A_2277 : i32 to index
        %parallel_loop3A_2279 = arith.index_cast %parallel_loop3A_2255 : i32 to index
        %parallel_loop3A_2280 = tpu.vector_load %arg9[%parallel_loop3A_2278, %parallel_loop3A_2279] {strides = array<i32>} : memref<32x768xf32, #tpu.memory_space<vmem>>, vector<1x16xf32>,
        %parallel_loop3A_2281 = vector.shape_cast %parallel_loop3A_2280 : vector<1x16xf32> to vector<16xf32>
        %parallel_loop3A_2282 = vector.shape_cast %parallel_loop3A_2261 : vector<16xf32> to vector<1x16xf32>
        tpu.vector_store %arg9[%parallel_loop3A_2278, %parallel_loop3A_2279], %parallel_loop3A_2282 {add = true, strides = array<i32>} : memref<32x768xf32, #tpu.memory_space<vmem>>, vector<1x16xf32>,
        %parallel_loop3A_2283 = arith.constant 24 : i32
        %parallel_loop3A_2284 = arith.addi %parallel_loop3A_2283, %add3A_2252 : i32
        %parallel_loop3A_2285 = arith.index_cast %parallel_loop3A_2284 : i32 to index
        %parallel_loop3A_2286 = arith.index_cast %parallel_loop3A_2255 : i32 to index
        %parallel_loop3A_2287 = tpu.vector_load %arg9[%parallel_loop3A_2285, %parallel_loop3A_2286] {strides = array<i32>} : memref<32x768xf32, #tpu.memory_space<vmem>>, vector<1x16xf32>,
        %parallel_loop3A_2288 = vector.shape_cast %parallel_loop3A_2287 : vector<1x16xf32> to vector<16xf32>
        %parallel_loop3A_2289 = vector.shape_cast %parallel_loop3A_2261 : vector<16xf32> to vector<1x16xf32>
        tpu.vector_store %arg9[%parallel_loop3A_2285, %parallel_loop3A_2286], %parallel_loop3A_2289 {add = true, strides = array<i32>} : memref<32x768xf32, #tpu.memory_space<vmem>>, vector<1x16xf32>,
      } {sc.loop_unroll_factor = 4 : i64, sc.parallel_access}
    }
    %scan3A_1773 = arith.constant 8 : i32
    %add3A_1774 = arith.constant 40 : i32
    %add3A_1775 = arith.addi %mul3A_2, %add3A_1774 : i32
    %dma_start3A_1776 = arith.constant 0 : i32
    %dma_start3A_1777 = arith.constant 0 : i32
    %dma_start3A_1778 = arith.constant 0 : i32
    %dma_start3A_1779 = tpu.memref_slice %arg9[%dma_start3A_1777, %dma_start3A_1778] : memref<32x768xf32, #tpu.memory_space<vmem>> -> memref<8x768xf32, #tpu.memory_space<vmem>>
    %dma_start3A_1780 = arith.constant 0 : i32
    %dma_start3A_1781 = tpu.memref_slice %arg5[%dma_start3A_1776, %add3A_1775, %dma_start3A_1780] : memref<4x2048x768xf32, #tpu.memory_space<hbm>> -> memref<1x8x768xf32, #tpu.memory_space<hbm>>
    %dma_start3A_1782 = tpu.memref_squeeze %dma_start3A_1781 : memref<1x8x768xf32, #tpu.memory_space<hbm>> -> memref<8x768xf32, #tpu.memory_space<hbm>>
    %dma_start3A_1783 = arith.constant 0 : i32
    %dma_start3A_1784 = tpu.memref_slice %arg5[%dma_start3A_1776, %add3A_1775, %dma_start3A_1783] : memref<4x2048x768xf32, #tpu.memory_space<hbm>> -> memref<1x8x768xf32, #tpu.memory_space<hbm>>
    %dma_start3A_1785 = tpu.memref_squeeze %dma_start3A_1784 : memref<1x8x768xf32, #tpu.memory_space<hbm>> -> memref<8x768xf32, #tpu.memory_space<hbm>>
    %dma_start3A_1786 = arith.constant 0 : i32
    %dma_start3A_1787 = arith.constant 0 : i32
    %dma_start3A_1788 = tpu.memref_slice %arg9[%dma_start3A_1786, %dma_start3A_1787] : memref<32x768xf32, #tpu.memory_space<vmem>> -> memref<8x768xf32, #tpu.memory_space<vmem>>
    tpu.enqueue_dma source(%dma_start3A_1788 : memref<8x768xf32, #tpu.memory_space<vmem>>) target(%dma_start3A_1785 : memref<8x768xf32, #tpu.memory_space<hbm>>) target_semaphore(%arg17 : memref<!tpu.dma_semaphore, #tpu.memory_space<semaphore_mem>>)
    %add3A_1789 = arith.constant 40 : i32
    %add3A_1790 = arith.addi %mul3A_2, %add3A_1789 : i32
    %dma_start3A_1791 = arith.constant 1 : i32
    %dma_start3A_1792 = arith.constant 8 : i32
    %dma_start3A_1793 = arith.constant 0 : i32
    %dma_start3A_1794 = tpu.memref_slice %arg9[%dma_start3A_1792, %dma_start3A_1793] : memref<32x768xf32, #tpu.memory_space<vmem>> -> memref<8x768xf32, #tpu.memory_space<vmem>>
    %dma_start3A_1795 = arith.constant 0 : i32
    %dma_start3A_1796 = tpu.memref_slice %arg5[%dma_start3A_1791, %add3A_1790, %dma_start3A_1795] : memref<4x2048x768xf32, #tpu.memory_space<hbm>> -> memref<1x8x768xf32, #tpu.memory_space<hbm>>
    %dma_start3A_1797 = tpu.memref_squeeze %dma_start3A_1796 : memref<1x8x768xf32, #tpu.memory_space<hbm>> -> memref<8x768xf32, #tpu.memory_space<hbm>>
    %dma_start3A_1798 = arith.constant 0 : i32
    %dma_start3A_1799 = tpu.memref_slice %arg5[%dma_start3A_1791, %add3A_1790, %dma_start3A_1798] : memref<4x2048x768xf32, #tpu.memory_space<hbm>> -> memref<1x8x768xf32, #tpu.memory_space<hbm>>
    %dma_start3A_1800 = tpu.memref_squeeze %dma_start3A_1799 : memref<1x8x768xf32, #tpu.memory_space<hbm>> -> memref<8x768xf32, #tpu.memory_space<hbm>>
    %dma_start3A_1801 = arith.constant 8 : i32
    %dma_start3A_1802 = arith.constant 0 : i32
    %dma_start3A_1803 = tpu.memref_slice %arg9[%dma_start3A_1801, %dma_start3A_1802] : memref<32x768xf32, #tpu.memory_space<vmem>> -> memref<8x768xf32, #tpu.memory_space<vmem>>
    tpu.enqueue_dma source(%dma_start3A_1803 : memref<8x768xf32, #tpu.memory_space<vmem>>) target(%dma_start3A_1800 : memref<8x768xf32, #tpu.memory_space<hbm>>) target_semaphore(%arg17 : memref<!tpu.dma_semaphore, #tpu.memory_space<semaphore_mem>>)
    %add3A_1804 = arith.constant 40 : i32
    %add3A_1805 = arith.addi %mul3A_2, %add3A_1804 : i32
    %dma_start3A_1806 = arith.constant 2 : i32
    %dma_start3A_1807 = arith.constant 16 : i32
    %dma_start3A_1808 = arith.constant 0 : i32
    %dma_start3A_1809 = tpu.memref_slice %arg9[%dma_start3A_1807, %dma_start3A_1808] : memref<32x768xf32, #tpu.memory_space<vmem>> -> memref<8x768xf32, #tpu.memory_space<vmem>>
    %dma_start3A_1810 = arith.constant 0 : i32
    %dma_start3A_1811 = tpu.memref_slice %arg5[%dma_start3A_1806, %add3A_1805, %dma_start3A_1810] : memref<4x2048x768xf32, #tpu.memory_space<hbm>> -> memref<1x8x768xf32, #tpu.memory_space<hbm>>
    %dma_start3A_1812 = tpu.memref_squeeze %dma_start3A_1811 : memref<1x8x768xf32, #tpu.memory_space<hbm>> -> memref<8x768xf32, #tpu.memory_space<hbm>>
    %dma_start3A_1813 = arith.constant 0 : i32
    %dma_start3A_1814 = tpu.memref_slice %arg5[%dma_start3A_1806, %add3A_1805, %dma_start3A_1813] : memref<4x2048x768xf32, #tpu.memory_space<hbm>> -> memref<1x8x768xf32, #tpu.memory_space<hbm>>
    %dma_start3A_1815 = tpu.memref_squeeze %dma_start3A_1814 : memref<1x8x768xf32, #tpu.memory_space<hbm>> -> memref<8x768xf32, #tpu.memory_space<hbm>>
    %dma_start3A_1816 = arith.constant 16 : i32
    %dma_start3A_1817 = arith.constant 0 : i32
    %dma_start3A_1818 = tpu.memref_slice %arg9[%dma_start3A_1816, %dma_start3A_1817] : memref<32x768xf32, #tpu.memory_space<vmem>> -> memref<8x768xf32, #tpu.memory_space<vmem>>
    tpu.enqueue_dma source(%dma_start3A_1818 : memref<8x768xf32, #tpu.memory_space<vmem>>) target(%dma_start3A_1815 : memref<8x768xf32, #tpu.memory_space<hbm>>) target_semaphore(%arg17 : memref<!tpu.dma_semaphore, #tpu.memory_space<semaphore_mem>>)
    %add3A_1819 = arith.constant 40 : i32
    %add3A_1820 = arith.addi %mul3A_2, %add3A_1819 : i32
    %dma_start3A_1821 = arith.constant 3 : i32
    %dma_start3A_1822 = arith.constant 24 : i32
    %dma_start3A_1823 = arith.constant 0 : i32
    %dma_start3A_1824 = tpu.memref_slice %arg9[%dma_start3A_1822, %dma_start3A_1823] : memref<32x768xf32, #tpu.memory_space<vmem>> -> memref<8x768xf32, #tpu.memory_space<vmem>>
    %dma_start3A_1825 = arith.constant 0 : i32
    %dma_start3A_1826 = tpu.memref_slice %arg5[%dma_start3A_1821, %add3A_1820, %dma_start3A_1825] : memref<4x2048x768xf32, #tpu.memory_space<hbm>> -> memref<1x8x768xf32, #tpu.memory_space<hbm>>
    %dma_start3A_1827 = tpu.memref_squeeze %dma_start3A_1826 : memref<1x8x768xf32, #tpu.memory_space<hbm>> -> memref<8x768xf32, #tpu.memory_space<hbm>>
    %dma_start3A_1828 = arith.constant 0 : i32
    %dma_start3A_1829 = tpu.memref_slice %arg5[%dma_start3A_1821, %add3A_1820, %dma_start3A_1828] : memref<4x2048x768xf32, #tpu.memory_space<hbm>> -> memref<1x8x768xf32, #tpu.memory_space<hbm>>
    %dma_start3A_1830 = tpu.memref_squeeze %dma_start3A_1829 : memref<1x8x768xf32, #tpu.memory_space<hbm>> -> memref<8x768xf32, #tpu.memory_space<hbm>>
    %dma_start3A_1831 = arith.constant 24 : i32
    %dma_start3A_1832 = arith.constant 0 : i32
    %dma_start3A_1833 = tpu.memref_slice %arg9[%dma_start3A_1831, %dma_start3A_1832] : memref<32x768xf32, #tpu.memory_space<vmem>> -> memref<8x768xf32, #tpu.memory_space<vmem>>
    tpu.enqueue_dma source(%dma_start3A_1833 : memref<8x768xf32, #tpu.memory_space<vmem>>) target(%dma_start3A_1830 : memref<8x768xf32, #tpu.memory_space<hbm>>) target_semaphore(%arg17 : memref<!tpu.dma_semaphore, #tpu.memory_space<semaphore_mem>>)
    %add3A_1834 = arith.constant 48 : i32
    %add3A_1835 = arith.addi %mul3A_2, %add3A_1834 : i32
    %dma_wait3A_1836 = arith.constant 2 : i32
    %dma_wait3A_1837 = arith.constant 0 : i32
    %dma_wait3A_1838 = arith.constant 0 : i32
    %dma_wait3A_1839 = tpu.memref_slice %arg7[%dma_wait3A_1836, %dma_wait3A_1837, %dma_wait3A_1838] : memref<4x8x768xf32, #tpu.memory_space<vmem>> -> memref<1x8x768xf32, #tpu.memory_space<vmem>>
    %dma_wait3A_1840 = tpu.memref_squeeze %dma_wait3A_1839 : memref<1x8x768xf32, #tpu.memory_space<vmem>> -> memref<8x768xf32, #tpu.memory_space<vmem>>
    %dma_wait3A_1841 = arith.constant 0 : i32
    %dma_wait3A_1842 = tpu.memref_slice %arg4[%add3A_1835, %dma_wait3A_1841] : memref<2048x768xf32, #tpu.memory_space<hbm>> -> memref<8x768xf32, #tpu.memory_space<hbm>>
    %dma_wait3A_1843 = arith.constant 0 : i32
    %dma_wait3A_1844 = arith.constant 0 : i32
    %dma_wait3A_1845 = tpu.memref_slice %arg7[%dma_wait3A_1836, %dma_wait3A_1843, %dma_wait3A_1844] : memref<4x8x768xf32, #tpu.memory_space<vmem>> -> memref<1x8x768xf32, #tpu.memory_space<vmem>>
    %dma_wait3A_1846 = tpu.memref_squeeze %dma_wait3A_1845 : memref<1x8x768xf32, #tpu.memory_space<vmem>> -> memref<8x768xf32, #tpu.memory_space<vmem>>
    %dma_wait3A_1847 = arith.constant 0 : i32
    %dma_wait3A_1848 = tpu.memref_slice %arg4[%add3A_1835, %dma_wait3A_1847] : memref<2048x768xf32, #tpu.memory_space<hbm>> -> memref<8x768xf32, #tpu.memory_space<hbm>>
    tpu.wait_dma2 semaphore(%arg23 : memref<!tpu.dma_semaphore, #tpu.memory_space<semaphore_mem>>) src(%dma_wait3A_1848 : memref<8x768xf32, #tpu.memory_space<hbm>>) dst(%dma_wait3A_1846 : memref<8x768xf32, #tpu.memory_space<vmem>>)
    %dma_wait3A_1849 = arith.constant 6 : i32
    %dma_wait3A_1850 = arith.constant 0 : i32
    %dma_wait3A_1851 = tpu.memref_slice %arg6[%dma_wait3A_1849, %dma_wait3A_1850] : memref<8x32xi32, #tpu.memory_space<vmem>> -> memref<1x32xi32, #tpu.memory_space<vmem>>
    %dma_wait3A_1852 = tpu.memref_squeeze %dma_wait3A_1851 : memref<1x32xi32, #tpu.memory_space<vmem>> -> memref<32xi32, #tpu.memory_space<vmem>>
    %dma_wait3A_1853 = arith.constant 0 : i32
    %dma_wait3A_1854 = arith.constant 0 : i32
    %dma_wait3A_1855 = tpu.memref_slice %arg3[%dma_wait3A_1853, %dma_wait3A_1854] : memref<100000x768xf32, #tpu.memory_space<hbm>> -> memref<100000x768xf32, #tpu.memory_space<hbm>>
    tpu.wait_indirect_dma semaphore(%arg14 : memref<!tpu.dma_semaphore, #tpu.memory_space<semaphore_mem>>) src(%dma_wait3A_1855 : memref<100000x768xf32, #tpu.memory_space<hbm>>) dst(%arg10 : memref<32x768xf32, #tpu.memory_space<vmem>>)
    %scan3A_1856 = arith.constant 0 : i32
    %scan3A_1857 = arith.constant 8 : i32
    %scan3A_1858 = arith.addi %scan3A_1856, %scan3A_1857 : i32
    %scan3A_1859 = arith.constant 1 : i32
    scf.for %scan3A_2248 = %scan3A_1856 to %scan3A_1858 step %scan3A_1859  : i32 {
      %mul3A_2249 = arith.constant 1 : i32
      %mul3A_2250 = arith.muli %scan3A_2248, %mul3A_2249 : i32
      %add3A_2251 = arith.constant 0 : i32
      %add3A_2252 = arith.addi %add3A_2251, %mul3A_2250 : i32
      %parallel_loop3A = arith.constant 0 : i32
      %parallel_loop3A_2253 = arith.constant 768 : i32
      %parallel_loop3A_2254 = arith.constant 16 : i32
      scf.for %parallel_loop3A_2255 = %parallel_loop3A to %parallel_loop3A_2253 step %parallel_loop3A_2254  : i32 {
        %parallel_loop3A_2256 = arith.constant 2 : i32
        %parallel_loop3A_2257 = arith.index_cast %parallel_loop3A_2256 : i32 to index
        %parallel_loop3A_2258 = arith.index_cast %add3A_2252 : i32 to index
        %parallel_loop3A_2259 = arith.index_cast %parallel_loop3A_2255 : i32 to index
        %parallel_loop3A_2260 = tpu.vector_load %arg7[%parallel_loop3A_2257, %parallel_loop3A_2258, %parallel_loop3A_2259] {strides = array<i32>} : memref<4x8x768xf32, #tpu.memory_space<vmem>>, vector<1x1x16xf32>,
        %parallel_loop3A_2261 = vector.shape_cast %parallel_loop3A_2260 : vector<1x1x16xf32> to vector<16xf32>
        %parallel_loop3A_2262 = arith.constant 0 : i32
        %parallel_loop3A_2263 = arith.addi %parallel_loop3A_2262, %add3A_2252 : i32
        %parallel_loop3A_2264 = arith.index_cast %parallel_loop3A_2263 : i32 to index
        %parallel_loop3A_2265 = arith.index_cast %parallel_loop3A_2255 : i32 to index
        %parallel_loop3A_2266 = tpu.vector_load %arg10[%parallel_loop3A_2264, %parallel_loop3A_2265] {strides = array<i32>} : memref<32x768xf32, #tpu.memory_space<vmem>>, vector<1x16xf32>,
        %parallel_loop3A_2267 = vector.shape_cast %parallel_loop3A_2266 : vector<1x16xf32> to vector<16xf32>
        %parallel_loop3A_2268 = vector.shape_cast %parallel_loop3A_2261 : vector<16xf32> to vector<1x16xf32>
        tpu.vector_store %arg10[%parallel_loop3A_2264, %parallel_loop3A_2265], %parallel_loop3A_2268 {add = true, strides = array<i32>} : memref<32x768xf32, #tpu.memory_space<vmem>>, vector<1x16xf32>,
        %parallel_loop3A_2269 = arith.constant 8 : i32
        %parallel_loop3A_2270 = arith.addi %parallel_loop3A_2269, %add3A_2252 : i32
        %parallel_loop3A_2271 = arith.index_cast %parallel_loop3A_2270 : i32 to index
        %parallel_loop3A_2272 = arith.index_cast %parallel_loop3A_2255 : i32 to index
        %parallel_loop3A_2273 = tpu.vector_load %arg10[%parallel_loop3A_2271, %parallel_loop3A_2272] {strides = array<i32>} : memref<32x768xf32, #tpu.memory_space<vmem>>, vector<1x16xf32>,
        %parallel_loop3A_2274 = vector.shape_cast %parallel_loop3A_2273 : vector<1x16xf32> to vector<16xf32>
        %parallel_loop3A_2275 = vector.shape_cast %parallel_loop3A_2261 : vector<16xf32> to vector<1x16xf32>
        tpu.vector_store %arg10[%parallel_loop3A_2271, %parallel_loop3A_2272], %parallel_loop3A_2275 {add = true, strides = array<i32>} : memref<32x768xf32, #tpu.memory_space<vmem>>, vector<1x16xf32>,
        %parallel_loop3A_2276 = arith.constant 16 : i32
        %parallel_loop3A_2277 = arith.addi %parallel_loop3A_2276, %add3A_2252 : i32
        %parallel_loop3A_2278 = arith.index_cast %parallel_loop3A_2277 : i32 to index
        %parallel_loop3A_2279 = arith.index_cast %parallel_loop3A_2255 : i32 to index
        %parallel_loop3A_2280 = tpu.vector_load %arg10[%parallel_loop3A_2278, %parallel_loop3A_2279] {strides = array<i32>} : memref<32x768xf32, #tpu.memory_space<vmem>>, vector<1x16xf32>,
        %parallel_loop3A_2281 = vector.shape_cast %parallel_loop3A_2280 : vector<1x16xf32> to vector<16xf32>
        %parallel_loop3A_2282 = vector.shape_cast %parallel_loop3A_2261 : vector<16xf32> to vector<1x16xf32>
        tpu.vector_store %arg10[%parallel_loop3A_2278, %parallel_loop3A_2279], %parallel_loop3A_2282 {add = true, strides = array<i32>} : memref<32x768xf32, #tpu.memory_space<vmem>>, vector<1x16xf32>,
        %parallel_loop3A_2283 = arith.constant 24 : i32
        %parallel_loop3A_2284 = arith.addi %parallel_loop3A_2283, %add3A_2252 : i32
        %parallel_loop3A_2285 = arith.index_cast %parallel_loop3A_2284 : i32 to index
        %parallel_loop3A_2286 = arith.index_cast %parallel_loop3A_2255 : i32 to index
        %parallel_loop3A_2287 = tpu.vector_load %arg10[%parallel_loop3A_2285, %parallel_loop3A_2286] {strides = array<i32>} : memref<32x768xf32, #tpu.memory_space<vmem>>, vector<1x16xf32>,
        %parallel_loop3A_2288 = vector.shape_cast %parallel_loop3A_2287 : vector<1x16xf32> to vector<16xf32>
        %parallel_loop3A_2289 = vector.shape_cast %parallel_loop3A_2261 : vector<16xf32> to vector<1x16xf32>
        tpu.vector_store %arg10[%parallel_loop3A_2285, %parallel_loop3A_2286], %parallel_loop3A_2289 {add = true, strides = array<i32>} : memref<32x768xf32, #tpu.memory_space<vmem>>, vector<1x16xf32>,
      } {sc.loop_unroll_factor = 4 : i64, sc.parallel_access}
    }
    %scan3A_1860 = arith.constant 8 : i32
    %add3A_1861 = arith.constant 48 : i32
    %add3A_1862 = arith.addi %mul3A_2, %add3A_1861 : i32
    %dma_start3A_1863 = arith.constant 0 : i32
    %dma_start3A_1864 = arith.constant 0 : i32
    %dma_start3A_1865 = arith.constant 0 : i32
    %dma_start3A_1866 = tpu.memref_slice %arg10[%dma_start3A_1864, %dma_start3A_1865] : memref<32x768xf32, #tpu.memory_space<vmem>> -> memref<8x768xf32, #tpu.memory_space<vmem>>
    %dma_start3A_1867 = arith.constant 0 : i32
    %dma_start3A_1868 = tpu.memref_slice %arg5[%dma_start3A_1863, %add3A_1862, %dma_start3A_1867] : memref<4x2048x768xf32, #tpu.memory_space<hbm>> -> memref<1x8x768xf32, #tpu.memory_space<hbm>>
    %dma_start3A_1869 = tpu.memref_squeeze %dma_start3A_1868 : memref<1x8x768xf32, #tpu.memory_space<hbm>> -> memref<8x768xf32, #tpu.memory_space<hbm>>
    %dma_start3A_1870 = arith.constant 0 : i32
    %dma_start3A_1871 = tpu.memref_slice %arg5[%dma_start3A_1863, %add3A_1862, %dma_start3A_1870] : memref<4x2048x768xf32, #tpu.memory_space<hbm>> -> memref<1x8x768xf32, #tpu.memory_space<hbm>>
    %dma_start3A_1872 = tpu.memref_squeeze %dma_start3A_1871 : memref<1x8x768xf32, #tpu.memory_space<hbm>> -> memref<8x768xf32, #tpu.memory_space<hbm>>
    %dma_start3A_1873 = arith.constant 0 : i32
    %dma_start3A_1874 = arith.constant 0 : i32
    %dma_start3A_1875 = tpu.memref_slice %arg10[%dma_start3A_1873, %dma_start3A_1874] : memref<32x768xf32, #tpu.memory_space<vmem>> -> memref<8x768xf32, #tpu.memory_space<vmem>>
    tpu.enqueue_dma source(%dma_start3A_1875 : memref<8x768xf32, #tpu.memory_space<vmem>>) target(%dma_start3A_1872 : memref<8x768xf32, #tpu.memory_space<hbm>>) target_semaphore(%arg18 : memref<!tpu.dma_semaphore, #tpu.memory_space<semaphore_mem>>)
    %add3A_1876 = arith.constant 48 : i32
    %add3A_1877 = arith.addi %mul3A_2, %add3A_1876 : i32
    %dma_start3A_1878 = arith.constant 1 : i32
    %dma_start3A_1879 = arith.constant 8 : i32
    %dma_start3A_1880 = arith.constant 0 : i32
    %dma_start3A_1881 = tpu.memref_slice %arg10[%dma_start3A_1879, %dma_start3A_1880] : memref<32x768xf32, #tpu.memory_space<vmem>> -> memref<8x768xf32, #tpu.memory_space<vmem>>
    %dma_start3A_1882 = arith.constant 0 : i32
    %dma_start3A_1883 = tpu.memref_slice %arg5[%dma_start3A_1878, %add3A_1877, %dma_start3A_1882] : memref<4x2048x768xf32, #tpu.memory_space<hbm>> -> memref<1x8x768xf32, #tpu.memory_space<hbm>>
    %dma_start3A_1884 = tpu.memref_squeeze %dma_start3A_1883 : memref<1x8x768xf32, #tpu.memory_space<hbm>> -> memref<8x768xf32, #tpu.memory_space<hbm>>
    %dma_start3A_1885 = arith.constant 0 : i32
    %dma_start3A_1886 = tpu.memref_slice %arg5[%dma_start3A_1878, %add3A_1877, %dma_start3A_1885] : memref<4x2048x768xf32, #tpu.memory_space<hbm>> -> memref<1x8x768xf32, #tpu.memory_space<hbm>>
    %dma_start3A_1887 = tpu.memref_squeeze %dma_start3A_1886 : memref<1x8x768xf32, #tpu.memory_space<hbm>> -> memref<8x768xf32, #tpu.memory_space<hbm>>
    %dma_start3A_1888 = arith.constant 8 : i32
    %dma_start3A_1889 = arith.constant 0 : i32
    %dma_start3A_1890 = tpu.memref_slice %arg10[%dma_start3A_1888, %dma_start3A_1889] : memref<32x768xf32, #tpu.memory_space<vmem>> -> memref<8x768xf32, #tpu.memory_space<vmem>>
    tpu.enqueue_dma source(%dma_start3A_1890 : memref<8x768xf32, #tpu.memory_space<vmem>>) target(%dma_start3A_1887 : memref<8x768xf32, #tpu.memory_space<hbm>>) target_semaphore(%arg18 : memref<!tpu.dma_semaphore, #tpu.memory_space<semaphore_mem>>)
    %add3A_1891 = arith.constant 48 : i32
    %add3A_1892 = arith.addi %mul3A_2, %add3A_1891 : i32
    %dma_start3A_1893 = arith.constant 2 : i32
    %dma_start3A_1894 = arith.constant 16 : i32
    %dma_start3A_1895 = arith.constant 0 : i32
    %dma_start3A_1896 = tpu.memref_slice %arg10[%dma_start3A_1894, %dma_start3A_1895] : memref<32x768xf32, #tpu.memory_space<vmem>> -> memref<8x768xf32, #tpu.memory_space<vmem>>
    %dma_start3A_1897 = arith.constant 0 : i32
    %dma_start3A_1898 = tpu.memref_slice %arg5[%dma_start3A_1893, %add3A_1892, %dma_start3A_1897] : memref<4x2048x768xf32, #tpu.memory_space<hbm>> -> memref<1x8x768xf32, #tpu.memory_space<hbm>>
    %dma_start3A_1899 = tpu.memref_squeeze %dma_start3A_1898 : memref<1x8x768xf32, #tpu.memory_space<hbm>> -> memref<8x768xf32, #tpu.memory_space<hbm>>
    %dma_start3A_1900 = arith.constant 0 : i32
    %dma_start3A_1901 = tpu.memref_slice %arg5[%dma_start3A_1893, %add3A_1892, %dma_start3A_1900] : memref<4x2048x768xf32, #tpu.memory_space<hbm>> -> memref<1x8x768xf32, #tpu.memory_space<hbm>>
    %dma_start3A_1902 = tpu.memref_squeeze %dma_start3A_1901 : memref<1x8x768xf32, #tpu.memory_space<hbm>> -> memref<8x768xf32, #tpu.memory_space<hbm>>
    %dma_start3A_1903 = arith.constant 16 : i32
    %dma_start3A_1904 = arith.constant 0 : i32
    %dma_start3A_1905 = tpu.memref_slice %arg10[%dma_start3A_1903, %dma_start3A_1904] : memref<32x768xf32, #tpu.memory_space<vmem>> -> memref<8x768xf32, #tpu.memory_space<vmem>>
    tpu.enqueue_dma source(%dma_start3A_1905 : memref<8x768xf32, #tpu.memory_space<vmem>>) target(%dma_start3A_1902 : memref<8x768xf32, #tpu.memory_space<hbm>>) target_semaphore(%arg18 : memref<!tpu.dma_semaphore, #tpu.memory_space<semaphore_mem>>)
    %add3A_1906 = arith.constant 48 : i32
    %add3A_1907 = arith.addi %mul3A_2, %add3A_1906 : i32
    %dma_start3A_1908 = arith.constant 3 : i32
    %dma_start3A_1909 = arith.constant 24 : i32
    %dma_start3A_1910 = arith.constant 0 : i32
    %dma_start3A_1911 = tpu.memref_slice %arg10[%dma_start3A_1909, %dma_start3A_1910] : memref<32x768xf32, #tpu.memory_space<vmem>> -> memref<8x768xf32, #tpu.memory_space<vmem>>
    %dma_start3A_1912 = arith.constant 0 : i32
    %dma_start3A_1913 = tpu.memref_slice %arg5[%dma_start3A_1908, %add3A_1907, %dma_start3A_1912] : memref<4x2048x768xf32, #tpu.memory_space<hbm>> -> memref<1x8x768xf32, #tpu.memory_space<hbm>>
    %dma_start3A_1914 = tpu.memref_squeeze %dma_start3A_1913 : memref<1x8x768xf32, #tpu.memory_space<hbm>> -> memref<8x768xf32, #tpu.memory_space<hbm>>
    %dma_start3A_1915 = arith.constant 0 : i32
    %dma_start3A_1916 = tpu.memref_slice %arg5[%dma_start3A_1908, %add3A_1907, %dma_start3A_1915] : memref<4x2048x768xf32, #tpu.memory_space<hbm>> -> memref<1x8x768xf32, #tpu.memory_space<hbm>>
    %dma_start3A_1917 = tpu.memref_squeeze %dma_start3A_1916 : memref<1x8x768xf32, #tpu.memory_space<hbm>> -> memref<8x768xf32, #tpu.memory_space<hbm>>
    %dma_start3A_1918 = arith.constant 24 : i32
    %dma_start3A_1919 = arith.constant 0 : i32
    %dma_start3A_1920 = tpu.memref_slice %arg10[%dma_start3A_1918, %dma_start3A_1919] : memref<32x768xf32, #tpu.memory_space<vmem>> -> memref<8x768xf32, #tpu.memory_space<vmem>>
    tpu.enqueue_dma source(%dma_start3A_1920 : memref<8x768xf32, #tpu.memory_space<vmem>>) target(%dma_start3A_1917 : memref<8x768xf32, #tpu.memory_space<hbm>>) target_semaphore(%arg18 : memref<!tpu.dma_semaphore, #tpu.memory_space<semaphore_mem>>)
    %add3A_1921 = arith.constant 56 : i32
    %add3A_1922 = arith.addi %mul3A_2, %add3A_1921 : i32
    %dma_wait3A_1923 = arith.constant 3 : i32
    %dma_wait3A_1924 = arith.constant 0 : i32
    %dma_wait3A_1925 = arith.constant 0 : i32
    %dma_wait3A_1926 = tpu.memref_slice %arg7[%dma_wait3A_1923, %dma_wait3A_1924, %dma_wait3A_1925] : memref<4x8x768xf32, #tpu.memory_space<vmem>> -> memref<1x8x768xf32, #tpu.memory_space<vmem>>
    %dma_wait3A_1927 = tpu.memref_squeeze %dma_wait3A_1926 : memref<1x8x768xf32, #tpu.memory_space<vmem>> -> memref<8x768xf32, #tpu.memory_space<vmem>>
    %dma_wait3A_1928 = arith.constant 0 : i32
    %dma_wait3A_1929 = tpu.memref_slice %arg4[%add3A_1922, %dma_wait3A_1928] : memref<2048x768xf32, #tpu.memory_space<hbm>> -> memref<8x768xf32, #tpu.memory_space<hbm>>
    %dma_wait3A_1930 = arith.constant 0 : i32
    %dma_wait3A_1931 = arith.constant 0 : i32
    %dma_wait3A_1932 = tpu.memref_slice %arg7[%dma_wait3A_1923, %dma_wait3A_1930, %dma_wait3A_1931] : memref<4x8x768xf32, #tpu.memory_space<vmem>> -> memref<1x8x768xf32, #tpu.memory_space<vmem>>
    %dma_wait3A_1933 = tpu.memref_squeeze %dma_wait3A_1932 : memref<1x8x768xf32, #tpu.memory_space<vmem>> -> memref<8x768xf32, #tpu.memory_space<vmem>>
    %dma_wait3A_1934 = arith.constant 0 : i32
    %dma_wait3A_1935 = tpu.memref_slice %arg4[%add3A_1922, %dma_wait3A_1934] : memref<2048x768xf32, #tpu.memory_space<hbm>> -> memref<8x768xf32, #tpu.memory_space<hbm>>
    tpu.wait_dma2 semaphore(%arg24 : memref<!tpu.dma_semaphore, #tpu.memory_space<semaphore_mem>>) src(%dma_wait3A_1935 : memref<8x768xf32, #tpu.memory_space<hbm>>) dst(%dma_wait3A_1933 : memref<8x768xf32, #tpu.memory_space<vmem>>)
    %dma_wait3A_1936 = arith.constant 7 : i32
    %dma_wait3A_1937 = arith.constant 0 : i32
    %dma_wait3A_1938 = tpu.memref_slice %arg6[%dma_wait3A_1936, %dma_wait3A_1937] : memref<8x32xi32, #tpu.memory_space<vmem>> -> memref<1x32xi32, #tpu.memory_space<vmem>>
    %dma_wait3A_1939 = tpu.memref_squeeze %dma_wait3A_1938 : memref<1x32xi32, #tpu.memory_space<vmem>> -> memref<32xi32, #tpu.memory_space<vmem>>
    %dma_wait3A_1940 = arith.constant 0 : i32
    %dma_wait3A_1941 = arith.constant 0 : i32
    %dma_wait3A_1942 = tpu.memref_slice %arg3[%dma_wait3A_1940, %dma_wait3A_1941] : memref<100000x768xf32, #tpu.memory_space<hbm>> -> memref<100000x768xf32, #tpu.memory_space<hbm>>
    tpu.wait_indirect_dma semaphore(%arg15 : memref<!tpu.dma_semaphore, #tpu.memory_space<semaphore_mem>>) src(%dma_wait3A_1942 : memref<100000x768xf32, #tpu.memory_space<hbm>>) dst(%arg11 : memref<32x768xf32, #tpu.memory_space<vmem>>)
    %scan3A_1943 = arith.constant 0 : i32
    %scan3A_1944 = arith.constant 8 : i32
    %scan3A_1945 = arith.addi %scan3A_1943, %scan3A_1944 : i32
    %scan3A_1946 = arith.constant 1 : i32
    scf.for %scan3A_2248 = %scan3A_1943 to %scan3A_1945 step %scan3A_1946  : i32 {
      %mul3A_2249 = arith.constant 1 : i32
      %mul3A_2250 = arith.muli %scan3A_2248, %mul3A_2249 : i32
      %add3A_2251 = arith.constant 0 : i32
      %add3A_2252 = arith.addi %add3A_2251, %mul3A_2250 : i32
      %parallel_loop3A = arith.constant 0 : i32
      %parallel_loop3A_2253 = arith.constant 768 : i32
      %parallel_loop3A_2254 = arith.constant 16 : i32
      scf.for %parallel_loop3A_2255 = %parallel_loop3A to %parallel_loop3A_2253 step %parallel_loop3A_2254  : i32 {
        %parallel_loop3A_2256 = arith.constant 3 : i32
        %parallel_loop3A_2257 = arith.index_cast %parallel_loop3A_2256 : i32 to index
        %parallel_loop3A_2258 = arith.index_cast %add3A_2252 : i32 to index
        %parallel_loop3A_2259 = arith.index_cast %parallel_loop3A_2255 : i32 to index
        %parallel_loop3A_2260 = tpu.vector_load %arg7[%parallel_loop3A_2257, %parallel_loop3A_2258, %parallel_loop3A_2259] {strides = array<i32>} : memref<4x8x768xf32, #tpu.memory_space<vmem>>, vector<1x1x16xf32>,
        %parallel_loop3A_2261 = vector.shape_cast %parallel_loop3A_2260 : vector<1x1x16xf32> to vector<16xf32>
        %parallel_loop3A_2262 = arith.constant 0 : i32
        %parallel_loop3A_2263 = arith.addi %parallel_loop3A_2262, %add3A_2252 : i32
        %parallel_loop3A_2264 = arith.index_cast %parallel_loop3A_2263 : i32 to index
        %parallel_loop3A_2265 = arith.index_cast %parallel_loop3A_2255 : i32 to index
        %parallel_loop3A_2266 = tpu.vector_load %arg11[%parallel_loop3A_2264, %parallel_loop3A_2265] {strides = array<i32>} : memref<32x768xf32, #tpu.memory_space<vmem>>, vector<1x16xf32>,
        %parallel_loop3A_2267 = vector.shape_cast %parallel_loop3A_2266 : vector<1x16xf32> to vector<16xf32>
        %parallel_loop3A_2268 = vector.shape_cast %parallel_loop3A_2261 : vector<16xf32> to vector<1x16xf32>
        tpu.vector_store %arg11[%parallel_loop3A_2264, %parallel_loop3A_2265], %parallel_loop3A_2268 {add = true, strides = array<i32>} : memref<32x768xf32, #tpu.memory_space<vmem>>, vector<1x16xf32>,
        %parallel_loop3A_2269 = arith.constant 8 : i32
        %parallel_loop3A_2270 = arith.addi %parallel_loop3A_2269, %add3A_2252 : i32
        %parallel_loop3A_2271 = arith.index_cast %parallel_loop3A_2270 : i32 to index
        %parallel_loop3A_2272 = arith.index_cast %parallel_loop3A_2255 : i32 to index
        %parallel_loop3A_2273 = tpu.vector_load %arg11[%parallel_loop3A_2271, %parallel_loop3A_2272] {strides = array<i32>} : memref<32x768xf32, #tpu.memory_space<vmem>>, vector<1x16xf32>,
        %parallel_loop3A_2274 = vector.shape_cast %parallel_loop3A_2273 : vector<1x16xf32> to vector<16xf32>
        %parallel_loop3A_2275 = vector.shape_cast %parallel_loop3A_2261 : vector<16xf32> to vector<1x16xf32>
        tpu.vector_store %arg11[%parallel_loop3A_2271, %parallel_loop3A_2272], %parallel_loop3A_2275 {add = true, strides = array<i32>} : memref<32x768xf32, #tpu.memory_space<vmem>>, vector<1x16xf32>,
        %parallel_loop3A_2276 = arith.constant 16 : i32
        %parallel_loop3A_2277 = arith.addi %parallel_loop3A_2276, %add3A_2252 : i32
        %parallel_loop3A_2278 = arith.index_cast %parallel_loop3A_2277 : i32 to index
        %parallel_loop3A_2279 = arith.index_cast %parallel_loop3A_2255 : i32 to index
        %parallel_loop3A_2280 = tpu.vector_load %arg11[%parallel_loop3A_2278, %parallel_loop3A_2279] {strides = array<i32>} : memref<32x768xf32, #tpu.memory_space<vmem>>, vector<1x16xf32>,
        %parallel_loop3A_2281 = vector.shape_cast %parallel_loop3A_2280 : vector<1x16xf32> to vector<16xf32>
        %parallel_loop3A_2282 = vector.shape_cast %parallel_loop3A_2261 : vector<16xf32> to vector<1x16xf32>
        tpu.vector_store %arg11[%parallel_loop3A_2278, %parallel_loop3A_2279], %parallel_loop3A_2282 {add = true, strides = array<i32>} : memref<32x768xf32, #tpu.memory_space<vmem>>, vector<1x16xf32>,
        %parallel_loop3A_2283 = arith.constant 24 : i32
        %parallel_loop3A_2284 = arith.addi %parallel_loop3A_2283, %add3A_2252 : i32
        %parallel_loop3A_2285 = arith.index_cast %parallel_loop3A_2284 : i32 to index
        %parallel_loop3A_2286 = arith.index_cast %parallel_loop3A_2255 : i32 to index
        %parallel_loop3A_2287 = tpu.vector_load %arg11[%parallel_loop3A_2285, %parallel_loop3A_2286] {strides = array<i32>} : memref<32x768xf32, #tpu.memory_space<vmem>>, vector<1x16xf32>,
        %parallel_loop3A_2288 = vector.shape_cast %parallel_loop3A_2287 : vector<1x16xf32> to vector<16xf32>
        %parallel_loop3A_2289 = vector.shape_cast %parallel_loop3A_2261 : vector<16xf32> to vector<1x16xf32>
        tpu.vector_store %arg11[%parallel_loop3A_2285, %parallel_loop3A_2286], %parallel_loop3A_2289 {add = true, strides = array<i32>} : memref<32x768xf32, #tpu.memory_space<vmem>>, vector<1x16xf32>,
      } {sc.loop_unroll_factor = 4 : i64, sc.parallel_access}
    }
    %scan3A_1947 = arith.constant 8 : i32
    %add3A_1948 = arith.constant 56 : i32
    %add3A_1949 = arith.addi %mul3A_2, %add3A_1948 : i32
    %dma_start3A_1950 = arith.constant 0 : i32
    %dma_start3A_1951 = arith.constant 0 : i32
    %dma_start3A_1952 = arith.constant 0 : i32
    %dma_start3A_1953 = tpu.memref_slice %arg11[%dma_start3A_1951, %dma_start3A_1952] : memref<32x768xf32, #tpu.memory_space<vmem>> -> memref<8x768xf32, #tpu.memory_space<vmem>>
    %dma_start3A_1954 = arith.constant 0 : i32
    %dma_start3A_1955 = tpu.memref_slice %arg5[%dma_start3A_1950, %add3A_1949, %dma_start3A_1954] : memref<4x2048x768xf32, #tpu.memory_space<hbm>> -> memref<1x8x768xf32, #tpu.memory_space<hbm>>
    %dma_start3A_1956 = tpu.memref_squeeze %dma_start3A_1955 : memref<1x8x768xf32, #tpu.memory_space<hbm>> -> memref<8x768xf32, #tpu.memory_space<hbm>>
    %dma_start3A_1957 = arith.constant 0 : i32
    %dma_start3A_1958 = tpu.memref_slice %arg5[%dma_start3A_1950, %add3A_1949, %dma_start3A_1957] : memref<4x2048x768xf32, #tpu.memory_space<hbm>> -> memref<1x8x768xf32, #tpu.memory_space<hbm>>
    %dma_start3A_1959 = tpu.memref_squeeze %dma_start3A_1958 : memref<1x8x768xf32, #tpu.memory_space<hbm>> -> memref<8x768xf32, #tpu.memory_space<hbm>>
    %dma_start3A_1960 = arith.constant 0 : i32
    %dma_start3A_1961 = arith.constant 0 : i32
    %dma_start3A_1962 = tpu.memref_slice %arg11[%dma_start3A_1960, %dma_start3A_1961] : memref<32x768xf32, #tpu.memory_space<vmem>> -> memref<8x768xf32, #tpu.memory_space<vmem>>
    tpu.enqueue_dma source(%dma_start3A_1962 : memref<8x768xf32, #tpu.memory_space<vmem>>) target(%dma_start3A_1959 : memref<8x768xf32, #tpu.memory_space<hbm>>) target_semaphore(%arg19 : memref<!tpu.dma_semaphore, #tpu.memory_space<semaphore_mem>>)
    %add3A_1963 = arith.constant 56 : i32
    %add3A_1964 = arith.addi %mul3A_2, %add3A_1963 : i32
    %dma_start3A_1965 = arith.constant 1 : i32
    %dma_start3A_1966 = arith.constant 8 : i32
    %dma_start3A_1967 = arith.constant 0 : i32
    %dma_start3A_1968 = tpu.memref_slice %arg11[%dma_start3A_1966, %dma_start3A_1967] : memref<32x768xf32, #tpu.memory_space<vmem>> -> memref<8x768xf32, #tpu.memory_space<vmem>>
    %dma_start3A_1969 = arith.constant 0 : i32
    %dma_start3A_1970 = tpu.memref_slice %arg5[%dma_start3A_1965, %add3A_1964, %dma_start3A_1969] : memref<4x2048x768xf32, #tpu.memory_space<hbm>> -> memref<1x8x768xf32, #tpu.memory_space<hbm>>
    %dma_start3A_1971 = tpu.memref_squeeze %dma_start3A_1970 : memref<1x8x768xf32, #tpu.memory_space<hbm>> -> memref<8x768xf32, #tpu.memory_space<hbm>>
    %dma_start3A_1972 = arith.constant 0 : i32
    %dma_start3A_1973 = tpu.memref_slice %arg5[%dma_start3A_1965, %add3A_1964, %dma_start3A_1972] : memref<4x2048x768xf32, #tpu.memory_space<hbm>> -> memref<1x8x768xf32, #tpu.memory_space<hbm>>
    %dma_start3A_1974 = tpu.memref_squeeze %dma_start3A_1973 : memref<1x8x768xf32, #tpu.memory_space<hbm>> -> memref<8x768xf32, #tpu.memory_space<hbm>>
    %dma_start3A_1975 = arith.constant 8 : i32
    %dma_start3A_1976 = arith.constant 0 : i32
    %dma_start3A_1977 = tpu.memref_slice %arg11[%dma_start3A_1975, %dma_start3A_1976] : memref<32x768xf32, #tpu.memory_space<vmem>> -> memref<8x768xf32, #tpu.memory_space<vmem>>
    tpu.enqueue_dma source(%dma_start3A_1977 : memref<8x768xf32, #tpu.memory_space<vmem>>) target(%dma_start3A_1974 : memref<8x768xf32, #tpu.memory_space<hbm>>) target_semaphore(%arg19 : memref<!tpu.dma_semaphore, #tpu.memory_space<semaphore_mem>>)
    %add3A_1978 = arith.constant 56 : i32
    %add3A_1979 = arith.addi %mul3A_2, %add3A_1978 : i32
    %dma_start3A_1980 = arith.constant 2 : i32
    %dma_start3A_1981 = arith.constant 16 : i32
    %dma_start3A_1982 = arith.constant 0 : i32
    %dma_start3A_1983 = tpu.memref_slice %arg11[%dma_start3A_1981, %dma_start3A_1982] : memref<32x768xf32, #tpu.memory_space<vmem>> -> memref<8x768xf32, #tpu.memory_space<vmem>>
    %dma_start3A_1984 = arith.constant 0 : i32
    %dma_start3A_1985 = tpu.memref_slice %arg5[%dma_start3A_1980, %add3A_1979, %dma_start3A_1984] : memref<4x2048x768xf32, #tpu.memory_space<hbm>> -> memref<1x8x768xf32, #tpu.memory_space<hbm>>
    %dma_start3A_1986 = tpu.memref_squeeze %dma_start3A_1985 : memref<1x8x768xf32, #tpu.memory_space<hbm>> -> memref<8x768xf32, #tpu.memory_space<hbm>>
    %dma_start3A_1987 = arith.constant 0 : i32
    %dma_start3A_1988 = tpu.memref_slice %arg5[%dma_start3A_1980, %add3A_1979, %dma_start3A_1987] : memref<4x2048x768xf32, #tpu.memory_space<hbm>> -> memref<1x8x768xf32, #tpu.memory_space<hbm>>
    %dma_start3A_1989 = tpu.memref_squeeze %dma_start3A_1988 : memref<1x8x768xf32, #tpu.memory_space<hbm>> -> memref<8x768xf32, #tpu.memory_space<hbm>>
    %dma_start3A_1990 = arith.constant 16 : i32
    %dma_start3A_1991 = arith.constant 0 : i32
    %dma_start3A_1992 = tpu.memref_slice %arg11[%dma_start3A_1990, %dma_start3A_1991] : memref<32x768xf32, #tpu.memory_space<vmem>> -> memref<8x768xf32, #tpu.memory_space<vmem>>
    tpu.enqueue_dma source(%dma_start3A_1992 : memref<8x768xf32, #tpu.memory_space<vmem>>) target(%dma_start3A_1989 : memref<8x768xf32, #tpu.memory_space<hbm>>) target_semaphore(%arg19 : memref<!tpu.dma_semaphore, #tpu.memory_space<semaphore_mem>>)
    %add3A_1993 = arith.constant 56 : i32
    %add3A_1994 = arith.addi %mul3A_2, %add3A_1993 : i32
    %dma_start3A_1995 = arith.constant 3 : i32
    %dma_start3A_1996 = arith.constant 24 : i32
    %dma_start3A_1997 = arith.constant 0 : i32
    %dma_start3A_1998 = tpu.memref_slice %arg11[%dma_start3A_1996, %dma_start3A_1997] : memref<32x768xf32, #tpu.memory_space<vmem>> -> memref<8x768xf32, #tpu.memory_space<vmem>>
    %dma_start3A_1999 = arith.constant 0 : i32
    %dma_start3A_2000 = tpu.memref_slice %arg5[%dma_start3A_1995, %add3A_1994, %dma_start3A_1999] : memref<4x2048x768xf32, #tpu.memory_space<hbm>> -> memref<1x8x768xf32, #tpu.memory_space<hbm>>
    %dma_start3A_2001 = tpu.memref_squeeze %dma_start3A_2000 : memref<1x8x768xf32, #tpu.memory_space<hbm>> -> memref<8x768xf32, #tpu.memory_space<hbm>>
    %dma_start3A_2002 = arith.constant 0 : i32
    %dma_start3A_2003 = tpu.memref_slice %arg5[%dma_start3A_1995, %add3A_1994, %dma_start3A_2002] : memref<4x2048x768xf32, #tpu.memory_space<hbm>> -> memref<1x8x768xf32, #tpu.memory_space<hbm>>
    %dma_start3A_2004 = tpu.memref_squeeze %dma_start3A_2003 : memref<1x8x768xf32, #tpu.memory_space<hbm>> -> memref<8x768xf32, #tpu.memory_space<hbm>>
    %dma_start3A_2005 = arith.constant 24 : i32
    %dma_start3A_2006 = arith.constant 0 : i32
    %dma_start3A_2007 = tpu.memref_slice %arg11[%dma_start3A_2005, %dma_start3A_2006] : memref<32x768xf32, #tpu.memory_space<vmem>> -> memref<8x768xf32, #tpu.memory_space<vmem>>
    tpu.enqueue_dma source(%dma_start3A_2007 : memref<8x768xf32, #tpu.memory_space<vmem>>) target(%dma_start3A_2004 : memref<8x768xf32, #tpu.memory_space<hbm>>) target_semaphore(%arg19 : memref<!tpu.dma_semaphore, #tpu.memory_space<semaphore_mem>>)
    %add3A_2008 = arith.constant 32 : i32
    %add3A_2009 = arith.addi %mul3A_2, %add3A_2008 : i32
    %dma_wait3A_2010 = arith.constant 0 : i32
    %dma_wait3A_2011 = arith.constant 0 : i32
    %dma_wait3A_2012 = arith.constant 0 : i32
    %dma_wait3A_2013 = tpu.memref_slice %arg8[%dma_wait3A_2011, %dma_wait3A_2012] : memref<32x768xf32, #tpu.memory_space<vmem>> -> memref<8x768xf32, #tpu.memory_space<vmem>>
    %dma_wait3A_2014 = arith.constant 0 : i32
    %dma_wait3A_2015 = tpu.memref_slice %arg5[%dma_wait3A_2010, %add3A_2009, %dma_wait3A_2014] : memref<4x2048x768xf32, #tpu.memory_space<hbm>> -> memref<1x8x768xf32, #tpu.memory_space<hbm>>
    %dma_wait3A_2016 = tpu.memref_squeeze %dma_wait3A_2015 : memref<1x8x768xf32, #tpu.memory_space<hbm>> -> memref<8x768xf32, #tpu.memory_space<hbm>>
    %dma_wait3A_2017 = arith.constant 0 : i32
    %dma_wait3A_2018 = tpu.memref_slice %arg5[%dma_wait3A_2010, %add3A_2009, %dma_wait3A_2017] : memref<4x2048x768xf32, #tpu.memory_space<hbm>> -> memref<1x8x768xf32, #tpu.memory_space<hbm>>
    %dma_wait3A_2019 = tpu.memref_squeeze %dma_wait3A_2018 : memref<1x8x768xf32, #tpu.memory_space<hbm>> -> memref<8x768xf32, #tpu.memory_space<hbm>>
    %dma_wait3A_2020 = arith.constant 0 : i32
    %dma_wait3A_2021 = arith.constant 0 : i32
    %dma_wait3A_2022 = tpu.memref_slice %arg8[%dma_wait3A_2020, %dma_wait3A_2021] : memref<32x768xf32, #tpu.memory_space<vmem>> -> memref<8x768xf32, #tpu.memory_space<vmem>>
    tpu.wait_dma2 semaphore(%arg16 : memref<!tpu.dma_semaphore, #tpu.memory_space<semaphore_mem>>) src(%dma_wait3A_2022 : memref<8x768xf32, #tpu.memory_space<vmem>>) dst(%dma_wait3A_2019 : memref<8x768xf32, #tpu.memory_space<hbm>>)
    %add3A_2023 = arith.constant 32 : i32
    %add3A_2024 = arith.addi %mul3A_2, %add3A_2023 : i32
    %dma_wait3A_2025 = arith.constant 1 : i32
    %dma_wait3A_2026 = arith.constant 8 : i32
    %dma_wait3A_2027 = arith.constant 0 : i32
    %dma_wait3A_2028 = tpu.memref_slice %arg8[%dma_wait3A_2026, %dma_wait3A_2027] : memref<32x768xf32, #tpu.memory_space<vmem>> -> memref<8x768xf32, #tpu.memory_space<vmem>>
    %dma_wait3A_2029 = arith.constant 0 : i32
    %dma_wait3A_2030 = tpu.memref_slice %arg5[%dma_wait3A_2025, %add3A_2024, %dma_wait3A_2029] : memref<4x2048x768xf32, #tpu.memory_space<hbm>> -> memref<1x8x768xf32, #tpu.memory_space<hbm>>
    %dma_wait3A_2031 = tpu.memref_squeeze %dma_wait3A_2030 : memref<1x8x768xf32, #tpu.memory_space<hbm>> -> memref<8x768xf32, #tpu.memory_space<hbm>>
    %dma_wait3A_2032 = arith.constant 0 : i32
    %dma_wait3A_2033 = tpu.memref_slice %arg5[%dma_wait3A_2025, %add3A_2024, %dma_wait3A_2032] : memref<4x2048x768xf32, #tpu.memory_space<hbm>> -> memref<1x8x768xf32, #tpu.memory_space<hbm>>
    %dma_wait3A_2034 = tpu.memref_squeeze %dma_wait3A_2033 : memref<1x8x768xf32, #tpu.memory_space<hbm>> -> memref<8x768xf32, #tpu.memory_space<hbm>>
    %dma_wait3A_2035 = arith.constant 8 : i32
    %dma_wait3A_2036 = arith.constant 0 : i32
    %dma_wait3A_2037 = tpu.memref_slice %arg8[%dma_wait3A_2035, %dma_wait3A_2036] : memref<32x768xf32, #tpu.memory_space<vmem>> -> memref<8x768xf32, #tpu.memory_space<vmem>>
    tpu.wait_dma2 semaphore(%arg16 : memref<!tpu.dma_semaphore, #tpu.memory_space<semaphore_mem>>) src(%dma_wait3A_2037 : memref<8x768xf32, #tpu.memory_space<vmem>>) dst(%dma_wait3A_2034 : memref<8x768xf32, #tpu.memory_space<hbm>>)
    %add3A_2038 = arith.constant 32 : i32
    %add3A_2039 = arith.addi %mul3A_2, %add3A_2038 : i32
    %dma_wait3A_2040 = arith.constant 2 : i32
    %dma_wait3A_2041 = arith.constant 16 : i32
    %dma_wait3A_2042 = arith.constant 0 : i32
    %dma_wait3A_2043 = tpu.memref_slice %arg8[%dma_wait3A_2041, %dma_wait3A_2042] : memref<32x768xf32, #tpu.memory_space<vmem>> -> memref<8x768xf32, #tpu.memory_space<vmem>>
    %dma_wait3A_2044 = arith.constant 0 : i32
    %dma_wait3A_2045 = tpu.memref_slice %arg5[%dma_wait3A_2040, %add3A_2039, %dma_wait3A_2044] : memref<4x2048x768xf32, #tpu.memory_space<hbm>> -> memref<1x8x768xf32, #tpu.memory_space<hbm>>
    %dma_wait3A_2046 = tpu.memref_squeeze %dma_wait3A_2045 : memref<1x8x768xf32, #tpu.memory_space<hbm>> -> memref<8x768xf32, #tpu.memory_space<hbm>>
    %dma_wait3A_2047 = arith.constant 0 : i32
    %dma_wait3A_2048 = tpu.memref_slice %arg5[%dma_wait3A_2040, %add3A_2039, %dma_wait3A_2047] : memref<4x2048x768xf32, #tpu.memory_space<hbm>> -> memref<1x8x768xf32, #tpu.memory_space<hbm>>
    %dma_wait3A_2049 = tpu.memref_squeeze %dma_wait3A_2048 : memref<1x8x768xf32, #tpu.memory_space<hbm>> -> memref<8x768xf32, #tpu.memory_space<hbm>>
    %dma_wait3A_2050 = arith.constant 16 : i32
    %dma_wait3A_2051 = arith.constant 0 : i32
    %dma_wait3A_2052 = tpu.memref_slice %arg8[%dma_wait3A_2050, %dma_wait3A_2051] : memref<32x768xf32, #tpu.memory_space<vmem>> -> memref<8x768xf32, #tpu.memory_space<vmem>>
    tpu.wait_dma2 semaphore(%arg16 : memref<!tpu.dma_semaphore, #tpu.memory_space<semaphore_mem>>) src(%dma_wait3A_2052 : memref<8x768xf32, #tpu.memory_space<vmem>>) dst(%dma_wait3A_2049 : memref<8x768xf32, #tpu.memory_space<hbm>>)
    %add3A_2053 = arith.constant 32 : i32
    %add3A_2054 = arith.addi %mul3A_2, %add3A_2053 : i32
    %dma_wait3A_2055 = arith.constant 3 : i32
    %dma_wait3A_2056 = arith.constant 24 : i32
    %dma_wait3A_2057 = arith.constant 0 : i32
    %dma_wait3A_2058 = tpu.memref_slice %arg8[%dma_wait3A_2056, %dma_wait3A_2057] : memref<32x768xf32, #tpu.memory_space<vmem>> -> memref<8x768xf32, #tpu.memory_space<vmem>>
    %dma_wait3A_2059 = arith.constant 0 : i32
    %dma_wait3A_2060 = tpu.memref_slice %arg5[%dma_wait3A_2055, %add3A_2054, %dma_wait3A_2059] : memref<4x2048x768xf32, #tpu.memory_space<hbm>> -> memref<1x8x768xf32, #tpu.memory_space<hbm>>
    %dma_wait3A_2061 = tpu.memref_squeeze %dma_wait3A_2060 : memref<1x8x768xf32, #tpu.memory_space<hbm>> -> memref<8x768xf32, #tpu.memory_space<hbm>>
    %dma_wait3A_2062 = arith.constant 0 : i32
    %dma_wait3A_2063 = tpu.memref_slice %arg5[%dma_wait3A_2055, %add3A_2054, %dma_wait3A_2062] : memref<4x2048x768xf32, #tpu.memory_space<hbm>> -> memref<1x8x768xf32, #tpu.memory_space<hbm>>
    %dma_wait3A_2064 = tpu.memref_squeeze %dma_wait3A_2063 : memref<1x8x768xf32, #tpu.memory_space<hbm>> -> memref<8x768xf32, #tpu.memory_space<hbm>>
    %dma_wait3A_2065 = arith.constant 24 : i32
    %dma_wait3A_2066 = arith.constant 0 : i32
    %dma_wait3A_2067 = tpu.memref_slice %arg8[%dma_wait3A_2065, %dma_wait3A_2066] : memref<32x768xf32, #tpu.memory_space<vmem>> -> memref<8x768xf32, #tpu.memory_space<vmem>>
    tpu.wait_dma2 semaphore(%arg16 : memref<!tpu.dma_semaphore, #tpu.memory_space<semaphore_mem>>) src(%dma_wait3A_2067 : memref<8x768xf32, #tpu.memory_space<vmem>>) dst(%dma_wait3A_2064 : memref<8x768xf32, #tpu.memory_space<hbm>>)
    %add3A_2068 = arith.constant 40 : i32
    %add3A_2069 = arith.addi %mul3A_2, %add3A_2068 : i32
    %dma_wait3A_2070 = arith.constant 0 : i32
    %dma_wait3A_2071 = arith.constant 0 : i32
    %dma_wait3A_2072 = arith.constant 0 : i32
    %dma_wait3A_2073 = tpu.memref_slice %arg9[%dma_wait3A_2071, %dma_wait3A_2072] : memref<32x768xf32, #tpu.memory_space<vmem>> -> memref<8x768xf32, #tpu.memory_space<vmem>>
    %dma_wait3A_2074 = arith.constant 0 : i32
    %dma_wait3A_2075 = tpu.memref_slice %arg5[%dma_wait3A_2070, %add3A_2069, %dma_wait3A_2074] : memref<4x2048x768xf32, #tpu.memory_space<hbm>> -> memref<1x8x768xf32, #tpu.memory_space<hbm>>
    %dma_wait3A_2076 = tpu.memref_squeeze %dma_wait3A_2075 : memref<1x8x768xf32, #tpu.memory_space<hbm>> -> memref<8x768xf32, #tpu.memory_space<hbm>>
    %dma_wait3A_2077 = arith.constant 0 : i32
    %dma_wait3A_2078 = tpu.memref_slice %arg5[%dma_wait3A_2070, %add3A_2069, %dma_wait3A_2077] : memref<4x2048x768xf32, #tpu.memory_space<hbm>> -> memref<1x8x768xf32, #tpu.memory_space<hbm>>
    %dma_wait3A_2079 = tpu.memref_squeeze %dma_wait3A_2078 : memref<1x8x768xf32, #tpu.memory_space<hbm>> -> memref<8x768xf32, #tpu.memory_space<hbm>>
    %dma_wait3A_2080 = arith.constant 0 : i32
    %dma_wait3A_2081 = arith.constant 0 : i32
    %dma_wait3A_2082 = tpu.memref_slice %arg9[%dma_wait3A_2080, %dma_wait3A_2081] : memref<32x768xf32, #tpu.memory_space<vmem>> -> memref<8x768xf32, #tpu.memory_space<vmem>>
    tpu.wait_dma2 semaphore(%arg17 : memref<!tpu.dma_semaphore, #tpu.memory_space<semaphore_mem>>) src(%dma_wait3A_2082 : memref<8x768xf32, #tpu.memory_space<vmem>>) dst(%dma_wait3A_2079 : memref<8x768xf32, #tpu.memory_space<hbm>>)
    %add3A_2083 = arith.constant 40 : i32
    %add3A_2084 = arith.addi %mul3A_2, %add3A_2083 : i32
    %dma_wait3A_2085 = arith.constant 1 : i32
    %dma_wait3A_2086 = arith.constant 8 : i32
    %dma_wait3A_2087 = arith.constant 0 : i32
    %dma_wait3A_2088 = tpu.memref_slice %arg9[%dma_wait3A_2086, %dma_wait3A_2087] : memref<32x768xf32, #tpu.memory_space<vmem>> -> memref<8x768xf32, #tpu.memory_space<vmem>>
    %dma_wait3A_2089 = arith.constant 0 : i32
    %dma_wait3A_2090 = tpu.memref_slice %arg5[%dma_wait3A_2085, %add3A_2084, %dma_wait3A_2089] : memref<4x2048x768xf32, #tpu.memory_space<hbm>> -> memref<1x8x768xf32, #tpu.memory_space<hbm>>
    %dma_wait3A_2091 = tpu.memref_squeeze %dma_wait3A_2090 : memref<1x8x768xf32, #tpu.memory_space<hbm>> -> memref<8x768xf32, #tpu.memory_space<hbm>>
    %dma_wait3A_2092 = arith.constant 0 : i32
    %dma_wait3A_2093 = tpu.memref_slice %arg5[%dma_wait3A_2085, %add3A_2084, %dma_wait3A_2092] : memref<4x2048x768xf32, #tpu.memory_space<hbm>> -> memref<1x8x768xf32, #tpu.memory_space<hbm>>
    %dma_wait3A_2094 = tpu.memref_squeeze %dma_wait3A_2093 : memref<1x8x768xf32, #tpu.memory_space<hbm>> -> memref<8x768xf32, #tpu.memory_space<hbm>>
    %dma_wait3A_2095 = arith.constant 8 : i32
    %dma_wait3A_2096 = arith.constant 0 : i32
    %dma_wait3A_2097 = tpu.memref_slice %arg9[%dma_wait3A_2095, %dma_wait3A_2096] : memref<32x768xf32, #tpu.memory_space<vmem>> -> memref<8x768xf32, #tpu.memory_space<vmem>>
    tpu.wait_dma2 semaphore(%arg17 : memref<!tpu.dma_semaphore, #tpu.memory_space<semaphore_mem>>) src(%dma_wait3A_2097 : memref<8x768xf32, #tpu.memory_space<vmem>>) dst(%dma_wait3A_2094 : memref<8x768xf32, #tpu.memory_space<hbm>>)
    %add3A_2098 = arith.constant 40 : i32
    %add3A_2099 = arith.addi %mul3A_2, %add3A_2098 : i32
    %dma_wait3A_2100 = arith.constant 2 : i32
    %dma_wait3A_2101 = arith.constant 16 : i32
    %dma_wait3A_2102 = arith.constant 0 : i32
    %dma_wait3A_2103 = tpu.memref_slice %arg9[%dma_wait3A_2101, %dma_wait3A_2102] : memref<32x768xf32, #tpu.memory_space<vmem>> -> memref<8x768xf32, #tpu.memory_space<vmem>>
    %dma_wait3A_2104 = arith.constant 0 : i32
    %dma_wait3A_2105 = tpu.memref_slice %arg5[%dma_wait3A_2100, %add3A_2099, %dma_wait3A_2104] : memref<4x2048x768xf32, #tpu.memory_space<hbm>> -> memref<1x8x768xf32, #tpu.memory_space<hbm>>
    %dma_wait3A_2106 = tpu.memref_squeeze %dma_wait3A_2105 : memref<1x8x768xf32, #tpu.memory_space<hbm>> -> memref<8x768xf32, #tpu.memory_space<hbm>>
    %dma_wait3A_2107 = arith.constant 0 : i32
    %dma_wait3A_2108 = tpu.memref_slice %arg5[%dma_wait3A_2100, %add3A_2099, %dma_wait3A_2107] : memref<4x2048x768xf32, #tpu.memory_space<hbm>> -> memref<1x8x768xf32, #tpu.memory_space<hbm>>
    %dma_wait3A_2109 = tpu.memref_squeeze %dma_wait3A_2108 : memref<1x8x768xf32, #tpu.memory_space<hbm>> -> memref<8x768xf32, #tpu.memory_space<hbm>>
    %dma_wait3A_2110 = arith.constant 16 : i32
    %dma_wait3A_2111 = arith.constant 0 : i32
    %dma_wait3A_2112 = tpu.memref_slice %arg9[%dma_wait3A_2110, %dma_wait3A_2111] : memref<32x768xf32, #tpu.memory_space<vmem>> -> memref<8x768xf32, #tpu.memory_space<vmem>>
    tpu.wait_dma2 semaphore(%arg17 : memref<!tpu.dma_semaphore, #tpu.memory_space<semaphore_mem>>) src(%dma_wait3A_2112 : memref<8x768xf32, #tpu.memory_space<vmem>>) dst(%dma_wait3A_2109 : memref<8x768xf32, #tpu.memory_space<hbm>>)
    %add3A_2113 = arith.constant 40 : i32
    %add3A_2114 = arith.addi %mul3A_2, %add3A_2113 : i32
    %dma_wait3A_2115 = arith.constant 3 : i32
    %dma_wait3A_2116 = arith.constant 24 : i32
    %dma_wait3A_2117 = arith.constant 0 : i32
    %dma_wait3A_2118 = tpu.memref_slice %arg9[%dma_wait3A_2116, %dma_wait3A_2117] : memref<32x768xf32, #tpu.memory_space<vmem>> -> memref<8x768xf32, #tpu.memory_space<vmem>>
    %dma_wait3A_2119 = arith.constant 0 : i32
    %dma_wait3A_2120 = tpu.memref_slice %arg5[%dma_wait3A_2115, %add3A_2114, %dma_wait3A_2119] : memref<4x2048x768xf32, #tpu.memory_space<hbm>> -> memref<1x8x768xf32, #tpu.memory_space<hbm>>
    %dma_wait3A_2121 = tpu.memref_squeeze %dma_wait3A_2120 : memref<1x8x768xf32, #tpu.memory_space<hbm>> -> memref<8x768xf32, #tpu.memory_space<hbm>>
    %dma_wait3A_2122 = arith.constant 0 : i32
    %dma_wait3A_2123 = tpu.memref_slice %arg5[%dma_wait3A_2115, %add3A_2114, %dma_wait3A_2122] : memref<4x2048x768xf32, #tpu.memory_space<hbm>> -> memref<1x8x768xf32, #tpu.memory_space<hbm>>
    %dma_wait3A_2124 = tpu.memref_squeeze %dma_wait3A_2123 : memref<1x8x768xf32, #tpu.memory_space<hbm>> -> memref<8x768xf32, #tpu.memory_space<hbm>>
    %dma_wait3A_2125 = arith.constant 24 : i32
    %dma_wait3A_2126 = arith.constant 0 : i32
    %dma_wait3A_2127 = tpu.memref_slice %arg9[%dma_wait3A_2125, %dma_wait3A_2126] : memref<32x768xf32, #tpu.memory_space<vmem>> -> memref<8x768xf32, #tpu.memory_space<vmem>>
    tpu.wait_dma2 semaphore(%arg17 : memref<!tpu.dma_semaphore, #tpu.memory_space<semaphore_mem>>) src(%dma_wait3A_2127 : memref<8x768xf32, #tpu.memory_space<vmem>>) dst(%dma_wait3A_2124 : memref<8x768xf32, #tpu.memory_space<hbm>>)
    %add3A_2128 = arith.constant 48 : i32
    %add3A_2129 = arith.addi %mul3A_2, %add3A_2128 : i32
    %dma_wait3A_2130 = arith.constant 0 : i32
    %dma_wait3A_2131 = arith.constant 0 : i32
    %dma_wait3A_2132 = arith.constant 0 : i32
    %dma_wait3A_2133 = tpu.memref_slice %arg10[%dma_wait3A_2131, %dma_wait3A_2132] : memref<32x768xf32, #tpu.memory_space<vmem>> -> memref<8x768xf32, #tpu.memory_space<vmem>>
    %dma_wait3A_2134 = arith.constant 0 : i32
    %dma_wait3A_2135 = tpu.memref_slice %arg5[%dma_wait3A_2130, %add3A_2129, %dma_wait3A_2134] : memref<4x2048x768xf32, #tpu.memory_space<hbm>> -> memref<1x8x768xf32, #tpu.memory_space<hbm>>
    %dma_wait3A_2136 = tpu.memref_squeeze %dma_wait3A_2135 : memref<1x8x768xf32, #tpu.memory_space<hbm>> -> memref<8x768xf32, #tpu.memory_space<hbm>>
    %dma_wait3A_2137 = arith.constant 0 : i32
    %dma_wait3A_2138 = tpu.memref_slice %arg5[%dma_wait3A_2130, %add3A_2129, %dma_wait3A_2137] : memref<4x2048x768xf32, #tpu.memory_space<hbm>> -> memref<1x8x768xf32, #tpu.memory_space<hbm>>
    %dma_wait3A_2139 = tpu.memref_squeeze %dma_wait3A_2138 : memref<1x8x768xf32, #tpu.memory_space<hbm>> -> memref<8x768xf32, #tpu.memory_space<hbm>>
    %dma_wait3A_2140 = arith.constant 0 : i32
    %dma_wait3A_2141 = arith.constant 0 : i32
    %dma_wait3A_2142 = tpu.memref_slice %arg10[%dma_wait3A_2140, %dma_wait3A_2141] : memref<32x768xf32, #tpu.memory_space<vmem>> -> memref<8x768xf32, #tpu.memory_space<vmem>>
    tpu.wait_dma2 semaphore(%arg18 : memref<!tpu.dma_semaphore, #tpu.memory_space<semaphore_mem>>) src(%dma_wait3A_2142 : memref<8x768xf32, #tpu.memory_space<vmem>>) dst(%dma_wait3A_2139 : memref<8x768xf32, #tpu.memory_space<hbm>>)
    %add3A_2143 = arith.constant 48 : i32
    %add3A_2144 = arith.addi %mul3A_2, %add3A_2143 : i32
    %dma_wait3A_2145 = arith.constant 1 : i32
    %dma_wait3A_2146 = arith.constant 8 : i32
    %dma_wait3A_2147 = arith.constant 0 : i32
    %dma_wait3A_2148 = tpu.memref_slice %arg10[%dma_wait3A_2146, %dma_wait3A_2147] : memref<32x768xf32, #tpu.memory_space<vmem>> -> memref<8x768xf32, #tpu.memory_space<vmem>>
    %dma_wait3A_2149 = arith.constant 0 : i32
    %dma_wait3A_2150 = tpu.memref_slice %arg5[%dma_wait3A_2145, %add3A_2144, %dma_wait3A_2149] : memref<4x2048x768xf32, #tpu.memory_space<hbm>> -> memref<1x8x768xf32, #tpu.memory_space<hbm>>
    %dma_wait3A_2151 = tpu.memref_squeeze %dma_wait3A_2150 : memref<1x8x768xf32, #tpu.memory_space<hbm>> -> memref<8x768xf32, #tpu.memory_space<hbm>>
    %dma_wait3A_2152 = arith.constant 0 : i32
    %dma_wait3A_2153 = tpu.memref_slice %arg5[%dma_wait3A_2145, %add3A_2144, %dma_wait3A_2152] : memref<4x2048x768xf32, #tpu.memory_space<hbm>> -> memref<1x8x768xf32, #tpu.memory_space<hbm>>
    %dma_wait3A_2154 = tpu.memref_squeeze %dma_wait3A_2153 : memref<1x8x768xf32, #tpu.memory_space<hbm>> -> memref<8x768xf32, #tpu.memory_space<hbm>>
    %dma_wait3A_2155 = arith.constant 8 : i32
    %dma_wait3A_2156 = arith.constant 0 : i32
    %dma_wait3A_2157 = tpu.memref_slice %arg10[%dma_wait3A_2155, %dma_wait3A_2156] : memref<32x768xf32, #tpu.memory_space<vmem>> -> memref<8x768xf32, #tpu.memory_space<vmem>>
    tpu.wait_dma2 semaphore(%arg18 : memref<!tpu.dma_semaphore, #tpu.memory_space<semaphore_mem>>) src(%dma_wait3A_2157 : memref<8x768xf32, #tpu.memory_space<vmem>>) dst(%dma_wait3A_2154 : memref<8x768xf32, #tpu.memory_space<hbm>>)
    %add3A_2158 = arith.constant 48 : i32
    %add3A_2159 = arith.addi %mul3A_2, %add3A_2158 : i32
    %dma_wait3A_2160 = arith.constant 2 : i32
    %dma_wait3A_2161 = arith.constant 16 : i32
    %dma_wait3A_2162 = arith.constant 0 : i32
    %dma_wait3A_2163 = tpu.memref_slice %arg10[%dma_wait3A_2161, %dma_wait3A_2162] : memref<32x768xf32, #tpu.memory_space<vmem>> -> memref<8x768xf32, #tpu.memory_space<vmem>>
    %dma_wait3A_2164 = arith.constant 0 : i32
    %dma_wait3A_2165 = tpu.memref_slice %arg5[%dma_wait3A_2160, %add3A_2159, %dma_wait3A_2164] : memref<4x2048x768xf32, #tpu.memory_space<hbm>> -> memref<1x8x768xf32, #tpu.memory_space<hbm>>
    %dma_wait3A_2166 = tpu.memref_squeeze %dma_wait3A_2165 : memref<1x8x768xf32, #tpu.memory_space<hbm>> -> memref<8x768xf32, #tpu.memory_space<hbm>>
    %dma_wait3A_2167 = arith.constant 0 : i32
    %dma_wait3A_2168 = tpu.memref_slice %arg5[%dma_wait3A_2160, %add3A_2159, %dma_wait3A_2167] : memref<4x2048x768xf32, #tpu.memory_space<hbm>> -> memref<1x8x768xf32, #tpu.memory_space<hbm>>
    %dma_wait3A_2169 = tpu.memref_squeeze %dma_wait3A_2168 : memref<1x8x768xf32, #tpu.memory_space<hbm>> -> memref<8x768xf32, #tpu.memory_space<hbm>>
    %dma_wait3A_2170 = arith.constant 16 : i32
    %dma_wait3A_2171 = arith.constant 0 : i32
    %dma_wait3A_2172 = tpu.memref_slice %arg10[%dma_wait3A_2170, %dma_wait3A_2171] : memref<32x768xf32, #tpu.memory_space<vmem>> -> memref<8x768xf32, #tpu.memory_space<vmem>>
    tpu.wait_dma2 semaphore(%arg18 : memref<!tpu.dma_semaphore, #tpu.memory_space<semaphore_mem>>) src(%dma_wait3A_2172 : memref<8x768xf32, #tpu.memory_space<vmem>>) dst(%dma_wait3A_2169 : memref<8x768xf32, #tpu.memory_space<hbm>>)
    %add3A_2173 = arith.constant 48 : i32
    %add3A_2174 = arith.addi %mul3A_2, %add3A_2173 : i32
    %dma_wait3A_2175 = arith.constant 3 : i32
    %dma_wait3A_2176 = arith.constant 24 : i32
    %dma_wait3A_2177 = arith.constant 0 : i32
    %dma_wait3A_2178 = tpu.memref_slice %arg10[%dma_wait3A_2176, %dma_wait3A_2177] : memref<32x768xf32, #tpu.memory_space<vmem>> -> memref<8x768xf32, #tpu.memory_space<vmem>>
    %dma_wait3A_2179 = arith.constant 0 : i32
    %dma_wait3A_2180 = tpu.memref_slice %arg5[%dma_wait3A_2175, %add3A_2174, %dma_wait3A_2179] : memref<4x2048x768xf32, #tpu.memory_space<hbm>> -> memref<1x8x768xf32, #tpu.memory_space<hbm>>
    %dma_wait3A_2181 = tpu.memref_squeeze %dma_wait3A_2180 : memref<1x8x768xf32, #tpu.memory_space<hbm>> -> memref<8x768xf32, #tpu.memory_space<hbm>>
    %dma_wait3A_2182 = arith.constant 0 : i32
    %dma_wait3A_2183 = tpu.memref_slice %arg5[%dma_wait3A_2175, %add3A_2174, %dma_wait3A_2182] : memref<4x2048x768xf32, #tpu.memory_space<hbm>> -> memref<1x8x768xf32, #tpu.memory_space<hbm>>
    %dma_wait3A_2184 = tpu.memref_squeeze %dma_wait3A_2183 : memref<1x8x768xf32, #tpu.memory_space<hbm>> -> memref<8x768xf32, #tpu.memory_space<hbm>>
    %dma_wait3A_2185 = arith.constant 24 : i32
    %dma_wait3A_2186 = arith.constant 0 : i32
    %dma_wait3A_2187 = tpu.memref_slice %arg10[%dma_wait3A_2185, %dma_wait3A_2186] : memref<32x768xf32, #tpu.memory_space<vmem>> -> memref<8x768xf32, #tpu.memory_space<vmem>>
    tpu.wait_dma2 semaphore(%arg18 : memref<!tpu.dma_semaphore, #tpu.memory_space<semaphore_mem>>) src(%dma_wait3A_2187 : memref<8x768xf32, #tpu.memory_space<vmem>>) dst(%dma_wait3A_2184 : memref<8x768xf32, #tpu.memory_space<hbm>>)
    %add3A_2188 = arith.constant 56 : i32
    %add3A_2189 = arith.addi %mul3A_2, %add3A_2188 : i32
    %dma_wait3A_2190 = arith.constant 0 : i32
    %dma_wait3A_2191 = arith.constant 0 : i32
    %dma_wait3A_2192 = arith.constant 0 : i32
    %dma_wait3A_2193 = tpu.memref_slice %arg11[%dma_wait3A_2191, %dma_wait3A_2192] : memref<32x768xf32, #tpu.memory_space<vmem>> -> memref<8x768xf32, #tpu.memory_space<vmem>>
    %dma_wait3A_2194 = arith.constant 0 : i32
    %dma_wait3A_2195 = tpu.memref_slice %arg5[%dma_wait3A_2190, %add3A_2189, %dma_wait3A_2194] : memref<4x2048x768xf32, #tpu.memory_space<hbm>> -> memref<1x8x768xf32, #tpu.memory_space<hbm>>
    %dma_wait3A_2196 = tpu.memref_squeeze %dma_wait3A_2195 : memref<1x8x768xf32, #tpu.memory_space<hbm>> -> memref<8x768xf32, #tpu.memory_space<hbm>>
    %dma_wait3A_2197 = arith.constant 0 : i32
    %dma_wait3A_2198 = tpu.memref_slice %arg5[%dma_wait3A_2190, %add3A_2189, %dma_wait3A_2197] : memref<4x2048x768xf32, #tpu.memory_space<hbm>> -> memref<1x8x768xf32, #tpu.memory_space<hbm>>
    %dma_wait3A_2199 = tpu.memref_squeeze %dma_wait3A_2198 : memref<1x8x768xf32, #tpu.memory_space<hbm>> -> memref<8x768xf32, #tpu.memory_space<hbm>>
    %dma_wait3A_2200 = arith.constant 0 : i32
    %dma_wait3A_2201 = arith.constant 0 : i32
    %dma_wait3A_2202 = tpu.memref_slice %arg11[%dma_wait3A_2200, %dma_wait3A_2201] : memref<32x768xf32, #tpu.memory_space<vmem>> -> memref<8x768xf32, #tpu.memory_space<vmem>>
    tpu.wait_dma2 semaphore(%arg19 : memref<!tpu.dma_semaphore, #tpu.memory_space<semaphore_mem>>) src(%dma_wait3A_2202 : memref<8x768xf32, #tpu.memory_space<vmem>>) dst(%dma_wait3A_2199 : memref<8x768xf32, #tpu.memory_space<hbm>>)
    %add3A_2203 = arith.constant 56 : i32
    %add3A_2204 = arith.addi %mul3A_2, %add3A_2203 : i32
    %dma_wait3A_2205 = arith.constant 1 : i32
    %dma_wait3A_2206 = arith.constant 8 : i32
    %dma_wait3A_2207 = arith.constant 0 : i32
    %dma_wait3A_2208 = tpu.memref_slice %arg11[%dma_wait3A_2206, %dma_wait3A_2207] : memref<32x768xf32, #tpu.memory_space<vmem>> -> memref<8x768xf32, #tpu.memory_space<vmem>>
    %dma_wait3A_2209 = arith.constant 0 : i32
    %dma_wait3A_2210 = tpu.memref_slice %arg5[%dma_wait3A_2205, %add3A_2204, %dma_wait3A_2209] : memref<4x2048x768xf32, #tpu.memory_space<hbm>> -> memref<1x8x768xf32, #tpu.memory_space<hbm>>
    %dma_wait3A_2211 = tpu.memref_squeeze %dma_wait3A_2210 : memref<1x8x768xf32, #tpu.memory_space<hbm>> -> memref<8x768xf32, #tpu.memory_space<hbm>>
    %dma_wait3A_2212 = arith.constant 0 : i32
    %dma_wait3A_2213 = tpu.memref_slice %arg5[%dma_wait3A_2205, %add3A_2204, %dma_wait3A_2212] : memref<4x2048x768xf32, #tpu.memory_space<hbm>> -> memref<1x8x768xf32, #tpu.memory_space<hbm>>
    %dma_wait3A_2214 = tpu.memref_squeeze %dma_wait3A_2213 : memref<1x8x768xf32, #tpu.memory_space<hbm>> -> memref<8x768xf32, #tpu.memory_space<hbm>>
    %dma_wait3A_2215 = arith.constant 8 : i32
    %dma_wait3A_2216 = arith.constant 0 : i32
    %dma_wait3A_2217 = tpu.memref_slice %arg11[%dma_wait3A_2215, %dma_wait3A_2216] : memref<32x768xf32, #tpu.memory_space<vmem>> -> memref<8x768xf32, #tpu.memory_space<vmem>>
    tpu.wait_dma2 semaphore(%arg19 : memref<!tpu.dma_semaphore, #tpu.memory_space<semaphore_mem>>) src(%dma_wait3A_2217 : memref<8x768xf32, #tpu.memory_space<vmem>>) dst(%dma_wait3A_2214 : memref<8x768xf32, #tpu.memory_space<hbm>>)
    %add3A_2218 = arith.constant 56 : i32
    %add3A_2219 = arith.addi %mul3A_2, %add3A_2218 : i32
    %dma_wait3A_2220 = arith.constant 2 : i32
    %dma_wait3A_2221 = arith.constant 16 : i32
    %dma_wait3A_2222 = arith.constant 0 : i32
    %dma_wait3A_2223 = tpu.memref_slice %arg11[%dma_wait3A_2221, %dma_wait3A_2222] : memref<32x768xf32, #tpu.memory_space<vmem>> -> memref<8x768xf32, #tpu.memory_space<vmem>>
    %dma_wait3A_2224 = arith.constant 0 : i32
    %dma_wait3A_2225 = tpu.memref_slice %arg5[%dma_wait3A_2220, %add3A_2219, %dma_wait3A_2224] : memref<4x2048x768xf32, #tpu.memory_space<hbm>> -> memref<1x8x768xf32, #tpu.memory_space<hbm>>
    %dma_wait3A_2226 = tpu.memref_squeeze %dma_wait3A_2225 : memref<1x8x768xf32, #tpu.memory_space<hbm>> -> memref<8x768xf32, #tpu.memory_space<hbm>>
    %dma_wait3A_2227 = arith.constant 0 : i32
    %dma_wait3A_2228 = tpu.memref_slice %arg5[%dma_wait3A_2220, %add3A_2219, %dma_wait3A_2227] : memref<4x2048x768xf32, #tpu.memory_space<hbm>> -> memref<1x8x768xf32, #tpu.memory_space<hbm>>
    %dma_wait3A_2229 = tpu.memref_squeeze %dma_wait3A_2228 : memref<1x8x768xf32, #tpu.memory_space<hbm>> -> memref<8x768xf32, #tpu.memory_space<hbm>>
    %dma_wait3A_2230 = arith.constant 16 : i32
    %dma_wait3A_2231 = arith.constant 0 : i32
    %dma_wait3A_2232 = tpu.memref_slice %arg11[%dma_wait3A_2230, %dma_wait3A_2231] : memref<32x768xf32, #tpu.memory_space<vmem>> -> memref<8x768xf32, #tpu.memory_space<vmem>>
    tpu.wait_dma2 semaphore(%arg19 : memref<!tpu.dma_semaphore, #tpu.memory_space<semaphore_mem>>) src(%dma_wait3A_2232 : memref<8x768xf32, #tpu.memory_space<vmem>>) dst(%dma_wait3A_2229 : memref<8x768xf32, #tpu.memory_space<hbm>>)
    %add3A_2233 = arith.constant 56 : i32
    %add3A_2234 = arith.addi %mul3A_2, %add3A_2233 : i32
    %dma_wait3A_2235 = arith.constant 3 : i32
    %dma_wait3A_2236 = arith.constant 24 : i32
    %dma_wait3A_2237 = arith.constant 0 : i32
    %dma_wait3A_2238 = tpu.memref_slice %arg11[%dma_wait3A_2236, %dma_wait3A_2237] : memref<32x768xf32, #tpu.memory_space<vmem>> -> memref<8x768xf32, #tpu.memory_space<vmem>>
    %dma_wait3A_2239 = arith.constant 0 : i32
    %dma_wait3A_2240 = tpu.memref_slice %arg5[%dma_wait3A_2235, %add3A_2234, %dma_wait3A_2239] : memref<4x2048x768xf32, #tpu.memory_space<hbm>> -> memref<1x8x768xf32, #tpu.memory_space<hbm>>
    %dma_wait3A_2241 = tpu.memref_squeeze %dma_wait3A_2240 : memref<1x8x768xf32, #tpu.memory_space<hbm>> -> memref<8x768xf32, #tpu.memory_space<hbm>>
    %dma_wait3A_2242 = arith.constant 0 : i32
    %dma_wait3A_2243 = tpu.memref_slice %arg5[%dma_wait3A_2235, %add3A_2234, %dma_wait3A_2242] : memref<4x2048x768xf32, #tpu.memory_space<hbm>> -> memref<1x8x768xf32, #tpu.memory_space<hbm>>
    %dma_wait3A_2244 = tpu.memref_squeeze %dma_wait3A_2243 : memref<1x8x768xf32, #tpu.memory_space<hbm>> -> memref<8x768xf32, #tpu.memory_space<hbm>>
    %dma_wait3A_2245 = arith.constant 24 : i32
    %dma_wait3A_2246 = arith.constant 0 : i32
    %dma_wait3A_2247 = tpu.memref_slice %arg11[%dma_wait3A_2245, %dma_wait3A_2246] : memref<32x768xf32, #tpu.memory_space<vmem>> -> memref<8x768xf32, #tpu.memory_space<vmem>>
    tpu.wait_dma2 semaphore(%arg19 : memref<!tpu.dma_semaphore, #tpu.memory_space<semaphore_mem>>) src(%dma_wait3A_2247 : memref<8x768xf32, #tpu.memory_space<vmem>>) dst(%dma_wait3A_2244 : memref<8x768xf32, #tpu.memory_space<hbm>>)
    return
  }
}

</mosaic_0001>

<sc_bundles>
// kernel: kernel.3.cloned.1.call-start
scs
__scs_entry_jumppad:
0x0: {  	(pc) =	sbr.rel $0x88, $3  }
0x1: {  	(tag) =	ssettag $0x0;
	lr =	simm.s32 $0x1  }
0x2: {  	[smem:$0x3F9E] =	sst lr;
	_ =	strace $0xD0000000  }
0x3: {  	_ = 	snop  }
0x4: {  	_ = 	snop  }
0x5: {  	_ = 	snop  }
0x6: {  	_ = 	snop  }
0x7: {  	_ = 	snop  }
__scs_overlays_trampoline_lowered:
0x8: {  	[smem:$0x3FAD] =	sst s0  }
0x9: {  	[smem:$0x3FAE] =	sst s1  }
0xa: {  	[smem:$0x3FAF] =	sst s2  }
0xb: {  	[smem:$0x3FB0] =	sst s3  }
0xc: {  	[smem:$0x3FB1] =	sst s4  }
0xd: {  	[smem:$0x3FB2] =	sst s5  }
0xe: {  	[smem:$0x3FB3] =	sst s6  }
0xf: {  	[smem:$0x3FB4] =	sst s7  }
0x10: {  	[smem:$0x3FB5] =	sst s8  }
0x11: {  	[smem:$0x3FB6] =	sst s9;
	s0 =	simm.s32 @!p0 $0x0  }
0x12: {  	s1 =	sld [smem:$0x3F9C];
	s0 =	simm.s32 @p0 $0x1  }
0x13: {  	[smem:$0x3FB7] =	sst s0;
	s0 =	simm.s32 @!p1 $0x0  }
0x14: {  	s2 =	sld [smem:$0x3F9B];
	s0 =	simm.s32 @p1 $0x1  }
0x15: {  	[smem:$0x3FB8] =	sst s0;
	s0 =	simm.s32 @!p2 $0x0  }
0x16: {  	s3 =	sld [smem:$0x3FDB];
	s0 =	simm.s32 @p2 $0x1  }
0x17: {  	s4 =	simm.s32 $0x1BF5;
	[smem:$0x3FBA] =	sst s0  }
0x18: {  	s0 =	sld [smem:$0x3F9D];
	_ =	swait.ge [sflag:s4], $0x0  }
0x19: {  	s7 =	sld [smem:$0x3F9E]  }
0x1a: {  	s8 =	sadd.s32 $0xFFFFE003, lr  }
0x1b: {  	s9 =	sadd.s32 $0xFFFFFEF7, lr;
	s5 =	simm.s32 $0xFFFFFFFF;
	p2 =	slt.u32 s8, $0xFFFFF086  }
0x1c: {  	p1 =	slt.u32 s9, $0xF7A;
	s5 =	simm.s32 @!p2 $0x0  }
0x1d: {  	s5 =	simm.s32 @p1 $0x1;
	p0 =	seq.s32 s7, s2  }
0x1e: {  	s7 =	smul.u32 @!p0 $0xF7A, s2;
	p2 =	seq.s32 @!p0 s5, $0x0  }
0x1f: {  	s9 =	smul.u32 $0xF7A, s1;
	s8 =	simm.s32 @!p0 $0x1BF5;
	p2 =	por !p2, p0  }
0x20: {  	[sflag:s8] =	ssyncset.s32 @!p0 $0xFFFFF086;
	s6 =	sadd.s32 @!p0 s3, s7;
	s7 =	simm.s32 @!p0 $0x108  }
0x21: {  	s3 =	sadd.s32 s3, s9;
	s6 =	sadd.s32 @!p0 $0x88, s6;
	s7 =	simm.s32 @p2 $0x1082  }
0x22: {  	[simem:s7], [sflag:s8] =	dma.local @!p0 [hbm:s6], $0xF7A  }
0x23: {  	s9 =	sor.u32 $0xD0000000, s2;
	s6 =	simm.s32 $0x108;
	_ =	swait.ge @!p0 [sflag:s8], $0x0  }
0x24: {  	s3 =	sadd.s32 $0x88, s3;
	s6 =	simm.s32 @!p1 $0x1082;
	[sflag:s4] =	ssyncset.s32 $0xFFFFF086  }
0x25: {  	[simem:s6], [sflag:s4] =	dma.local [hbm:s3], $0xF7A  }
0x26: {  	[smem:$0x3F9E] =	sst s1;
	(tag) =	ssettag s2;
	_ =	strace s9  }
0x27: {  	s1 =	sld [smem:$0x3FAE]  }
0x28: {  	s2 =	sld [smem:$0x3FAF]  }
0x29: {  	s4 =	sld [smem:$0x3FB1]  }
0x2a: {  	p0 =	seq.s32 s5, $0x0;
	s5 =	sld [smem:$0x3FB2]  }
0x2b: {  	s6 =	sld [smem:$0x3FB3]  }
0x2c: {  	s7 =	sld [smem:$0x3FB4]  }
0x2d: {  	s3 =	simm.s32 $0x108;
	s8 =	sld [smem:$0x3FB5]  }
0x2e: {  	s3 =	simm.s32 @!p0 $0x1082;
	s9 =	sld [smem:$0x3FB6]  }
0x2f: {  	lr =	sadd.s32 s0, s3;
	s0 =	sld [smem:$0x3FAD]  }
0x30: {  	s3 =	sld [smem:$0x3FB0]  }
0x31: {  	[smem:$0x3FB9] =	sst s10  }
0x32: {  	s10 =	sld [smem:$0x3FB7];
	_ =	sdelay $0x3  }
0x33: {  	p0 =	seq.s32 s10, $0x1;
	s10 =	sld [smem:$0x3FB9];
	_ =	sdelay $0x3  }
0x34: {  	[smem:$0x3FB9] =	sst s10  }
0x35: {  	s10 =	sld [smem:$0x3FB8];
	_ =	sdelay $0x3  }
0x36: {  	p1 =	seq.s32 s10, $0x1;
	s10 =	sld [smem:$0x3FB9];
	_ =	sdelay $0x3  }
0x37: {  	[smem:$0x3FB9] =	sst s10  }
0x38: {  	s10 =	sld [smem:$0x3FBA]  }
0x39: {  	_ = 	snop;
	(pc) =	sbr.ind lr, $3  }
0x3a: {  	_ = 	snop  }
0x3b: {  	_ = 	snop  }
0x3c: {  	p2 =	seq.s32 s10, $0x1;
	s10 =	sld [smem:$0x3FB9]  }
0x3d: {  	_ =	shalt  }
0x3e: {  	_ =	shalt  }
0x3f: {  	_ =	shalt  }
0x40: {  	_ =	shalt  }
0x41: {  	_ =	shalt  }
0x42: {  	_ =	shalt  }
0x43: {  	_ =	shalt  }
0x44: {  	_ =	shalt  }
0x45: {  	_ =	shalt  }
0x46: {  	_ =	shalt  }
0x47: {  	_ =	shalt  }
0x48: {  	_ =	shalt  }
0x49: {  	_ =	shalt  }
0x4a: {  	_ =	shalt  }
0x4b: {  	_ =	shalt  }
0x4c: {  	_ =	shalt  }
0x4d: {  	_ =	shalt  }
0x4e: {  	_ =	shalt  }
0x4f: {  	_ =	shalt  }
0x50: {  	_ =	shalt  }
0x51: {  	_ =	shalt  }
0x52: {  	_ =	shalt  }
0x53: {  	_ =	shalt  }
0x54: {  	_ =	shalt  }
0x55: {  	_ =	shalt  }
0x56: {  	_ =	shalt  }
0x57: {  	_ =	shalt  }
0x58: {  	_ =	shalt  }
0x59: {  	_ =	shalt  }
0x5a: {  	_ =	shalt  }
0x5b: {  	_ =	shalt  }
0x5c: {  	_ =	shalt  }
0x5d: {  	_ =	shalt  }
0x5e: {  	_ =	shalt  }
0x5f: {  	_ =	shalt  }
0x60: {  	_ =	shalt  }
0x61: {  	_ =	shalt  }
0x62: {  	_ =	shalt  }
0x63: {  	_ =	shalt  }
0x64: {  	_ =	shalt  }
0x65: {  	_ =	shalt  }
0x66: {  	_ =	shalt  }
0x67: {  	_ =	shalt  }
0x68: {  	_ =	shalt  }
0x69: {  	_ =	shalt  }
0x6a: {  	_ =	shalt  }
0x6b: {  	_ =	shalt  }
0x6c: {  	_ =	shalt  }
0x6d: {  	_ =	shalt  }
0x6e: {  	_ =	shalt  }
0x6f: {  	_ =	shalt  }
0x70: {  	_ =	shalt  }
0x71: {  	_ =	shalt  }
0x72: {  	_ =	shalt  }
0x73: {  	_ =	shalt  }
0x74: {  	_ =	shalt  }
0x75: {  	_ =	shalt  }
0x76: {  	_ =	shalt  }
0x77: {  	_ =	shalt  }
0x78: {  	_ =	shalt  }
0x79: {  	_ =	shalt  }
0x7a: {  	_ =	shalt  }
0x7b: {  	_ =	shalt  }
0x7c: {  	_ =	shalt  }
0x7d: {  	_ =	shalt  }
0x7e: {  	_ =	shalt  }
0x7f: {  	_ =	shalt  }
0x80: {  	_ =	shalt  }
0x81: {  	_ =	shalt  }
0x82: {  	_ =	shalt  }
0x83: {  	_ =	shalt  }
0x84: {  	_ =	shalt  }
0x85: {  	_ =	shalt  }
0x86: {  	_ =	shalt  }
0x87: {  	_ =	shalt  }
.Lfunc_end0:
.L_simem_size_0:
called_computation_lowered:
.L_overlay_start_0:
0x88: {  	s2 =	sld [smem:$0x3FD9]  }
0x89: {  	s3 =	sld [smem:$0x3FFE];
	_ =	sdelay $0x1  }
0x8a: {  	s1 =	srdreg.scid  }
0x8b: {  	s0 =	sand.u32 $0x1, s1  }
0x8c: {  	s18 =	sshll.u32 s0, $0xA;
	s2 =	sadd.s32 s3, s2  }
0x8d: {  	s2 =	sadd.s32 s2, s18  }
0x8e: {  	[smem:$0x3FC5] =	sst s2  }
0x8f: {  	_ = 	snop  }
0x90: {  	s2 =	sld [smem:$0x3FC9]  }
0x91: {  	s19 =	sld [smem:$0x3FC8]  }
0x92: {  	s4 =	sld [smem:$0x3FC7]  }
0x93: {  	s5 =	sld [smem:$0x3FD0];
	(tm) =	ssettm $0x1  }
0x94: {  	s6 =	sld [smem:$0x3FFB];
	_ =	sdelay $0x3  }
0x95: {  	_ =	strace s6  }
0x96: {  	s6 =	sld [smem:$0x3FFC];
	_ =	sdelay $0x3  }
0x97: {  	_ =	strace s6  }
0x98: {  	s6 =	sld [smem:$0x3FFD];
	_ =	sdelay $0x3  }
0x99: {  	_ =	strace s6  }
0x9a: {  	_ =	strace $0x8FFFFFFF  }
0x9b: {  	s20 =	sld [smem:$0x3FDB];
	_ =	sdelay $0x1  }
0x9c: {  	s7 =	simm.s32 $_scs_section_size  }
0x9d: {  	s8 =	simm.s32 $_size__tile_overlayer_lowered;
	s9 =	simm.s32 $_tile_overlayer_lowered  }
0x9e: {  	s23 =	simm.s32 $0x1BFF;
	s22 =	sshll.u32 s9, $0x1;
	s6 =	sadd.s32 s7, s20  }
0x9f: {  	s10 =	simm.s32 $0x0;
	s21 =	sshll.u32 s8, $0x1;
	s8 =	sadd.s32 s22, s6  }
0xa0: {  	[timem:s10], [sflag:s23] =	dma.local [hbm:s8], s21  }
0xa1: {  	_ =	swait.ge [sflag:s23], s21  }
0xa2: {  	s7 =	ssub.s32 $0x0, s21;
	[sflag:s23] =	ssyncset.done $0x0  }
0xa3: {  	[sflag:s23] =	ssyncadd.s32 s7;
	_ =	sdelay $0x1  }
0xa4: {  	s24 =	simm.s32 $0x1B8B  }
0xa5: {  	_ =	swait.ge [sflag:s24], $0x1  }
0xa6: {  	[sflag:s24] =	ssyncset.done $0x0  }
0xa7: {  	s25 =	simm.s32 $0x1B8E;
	[sflag:s24] =	ssyncadd.s32 $0xFFFFFFFF  }
0xa8: {  	s26 =	simm.s32 $execute0_lowered;
	[smem:$0x3FD2] =	sst s25  }
0xa9: {  	s7 =	sshll.u32 s26, $0x1;
	_ =	strace $0x80000046;
	[dreg:$0x1] =	wrdreg $0xFFFFFFFF  }
0xaa: {  	s28 =	simm.s32 $_size_execute0_lowered;
	s6 =	sadd.s32 s6, s7;
	[dreg:$0x0] =	wrdreg $0x0  }
0xab: {  	s7 =	sshll.u32 s28, $0x1;
	[dreg:$0x2] =	wrdreg s6  }
0xac: {  	[dreg:$0x3] =	wrdreg s7  }
0xad: {  	[dreg:$0x4] =	wrdreg $0xC0  }
0xae: {  	_ =	task [dreg:s10], $0x5FFFF  }
0xaf: {  	[dreg:$0x1] =	wrdreg $0xFFFFFFFF  }
0xb0: {  	[dreg:$0x0] =	wrdreg $0x60  }
0xb1: {  	[dreg:$0x2] =	wrdreg s2  }
0xb2: {  	[dreg:$0x3] =	wrdreg s19  }
0xb3: {  	[dreg:$0x4] =	wrdreg s4  }
0xb4: {  	[dreg:$0x5] =	wrdreg s5  }
0xb5: {  	[dreg:$0x6] =	wrdreg $0x9  }
0xb6: {  	_ =	task.clear_ibuf [dreg:s10], $0x7FFFF;
	_ =	strace $0x90000046  }
0xb7: {  	s29 =	simm.s32 $0x9;
	_ =	strace $0x80000048  }
0xb8: {  	_ =	swait.ge [sflag:s29], $0x1  }
0xb9: {  	[sflag:s29] =	ssyncadd.s32 $0xFFFFFFFF  }
0xba: {  	_ =	strace $0x90000048  }
0xbb: {  	_ =	sfence  }
0xbc: {  	s30 =	sld [smem:$0x0];
	_ =	sdelay $0x2  }
0xbd: {  	s31 =	sshll.u32 s1, $0xD;
	s1 =	sshrl.u32 s1, $0x2  }
0xbe: {  	s3 =	sand.u32 $0x4000, s31;
	s1 =	sadd.s32 s1, s30  }
0xbf: {  	s0 =	sor.u32 s3, s0;
	s1 =	sshll.u32 s1, $0x11  }
0xc0: {  	s0 =	sor.u32 s1, s0  }
0xc1: {  	s0 =	sadd.s32 $0x8F2B, s0  }
0xc2: {  	[sflag:s0] =	ssyncadd.remote.s32 $0x1  }
0xc3: {  	_ =	sfence.sel $0xFFFF  }
0xc4: {  	[dreg:$0x0] =	wrdreg $0xFFFFFFFF;
	(pc) =	sbr.abs _section_cstart, $3  }
0xc5: {  	[dreg:$0x1] =	wrdreg $0xFFFFFFFF  }
0xc6: {  	_ =	task.clear_ibuf [dreg:s10], $0x2FFFF;
	_ =	strace $0x9FFFFFFF  }
0xc7: {  	(tm) =	ssettm $0x7FFFFFFF  }
tec
execute0_lowered:
.L_overlay_start_1:
0x0: {  	(tag) =	ssettag $0x1  }
0x1: {  	s0 =	srdreg.scid  }
0x2: {  	s1 =	stileid.u32;
	s0 =	sand.u32 $0x1, s0  }
0x3: {  	s1 =	sshll.u32 s1, $0x7;
	s2 =	sshll.u32 s0, $0x6  }
0x4: {  	s0 =	ssub.s32 $0x2, s0;
	s1 =	sor.u32 s2, s1  }
0x5: {  	s3 =	sshrl.u32 s0, $0x1;
	s9 =	sshll.u32 s1, $0x2  }
0x6: {  	s0 =	ssub.s32 s0, s3;
	s7 =	sor.u32 $0x8, s1;
	s8 =	sor.u32 $0x10, s1  }
0x7: {  	s5 =	sor.u32 $0x18, s1;
	s6 =	sor.u32 $0x20, s1;
	s4 =	sor.u32 $0x30, s1  }
0x8: {  	s3 =	sor.u32 $0x38, s1;
	s10 =	sand.u32 $0x1E00, s9;
	s12 =	sor.u32 s2, s9  }
0x9: {  	s23 =	sand.u32 $0x48, s7;
	s24 =	sand.u32 $0x50, s8;
	s25 =	sand.u32 $0x58, s5  }
0xa: {  	s26 =	sand.u32 $0x60, s6;
	s8 =	sshrl.u32 s8, $0x3;
	s5 =	sshrl.u32 s5, $0x3  }
0xb: {  	s11 =	sor.u32 s2, s10;
	s13 =	sor.u32 s23, s10;
	s14 =	sor.u32 s9, s23  }
0xc: {  	s15 =	sor.u32 s24, s10;
	s16 =	sor.u32 s9, s24;
	s17 =	sor.u32 s25, s10  }
0xd: {  	s18 =	sor.u32 s9, s25;
	s2 =	sor.u32 $0x28, s1;
	s19 =	sor.u32 s26, s10  }
0xe: {  	s20 =	sor.u32 s9, s26;
	s23 =	sand.u32 $0x70, s4;
	s24 =	sand.u32 $0x78, s3  }
0xf: {  	s12 =	sshrl.u32 s12, $0x3;
	s1 =	sshrl.u32 s1, $0x3;
	s8 =	smul.u32 $0x1800, s8  }
0x10: {  	s5 =	smul.u32 $0x1800, s5;
	s4 =	sshrl.u32 s4, $0x3;
	s3 =	sshrl.u32 s3, $0x3  }
0x11: {  	s21 =	sand.u32 $0x68, s2;
	s25 =	sor.u32 s23, s10;
	s23 =	sor.u32 s9, s23  }
0x12: {  	s11 =	sshrl.u32 s11, $0x3;
	s28 =	sor.u32 $0x20, s12;
	s15 =	sshrl.u32 s15, $0x3  }
0x13: {  	s4 =	smul.u32 $0x1800, s4;
	s22 =	sor.u32 s21, s10;
	s21 =	sor.u32 s9, s21  }
0x14: {  	s10 =	sor.u32 s24, s10;
	s24 =	sor.u32 s9, s24;
	s9 =	rddreg [dreg:$0x0]  }
0x15: {  	s19 =	sshrl.u32 s19, $0x3;
	s3 =	smul.u32 $0x1800, s3;
	s29 =	sadd.s32 s9, s11  }
0x16: {  	s26 =	sadd.s32 $0x10, s9;
	s28 =	sadd.s32 s9, s28;
	[dreg:$0x11] =	wrdreg s29  }
0x17: {  	s11 =	sadd.s32 s11, s26;
	[dreg:$0x13] =	wrdreg s28;
	s28 =	sor.u32 $0x30, s12  }
0x18: {  	s12 =	sshrl.u32 s13, $0x3;
	[dreg:$0x12] =	wrdreg s11;
	s11 =	sadd.s32 s9, s28  }
0x19: {  	s13 =	sshrl.u32 s14, $0x3;
	s14 =	sadd.s32 s9, s12;
	[dreg:$0x14] =	wrdreg s11  }
0x1a: {  	s28 =	sor.u32 $0x20, s13;
	s12 =	sadd.s32 s12, s26;
	[dreg:$0x15] =	wrdreg s14  }
0x1b: {  	[dreg:$0x16] =	wrdreg s12;
	s11 =	sadd.s32 s9, s28;
	s14 =	sor.u32 $0x30, s13  }
0x1c: {  	s28 =	sshrl.u32 s16, $0x3;
	s12 =	sadd.s32 s19, s26;
	[dreg:$0x17] =	wrdreg s11  }
0x1d: {  	s13 =	sshrl.u32 s17, $0x3;
	s11 =	sadd.s32 s9, s14;
	[smem:$0x7C6] =	sst s12  }
0x1e: {  	s14 =	sadd.s32 s9, s15;
	s16 =	sor.u32 $0x30, s28;
	[dreg:$0x18] =	wrdreg s11  }
0x1f: {  	[dreg:$0x19] =	wrdreg s14;
	s11 =	sadd.s32 s15, s26;
	s15 =	sor.u32 $0x20, s28  }
0x20: {  	s28 =	sshrl.u32 s18, $0x3;
	s14 =	sadd.s32 s9, s19;
	[dreg:$0x1a] =	wrdreg s11  }
0x21: {  	s11 =	sadd.s32 s9, s15;
	s15 =	sor.u32 $0x20, s28;
	[smem:$0x7C5] =	sst s14  }
0x22: {  	s18 =	sor.u32 $0x30, s28;
	[dreg:$0x1b] =	wrdreg s11;
	s11 =	sadd.s32 s9, s16  }
0x23: {  	s28 =	sshrl.u32 s20, $0x3;
	s16 =	sadd.s32 s9, s13;
	[dreg:$0x1c] =	wrdreg s11  }
0x24: {  	s17 =	sadd.s32 s9, s15;
	s15 =	sor.u32 $0x20, s28;
	[dreg:$0x1d] =	wrdreg s16  }
0x25: {  	s11 =	sadd.s32 s13, s26;
	[dreg:$0x1f] =	wrdreg s17;
	s17 =	sshrl.u32 s22, $0x3  }
0x26: {  	s22 =	sshrl.u32 s23, $0x3;
	[dreg:$0x1e] =	wrdreg s11;
	s11 =	sadd.s32 s9, s18  }
0x27: {  	s23 =	sshrl.u32 s25, $0x3;
	s19 =	sadd.s32 s9, s17;
	[smem:$0x7C4] =	sst s11  }
0x28: {  	s16 =	sor.u32 $0x30, s28;
	s28 =	sadd.s32 s9, s23;
	[smem:$0x7C9] =	sst s19  }
0x29: {  	s18 =	sshrl.u32 s21, $0x3;
	s25 =	sor.u32 $0x20, s22;
	[smem:$0x7CD] =	sst s28  }
0x2a: {  	s11 =	sadd.s32 s9, s15;
	s15 =	sadd.s32 s9, s25;
	s25 =	rddreg [dreg:$0x2]  }
0x2b: {  	s10 =	sshrl.u32 s10, $0x3;
	s20 =	sor.u32 $0x20, s18;
	[smem:$0x7C7] =	sst s11  }
0x2c: {  	s21 =	sor.u32 $0x30, s18;
	s18 =	sadd.s32 s10, s26;
	[smem:$0x7CF] =	sst s15  }
0x2d: {  	s8 =	sshrl.u32 s8, $0x3;
	s10 =	sadd.s32 s9, s10;
	[smem:$0x7D1] =	sst s18  }
0x2e: {  	s11 =	sadd.s32 s9, s16;
	s16 =	sor.u32 $0x30, s22;
	[smem:$0x7D2] =	sst s10  }
0x2f: {  	s22 =	smul.u32 $0x1800, s1;
	s1 =	simm.s32 $0x0;
	[smem:$0x7C8] =	sst s11  }
0x30: {  	s5 =	sshrl.u32 s5, $0x3;
	s14 =	sadd.s32 s25, s8;
	[smem:$0x7FF] =	sst s1  }
0x31: {  	s4 =	sshrl.u32 s4, $0x3;
	s15 =	sadd.s32 s25, s5;
	[smem:$0x7D7] =	sst s14  }
0x32: {  	s3 =	sshrl.u32 s3, $0x3;
	s18 =	sadd.s32 s25, s4;
	[smem:$0x7D8] =	sst s15  }
0x33: {  	s2 =	sshrl.u32 s2, $0x3;
	s10 =	sadd.s32 s25, s3;
	[smem:$0x7DB] =	sst s18  }
0x34: {  	s2 =	smul.u32 $0x1800, s2;
	s11 =	sadd.s32 s17, s26;
	[smem:$0x7DC] =	sst s10  }
0x35: {  	s17 =	sshrl.u32 s24, $0x3;
	[smem:$0x7CA] =	sst s11;
	s11 =	sadd.s32 s9, s20  }
0x36: {  	s19 =	sor.u32 $0x20, s17;
	[smem:$0x7CB] =	sst s11;
	s11 =	sadd.s32 s9, s21  }
0x37: {  	s6 =	sshrl.u32 s6, $0x3;
	s20 =	sadd.s32 s9, s19;
	[smem:$0x7CC] =	sst s11  }
0x38: {  	s2 =	sshrl.u32 s2, $0x3;
	s24 =	sshrl.u32 s22, $0x3;
	[smem:$0x7D3] =	sst s20  }
0x39: {  	s28 =	sadd.s32 s25, s24;
	s11 =	sadd.s32 s23, s26;
	s26 =	rddreg [dreg:$0x3]  }
0x3a: {  	s21 =	sor.u32 $0x30, s17;
	s17 =	sadd.s32 s25, s2;
	[smem:$0x7D5] =	sst s28  }
0x3b: {  	s6 =	smul.u32 $0x1800, s6;
	s23 =	sshrl.u32 s7, $0x3;
	[smem:$0x7DA] =	sst s17  }
0x3c: {  	[smem:$0x7CE] =	sst s11;
	s11 =	sadd.s32 s9, s16;
	s7 =	smul.u32 $0x1800, s23  }
0x3d: {  	s6 =	sshrl.u32 s6, $0x3;
	s9 =	sadd.s32 s9, s21;
	[smem:$0x7D0] =	sst s11  }
0x3e: {  	s16 =	sadd.s32 s25, s6;
	[smem:$0x7D4] =	sst s9;
	s7 =	sshrl.u32 s7, $0x3  }
0x3f: {  	[smem:$0x7D9] =	sst s16;
	s13 =	sadd.s32 s25, s7  }
0x40: {  	[smem:$0x7D6] =	sst s13  }
0x41: {  	s0 =	smax.u32 s0, $0x1;
	s9 =	sadd.s32 s26, s24;
	s13 =	rddreg [dreg:$0x1]  }
0x42: {  	s19 =	sadd.s32 $0x30000, s9;
	_ =	strace $0x80000047;
	[smem:$0x7DD] =	sst s0  }
0x43: {  	s20 =	sadd.s32 $0x60000, s9;
	[smem:$0x7DE] =	sst s19  }
0x44: {  	s8 =	sadd.s32 s26, s8;
	[smem:$0x7DF] =	sst s20  }
0x45: {  	s23 =	sadd.s32 $0x90000, s9;
	s7 =	sadd.s32 s26, s7;
	[smem:$0x7E0] =	sst s9  }
0x46: {  	s5 =	sadd.s32 s26, s5;
	s24 =	sadd.s32 $0x30000, s7;
	[smem:$0x7E1] =	sst s23  }
0x47: {  	s6 =	sadd.s32 s26, s6;
	s25 =	sadd.s32 $0x60000, s7;
	[smem:$0x7E2] =	sst s24  }
0x48: {  	s2 =	sadd.s32 s26, s2;
	s4 =	sadd.s32 s26, s4;
	[smem:$0x7E3] =	sst s25  }
0x49: {  	s3 =	sadd.s32 s26, s3;
	s26 =	sadd.s32 $0x90000, s7;
	[smem:$0x7E4] =	sst s7  }
0x4a: {  	s28 =	sadd.s32 $0x30000, s8;
	[smem:$0x7E5] =	sst s26  }
0x4b: {  	[smem:$0x7E6] =	sst s28  }
0x4c: {  	s10 =	sadd.s32 $0x30000, s5;
	[smem:$0x7E8] =	sst s8  }
0x4d: {  	s11 =	sadd.s32 $0x60000, s5;
	[smem:$0x7EA] =	sst s10  }
0x4e: {  	[smem:$0x7EB] =	sst s11  }
0x4f: {  	s12 =	sadd.s32 $0x90000, s5;
	[smem:$0x7EC] =	sst s5  }
0x50: {  	s14 =	sadd.s32 $0x30000, s6;
	[smem:$0x7ED] =	sst s12  }
0x51: {  	s15 =	sadd.s32 $0x60000, s6;
	[smem:$0x7EE] =	sst s14  }
0x52: {  	[smem:$0x7EF] =	sst s15  }
0x53: {  	s16 =	sadd.s32 $0x90000, s6;
	[smem:$0x7F0] =	sst s6  }
0x54: {  	s17 =	sadd.s32 $0x30000, s2;
	[smem:$0x7F1] =	sst s16  }
0x55: {  	s18 =	sadd.s32 $0x60000, s2;
	[smem:$0x7F2] =	sst s17  }
0x56: {  	[smem:$0x7F3] =	sst s18  }
0x57: {  	[smem:$0x7F4] =	sst s2  }
0x58: {  	[smem:$0x7F8] =	sst s4  }
0x59: {  	s7 =	sadd.s32 $0x60000, s8;
	[smem:$0x7FC] =	sst s3  }
0x5a: {  	s9 =	sadd.s32 $0x90000, s8;
	[smem:$0x7E7] =	sst s7  }
0x5b: {  	s30 =	simm.s32 $0x9;
	s19 =	sadd.s32 $0x90000, s2;
	[smem:$0x7E9] =	sst s9  }
0x5c: {  	s31 =	simm.s32 $0x7C00;
	s20 =	sadd.s32 $0x30000, s4;
	[smem:$0x7F5] =	sst s19  }
0x5d: {  	s29 =	simm.s32 $0x8;
	s23 =	sadd.s32 $0x60000, s4;
	[smem:$0x7F6] =	sst s20  }
0x5e: {  	s21 =	sadd.s32 $0x100, s13;
	s24 =	sadd.s32 $0x90000, s4;
	[smem:$0x7F7] =	sst s23  }
0x5f: {  	s22 =	sadd.s32 $0x200, s13;
	s25 =	sadd.s32 $0x30000, s3;
	[smem:$0x7F9] =	sst s24  }
0x60: {  	v2 =	vlaneseq.u32;
	s26 =	sadd.s32 $0x60000, s3;
	s28 =	sadd.s32 $0x90000, s3;
	[smem:$0x7FA] =	sst s25  }
0x61: {  	vm0 =	vmmov $0xffff;
	v1 =	vshrl.u32 v2, $0x3;
	s10 =	simm.s32 $0x6400;
	s18 =	simm.s32 $0x6;
	[smem:$0x7FB] =	sst s26  }
0x62: {  	v0 =	vand.u32 $0x7, v2;
	v2 =	vor.u32 $0x8, v2;
	v1 =	vmul.u32 $0x8, v1;
	s3 =	simm.s32 $0x7;
	s2 =	simm.s32 $0x0;
	[smem:$0x7FD] =	sst s28  }
.LBB2_1:
0x63: {  	[smem:$0x7C3] =	sst s2  }
0x64: {  	s0 =	rddreg [dreg:$0x11]  }
0x65: {  	s5 =	rddreg [dreg:$0x12]  }
0x66: {  	[tilespmem:s1], [sflag:$0x9] =	stream.linear.gather [hbm4b:s0+s1], $0x8, $0x38;
	[tilespmem:$0x1E400] =	vst v63  }
0x67: {  	s6 =	rddreg [dreg:$0x13]  }
0x68: {  	[tilespmem:s29], [sflag:$0x9] =	stream.linear.gather [hbm4b:s5+s1], $0x8, $0x38;
	[tilespmem:$0x1E400] =	vst v63  }
0x69: {  	s7 =	simm.s32 $0x10;
	s8 =	rddreg [dreg:$0x14]  }
0x6a: {  	[tilespmem:s7], [sflag:$0x9] =	stream.linear.gather [hbm4b:s6+s1], $0x8, $0x38;
	[tilespmem:$0x1E400] =	vst v63  }
0x6b: {  	s9 =	simm.s32 $0x18;
	s11 =	rddreg [dreg:$0x15]  }
0x6c: {  	[tilespmem:s9], [sflag:$0x9] =	stream.linear.gather [hbm4b:s8+s1], $0x8, $0x38;
	[tilespmem:$0x1E400] =	vst v63  }
0x6d: {  	s12 =	simm.s32 $0x80;
	s14 =	rddreg [dreg:$0x16]  }
0x6e: {  	[tilespmem:s12], [sflag:$0x9] =	stream.linear.gather [hbm4b:s11+s1], $0x8, $0x38;
	[tilespmem:$0x1E400] =	vst v63  }
0x6f: {  	s15 =	simm.s32 $0x88;
	s16 =	rddreg [dreg:$0x17]  }
0x70: {  	[tilespmem:s15], [sflag:$0x9] =	stream.linear.gather [hbm4b:s14+s1], $0x8, $0x38;
	[tilespmem:$0x1E400] =	vst v63  }
0x71: {  	s17 =	simm.s32 $0x90;
	s19 =	rddreg [dreg:$0x18]  }
0x72: {  	[tilespmem:s17], [sflag:$0x9] =	stream.linear.gather [hbm4b:s16+s1], $0x8, $0x38;
	[tilespmem:$0x1E400] =	vst v63  }
0x73: {  	s20 =	simm.s32 $0x98;
	s23 =	rddreg [dreg:$0x19]  }
0x74: {  	[tilespmem:s20], [sflag:$0x9] =	stream.linear.gather [hbm4b:s19+s1], $0x8, $0x38;
	[tilespmem:$0x1E400] =	vst v63  }
0x75: {  	s24 =	simm.s32 $0x100;
	s25 =	rddreg [dreg:$0x1a]  }
0x76: {  	[tilespmem:s24], [sflag:$0x9] =	stream.linear.gather [hbm4b:s23+s1], $0x8, $0x38;
	[tilespmem:$0x1E400] =	vst v63  }
0x77: {  	s26 =	simm.s32 $0x108;
	s28 =	rddreg [dreg:$0x1b]  }
0x78: {  	[tilespmem:s26], [sflag:$0x9] =	stream.linear.gather [hbm4b:s25+s1], $0x8, $0x38;
	[tilespmem:$0x1E400] =	vst v63  }
0x79: {  	s4 =	rddreg [dreg:$0x1c];
	s29 =	simm.s32 $0x110  }
0x7a: {  	[tilespmem:s29], [sflag:$0x9] =	stream.linear.gather [hbm4b:s28+s1], $0x8, $0x38;
	[tilespmem:$0x1E400] =	vst v63  }
0x7b: {  	s5 =	simm.s32 $0x118;
	s6 =	rddreg [dreg:$0x1d]  }
0x7c: {  	[tilespmem:s5], [sflag:$0x9] =	stream.linear.gather [hbm4b:s4+s1], $0x8, $0x38;
	[tilespmem:$0x1E400] =	vst v63  }
0x7d: {  	s7 =	simm.s32 $0x180;
	s8 =	rddreg [dreg:$0x1e]  }
0x7e: {  	[tilespmem:s7], [sflag:$0x9] =	stream.linear.gather [hbm4b:s6+s1], $0x8, $0x38;
	[tilespmem:$0x1E400] =	vst v63  }
0x7f: {  	s9 =	simm.s32 $0x188;
	s11 =	rddreg [dreg:$0x1f]  }
0x80: {  	[tilespmem:s9], [sflag:$0x9] =	stream.linear.gather [hbm4b:s8+s1], $0x8, $0x38;
	[tilespmem:$0x1E400] =	vst v63  }
0x81: {  	s12 =	simm.s32 $0x190;
	s14 =	sld [smem:$0x7C4]  }
0x82: {  	[tilespmem:s12], [sflag:$0x9] =	stream.linear.gather [hbm4b:s11+s1], $0x8, $0x38;
	[tilespmem:$0x1E400] =	vst v63  }
0x83: {  	s15 =	simm.s32 $0x198;
	s16 =	sld [smem:$0x7C5]  }
0x84: {  	[tilespmem:s15], [sflag:$0x9] =	stream.linear.gather [hbm4b:s14+s1], $0x8, $0x38;
	[tilespmem:$0x1E400] =	vst v63  }
0x85: {  	s17 =	simm.s32 $0x200;
	s19 =	sld [smem:$0x7C6]  }
0x86: {  	[tilespmem:s17], [sflag:$0x9] =	stream.linear.gather [hbm4b:s16+s1], $0x8, $0x38;
	[tilespmem:$0x1E400] =	vst v63  }
0x87: {  	s20 =	simm.s32 $0x208;
	s23 =	sld [smem:$0x7C7]  }
0x88: {  	[tilespmem:s20], [sflag:$0x9] =	stream.linear.gather [hbm4b:s19+s1], $0x8, $0x38;
	[tilespmem:$0x1E400] =	vst v63  }
0x89: {  	s24 =	simm.s32 $0x210;
	s25 =	sld [smem:$0x7C8]  }
0x8a: {  	[tilespmem:s24], [sflag:$0x9] =	stream.linear.gather [hbm4b:s23+s1], $0x8, $0x38;
	[tilespmem:$0x1E400] =	vst v63  }
0x8b: {  	s26 =	simm.s32 $0x218;
	s28 =	sld [smem:$0x7C9]  }
0x8c: {  	[tilespmem:s26], [sflag:$0x9] =	stream.linear.gather [hbm4b:s25+s1], $0x8, $0x38;
	[tilespmem:$0x1E400] =	vst v63  }
0x8d: {  	s29 =	simm.s32 $0x280;
	s4 =	sld [smem:$0x7CA]  }
0x8e: {  	[tilespmem:s29], [sflag:$0x9] =	stream.linear.gather [hbm4b:s28+s1], $0x8, $0x38;
	[tilespmem:$0x1E400] =	vst v63  }
0x8f: {  	s5 =	simm.s32 $0x288;
	s6 =	sld [smem:$0x7CB]  }
0x90: {  	[tilespmem:s5], [sflag:$0x9] =	stream.linear.gather [hbm4b:s4+s1], $0x8, $0x38;
	[tilespmem:$0x1E400] =	vst v63  }
0x91: {  	s7 =	simm.s32 $0x290;
	s8 =	sld [smem:$0x7CC]  }
0x92: {  	[tilespmem:s7], [sflag:$0x9] =	stream.linear.gather [hbm4b:s6+s1], $0x8, $0x38;
	[tilespmem:$0x1E400] =	vst v63  }
0x93: {  	s9 =	simm.s32 $0x298;
	s11 =	sld [smem:$0x7CD]  }
0x94: {  	[tilespmem:s9], [sflag:$0x9] =	stream.linear.gather [hbm4b:s8+s1], $0x8, $0x38;
	[tilespmem:$0x1E400] =	vst v63  }
0x95: {  	s12 =	simm.s32 $0x300;
	s14 =	sld [smem:$0x7CE]  }
0x96: {  	[tilespmem:s12], [sflag:$0x9] =	stream.linear.gather [hbm4b:s11+s1], $0x8, $0x38;
	[tilespmem:$0x1E400] =	vst v63  }
0x97: {  	s15 =	simm.s32 $0x308;
	s16 =	sld [smem:$0x7CF]  }
0x98: {  	[tilespmem:s15], [sflag:$0x9] =	stream.linear.gather [hbm4b:s14+s1], $0x8, $0x38;
	[tilespmem:$0x1E400] =	vst v63  }
0x99: {  	s17 =	simm.s32 $0x310;
	s19 =	sld [smem:$0x7D0]  }
0x9a: {  	[tilespmem:s17], [sflag:$0x9] =	stream.linear.gather [hbm4b:s16+s1], $0x8, $0x38;
	[tilespmem:$0x1E400] =	vst v63  }
0x9b: {  	s20 =	simm.s32 $0x318;
	s23 =	sld [smem:$0x7D2]  }
0x9c: {  	[tilespmem:s20], [sflag:$0x9] =	stream.linear.gather [hbm4b:s19+s1], $0x8, $0x38;
	[tilespmem:$0x1E400] =	vst v63  }
0x9d: {  	s24 =	simm.s32 $0x380;
	s25 =	sld [smem:$0x7D1]  }
0x9e: {  	[tilespmem:s24], [sflag:$0x9] =	stream.linear.gather [hbm4b:s23+s1], $0x8, $0x38;
	[tilespmem:$0x1E400] =	vst v63  }
0x9f: {  	s26 =	simm.s32 $0x388;
	s28 =	sld [smem:$0x7D3]  }
0xa0: {  	[tilespmem:s26], [sflag:$0x9] =	stream.linear.gather [hbm4b:s25+s1], $0x8, $0x38;
	[tilespmem:$0x1E400] =	vst v63  }
0xa1: {  	s2 =	sld [smem:$0x7D4];
	s29 =	simm.s32 $0x390  }
0xa2: {  	[tilespmem:s29], [sflag:$0x9] =	stream.linear.gather [hbm4b:s28+s1], $0x8, $0x38;
	[tilespmem:$0x1E400] =	vst v63  }
0xa3: {  	s4 =	simm.s32 $0x398  }
0xa4: {  	[tilespmem:s4], [sflag:$0x9] =	stream.linear.gather [hbm4b:s2+s1], $0x8, $0x38;
	[tilespmem:$0x1E400] =	vst v63  }
0xa5: {  	_ =	swait.ge [sflag:s30], $0x8  }
0xa6: {  	[sflag:s30] =	ssyncset.done $0x0  }
0xa7: {  	[sflag:s30] =	ssyncadd.s32 $0xFFFFFFF8  }
0xa8: {  	_ =	swait.ge [sflag:s30], $0x8  }
0xa9: {  	[sflag:s30] =	ssyncset.done $0x0  }
0xaa: {  	[sflag:s30] =	ssyncadd.s32 $0xFFFFFFF8  }
0xab: {  	_ =	swait.ge [sflag:s30], $0x8  }
0xac: {  	[sflag:s30] =	ssyncset.done $0x0  }
0xad: {  	[sflag:s30] =	ssyncadd.s32 $0xFFFFFFF8  }
0xae: {  	_ =	swait.ge [sflag:s30], $0x8  }
0xaf: {  	[sflag:s30] =	ssyncset.done $0x0  }
0xb0: {  	[sflag:s30] =	ssyncadd.s32 $0xFFFFFFF8  }
0xb1: {  	_ =	swait.ge [sflag:s30], $0x8  }
0xb2: {  	[sflag:s30] =	ssyncset.done $0x0  }
0xb3: {  	[sflag:s30] =	ssyncadd.s32 $0xFFFFFFF8  }
0xb4: {  	_ =	swait.ge [sflag:s30], $0x8  }
0xb5: {  	[sflag:s30] =	ssyncset.done $0x0  }
0xb6: {  	[sflag:s30] =	ssyncadd.s32 $0xFFFFFFF8  }
0xb7: {  	_ =	swait.ge [sflag:s30], $0x8  }
0xb8: {  	[sflag:s30] =	ssyncset.done $0x0  }
0xb9: {  	[sflag:s30] =	ssyncadd.s32 $0xFFFFFFF8  }
0xba: {  	_ =	swait.ge [sflag:s30], $0x8  }
0xbb: {  	[sflag:s30] =	ssyncset.done $0x0  }
0xbc: {  	[sflag:s30] =	ssyncadd.s32 $0xFFFFFFF8  }
0xbd: {  	_ =	swait.ge [sflag:s30], $0x8  }
0xbe: {  	[sflag:s30] =	ssyncset.done $0x0  }
0xbf: {  	[sflag:s30] =	ssyncadd.s32 $0xFFFFFFF8  }
0xc0: {  	_ =	swait.ge [sflag:s30], $0x8  }
0xc1: {  	[sflag:s30] =	ssyncset.done $0x0  }
0xc2: {  	[sflag:s30] =	ssyncadd.s32 $0xFFFFFFF8  }
0xc3: {  	_ =	swait.ge [sflag:s30], $0x8  }
0xc4: {  	[sflag:s30] =	ssyncset.done $0x0  }
0xc5: {  	[sflag:s30] =	ssyncadd.s32 $0xFFFFFFF8  }
0xc6: {  	_ =	swait.ge [sflag:s30], $0x8  }
0xc7: {  	[sflag:s30] =	ssyncset.done $0x0  }
0xc8: {  	[sflag:s30] =	ssyncadd.s32 $0xFFFFFFF8  }
0xc9: {  	_ =	swait.ge [sflag:s30], $0x8  }
0xca: {  	[sflag:s30] =	ssyncset.done $0x0  }
0xcb: {  	[sflag:s30] =	ssyncadd.s32 $0xFFFFFFF8  }
0xcc: {  	_ =	swait.ge [sflag:s30], $0x8  }
0xcd: {  	[sflag:s30] =	ssyncset.done $0x0  }
0xce: {  	[sflag:s30] =	ssyncadd.s32 $0xFFFFFFF8  }
0xcf: {  	_ =	swait.ge [sflag:s30], $0x8  }
0xd0: {  	[sflag:s30] =	ssyncset.done $0x0  }
0xd1: {  	[sflag:s30] =	ssyncadd.s32 $0xFFFFFFF8  }
0xd2: {  	_ =	swait.ge [sflag:s30], $0x8  }
0xd3: {  	[sflag:s30] =	ssyncset.done $0x0  }
0xd4: {  	[sflag:s30] =	ssyncadd.s32 $0xFFFFFFF8  }
0xd5: {  	_ =	swait.ge [sflag:s30], $0x8  }
0xd6: {  	[sflag:s30] =	ssyncset.done $0x0  }
0xd7: {  	[sflag:s30] =	ssyncadd.s32 $0xFFFFFFF8  }
0xd8: {  	_ =	swait.ge [sflag:s30], $0x8  }
0xd9: {  	[sflag:s30] =	ssyncset.done $0x0  }
0xda: {  	[sflag:s30] =	ssyncadd.s32 $0xFFFFFFF8  }
0xdb: {  	_ =	swait.ge [sflag:s30], $0x8  }
0xdc: {  	[sflag:s30] =	ssyncset.done $0x0  }
0xdd: {  	[sflag:s30] =	ssyncadd.s32 $0xFFFFFFF8  }
0xde: {  	_ =	swait.ge [sflag:s30], $0x8  }
0xdf: {  	[sflag:s30] =	ssyncset.done $0x0  }
0xe0: {  	[sflag:s30] =	ssyncadd.s32 $0xFFFFFFF8  }
0xe1: {  	_ =	swait.ge [sflag:s30], $0x8  }
0xe2: {  	[sflag:s30] =	ssyncset.done $0x0  }
0xe3: {  	[sflag:s30] =	ssyncadd.s32 $0xFFFFFFF8  }
0xe4: {  	_ =	swait.ge [sflag:s30], $0x8  }
0xe5: {  	[sflag:s30] =	ssyncset.done $0x0  }
0xe6: {  	[sflag:s30] =	ssyncadd.s32 $0xFFFFFFF8  }
0xe7: {  	_ =	swait.ge [sflag:s30], $0x8  }
0xe8: {  	[sflag:s30] =	ssyncset.done $0x0  }
0xe9: {  	[sflag:s30] =	ssyncadd.s32 $0xFFFFFFF8  }
0xea: {  	_ =	swait.ge [sflag:s30], $0x8  }
0xeb: {  	[sflag:s30] =	ssyncset.done $0x0  }
0xec: {  	[sflag:s30] =	ssyncadd.s32 $0xFFFFFFF8  }
0xed: {  	_ =	swait.ge [sflag:s30], $0x8  }
0xee: {  	[sflag:s30] =	ssyncset.done $0x0  }
0xef: {  	[sflag:s30] =	ssyncadd.s32 $0xFFFFFFF8  }
0xf0: {  	_ =	swait.ge [sflag:s30], $0x8  }
0xf1: {  	[sflag:s30] =	ssyncset.done $0x0  }
0xf2: {  	[sflag:s30] =	ssyncadd.s32 $0xFFFFFFF8  }
0xf3: {  	_ =	swait.ge [sflag:s30], $0x8  }
0xf4: {  	[sflag:s30] =	ssyncset.done $0x0  }
0xf5: {  	[sflag:s30] =	ssyncadd.s32 $0xFFFFFFF8  }
0xf6: {  	_ =	swait.ge [sflag:s30], $0x8  }
0xf7: {  	[sflag:s30] =	ssyncset.done $0x0  }
0xf8: {  	[sflag:s30] =	ssyncadd.s32 $0xFFFFFFF8  }
0xf9: {  	_ =	swait.ge [sflag:s30], $0x8  }
0xfa: {  	[sflag:s30] =	ssyncset.done $0x0  }
0xfb: {  	[sflag:s30] =	ssyncadd.s32 $0xFFFFFFF8  }
0xfc: {  	_ =	swait.ge [sflag:s30], $0x8  }
0xfd: {  	[sflag:s30] =	ssyncset.done $0x0  }
0xfe: {  	[sflag:s30] =	ssyncadd.s32 $0xFFFFFFF8  }
0xff: {  	_ =	swait.ge [sflag:s30], $0x8  }
0x100: {  	[sflag:s30] =	ssyncset.done $0x0  }
0x101: {  	[sflag:s30] =	ssyncadd.s32 $0xFFFFFFF8  }
0x102: {  	_ =	swait.ge [sflag:s30], $0x8  }
0x103: {  	[sflag:s30] =	ssyncset.done $0x0  }
0x104: {  	[sflag:s30] =	ssyncadd.s32 $0xFFFFFFF8  }
0x105: {  	v3 =	vld [tilespmem:$0x0];
	_ =	sdelay $0x4  }
0x106: {  	v4 =	vshrl.u32 v3, $0x3  }
0x107: {  	v4 =	vmul.u32 $0x30, v4  }
0x108: {  	v3 =	vand.u32 $0x7, v3  }
0x109: {  	v3 =	vor.u32 v3, v4  }
0x10a: {  	v4 =	vperm.xlane v3, v0;
	_ =	sdelay $0x1  }
0x10b: {  	v4 =	vadd.s32 v1, v4;
	_ =	sdelay $0x3  }
0x10c: {  	v3 =	vperm.xlane v3, v2  }
0x10d: {  	[tilespmem:s10], [sflag:$0x1] =	stream.indirect_vreg.gather [hbm4b:s13+s1], $0x80, v4, vm0, $0xb8;
	[tilespmem:$0x1E400] =	vst v63  }
0x10e: {  	s5 =	simm.s32 $0x6C00;
	v3 =	vadd.s32 v1, v3  }
0x10f: {  	[tilespmem:s5], [sflag:$0x1] =	stream.indirect_vreg.gather [hbm4b:s21+s1], $0x80, v4, vm0, $0xb8;
	[tilespmem:$0x1E400] =	vst v63  }
0x110: {  	s6 =	simm.s32 $0x7400  }
0x111: {  	[tilespmem:s6], [sflag:$0x1] =	stream.indirect_vreg.gather [hbm4b:s22+s1], $0x80, v4, vm0, $0xb8;
	[tilespmem:$0x1E400] =	vst v63  }
0x112: {  	_ = 	snop  }
0x113: {  	[tilespmem:s31], [sflag:$0x1] =	stream.indirect_vreg.gather [hbm4b:s13+s1], $0x80, v3, vm0, $0xb8;
	[tilespmem:$0x1E400] =	vst v63  }
0x114: {  	s7 =	simm.s32 $0x8400  }
0x115: {  	[tilespmem:s7], [sflag:$0x1] =	stream.indirect_vreg.gather [hbm4b:s21+s1], $0x80, v3, vm0, $0xb8;
	[tilespmem:$0x1E400] =	vst v63  }
0x116: {  	s8 =	simm.s32 $0x8C00  }
0x117: {  	[tilespmem:s8], [sflag:$0x1] =	stream.indirect_vreg.gather [hbm4b:s22+s1], $0x80, v3, vm0, $0xb8;
	[tilespmem:$0x1E400] =	vst v63  }
0x118: {  	v3 =	vld [tilespmem:$0x10];
	_ =	sdelay $0x4  }
0x119: {  	v59 =	vshrl.u32 v3, $0x3  }
0x11a: {  	v4 =	vmul.u32 $0x30, v59  }
0x11b: {  	v3 =	vand.u32 $0x7, v3  }
0x11c: {  	v3 =	vor.u32 v3, v4  }
0x11d: {  	v4 =	vperm.xlane v3, v0;
	_ =	sdelay $0x1  }
0x11e: {  	v4 =	vadd.s32 v1, v4;
	_ =	sdelay $0x3  }
0x11f: {  	s9 =	simm.s32 $0x9400;
	v3 =	vperm.xlane v3, v2  }
0x120: {  	[tilespmem:s9], [sflag:$0x1] =	stream.indirect_vreg.gather [hbm4b:s13+s1], $0x80, v4, vm0, $0xb8;
	[tilespmem:$0x1E400] =	vst v63  }
0x121: {  	s11 =	simm.s32 $0x9C00;
	v3 =	vadd.s32 v1, v3  }
0x122: {  	[tilespmem:s11], [sflag:$0x1] =	stream.indirect_vreg.gather [hbm4b:s21+s1], $0x80, v4, vm0, $0xb8;
	[tilespmem:$0x1E400] =	vst v63  }
0x123: {  	s12 =	simm.s32 $0xA400  }
0x124: {  	[tilespmem:s12], [sflag:$0x1] =	stream.indirect_vreg.gather [hbm4b:s22+s1], $0x80, v4, vm0, $0xb8;
	[tilespmem:$0x1E400] =	vst v63  }
0x125: {  	s14 =	simm.s32 $0xAC00  }
0x126: {  	[tilespmem:s14], [sflag:$0x1] =	stream.indirect_vreg.gather [hbm4b:s13+s1], $0x80, v3, vm0, $0xb8;
	[tilespmem:$0x1E400] =	vst v63  }
0x127: {  	s15 =	simm.s32 $0xB400  }
0x128: {  	[tilespmem:s15], [sflag:$0x1] =	stream.indirect_vreg.gather [hbm4b:s21+s1], $0x80, v3, vm0, $0xb8;
	[tilespmem:$0x1E400] =	vst v63  }
0x129: {  	s16 =	simm.s32 $0xBC00;
	s17 =	sld [smem:$0x7D5]  }
0x12a: {  	[tilespmem:s16], [sflag:$0x1] =	stream.indirect_vreg.gather [hbm4b:s22+s1], $0x80, v3, vm0, $0xb8;
	[tilespmem:$0x1E400] =	vst v63  }
0x12b: {  	s19 =	simm.s32 $0x400  }
0x12c: {  	[tilespmem:s19], [sflag:$0xA] =	stream.linear.gather [hbm4b:s17+s1], $0x1800, $0x38;
	[tilespmem:$0x1E400] =	vst v63  }
0x12d: {  	v3 =	vld [tilespmem:$0x80];
	_ =	sdelay $0x4  }
0x12e: {  	v60 =	vshrl.u32 v3, $0x3  }
0x12f: {  	v4 =	vmul.u32 $0x30, v60  }
0x130: {  	v3 =	vand.u32 $0x7, v3  }
0x131: {  	v3 =	vor.u32 v3, v4  }
0x132: {  	v4 =	vperm.xlane v3, v0;
	_ =	sdelay $0x1  }
0x133: {  	v4 =	vadd.s32 v1, v4;
	_ =	sdelay $0x3  }
0x134: {  	s20 =	simm.s32 $0xC400;
	v3 =	vperm.xlane v3, v2  }
0x135: {  	[tilespmem:s20], [sflag:$0x2] =	stream.indirect_vreg.gather [hbm4b:s13+s1], $0x80, v4, vm0, $0xb8;
	[tilespmem:$0x1E400] =	vst v63  }
0x136: {  	s23 =	simm.s32 $0xCC00;
	v3 =	vadd.s32 v1, v3  }
0x137: {  	[tilespmem:s23], [sflag:$0x2] =	stream.indirect_vreg.gather [hbm4b:s21+s1], $0x80, v4, vm0, $0xb8;
	[tilespmem:$0x1E400] =	vst v63  }
0x138: {  	s24 =	simm.s32 $0xD400  }
0x139: {  	[tilespmem:s24], [sflag:$0x2] =	stream.indirect_vreg.gather [hbm4b:s22+s1], $0x80, v4, vm0, $0xb8;
	[tilespmem:$0x1E400] =	vst v63  }
0x13a: {  	s25 =	simm.s32 $0xDC00  }
0x13b: {  	[tilespmem:s25], [sflag:$0x2] =	stream.indirect_vreg.gather [hbm4b:s13+s1], $0x80, v3, vm0, $0xb8;
	[tilespmem:$0x1E400] =	vst v63  }
0x13c: {  	s26 =	simm.s32 $0xE400  }
0x13d: {  	[tilespmem:s26], [sflag:$0x2] =	stream.indirect_vreg.gather [hbm4b:s21+s1], $0x80, v3, vm0, $0xb8;
	[tilespmem:$0x1E400] =	vst v63  }
0x13e: {  	s28 =	simm.s32 $0xEC00  }
0x13f: {  	[tilespmem:s28], [sflag:$0x2] =	stream.indirect_vreg.gather [hbm4b:s22+s1], $0x80, v3, vm0, $0xb8;
	[tilespmem:$0x1E400] =	vst v63  }
0x140: {  	v3 =	vld [tilespmem:$0x90];
	_ =	sdelay $0x4  }
0x141: {  	v61 =	vshrl.u32 v3, $0x3  }
0x142: {  	v4 =	vmul.u32 $0x30, v61  }
0x143: {  	v3 =	vand.u32 $0x7, v3  }
0x144: {  	v3 =	vor.u32 v3, v4  }
0x145: {  	v4 =	vperm.xlane v3, v0;
	_ =	sdelay $0x1  }
0x146: {  	v4 =	vadd.s32 v1, v4;
	_ =	sdelay $0x3  }
0x147: {  	s29 =	simm.s32 $0xF400;
	v3 =	vperm.xlane v3, v2  }
0x148: {  	[tilespmem:s29], [sflag:$0x2] =	stream.indirect_vreg.gather [hbm4b:s13+s1], $0x80, v4, vm0, $0xb8;
	[tilespmem:$0x1E400] =	vst v63  }
0x149: {  	s31 =	simm.s32 $0xFC00;
	v3 =	vadd.s32 v1, v3  }
0x14a: {  	[tilespmem:s31], [sflag:$0x2] =	stream.indirect_vreg.gather [hbm4b:s21+s1], $0x80, v4, vm0, $0xb8;
	[tilespmem:$0x1E400] =	vst v63  }
0x14b: {  	s2 =	simm.s32 $0x10400  }
0x14c: {  	[tilespmem:s2], [sflag:$0x2] =	stream.indirect_vreg.gather [hbm4b:s22+s1], $0x80, v4, vm0, $0xb8;
	[tilespmem:$0x1E400] =	vst v63  }
0x14d: {  	s4 =	simm.s32 $0x10C00  }
0x14e: {  	[tilespmem:s4], [sflag:$0x2] =	stream.indirect_vreg.gather [hbm4b:s13+s1], $0x80, v3, vm0, $0xb8;
	[tilespmem:$0x1E400] =	vst v63  }
0x14f: {  	s5 =	simm.s32 $0x11400  }
0x150: {  	[tilespmem:s5], [sflag:$0x2] =	stream.indirect_vreg.gather [hbm4b:s21+s1], $0x80, v3, vm0, $0xb8;
	[tilespmem:$0x1E400] =	vst v63  }
0x151: {  	s6 =	simm.s32 $0x11C00;
	s7 =	sld [smem:$0x7D6]  }
0x152: {  	[tilespmem:s6], [sflag:$0x2] =	stream.indirect_vreg.gather [hbm4b:s22+s1], $0x80, v3, vm0, $0xb8;
	[tilespmem:$0x1E400] =	vst v63  }
0x153: {  	s8 =	simm.s32 $0x1C00  }
0x154: {  	[tilespmem:s8], [sflag:$0xB] =	stream.linear.gather [hbm4b:s7+s1], $0x1800, $0x38;
	[tilespmem:$0x1E400] =	vst v63  }
0x155: {  	v3 =	vld [tilespmem:$0x100];
	_ =	sdelay $0x4  }
0x156: {  	v62 =	vshrl.u32 v3, $0x3  }
0x157: {  	v4 =	vmul.u32 $0x30, v62  }
0x158: {  	v3 =	vand.u32 $0x7, v3  }
0x159: {  	v3 =	vor.u32 v3, v4  }
0x15a: {  	v4 =	vperm.xlane v3, v0;
	_ =	sdelay $0x1  }
0x15b: {  	v4 =	vadd.s32 v1, v4;
	_ =	sdelay $0x3  }
0x15c: {  	s9 =	simm.s32 $0x12400;
	v3 =	vperm.xlane v3, v2  }
0x15d: {  	[tilespmem:s9], [sflag:$0x3] =	stream.indirect_vreg.gather [hbm4b:s13+s1], $0x80, v4, vm0, $0xb8;
	[tilespmem:$0x1E400] =	vst v63  }
0x15e: {  	s11 =	simm.s32 $0x12C00;
	v3 =	vadd.s32 v1, v3  }
0x15f: {  	[tilespmem:s11], [sflag:$0x3] =	stream.indirect_vreg.gather [hbm4b:s21+s1], $0x80, v4, vm0, $0xb8;
	[tilespmem:$0x1E400] =	vst v63  }
0x160: {  	s12 =	simm.s32 $0x13400  }
0x161: {  	[tilespmem:s12], [sflag:$0x3] =	stream.indirect_vreg.gather [hbm4b:s22+s1], $0x80, v4, vm0, $0xb8;
	[tilespmem:$0x1E400] =	vst v63  }
0x162: {  	s14 =	simm.s32 $0x13C00  }
0x163: {  	[tilespmem:s14], [sflag:$0x3] =	stream.indirect_vreg.gather [hbm4b:s13+s1], $0x80, v3, vm0, $0xb8;
	[tilespmem:$0x1E400] =	vst v63  }
0x164: {  	s15 =	simm.s32 $0x14400  }
0x165: {  	[tilespmem:s15], [sflag:$0x3] =	stream.indirect_vreg.gather [hbm4b:s21+s1], $0x80, v3, vm0, $0xb8;
	[tilespmem:$0x1E400] =	vst v63  }
0x166: {  	s16 =	simm.s32 $0x14C00  }
0x167: {  	[tilespmem:s16], [sflag:$0x3] =	stream.indirect_vreg.gather [hbm4b:s22+s1], $0x80, v3, vm0, $0xb8;
	[tilespmem:$0x1E400] =	vst v63  }
0x168: {  	v3 =	vld [tilespmem:$0x110];
	_ =	sdelay $0x4  }
0x169: {  	v63 =	vshrl.u32 v3, $0x3  }
0x16a: {  	v4 =	vmul.u32 $0x30, v63  }
0x16b: {  	v3 =	vand.u32 $0x7, v3  }
0x16c: {  	v3 =	vor.u32 v3, v4  }
0x16d: {  	v4 =	vperm.xlane v3, v0;
	_ =	sdelay $0x1  }
0x16e: {  	v4 =	vadd.s32 v1, v4;
	_ =	sdelay $0x3  }
0x16f: {  	s17 =	simm.s32 $0x15400;
	v3 =	vperm.xlane v3, v2  }
0x170: {  	[tilespmem:s17], [sflag:$0x3] =	stream.indirect_vreg.gather [hbm4b:s13+s1], $0x80, v4, vm0, $0xb8;
	[tilespmem:$0x1E400] =	vst v63  }
0x171: {  	s19 =	simm.s32 $0x15C00;
	v3 =	vadd.s32 v1, v3  }
0x172: {  	[tilespmem:s19], [sflag:$0x3] =	stream.indirect_vreg.gather [hbm4b:s21+s1], $0x80, v4, vm0, $0xb8;
	[tilespmem:$0x1E400] =	vst v63  }
0x173: {  	s20 =	simm.s32 $0x16400  }
0x174: {  	[tilespmem:s20], [sflag:$0x3] =	stream.indirect_vreg.gather [hbm4b:s22+s1], $0x80, v4, vm0, $0xb8;
	[tilespmem:$0x1E400] =	vst v63  }
0x175: {  	s23 =	simm.s32 $0x16C00  }
0x176: {  	[tilespmem:s23], [sflag:$0x3] =	stream.indirect_vreg.gather [hbm4b:s13+s1], $0x80, v3, vm0, $0xb8;
	[tilespmem:$0x1E400] =	vst v63  }
0x177: {  	s24 =	simm.s32 $0x17400  }
0x178: {  	[tilespmem:s24], [sflag:$0x3] =	stream.indirect_vreg.gather [hbm4b:s21+s1], $0x80, v3, vm0, $0xb8;
	[tilespmem:$0x1E400] =	vst v63  }
0x179: {  	s25 =	simm.s32 $0x17C00;
	s26 =	sld [smem:$0x7D7]  }
0x17a: {  	[tilespmem:s25], [sflag:$0x3] =	stream.indirect_vreg.gather [hbm4b:s22+s1], $0x80, v3, vm0, $0xb8;
	[tilespmem:$0x1E400] =	vst v63  }
0x17b: {  	s28 =	simm.s32 $0x3400;
	s29 =	simm.s32 $0xA  }
0x17c: {  	[tilespmem:s28], [sflag:$0xC] =	stream.linear.gather [hbm4b:s26+s1], $0x1800, $0x38;
	[tilespmem:$0x1E400] =	vst v63  }
0x17d: {  	_ =	swait.ge [sflag:s29], $0x1800  }
0x17e: {  	[sflag:s29] =	ssyncset.done $0x0  }
0x17f: {  	s31 =	simm.s32 $0x1;
	[sflag:s29] =	ssyncadd.s32 $0xFFFFE800  }
0x180: {  	_ =	swait.ge [sflag:s31], $0x6000  }
0x181: {  	[sflag:s31] =	ssyncset.done $0x0  }
0x182: {  	s15 =	simm.s32 $0x0;
	[sflag:s31] =	ssyncadd.s32 $0xFFFFA000  }
.LBB2_2:
0x183: {  	s24 =	simm.s32 $0x0;
	s5 =	simm.s32 $0x0  }
0x184: {  	s28 =	sshll.u32 s15, $0x7;
	s0 =	sand.u32 $0x40, s5;
	s4 =	sand.u32 $0x1C00, s24  }
0x185: {  	s2 =	sor.u32 s28, s4;
	s7 =	sor.u32 $0x30, s0  }
0x186: {  	s26 =	sor.u32 $0x10, s0;
	s11 =	sor.u32 s7, s2  }
0x187: {  	s23 =	sor.u32 $0x20, s0;
	s20 =	sor.u32 s26, s2;
	v5 =	vld [tilespmem:s11+$0x400]  }
0x188: {  	s6 =	sor.u32 s23, s2;
	v6 =	vld [tilespmem:s20+$0x400]  }
0x189: {  	v4 =	vld [tilespmem:s6+$0x400]  }
0x18a: {  	s16 =	sor.u32 s0, s2  }
0x18b: {  	v3 =	vld [tilespmem:s16+$0x400]  }
0x18c: {  	s14 =	sadd.s32 $0x7C00, s28;
	[tilespmem:s11+$0x6400] =	vst.add.f32.msk $0xffff, v5  }
0x18d: {  	s8 =	sadd.s32 s4, s14;
	[tilespmem:s20+$0x6400] =	vst.add.f32.msk $0xffff, v6  }
0x18e: {  	s31 =	sadd.s32 s7, s8;
	[tilespmem:s6+$0x6400] =	vst.add.f32.msk $0xffff, v4  }
0x18f: {  	s25 =	sadd.s32 $0x9400, s28;
	s19 =	sadd.s32 s26, s8;
	[tilespmem:s31+$0x0] =	vst.add.f32.msk $0xffff, v5  }
0x190: {  	s12 =	sadd.s32 s4, s25;
	s29 =	sadd.s32 s23, s8;
	[tilespmem:s19+$0x0] =	vst.add.f32.msk $0xffff, v6  }
0x191: {  	s9 =	sadd.s32 s7, s12;
	[tilespmem:s29+$0x0] =	vst.add.f32.msk $0xffff, v4  }
0x192: {  	s2 =	sadd.s32 $0xAC00, s28;
	s20 =	sadd.s32 s26, s12;
	[tilespmem:s9+$0x0] =	vst.add.f32.msk $0xffff, v5  }
0x193: {  	s17 =	sadd.s32 s4, s2;
	s31 =	sadd.s32 s23, s12;
	[tilespmem:s20+$0x0] =	vst.add.f32.msk $0xffff, v6  }
0x194: {  	s11 =	sadd.s32 s7, s17;
	[tilespmem:s31+$0x0] =	vst.add.f32.msk $0xffff, v4  }
0x195: {  	s4 =	sadd.s32 s23, s17;
	s26 =	sadd.s32 s26, s17;
	[tilespmem:s11+$0x0] =	vst.add.f32.msk $0xffff, v5  }
0x196: {  	s7 =	sadd.s32 s0, s8;
	[tilespmem:s26+$0x0] =	vst.add.f32.msk $0xffff, v6;
	s11 =	sadd.s32 s0, s12;
	s0 =	sadd.s32 s0, s17  }
.LBB2_3:
0x197: {  	s5 =	sadd.s32 $0x40, s5;
	[tilespmem:s4+$0x0] =	vst.add.f32.msk $0xffff, v4;
	s24 =	sadd.s32 $0x200, s24  }
0x198: {  	s6 =	sand.u32 $0x40, s5;
	s4 =	sand.u32 $0x1C00, s24;
	[tilespmem:s16+$0x6400] =	vst.add.f32.msk $0xffff, v3  }
0x199: {  	s8 =	sor.u32 s28, s4;
	s12 =	sor.u32 $0x10, s6;
	s17 =	sor.u32 $0x30, s6;
	[tilespmem:s7+$0x0] =	vst.add.f32.msk $0xffff, v3  }
0x19a: {  	s23 =	sor.u32 $0x20, s6;
	s20 =	sor.u32 s12, s8;
	s7 =	sor.u32 s17, s8;
	[tilespmem:s11+$0x0] =	vst.add.f32.msk $0xffff, v3  }
0x19b: {  	p0 =	slt.u32 s5, $0x2C0;
	s16 =	sor.u32 s6, s8;
	s8 =	sor.u32 s23, s8;
	v5 =	vld [tilespmem:s7+$0x400]  }
0x19c: {  	v6 =	vld [tilespmem:s20+$0x400]  }
0x19d: {  	v4 =	vld [tilespmem:s8+$0x400]  }
0x19e: {  	v7 =	vld [tilespmem:s16+$0x400]  }
0x19f: {  	s11 =	sadd.s32 s4, s14;
	[tilespmem:s0+$0x0] =	vst.add.f32.msk $0xffff, v3  }
0x1a0: {  	s26 =	sadd.s32 s12, s11;
	s0 =	sadd.s32 s4, s25;
	[tilespmem:s7+$0x6400] =	vst.add.f32.msk $0xffff, v5;
	s7 =	sadd.s32 s17, s11  }
0x1a1: {  	s19 =	sadd.s32 s4, s2;
	s31 =	sadd.s32 s12, s0;
	s4 =	sadd.s32 s17, s0;
	[tilespmem:s7+$0x0] =	vst.add.f32.msk $0xffff, v5  }
0x1a2: {  	s9 =	sadd.s32 s23, s11;
	s12 =	sadd.s32 s12, s19;
	s17 =	sadd.s32 s17, s19;
	[tilespmem:s4+$0x0] =	vst.add.f32.msk $0xffff, v5  }
0x1a3: {  	s29 =	sadd.s32 s23, s0;
	s7 =	sadd.s32 s6, s11;
	s4 =	sadd.s32 s23, s19;
	[tilespmem:s17+$0x0] =	vst.add.f32.msk $0xffff, v5;
	v3 =	vmov v7  }
0x1a4: {  	s11 =	sadd.s32 s6, s0;
	s0 =	sadd.s32 s6, s19;
	[tilespmem:s20+$0x6400] =	vst.add.f32.msk $0xffff, v6  }
0x1a5: {  	[tilespmem:s26+$0x0] =	vst.add.f32.msk $0xffff, v6  }
.Ltmp0:
0x1a6: {  	[tilespmem:s31+$0x0] =	vst.add.f32.msk $0xffff, v6;
	(pc) =	sbr.rel @p0 .LBB2_3-.Ltmp0, $4  }
0x1a7: {  	[tilespmem:s12+$0x0] =	vst.add.f32.msk $0xffff, v6  }
0x1a8: {  	[tilespmem:s8+$0x6400] =	vst.add.f32.msk $0xffff, v4  }
0x1a9: {  	[tilespmem:s9+$0x0] =	vst.add.f32.msk $0xffff, v4  }
0x1aa: {  	[tilespmem:s29+$0x0] =	vst.add.f32.msk $0xffff, v4  }
0x1ab: {  	s15 =	sadd.s32 $0x1, s15  }
0x1ac: {  	p0 =	sne.s32 s15, $0x8  }
.Ltmp1:
0x1ad: {  	[tilespmem:s4+$0x0] =	vst.add.f32.msk $0xffff, v4;
	(pc) =	sbr.rel @p0 .LBB2_2-.Ltmp1, $4  }
0x1ae: {  	[tilespmem:s16+$0x6400] =	vst.add.f32.msk $0xffff, v3  }
0x1af: {  	[tilespmem:s7+$0x0] =	vst.add.f32.msk $0xffff, v3  }
0x1b0: {  	[tilespmem:s11+$0x0] =	vst.add.f32.msk $0xffff, v3  }
0x1b1: {  	[tilespmem:s0+$0x0] =	vst.add.f32.msk $0xffff, v3  }
0x1b2: {  	s0 =	sld [smem:$0x7E0];
	_ =	sdelay $0x1  }
0x1b3: {  	s15 =	simm.s32 $0x0;
	s2 =	sld [smem:$0x7DE]  }
0x1b4: {  	[hbm4b:s0+s15] =	stream.linear.scatter [tilespmem:s10], [sflag:$0x5], $0x1800, $0x38;
	[tilespmem:$0x1E400] =	vst v63  }
0x1b5: {  	s31 =	simm.s32 $0x7C00;
	s4 =	sld [smem:$0x7DF]  }
0x1b6: {  	[hbm4b:s2+s15] =	stream.linear.scatter [tilespmem:s31], [sflag:$0x5], $0x1800, $0x38;
	[tilespmem:$0x1E400] =	vst v63  }
0x1b7: {  	s5 =	sld [smem:$0x7E1];
	s2 =	simm.s32 $0x9400  }
0x1b8: {  	[hbm4b:s4+s15] =	stream.linear.scatter [tilespmem:s2], [sflag:$0x5], $0x1800, $0x38;
	[tilespmem:$0x1E400] =	vst v63  }
0x1b9: {  	s6 =	simm.s32 $0xAC00  }
0x1ba: {  	[hbm4b:s5+s15] =	stream.linear.scatter [tilespmem:s6], [sflag:$0x5], $0x1800, $0x38;
	[tilespmem:$0x1E400] =	vst v63  }
0x1bb: {  	v3 =	vld [tilespmem:$0x180];
	_ =	sdelay $0x4  }
0x1bc: {  	v4 =	vshrl.u32 v3, $0x3  }
0x1bd: {  	v4 =	vmul.u32 $0x30, v4  }
0x1be: {  	v3 =	vand.u32 $0x7, v3  }
0x1bf: {  	v3 =	vor.u32 v3, v4  }
0x1c0: {  	v4 =	vperm.xlane v3, v0;
	_ =	sdelay $0x1  }
0x1c1: {  	v4 =	vadd.s32 v1, v4;
	_ =	sdelay $0x3  }
0x1c2: {  	s7 =	simm.s32 $0x18400;
	v3 =	vperm.xlane v3, v2  }
0x1c3: {  	[tilespmem:s7], [sflag:$0x4] =	stream.indirect_vreg.gather [hbm4b:s13+s15], $0x80, v4, vm0, $0xb8;
	[tilespmem:$0x1E400] =	vst v63  }
0x1c4: {  	s8 =	simm.s32 $0x18C00;
	v3 =	vadd.s32 v1, v3  }
0x1c5: {  	[tilespmem:s8], [sflag:$0x4] =	stream.indirect_vreg.gather [hbm4b:s21+s15], $0x80, v4, vm0, $0xb8;
	[tilespmem:$0x1E400] =	vst v63  }
0x1c6: {  	s9 =	simm.s32 $0x19400  }
0x1c7: {  	[tilespmem:s9], [sflag:$0x4] =	stream.indirect_vreg.gather [hbm4b:s22+s15], $0x80, v4, vm0, $0xb8;
	[tilespmem:$0x1E400] =	vst v63  }
0x1c8: {  	s11 =	simm.s32 $0x19C00  }
0x1c9: {  	[tilespmem:s11], [sflag:$0x4] =	stream.indirect_vreg.gather [hbm4b:s13+s15], $0x80, v3, vm0, $0xb8;
	[tilespmem:$0x1E400] =	vst v63  }
0x1ca: {  	s12 =	simm.s32 $0x1A400  }
0x1cb: {  	[tilespmem:s12], [sflag:$0x4] =	stream.indirect_vreg.gather [hbm4b:s21+s15], $0x80, v3, vm0, $0xb8;
	[tilespmem:$0x1E400] =	vst v63  }
0x1cc: {  	s14 =	simm.s32 $0x1AC00  }
0x1cd: {  	[tilespmem:s14], [sflag:$0x4] =	stream.indirect_vreg.gather [hbm4b:s22+s15], $0x80, v3, vm0, $0xb8;
	[tilespmem:$0x1E400] =	vst v63  }
0x1ce: {  	v3 =	vld [tilespmem:$0x190];
	_ =	sdelay $0x4  }
0x1cf: {  	v63 =	vshrl.u32 v3, $0x3  }
0x1d0: {  	v4 =	vmul.u32 $0x30, v63  }
0x1d1: {  	v3 =	vand.u32 $0x7, v3  }
0x1d2: {  	v3 =	vor.u32 v3, v4  }
0x1d3: {  	v4 =	vperm.xlane v3, v0;
	_ =	sdelay $0x1  }
0x1d4: {  	v4 =	vadd.s32 v1, v4;
	_ =	sdelay $0x3  }
0x1d5: {  	s16 =	simm.s32 $0x1B400;
	v3 =	vperm.xlane v3, v2  }
0x1d6: {  	[tilespmem:s16], [sflag:$0x4] =	stream.indirect_vreg.gather [hbm4b:s13+s15], $0x80, v4, vm0, $0xb8;
	[tilespmem:$0x1E400] =	vst v63  }
0x1d7: {  	s17 =	simm.s32 $0x1BC00;
	v3 =	vadd.s32 v1, v3  }
0x1d8: {  	[tilespmem:s17], [sflag:$0x4] =	stream.indirect_vreg.gather [hbm4b:s21+s15], $0x80, v4, vm0, $0xb8;
	[tilespmem:$0x1E400] =	vst v63  }
0x1d9: {  	s19 =	simm.s32 $0x1C400  }
0x1da: {  	[tilespmem:s19], [sflag:$0x4] =	stream.indirect_vreg.gather [hbm4b:s22+s15], $0x80, v4, vm0, $0xb8;
	[tilespmem:$0x1E400] =	vst v63  }
0x1db: {  	s20 =	simm.s32 $0x1CC00  }
0x1dc: {  	[tilespmem:s20], [sflag:$0x4] =	stream.indirect_vreg.gather [hbm4b:s13+s15], $0x80, v3, vm0, $0xb8;
	[tilespmem:$0x1E400] =	vst v63  }
0x1dd: {  	s23 =	simm.s32 $0x1D400  }
0x1de: {  	[tilespmem:s23], [sflag:$0x4] =	stream.indirect_vreg.gather [hbm4b:s21+s15], $0x80, v3, vm0, $0xb8;
	[tilespmem:$0x1E400] =	vst v63  }
0x1df: {  	s24 =	simm.s32 $0x1DC00;
	s25 =	sld [smem:$0x7D8]  }
0x1e0: {  	[tilespmem:s24], [sflag:$0x4] =	stream.indirect_vreg.gather [hbm4b:s22+s15], $0x80, v3, vm0, $0xb8;
	[tilespmem:$0x1E400] =	vst v63  }
0x1e1: {  	s26 =	simm.s32 $0x4C00;
	s28 =	simm.s32 $0xB  }
0x1e2: {  	[tilespmem:s26], [sflag:$0xD] =	stream.linear.gather [hbm4b:s25+s15], $0x1800, $0x38;
	[tilespmem:$0x1E400] =	vst v63  }
0x1e3: {  	_ =	swait.ge [sflag:s28], $0x1800  }
0x1e4: {  	[sflag:s28] =	ssyncset.done $0x0  }
0x1e5: {  	s29 =	simm.s32 $0x2;
	[sflag:s28] =	ssyncadd.s32 $0xFFFFE800  }
0x1e6: {  	_ =	swait.ge [sflag:s29], $0x6000  }
0x1e7: {  	[sflag:s29] =	ssyncset.done $0x0  }
0x1e8: {  	s24 =	simm.s32 $0x0;
	[sflag:s29] =	ssyncadd.s32 $0xFFFFA000  }
.LBB2_6:
0x1e9: {  	s0 =	sshll.u32 s24, $0x7  }
0x1ea: {  	s2 =	sadd.s32 $0x1C00, s0  }
0x1eb: {  	s28 =	simm.s32 $0x0;
	[dreg:$0x5] =	wrdreg s2  }
0x1ec: {  	s6 =	sand.u32 $0x1C00, s15;
	s4 =	sand.u32 $0x40, s28;
	s2 =	rddreg [dreg:$0x5]  }
0x1ed: {  	s5 =	sadd.s32 $0xC400, s0;
	s7 =	sor.u32 $0x30, s4;
	s2 =	sadd.s32 s6, s2  }
0x1ee: {  	[dreg:$0x6] =	wrdreg s5;
	s25 =	sadd.s32 s7, s2  }
0x1ef: {  	s26 =	sadd.s32 s4, s2;
	v5 =	vld [tilespmem:s25+$0x0]  }
0x1f0: {  	s9 =	sor.u32 $0x10, s4;
	v6 =	vld [tilespmem:s26+$0x0]  }
0x1f1: {  	s12 =	sor.u32 $0x20, s4;
	s8 =	rddreg [dreg:$0x6];
	s11 =	sadd.s32 s9, s2  }
0x1f2: {  	s8 =	sadd.s32 s6, s8;
	s2 =	sadd.s32 s12, s2;
	v4 =	vld [tilespmem:s11+$0x0]  }
0x1f3: {  	s5 =	sadd.s32 $0xDC00, s0;
	s29 =	sadd.s32 s7, s8;
	v3 =	vld [tilespmem:s2+$0x0]  }
0x1f4: {  	s20 =	sadd.s32 s4, s8;
	s2 =	sadd.s32 s6, s5;
	[tilespmem:s29+$0x0] =	vst.add.f32.msk $0xffff, v5  }
0x1f5: {  	s14 =	sadd.s32 $0xF400, s0;
	s11 =	sadd.s32 s7, s2;
	[tilespmem:s20+$0x0] =	vst.add.f32.msk $0xffff, v6  }
0x1f6: {  	s16 =	sadd.s32 s6, s14;
	s23 =	sadd.s32 s4, s2;
	[tilespmem:s11+$0x0] =	vst.add.f32.msk $0xffff, v5  }
0x1f7: {  	s17 =	sadd.s32 s7, s16;
	s25 =	sadd.s32 $0x10C00, s0;
	[tilespmem:s23+$0x0] =	vst.add.f32.msk $0xffff, v6  }
0x1f8: {  	s26 =	sadd.s32 s4, s16;
	s6 =	sadd.s32 s6, s25;
	[tilespmem:s17+$0x0] =	vst.add.f32.msk $0xffff, v5  }
0x1f9: {  	s19 =	sadd.s32 s7, s6;
	[tilespmem:s26+$0x0] =	vst.add.f32.msk $0xffff, v6  }
0x1fa: {  	s4 =	sadd.s32 s4, s6;
	[tilespmem:s19+$0x0] =	vst.add.f32.msk $0xffff, v5  }
0x1fb: {  	s0 =	sadd.s32 s12, s8;
	s7 =	sadd.s32 s12, s2;
	s17 =	sadd.s32 s9, s8;
	[tilespmem:s4+$0x0] =	vst.add.f32.msk $0xffff, v6  }
0x1fc: {  	s29 =	sadd.s32 s9, s2;
	s2 =	simm.s32 $0x0;
	s11 =	sadd.s32 s9, s16;
	[tilespmem:s17+$0x0] =	vst.add.f32.msk $0xffff, v4  }
0x1fd: {  	s26 =	sadd.s32 s12, s16;
	s16 =	sadd.s32 s12, s6;
	s4 =	sadd.s32 s9, s6;
	[tilespmem:s29+$0x0] =	vst.add.f32.msk $0xffff, v4  }
.LBB2_7:
0x1fe: {  	[tilespmem:s11+$0x0] =	vst.add.f32.msk $0xffff, v4  }
0x1ff: {  	s28 =	sadd.s32 $0x40, s28;
	s2 =	sadd.s32 $0x200, s2;
	[tilespmem:s0+$0x0] =	vst.add.f32.msk $0xffff, v3  }
0x200: {  	s6 =	rddreg [dreg:$0x5];
	[tilespmem:s4+$0x0] =	vst.add.f32.msk $0xffff, v4;
	s8 =	sand.u32 $0x40, s28;
	s4 =	sand.u32 $0x1C00, s2  }
0x201: {  	[tilespmem:s7+$0x0] =	vst.add.f32.msk $0xffff, v3;
	s20 =	sadd.s32 s4, s6;
	s9 =	sor.u32 $0x30, s8  }
0x202: {  	[tilespmem:s26+$0x0] =	vst.add.f32.msk $0xffff, v3;
	s29 =	sadd.s32 s9, s20  }
0x203: {  	s6 =	sor.u32 $0x10, s8;
	s23 =	sadd.s32 s8, s20;
	v5 =	vld [tilespmem:s29+$0x0]  }
0x204: {  	s12 =	sor.u32 $0x20, s8;
	s19 =	sadd.s32 s6, s20;
	v6 =	vld [tilespmem:s23+$0x0]  }
0x205: {  	s17 =	rddreg [dreg:$0x6];
	s0 =	sadd.s32 s12, s20;
	v4 =	vld [tilespmem:s19+$0x0]  }
0x206: {  	s11 =	sadd.s32 s4, s17;
	v7 =	vld [tilespmem:s0+$0x0]  }
0x207: {  	s26 =	sadd.s32 s9, s11;
	[tilespmem:s16+$0x0] =	vst.add.f32.msk $0xffff, v3  }
0x208: {  	s17 =	sadd.s32 s8, s11;
	[tilespmem:s26+$0x0] =	vst.add.f32.msk $0xffff, v5  }
0x209: {  	s20 =	sadd.s32 s6, s11;
	s19 =	sadd.s32 s4, s5;
	[tilespmem:s17+$0x0] =	vst.add.f32.msk $0xffff, v6  }
0x20a: {  	s29 =	sadd.s32 s9, s19;
	[tilespmem:s20+$0x0] =	vst.add.f32.msk $0xffff, v4  }
0x20b: {  	s16 =	sadd.s32 s4, s14;
	s17 =	sadd.s32 s8, s19;
	[tilespmem:s29+$0x0] =	vst.add.f32.msk $0xffff, v5  }
0x20c: {  	p0 =	slt.u32 s28, $0x2C0;
	s7 =	sadd.s32 s9, s16;
	[tilespmem:s17+$0x0] =	vst.add.f32.msk $0xffff, v6  }
.Ltmp2:
0x20d: {  	s23 =	sadd.s32 s4, s25;
	s29 =	sadd.s32 s6, s19;
	[tilespmem:s7+$0x0] =	vst.add.f32.msk $0xffff, v5;
	(pc) =	sbr.rel @p0 .LBB2_7-.Ltmp2, $4  }
0x20e: {  	s0 =	sadd.s32 s12, s11;
	s11 =	sadd.s32 s6, s16;
	s9 =	sadd.s32 s9, s23;
	[tilespmem:s29+$0x0] =	vst.add.f32.msk $0xffff, v4  }
0x20f: {  	s4 =	sadd.s32 s6, s23;
	s7 =	sadd.s32 s12, s19;
	s19 =	sadd.s32 s8, s16;
	[tilespmem:s9+$0x0] =	vst.add.f32.msk $0xffff, v5  }
0x210: {  	s26 =	sadd.s32 s12, s16;
	s16 =	sadd.s32 s12, s23;
	s23 =	sadd.s32 s8, s23;
	[tilespmem:s19+$0x0] =	vst.add.f32.msk $0xffff, v6  }
0x211: {  	v3 =	vmov v7;
	[tilespmem:s23+$0x0] =	vst.add.f32.msk $0xffff, v6  }
0x212: {  	s24 =	sadd.s32 $0x1, s24  }
0x213: {  	[tilespmem:s11+$0x0] =	vst.add.f32.msk $0xffff, v4;
	p0 =	sne.s32 s24, $0x8  }
.Ltmp3:
0x214: {  	[tilespmem:s0+$0x0] =	vst.add.f32.msk $0xffff, v3;
	(pc) =	sbr.rel @p0 .LBB2_6-.Ltmp3, $4  }
0x215: {  	[tilespmem:s4+$0x0] =	vst.add.f32.msk $0xffff, v4  }
0x216: {  	[tilespmem:s7+$0x0] =	vst.add.f32.msk $0xffff, v3  }
0x217: {  	[tilespmem:s26+$0x0] =	vst.add.f32.msk $0xffff, v3  }
0x218: {  	[tilespmem:s16+$0x0] =	vst.add.f32.msk $0xffff, v3  }
0x219: {  	s0 =	sld [smem:$0x7E4];
	_ =	sdelay $0x1  }
0x21a: {  	s15 =	simm.s32 $0x0;
	s2 =	simm.s32 $0xC400  }
0x21b: {  	[hbm4b:s0+s15] =	stream.linear.scatter [tilespmem:s2], [sflag:$0x6], $0x1800, $0x38;
	[tilespmem:$0x1E400] =	vst v63  }
0x21c: {  	s2 =	sld [smem:$0x7E2];
	_ =	sdelay $0x1  }
0x21d: {  	s4 =	simm.s32 $0xDC00;
	s5 =	sld [smem:$0x7E3]  }
0x21e: {  	[hbm4b:s2+s15] =	stream.linear.scatter [tilespmem:s4], [sflag:$0x6], $0x1800, $0x38;
	[tilespmem:$0x1E400] =	vst v63  }
0x21f: {  	s6 =	simm.s32 $0xF400;
	s7 =	sld [smem:$0x7E5]  }
0x220: {  	[hbm4b:s5+s15] =	stream.linear.scatter [tilespmem:s6], [sflag:$0x6], $0x1800, $0x38;
	[tilespmem:$0x1E400] =	vst v63  }
0x221: {  	s8 =	simm.s32 $0x10C00;
	s9 =	simm.s32 $0x5  }
0x222: {  	[hbm4b:s7+s15] =	stream.linear.scatter [tilespmem:s8], [sflag:$0x6], $0x1800, $0x38;
	[tilespmem:$0x1E400] =	vst v63  }
0x223: {  	_ =	swait.ge [sflag:s9], $0x1800  }
0x224: {  	[sflag:s9] =	ssyncset.done $0x0  }
0x225: {  	[sflag:s9] =	ssyncadd.s32 $0xFFFFE800  }
0x226: {  	_ =	swait.ge [sflag:s9], $0x1800  }
0x227: {  	[sflag:s9] =	ssyncset.done $0x0  }
0x228: {  	[sflag:s9] =	ssyncadd.s32 $0xFFFFE800  }
0x229: {  	_ =	swait.ge [sflag:s9], $0x1800  }
0x22a: {  	[sflag:s9] =	ssyncset.done $0x0  }
0x22b: {  	[sflag:s9] =	ssyncadd.s32 $0xFFFFE800  }
0x22c: {  	_ =	swait.ge [sflag:s9], $0x1800  }
0x22d: {  	[sflag:s9] =	ssyncset.done $0x0  }
0x22e: {  	[sflag:s9] =	ssyncadd.s32 $0xFFFFE800  }
0x22f: {  	v3 =	vld [tilespmem:$0x200];
	_ =	sdelay $0x4  }
0x230: {  	v4 =	vshrl.u32 v3, $0x3  }
0x231: {  	v4 =	vmul.u32 $0x30, v4  }
0x232: {  	v3 =	vand.u32 $0x7, v3  }
0x233: {  	v3 =	vor.u32 v3, v4  }
0x234: {  	v4 =	vperm.xlane v3, v0;
	_ =	sdelay $0x1  }
0x235: {  	v4 =	vadd.s32 v1, v4;
	_ =	sdelay $0x3  }
0x236: {  	v3 =	vperm.xlane v3, v2  }
0x237: {  	[tilespmem:s10], [sflag:$0x1] =	stream.indirect_vreg.gather [hbm4b:s13+s15], $0x80, v4, vm0, $0xb8;
	[tilespmem:$0x1E400] =	vst v63  }
0x238: {  	s11 =	simm.s32 $0x6C00;
	v3 =	vadd.s32 v1, v3  }
0x239: {  	[tilespmem:s11], [sflag:$0x1] =	stream.indirect_vreg.gather [hbm4b:s21+s15], $0x80, v4, vm0, $0xb8;
	[tilespmem:$0x1E400] =	vst v63  }
0x23a: {  	s12 =	simm.s32 $0x7400  }
0x23b: {  	[tilespmem:s12], [sflag:$0x1] =	stream.indirect_vreg.gather [hbm4b:s22+s15], $0x80, v4, vm0, $0xb8;
	[tilespmem:$0x1E400] =	vst v63  }
0x23c: {  	_ = 	snop  }
0x23d: {  	[tilespmem:s31], [sflag:$0x1] =	stream.indirect_vreg.gather [hbm4b:s13+s15], $0x80, v3, vm0, $0xb8;
	[tilespmem:$0x1E400] =	vst v63  }
0x23e: {  	s14 =	simm.s32 $0x8400  }
0x23f: {  	[tilespmem:s14], [sflag:$0x1] =	stream.indirect_vreg.gather [hbm4b:s21+s15], $0x80, v3, vm0, $0xb8;
	[tilespmem:$0x1E400] =	vst v63  }
0x240: {  	s16 =	simm.s32 $0x8C00  }
0x241: {  	[tilespmem:s16], [sflag:$0x1] =	stream.indirect_vreg.gather [hbm4b:s22+s15], $0x80, v3, vm0, $0xb8;
	[tilespmem:$0x1E400] =	vst v63  }
0x242: {  	v3 =	vld [tilespmem:$0x210];
	_ =	sdelay $0x4  }
0x243: {  	v63 =	vshrl.u32 v3, $0x3  }
0x244: {  	v4 =	vmul.u32 $0x30, v63  }
0x245: {  	v3 =	vand.u32 $0x7, v3  }
0x246: {  	v3 =	vor.u32 v3, v4  }
0x247: {  	v4 =	vperm.xlane v3, v0;
	_ =	sdelay $0x1  }
0x248: {  	v4 =	vadd.s32 v1, v4;
	_ =	sdelay $0x3  }
0x249: {  	s17 =	simm.s32 $0x9400;
	v3 =	vperm.xlane v3, v2  }
0x24a: {  	[tilespmem:s17], [sflag:$0x1] =	stream.indirect_vreg.gather [hbm4b:s13+s15], $0x80, v4, vm0, $0xb8;
	[tilespmem:$0x1E400] =	vst v63  }
0x24b: {  	s19 =	simm.s32 $0x9C00;
	v3 =	vadd.s32 v1, v3  }
0x24c: {  	[tilespmem:s19], [sflag:$0x1] =	stream.indirect_vreg.gather [hbm4b:s21+s15], $0x80, v4, vm0, $0xb8;
	[tilespmem:$0x1E400] =	vst v63  }
0x24d: {  	s20 =	simm.s32 $0xA400  }
0x24e: {  	[tilespmem:s20], [sflag:$0x1] =	stream.indirect_vreg.gather [hbm4b:s22+s15], $0x80, v4, vm0, $0xb8;
	[tilespmem:$0x1E400] =	vst v63  }
0x24f: {  	s23 =	simm.s32 $0xAC00  }
0x250: {  	[tilespmem:s23], [sflag:$0x1] =	stream.indirect_vreg.gather [hbm4b:s13+s15], $0x80, v3, vm0, $0xb8;
	[tilespmem:$0x1E400] =	vst v63  }
0x251: {  	s24 =	simm.s32 $0xB400  }
0x252: {  	[tilespmem:s24], [sflag:$0x1] =	stream.indirect_vreg.gather [hbm4b:s21+s15], $0x80, v3, vm0, $0xb8;
	[tilespmem:$0x1E400] =	vst v63  }
0x253: {  	s25 =	simm.s32 $0xBC00;
	s26 =	sld [smem:$0x7D9]  }
0x254: {  	[tilespmem:s25], [sflag:$0x1] =	stream.indirect_vreg.gather [hbm4b:s22+s15], $0x80, v3, vm0, $0xb8;
	[tilespmem:$0x1E400] =	vst v63  }
0x255: {  	s28 =	simm.s32 $0x400;
	s29 =	simm.s32 $0xC  }
0x256: {  	[tilespmem:s28], [sflag:$0xA] =	stream.linear.gather [hbm4b:s26+s15], $0x1800, $0x38;
	[tilespmem:$0x1E400] =	vst v63  }
0x257: {  	_ =	swait.ge [sflag:s29], $0x1800  }
0x258: {  	[sflag:s29] =	ssyncset.done $0x0  }
0x259: {  	s31 =	simm.s32 $0x3;
	[sflag:s29] =	ssyncadd.s32 $0xFFFFE800  }
0x25a: {  	_ =	swait.ge [sflag:s31], $0x6000  }
0x25b: {  	[sflag:s31] =	ssyncset.done $0x0  }
0x25c: {  	s24 =	simm.s32 $0x0;
	[sflag:s31] =	ssyncadd.s32 $0xFFFFA000  }
.LBB2_10:
0x25d: {  	s0 =	sshll.u32 s24, $0x7  }
0x25e: {  	s2 =	sadd.s32 $0x3400, s0  }
0x25f: {  	s28 =	simm.s32 $0x0;
	[dreg:$0x7] =	wrdreg s2  }
0x260: {  	s6 =	sand.u32 $0x1C00, s15;
	s4 =	sand.u32 $0x40, s28;
	s2 =	rddreg [dreg:$0x7]  }
0x261: {  	s5 =	sadd.s32 $0x12400, s0;
	s7 =	sor.u32 $0x30, s4;
	s2 =	sadd.s32 s6, s2  }
0x262: {  	[dreg:$0x8] =	wrdreg s5;
	s29 =	sadd.s32 s7, s2  }
0x263: {  	s31 =	sadd.s32 s4, s2;
	v5 =	vld [tilespmem:s29+$0x0]  }
0x264: {  	s9 =	sor.u32 $0x10, s4;
	v6 =	vld [tilespmem:s31+$0x0]  }
0x265: {  	s12 =	sor.u32 $0x20, s4;
	s8 =	rddreg [dreg:$0x8];
	s11 =	sadd.s32 s9, s2  }
0x266: {  	s8 =	sadd.s32 s6, s8;
	s2 =	sadd.s32 s12, s2;
	v4 =	vld [tilespmem:s11+$0x0]  }
0x267: {  	s5 =	sadd.s32 $0x13C00, s0;
	s10 =	sadd.s32 s7, s8;
	v3 =	vld [tilespmem:s2+$0x0]  }
0x268: {  	s23 =	sadd.s32 s4, s8;
	s2 =	sadd.s32 s6, s5;
	[tilespmem:s10+$0x0] =	vst.add.f32.msk $0xffff, v5  }
0x269: {  	s14 =	sadd.s32 $0x15400, s0;
	s17 =	sadd.s32 s7, s2;
	[tilespmem:s23+$0x0] =	vst.add.f32.msk $0xffff, v6  }
0x26a: {  	s16 =	sadd.s32 s6, s14;
	s26 =	sadd.s32 s4, s2;
	[tilespmem:s17+$0x0] =	vst.add.f32.msk $0xffff, v5  }
0x26b: {  	s19 =	sadd.s32 s7, s16;
	[tilespmem:s26+$0x0] =	vst.add.f32.msk $0xffff, v6  }
0x26c: {  	s25 =	sadd.s32 $0x16C00, s0;
	s29 =	sadd.s32 s4, s16;
	[tilespmem:s19+$0x0] =	vst.add.f32.msk $0xffff, v5  }
0x26d: {  	s6 =	sadd.s32 s6, s25;
	s17 =	sadd.s32 s9, s8;
	[tilespmem:s29+$0x0] =	vst.add.f32.msk $0xffff, v6  }
0x26e: {  	s20 =	sadd.s32 s7, s6;
	[tilespmem:s17+$0x0] =	vst.add.f32.msk $0xffff, v4  }
0x26f: {  	s0 =	sadd.s32 s12, s8;
	s11 =	sadd.s32 s9, s16;
	s4 =	sadd.s32 s4, s6;
	[tilespmem:s20+$0x0] =	vst.add.f32.msk $0xffff, v5  }
0x270: {  	s31 =	sadd.s32 s9, s2;
	s7 =	sadd.s32 s12, s2;
	s2 =	simm.s32 $0x0;
	[tilespmem:s4+$0x0] =	vst.add.f32.msk $0xffff, v6  }
0x271: {  	s26 =	sadd.s32 s12, s16;
	s16 =	sadd.s32 s12, s6;
	s4 =	sadd.s32 s9, s6;
	[tilespmem:s31+$0x0] =	vst.add.f32.msk $0xffff, v4  }
.LBB2_11:
0x272: {  	[tilespmem:s11+$0x0] =	vst.add.f32.msk $0xffff, v4  }
0x273: {  	s28 =	sadd.s32 $0x40, s28;
	s2 =	sadd.s32 $0x200, s2;
	[tilespmem:s0+$0x0] =	vst.add.f32.msk $0xffff, v3  }
0x274: {  	s6 =	rddreg [dreg:$0x7];
	[tilespmem:s4+$0x0] =	vst.add.f32.msk $0xffff, v4;
	s8 =	sand.u32 $0x40, s28;
	s10 =	sand.u32 $0x1C00, s2  }
0x275: {  	[tilespmem:s7+$0x0] =	vst.add.f32.msk $0xffff, v3;
	s11 =	sadd.s32 s10, s6;
	s9 =	sor.u32 $0x30, s8  }
0x276: {  	[tilespmem:s26+$0x0] =	vst.add.f32.msk $0xffff, v3;
	s23 =	sadd.s32 s9, s11  }
0x277: {  	s6 =	sor.u32 $0x10, s8;
	s20 =	sadd.s32 s8, s11;
	v5 =	vld [tilespmem:s23+$0x0]  }
0x278: {  	s12 =	sor.u32 $0x20, s8;
	s19 =	sadd.s32 s6, s11;
	v6 =	vld [tilespmem:s20+$0x0]  }
0x279: {  	s17 =	rddreg [dreg:$0x8];
	s0 =	sadd.s32 s12, s11;
	v4 =	vld [tilespmem:s19+$0x0]  }
0x27a: {  	s26 =	sadd.s32 s10, s17;
	v7 =	vld [tilespmem:s0+$0x0]  }
0x27b: {  	s29 =	sadd.s32 s9, s26;
	[tilespmem:s16+$0x0] =	vst.add.f32.msk $0xffff, v3  }
0x27c: {  	s17 =	sadd.s32 s8, s26;
	[tilespmem:s29+$0x0] =	vst.add.f32.msk $0xffff, v5  }
0x27d: {  	s19 =	sadd.s32 s10, s5;
	s20 =	sadd.s32 s6, s26;
	[tilespmem:s17+$0x0] =	vst.add.f32.msk $0xffff, v6  }
0x27e: {  	s31 =	sadd.s32 s9, s19;
	[tilespmem:s20+$0x0] =	vst.add.f32.msk $0xffff, v4  }
0x27f: {  	s17 =	sadd.s32 s8, s19;
	[tilespmem:s31+$0x0] =	vst.add.f32.msk $0xffff, v5  }
0x280: {  	p0 =	slt.u32 s28, $0x2C0;
	s16 =	sadd.s32 s10, s14;
	s29 =	sadd.s32 s6, s19;
	[tilespmem:s17+$0x0] =	vst.add.f32.msk $0xffff, v6  }
.Ltmp4:
0x281: {  	s23 =	sadd.s32 s10, s25;
	s10 =	sadd.s32 s9, s16;
	[tilespmem:s29+$0x0] =	vst.add.f32.msk $0xffff, v4;
	(pc) =	sbr.rel @p0 .LBB2_11-.Ltmp4, $4  }
0x282: {  	s7 =	sadd.s32 s12, s19;
	s19 =	sadd.s32 s8, s16;
	[tilespmem:s10+$0x0] =	vst.add.f32.msk $0xffff, v5  }
0x283: {  	s9 =	sadd.s32 s9, s23;
	[tilespmem:s19+$0x0] =	vst.add.f32.msk $0xffff, v6  }
0x284: {  	s0 =	sadd.s32 s12, s26;
	s11 =	sadd.s32 s6, s16;
	s31 =	sadd.s32 s8, s23;
	[tilespmem:s9+$0x0] =	vst.add.f32.msk $0xffff, v5  }
0x285: {  	s4 =	sadd.s32 s6, s23;
	s26 =	sadd.s32 s12, s16;
	v3 =	vmov v7;
	s16 =	sadd.s32 s12, s23;
	[tilespmem:s31+$0x0] =	vst.add.f32.msk $0xffff, v6  }
0x286: {  	s24 =	sadd.s32 $0x1, s24  }
0x287: {  	[tilespmem:s11+$0x0] =	vst.add.f32.msk $0xffff, v4;
	p0 =	sne.s32 s24, $0x8  }
.Ltmp5:
0x288: {  	[tilespmem:s0+$0x0] =	vst.add.f32.msk $0xffff, v3;
	(pc) =	sbr.rel @p0 .LBB2_10-.Ltmp5, $4  }
0x289: {  	[tilespmem:s4+$0x0] =	vst.add.f32.msk $0xffff, v4  }
0x28a: {  	[tilespmem:s7+$0x0] =	vst.add.f32.msk $0xffff, v3  }
0x28b: {  	[tilespmem:s26+$0x0] =	vst.add.f32.msk $0xffff, v3  }
0x28c: {  	[tilespmem:s16+$0x0] =	vst.add.f32.msk $0xffff, v3  }
0x28d: {  	s0 =	sld [smem:$0x7E8];
	_ =	sdelay $0x1  }
0x28e: {  	s15 =	simm.s32 $0x0;
	s2 =	simm.s32 $0x12400  }
0x28f: {  	[hbm4b:s0+s15] =	stream.linear.scatter [tilespmem:s2], [sflag:$0x7], $0x1800, $0x38;
	[tilespmem:$0x1E400] =	vst v63  }
0x290: {  	s2 =	sld [smem:$0x7E6];
	_ =	sdelay $0x1  }
0x291: {  	s4 =	simm.s32 $0x13C00;
	s5 =	sld [smem:$0x7E7]  }
0x292: {  	[hbm4b:s2+s15] =	stream.linear.scatter [tilespmem:s4], [sflag:$0x7], $0x1800, $0x38;
	[tilespmem:$0x1E400] =	vst v63  }
0x293: {  	s6 =	simm.s32 $0x15400;
	s7 =	sld [smem:$0x7E9]  }
0x294: {  	[hbm4b:s5+s15] =	stream.linear.scatter [tilespmem:s6], [sflag:$0x7], $0x1800, $0x38;
	[tilespmem:$0x1E400] =	vst v63  }
0x295: {  	s8 =	simm.s32 $0x16C00  }
0x296: {  	[hbm4b:s7+s15] =	stream.linear.scatter [tilespmem:s8], [sflag:$0x7], $0x1800, $0x38;
	[tilespmem:$0x1E400] =	vst v63  }
0x297: {  	_ =	swait.ge [sflag:s18], $0x1800  }
0x298: {  	[sflag:s18] =	ssyncset.done $0x0  }
0x299: {  	[sflag:s18] =	ssyncadd.s32 $0xFFFFE800  }
0x29a: {  	_ =	swait.ge [sflag:s18], $0x1800  }
0x29b: {  	[sflag:s18] =	ssyncset.done $0x0  }
0x29c: {  	[sflag:s18] =	ssyncadd.s32 $0xFFFFE800  }
0x29d: {  	_ =	swait.ge [sflag:s18], $0x1800  }
0x29e: {  	[sflag:s18] =	ssyncset.done $0x0  }
0x29f: {  	[sflag:s18] =	ssyncadd.s32 $0xFFFFE800  }
0x2a0: {  	_ =	swait.ge [sflag:s18], $0x1800  }
0x2a1: {  	[sflag:s18] =	ssyncset.done $0x0  }
0x2a2: {  	[sflag:s18] =	ssyncadd.s32 $0xFFFFE800  }
0x2a3: {  	v3 =	vld [tilespmem:$0x280];
	_ =	sdelay $0x4  }
0x2a4: {  	v4 =	vshrl.u32 v3, $0x3  }
0x2a5: {  	v4 =	vmul.u32 $0x30, v4  }
0x2a6: {  	v3 =	vand.u32 $0x7, v3  }
0x2a7: {  	v3 =	vor.u32 v3, v4  }
0x2a8: {  	v4 =	vperm.xlane v3, v0;
	_ =	sdelay $0x1  }
0x2a9: {  	v4 =	vadd.s32 v1, v4;
	_ =	sdelay $0x3  }
0x2aa: {  	s9 =	simm.s32 $0xC400;
	v3 =	vperm.xlane v3, v2  }
0x2ab: {  	[tilespmem:s9], [sflag:$0x2] =	stream.indirect_vreg.gather [hbm4b:s13+s15], $0x80, v4, vm0, $0xb8;
	[tilespmem:$0x1E400] =	vst v63  }
0x2ac: {  	s10 =	simm.s32 $0xCC00;
	v3 =	vadd.s32 v1, v3  }
0x2ad: {  	[tilespmem:s10], [sflag:$0x2] =	stream.indirect_vreg.gather [hbm4b:s21+s15], $0x80, v4, vm0, $0xb8;
	[tilespmem:$0x1E400] =	vst v63  }
0x2ae: {  	s11 =	simm.s32 $0xD400  }
0x2af: {  	[tilespmem:s11], [sflag:$0x2] =	stream.indirect_vreg.gather [hbm4b:s22+s15], $0x80, v4, vm0, $0xb8;
	[tilespmem:$0x1E400] =	vst v63  }
0x2b0: {  	s12 =	simm.s32 $0xDC00  }
0x2b1: {  	[tilespmem:s12], [sflag:$0x2] =	stream.indirect_vreg.gather [hbm4b:s13+s15], $0x80, v3, vm0, $0xb8;
	[tilespmem:$0x1E400] =	vst v63  }
0x2b2: {  	s14 =	simm.s32 $0xE400  }
0x2b3: {  	[tilespmem:s14], [sflag:$0x2] =	stream.indirect_vreg.gather [hbm4b:s21+s15], $0x80, v3, vm0, $0xb8;
	[tilespmem:$0x1E400] =	vst v63  }
0x2b4: {  	s16 =	simm.s32 $0xEC00  }
0x2b5: {  	[tilespmem:s16], [sflag:$0x2] =	stream.indirect_vreg.gather [hbm4b:s22+s15], $0x80, v3, vm0, $0xb8;
	[tilespmem:$0x1E400] =	vst v63  }
0x2b6: {  	v3 =	vld [tilespmem:$0x290];
	_ =	sdelay $0x4  }
0x2b7: {  	v63 =	vshrl.u32 v3, $0x3  }
0x2b8: {  	v4 =	vmul.u32 $0x30, v63  }
0x2b9: {  	v3 =	vand.u32 $0x7, v3  }
0x2ba: {  	v3 =	vor.u32 v3, v4  }
0x2bb: {  	v4 =	vperm.xlane v3, v0;
	_ =	sdelay $0x1  }
0x2bc: {  	v4 =	vadd.s32 v1, v4;
	_ =	sdelay $0x3  }
0x2bd: {  	s17 =	simm.s32 $0xF400;
	v3 =	vperm.xlane v3, v2  }
0x2be: {  	[tilespmem:s17], [sflag:$0x2] =	stream.indirect_vreg.gather [hbm4b:s13+s15], $0x80, v4, vm0, $0xb8;
	[tilespmem:$0x1E400] =	vst v63  }
0x2bf: {  	s19 =	simm.s32 $0xFC00;
	v3 =	vadd.s32 v1, v3  }
0x2c0: {  	[tilespmem:s19], [sflag:$0x2] =	stream.indirect_vreg.gather [hbm4b:s21+s15], $0x80, v4, vm0, $0xb8;
	[tilespmem:$0x1E400] =	vst v63  }
0x2c1: {  	s20 =	simm.s32 $0x10400  }
0x2c2: {  	[tilespmem:s20], [sflag:$0x2] =	stream.indirect_vreg.gather [hbm4b:s22+s15], $0x80, v4, vm0, $0xb8;
	[tilespmem:$0x1E400] =	vst v63  }
0x2c3: {  	s23 =	simm.s32 $0x10C00  }
0x2c4: {  	[tilespmem:s23], [sflag:$0x2] =	stream.indirect_vreg.gather [hbm4b:s13+s15], $0x80, v3, vm0, $0xb8;
	[tilespmem:$0x1E400] =	vst v63  }
0x2c5: {  	s24 =	simm.s32 $0x11400  }
0x2c6: {  	[tilespmem:s24], [sflag:$0x2] =	stream.indirect_vreg.gather [hbm4b:s21+s15], $0x80, v3, vm0, $0xb8;
	[tilespmem:$0x1E400] =	vst v63  }
0x2c7: {  	s25 =	simm.s32 $0x11C00;
	s26 =	sld [smem:$0x7DA]  }
0x2c8: {  	[tilespmem:s25], [sflag:$0x2] =	stream.indirect_vreg.gather [hbm4b:s22+s15], $0x80, v3, vm0, $0xb8;
	[tilespmem:$0x1E400] =	vst v63  }
0x2c9: {  	s28 =	simm.s32 $0x1C00;
	s29 =	simm.s32 $0xD  }
0x2ca: {  	[tilespmem:s28], [sflag:$0xB] =	stream.linear.gather [hbm4b:s26+s15], $0x1800, $0x38;
	[tilespmem:$0x1E400] =	vst v63  }
0x2cb: {  	_ =	swait.ge [sflag:s29], $0x1800  }
0x2cc: {  	[sflag:s29] =	ssyncset.done $0x0  }
0x2cd: {  	s31 =	simm.s32 $0x4;
	[sflag:s29] =	ssyncadd.s32 $0xFFFFE800  }
0x2ce: {  	_ =	swait.ge [sflag:s31], $0x6000  }
0x2cf: {  	[sflag:s31] =	ssyncset.done $0x0  }
0x2d0: {  	s24 =	simm.s32 $0x0;
	[sflag:s31] =	ssyncadd.s32 $0xFFFFA000  }
.LBB2_14:
0x2d1: {  	s0 =	sshll.u32 s24, $0x7  }
0x2d2: {  	s2 =	sadd.s32 $0x4C00, s0  }
0x2d3: {  	s28 =	simm.s32 $0x0;
	[dreg:$0x9] =	wrdreg s2  }
0x2d4: {  	s6 =	sand.u32 $0x1C00, s15;
	s4 =	sand.u32 $0x40, s28;
	s2 =	rddreg [dreg:$0x9]  }
0x2d5: {  	s5 =	sadd.s32 $0x18400, s0;
	s7 =	sor.u32 $0x30, s4;
	s2 =	sadd.s32 s6, s2  }
0x2d6: {  	[dreg:$0xa] =	wrdreg s5;
	s29 =	sadd.s32 s7, s2  }
0x2d7: {  	s31 =	sadd.s32 s4, s2;
	v5 =	vld [tilespmem:s29+$0x0]  }
0x2d8: {  	s9 =	sor.u32 $0x10, s4;
	v6 =	vld [tilespmem:s31+$0x0]  }
0x2d9: {  	s12 =	sor.u32 $0x20, s4;
	s8 =	rddreg [dreg:$0xa];
	s11 =	sadd.s32 s9, s2  }
0x2da: {  	s8 =	sadd.s32 s6, s8;
	s2 =	sadd.s32 s12, s2;
	v4 =	vld [tilespmem:s11+$0x0]  }
0x2db: {  	s5 =	sadd.s32 $0x19C00, s0;
	s10 =	sadd.s32 s7, s8;
	v3 =	vld [tilespmem:s2+$0x0]  }
0x2dc: {  	s23 =	sadd.s32 s4, s8;
	s2 =	sadd.s32 s6, s5;
	[tilespmem:s10+$0x0] =	vst.add.f32.msk $0xffff, v5  }
0x2dd: {  	s14 =	sadd.s32 $0x1B400, s0;
	s17 =	sadd.s32 s7, s2;
	[tilespmem:s23+$0x0] =	vst.add.f32.msk $0xffff, v6  }
0x2de: {  	s16 =	sadd.s32 s6, s14;
	s26 =	sadd.s32 s4, s2;
	[tilespmem:s17+$0x0] =	vst.add.f32.msk $0xffff, v5  }
0x2df: {  	s19 =	sadd.s32 s7, s16;
	[tilespmem:s26+$0x0] =	vst.add.f32.msk $0xffff, v6  }
0x2e0: {  	s25 =	sadd.s32 $0x1CC00, s0;
	s29 =	sadd.s32 s4, s16;
	[tilespmem:s19+$0x0] =	vst.add.f32.msk $0xffff, v5  }
0x2e1: {  	s6 =	sadd.s32 s6, s25;
	s17 =	sadd.s32 s9, s8;
	[tilespmem:s29+$0x0] =	vst.add.f32.msk $0xffff, v6  }
0x2e2: {  	s20 =	sadd.s32 s7, s6;
	[tilespmem:s17+$0x0] =	vst.add.f32.msk $0xffff, v4  }
0x2e3: {  	s0 =	sadd.s32 s12, s8;
	s11 =	sadd.s32 s9, s16;
	s4 =	sadd.s32 s4, s6;
	[tilespmem:s20+$0x0] =	vst.add.f32.msk $0xffff, v5  }
0x2e4: {  	s31 =	sadd.s32 s9, s2;
	s7 =	sadd.s32 s12, s2;
	s2 =	simm.s32 $0x0;
	[tilespmem:s4+$0x0] =	vst.add.f32.msk $0xffff, v6  }
0x2e5: {  	s26 =	sadd.s32 s12, s16;
	s16 =	sadd.s32 s12, s6;
	s4 =	sadd.s32 s9, s6;
	[tilespmem:s31+$0x0] =	vst.add.f32.msk $0xffff, v4  }
.LBB2_15:
0x2e6: {  	[tilespmem:s11+$0x0] =	vst.add.f32.msk $0xffff, v4  }
0x2e7: {  	s28 =	sadd.s32 $0x40, s28;
	s2 =	sadd.s32 $0x200, s2;
	[tilespmem:s0+$0x0] =	vst.add.f32.msk $0xffff, v3  }
0x2e8: {  	s6 =	rddreg [dreg:$0x9];
	[tilespmem:s4+$0x0] =	vst.add.f32.msk $0xffff, v4;
	s8 =	sand.u32 $0x40, s28;
	s10 =	sand.u32 $0x1C00, s2  }
0x2e9: {  	[tilespmem:s7+$0x0] =	vst.add.f32.msk $0xffff, v3;
	s11 =	sadd.s32 s10, s6;
	s9 =	sor.u32 $0x30, s8  }
0x2ea: {  	[tilespmem:s26+$0x0] =	vst.add.f32.msk $0xffff, v3;
	s23 =	sadd.s32 s9, s11  }
0x2eb: {  	s6 =	sor.u32 $0x10, s8;
	s20 =	sadd.s32 s8, s11;
	v5 =	vld [tilespmem:s23+$0x0]  }
0x2ec: {  	s12 =	sor.u32 $0x20, s8;
	s19 =	sadd.s32 s6, s11;
	v6 =	vld [tilespmem:s20+$0x0]  }
0x2ed: {  	s17 =	rddreg [dreg:$0xa];
	s0 =	sadd.s32 s12, s11;
	v4 =	vld [tilespmem:s19+$0x0]  }
0x2ee: {  	s26 =	sadd.s32 s10, s17;
	v7 =	vld [tilespmem:s0+$0x0]  }
0x2ef: {  	s29 =	sadd.s32 s9, s26;
	[tilespmem:s16+$0x0] =	vst.add.f32.msk $0xffff, v3  }
0x2f0: {  	s17 =	sadd.s32 s8, s26;
	[tilespmem:s29+$0x0] =	vst.add.f32.msk $0xffff, v5  }
0x2f1: {  	s19 =	sadd.s32 s10, s5;
	s20 =	sadd.s32 s6, s26;
	[tilespmem:s17+$0x0] =	vst.add.f32.msk $0xffff, v6  }
0x2f2: {  	s31 =	sadd.s32 s9, s19;
	[tilespmem:s20+$0x0] =	vst.add.f32.msk $0xffff, v4  }
0x2f3: {  	s17 =	sadd.s32 s8, s19;
	[tilespmem:s31+$0x0] =	vst.add.f32.msk $0xffff, v5  }
0x2f4: {  	p0 =	slt.u32 s28, $0x2C0;
	s16 =	sadd.s32 s10, s14;
	s29 =	sadd.s32 s6, s19;
	[tilespmem:s17+$0x0] =	vst.add.f32.msk $0xffff, v6  }
.Ltmp6:
0x2f5: {  	s23 =	sadd.s32 s10, s25;
	s10 =	sadd.s32 s9, s16;
	[tilespmem:s29+$0x0] =	vst.add.f32.msk $0xffff, v4;
	(pc) =	sbr.rel @p0 .LBB2_15-.Ltmp6, $4  }
0x2f6: {  	s7 =	sadd.s32 s12, s19;
	s19 =	sadd.s32 s8, s16;
	[tilespmem:s10+$0x0] =	vst.add.f32.msk $0xffff, v5  }
0x2f7: {  	s9 =	sadd.s32 s9, s23;
	[tilespmem:s19+$0x0] =	vst.add.f32.msk $0xffff, v6  }
0x2f8: {  	s0 =	sadd.s32 s12, s26;
	s11 =	sadd.s32 s6, s16;
	s31 =	sadd.s32 s8, s23;
	[tilespmem:s9+$0x0] =	vst.add.f32.msk $0xffff, v5  }
0x2f9: {  	s4 =	sadd.s32 s6, s23;
	s26 =	sadd.s32 s12, s16;
	v3 =	vmov v7;
	s16 =	sadd.s32 s12, s23;
	[tilespmem:s31+$0x0] =	vst.add.f32.msk $0xffff, v6  }
0x2fa: {  	s24 =	sadd.s32 $0x1, s24  }
0x2fb: {  	[tilespmem:s11+$0x0] =	vst.add.f32.msk $0xffff, v4;
	p0 =	sne.s32 s24, $0x8  }
.Ltmp7:
0x2fc: {  	[tilespmem:s0+$0x0] =	vst.add.f32.msk $0xffff, v3;
	(pc) =	sbr.rel @p0 .LBB2_14-.Ltmp7, $4  }
0x2fd: {  	[tilespmem:s4+$0x0] =	vst.add.f32.msk $0xffff, v4  }
0x2fe: {  	[tilespmem:s7+$0x0] =	vst.add.f32.msk $0xffff, v3  }
0x2ff: {  	[tilespmem:s26+$0x0] =	vst.add.f32.msk $0xffff, v3  }
0x300: {  	[tilespmem:s16+$0x0] =	vst.add.f32.msk $0xffff, v3  }
0x301: {  	s0 =	sld [smem:$0x7EC];
	_ =	sdelay $0x1  }
0x302: {  	s15 =	simm.s32 $0x0;
	s2 =	simm.s32 $0x18400  }
0x303: {  	[hbm4b:s0+s15] =	stream.linear.scatter [tilespmem:s2], [sflag:$0x8], $0x1800, $0x38;
	[tilespmem:$0x1E400] =	vst v63  }
0x304: {  	s2 =	sld [smem:$0x7EA];
	_ =	sdelay $0x1  }
0x305: {  	s4 =	simm.s32 $0x19C00;
	s5 =	sld [smem:$0x7EB]  }
0x306: {  	[hbm4b:s2+s15] =	stream.linear.scatter [tilespmem:s4], [sflag:$0x8], $0x1800, $0x38;
	[tilespmem:$0x1E400] =	vst v63  }
0x307: {  	s6 =	simm.s32 $0x1B400;
	s7 =	sld [smem:$0x7ED]  }
0x308: {  	[hbm4b:s5+s15] =	stream.linear.scatter [tilespmem:s6], [sflag:$0x8], $0x1800, $0x38;
	[tilespmem:$0x1E400] =	vst v63  }
0x309: {  	s8 =	simm.s32 $0x1CC00  }
0x30a: {  	[hbm4b:s7+s15] =	stream.linear.scatter [tilespmem:s8], [sflag:$0x8], $0x1800, $0x38;
	[tilespmem:$0x1E400] =	vst v63  }
0x30b: {  	_ =	swait.ge [sflag:s3], $0x1800  }
0x30c: {  	[sflag:s3] =	ssyncset.done $0x0  }
0x30d: {  	[sflag:s3] =	ssyncadd.s32 $0xFFFFE800  }
0x30e: {  	_ =	swait.ge [sflag:s3], $0x1800  }
0x30f: {  	[sflag:s3] =	ssyncset.done $0x0  }
0x310: {  	[sflag:s3] =	ssyncadd.s32 $0xFFFFE800  }
0x311: {  	_ =	swait.ge [sflag:s3], $0x1800  }
0x312: {  	[sflag:s3] =	ssyncset.done $0x0  }
0x313: {  	[sflag:s3] =	ssyncadd.s32 $0xFFFFE800  }
0x314: {  	_ =	swait.ge [sflag:s3], $0x1800  }
0x315: {  	[sflag:s3] =	ssyncset.done $0x0  }
0x316: {  	[sflag:s3] =	ssyncadd.s32 $0xFFFFE800  }
0x317: {  	v3 =	vld [tilespmem:$0x300];
	_ =	sdelay $0x4  }
0x318: {  	v4 =	vshrl.u32 v3, $0x3  }
0x319: {  	v4 =	vmul.u32 $0x30, v4  }
0x31a: {  	v3 =	vand.u32 $0x7, v3  }
0x31b: {  	v3 =	vor.u32 v3, v4  }
0x31c: {  	v4 =	vperm.xlane v3, v0;
	_ =	sdelay $0x1  }
0x31d: {  	v4 =	vadd.s32 v1, v4;
	_ =	sdelay $0x3  }
0x31e: {  	s9 =	simm.s32 $0x12400;
	v3 =	vperm.xlane v3, v2  }
0x31f: {  	[tilespmem:s9], [sflag:$0x3] =	stream.indirect_vreg.gather [hbm4b:s13+s15], $0x80, v4, vm0, $0xb8;
	[tilespmem:$0x1E400] =	vst v63  }
0x320: {  	s10 =	simm.s32 $0x12C00;
	v3 =	vadd.s32 v1, v3  }
0x321: {  	[tilespmem:s10], [sflag:$0x3] =	stream.indirect_vreg.gather [hbm4b:s21+s15], $0x80, v4, vm0, $0xb8;
	[tilespmem:$0x1E400] =	vst v63  }
0x322: {  	s11 =	simm.s32 $0x13400  }
0x323: {  	[tilespmem:s11], [sflag:$0x3] =	stream.indirect_vreg.gather [hbm4b:s22+s15], $0x80, v4, vm0, $0xb8;
	[tilespmem:$0x1E400] =	vst v63  }
0x324: {  	s12 =	simm.s32 $0x13C00  }
0x325: {  	[tilespmem:s12], [sflag:$0x3] =	stream.indirect_vreg.gather [hbm4b:s13+s15], $0x80, v3, vm0, $0xb8;
	[tilespmem:$0x1E400] =	vst v63  }
0x326: {  	s14 =	simm.s32 $0x14400  }
0x327: {  	[tilespmem:s14], [sflag:$0x3] =	stream.indirect_vreg.gather [hbm4b:s21+s15], $0x80, v3, vm0, $0xb8;
	[tilespmem:$0x1E400] =	vst v63  }
0x328: {  	s16 =	simm.s32 $0x14C00  }
0x329: {  	[tilespmem:s16], [sflag:$0x3] =	stream.indirect_vreg.gather [hbm4b:s22+s15], $0x80, v3, vm0, $0xb8;
	[tilespmem:$0x1E400] =	vst v63  }
0x32a: {  	v3 =	vld [tilespmem:$0x310];
	_ =	sdelay $0x4  }
0x32b: {  	v63 =	vshrl.u32 v3, $0x3  }
0x32c: {  	v4 =	vmul.u32 $0x30, v63  }
0x32d: {  	v3 =	vand.u32 $0x7, v3  }
0x32e: {  	v3 =	vor.u32 v3, v4  }
0x32f: {  	v4 =	vperm.xlane v3, v0;
	_ =	sdelay $0x1  }
0x330: {  	v4 =	vadd.s32 v1, v4;
	_ =	sdelay $0x3  }
0x331: {  	s17 =	simm.s32 $0x15400;
	v3 =	vperm.xlane v3, v2  }
0x332: {  	[tilespmem:s17], [sflag:$0x3] =	stream.indirect_vreg.gather [hbm4b:s13+s15], $0x80, v4, vm0, $0xb8;
	[tilespmem:$0x1E400] =	vst v63  }
0x333: {  	s19 =	simm.s32 $0x15C00;
	v3 =	vadd.s32 v1, v3  }
0x334: {  	[tilespmem:s19], [sflag:$0x3] =	stream.indirect_vreg.gather [hbm4b:s21+s15], $0x80, v4, vm0, $0xb8;
	[tilespmem:$0x1E400] =	vst v63  }
0x335: {  	s20 =	simm.s32 $0x16400  }
0x336: {  	[tilespmem:s20], [sflag:$0x3] =	stream.indirect_vreg.gather [hbm4b:s22+s15], $0x80, v4, vm0, $0xb8;
	[tilespmem:$0x1E400] =	vst v63  }
0x337: {  	s23 =	simm.s32 $0x16C00  }
0x338: {  	[tilespmem:s23], [sflag:$0x3] =	stream.indirect_vreg.gather [hbm4b:s13+s15], $0x80, v3, vm0, $0xb8;
	[tilespmem:$0x1E400] =	vst v63  }
0x339: {  	s24 =	simm.s32 $0x17400  }
0x33a: {  	[tilespmem:s24], [sflag:$0x3] =	stream.indirect_vreg.gather [hbm4b:s21+s15], $0x80, v3, vm0, $0xb8;
	[tilespmem:$0x1E400] =	vst v63  }
0x33b: {  	s25 =	simm.s32 $0x17C00;
	s26 =	sld [smem:$0x7DB]  }
0x33c: {  	[tilespmem:s25], [sflag:$0x3] =	stream.indirect_vreg.gather [hbm4b:s22+s15], $0x80, v3, vm0, $0xb8;
	[tilespmem:$0x1E400] =	vst v63  }
0x33d: {  	s28 =	simm.s32 $0x3400;
	s29 =	simm.s32 $0xA  }
0x33e: {  	[tilespmem:s28], [sflag:$0xC] =	stream.linear.gather [hbm4b:s26+s15], $0x1800, $0x38;
	[tilespmem:$0x1E400] =	vst v63  }
0x33f: {  	_ =	swait.ge [sflag:s29], $0x1800  }
0x340: {  	[sflag:s29] =	ssyncset.done $0x0  }
0x341: {  	s31 =	simm.s32 $0x1;
	[sflag:s29] =	ssyncadd.s32 $0xFFFFE800  }
0x342: {  	_ =	swait.ge [sflag:s31], $0x6000  }
0x343: {  	[sflag:s31] =	ssyncset.done $0x0  }
0x344: {  	s24 =	simm.s32 $0x0;
	[sflag:s31] =	ssyncadd.s32 $0xFFFFA000  }
.LBB2_18:
0x345: {  	s28 =	simm.s32 $0x0  }
0x346: {  	s5 =	sshll.u32 s24, $0x7;
	s4 =	sand.u32 $0x1C00, s15;
	s0 =	sand.u32 $0x40, s28  }
0x347: {  	s2 =	sor.u32 s5, s4;
	s6 =	sor.u32 $0x30, s0  }
0x348: {  	s8 =	sor.u32 $0x10, s0;
	s7 =	sor.u32 s6, s2  }
0x349: {  	s11 =	sor.u32 $0x20, s0;
	s9 =	sor.u32 s8, s2;
	v5 =	vld [tilespmem:s7+$0x400]  }
0x34a: {  	s12 =	sor.u32 s11, s2;
	v6 =	vld [tilespmem:s9+$0x400]  }
0x34b: {  	v4 =	vld [tilespmem:s12+$0x400]  }
0x34c: {  	s16 =	sor.u32 s0, s2  }
0x34d: {  	v3 =	vld [tilespmem:s16+$0x400]  }
0x34e: {  	s14 =	sadd.s32 $0x7C00, s5;
	[tilespmem:s7+$0x6400] =	vst.add.f32.msk $0xffff, v5  }
0x34f: {  	s17 =	sadd.s32 s4, s14;
	[tilespmem:s9+$0x6400] =	vst.add.f32.msk $0xffff, v6  }
0x350: {  	s25 =	sadd.s32 $0x9400, s5;
	s29 =	sadd.s32 s6, s17;
	[tilespmem:s12+$0x6400] =	vst.add.f32.msk $0xffff, v4  }
0x351: {  	s19 =	sadd.s32 s4, s25;
	s10 =	sadd.s32 s8, s17;
	[tilespmem:s29+$0x0] =	vst.add.f32.msk $0xffff, v5  }
0x352: {  	s31 =	sadd.s32 s6, s19;
	[tilespmem:s10+$0x0] =	vst.add.f32.msk $0xffff, v6  }
0x353: {  	s2 =	sadd.s32 $0xAC00, s5;
	s23 =	sadd.s32 s8, s19;
	[tilespmem:s31+$0x0] =	vst.add.f32.msk $0xffff, v5  }
0x354: {  	s20 =	sadd.s32 s4, s2;
	s29 =	sadd.s32 s11, s17;
	[tilespmem:s23+$0x0] =	vst.add.f32.msk $0xffff, v6  }
0x355: {  	s7 =	sadd.s32 s6, s20;
	[tilespmem:s29+$0x0] =	vst.add.f32.msk $0xffff, v4  }
0x356: {  	s26 =	sadd.s32 s8, s20;
	[tilespmem:s7+$0x0] =	vst.add.f32.msk $0xffff, v5  }
0x357: {  	s4 =	sadd.s32 s11, s20;
	s31 =	sadd.s32 s11, s19;
	s11 =	sadd.s32 s0, s19;
	[tilespmem:s26+$0x0] =	vst.add.f32.msk $0xffff, v6  }
0x358: {  	s7 =	sadd.s32 s0, s17;
	s0 =	sadd.s32 s0, s20;
	[tilespmem:s31+$0x0] =	vst.add.f32.msk $0xffff, v4;
	s26 =	simm.s32 $0x0  }
.LBB2_19:
0x359: {  	s28 =	sadd.s32 $0x40, s28;
	[tilespmem:s4+$0x0] =	vst.add.f32.msk $0xffff, v4;
	s26 =	sadd.s32 $0x200, s26  }
0x35a: {  	s6 =	sand.u32 $0x40, s28;
	s4 =	sand.u32 $0x1C00, s26;
	[tilespmem:s16+$0x6400] =	vst.add.f32.msk $0xffff, v3  }
0x35b: {  	s8 =	sor.u32 s5, s4;
	s9 =	sor.u32 $0x10, s6;
	s12 =	sor.u32 $0x30, s6;
	[tilespmem:s7+$0x0] =	vst.add.f32.msk $0xffff, v3  }
0x35c: {  	s19 =	sor.u32 $0x20, s6;
	s17 =	sor.u32 s9, s8;
	s7 =	sor.u32 s12, s8;
	[tilespmem:s11+$0x0] =	vst.add.f32.msk $0xffff, v3  }
0x35d: {  	p0 =	slt.u32 s28, $0x2C0;
	s16 =	sor.u32 s6, s8;
	s8 =	sor.u32 s19, s8;
	v5 =	vld [tilespmem:s7+$0x400]  }
0x35e: {  	v6 =	vld [tilespmem:s17+$0x400]  }
0x35f: {  	v4 =	vld [tilespmem:s8+$0x400]  }
0x360: {  	v7 =	vld [tilespmem:s16+$0x400]  }
0x361: {  	s11 =	sadd.s32 s4, s14;
	[tilespmem:s0+$0x0] =	vst.add.f32.msk $0xffff, v3  }
0x362: {  	s20 =	sadd.s32 s9, s11;
	s0 =	sadd.s32 s4, s25;
	[tilespmem:s7+$0x6400] =	vst.add.f32.msk $0xffff, v5;
	s7 =	sadd.s32 s12, s11  }
0x363: {  	s23 =	sadd.s32 s4, s2;
	s29 =	sadd.s32 s9, s0;
	s4 =	sadd.s32 s12, s0;
	[tilespmem:s7+$0x0] =	vst.add.f32.msk $0xffff, v5  }
0x364: {  	s31 =	sadd.s32 s19, s11;
	s9 =	sadd.s32 s9, s23;
	s12 =	sadd.s32 s12, s23;
	[tilespmem:s4+$0x0] =	vst.add.f32.msk $0xffff, v5  }
0x365: {  	s10 =	sadd.s32 s19, s0;
	s7 =	sadd.s32 s6, s11;
	s4 =	sadd.s32 s19, s23;
	[tilespmem:s12+$0x0] =	vst.add.f32.msk $0xffff, v5;
	v3 =	vmov v7  }
0x366: {  	s11 =	sadd.s32 s6, s0;
	s0 =	sadd.s32 s6, s23;
	[tilespmem:s17+$0x6400] =	vst.add.f32.msk $0xffff, v6  }
0x367: {  	[tilespmem:s20+$0x0] =	vst.add.f32.msk $0xffff, v6  }
.Ltmp8:
0x368: {  	[tilespmem:s29+$0x0] =	vst.add.f32.msk $0xffff, v6;
	(pc) =	sbr.rel @p0 .LBB2_19-.Ltmp8, $4  }
0x369: {  	[tilespmem:s9+$0x0] =	vst.add.f32.msk $0xffff, v6  }
0x36a: {  	[tilespmem:s8+$0x6400] =	vst.add.f32.msk $0xffff, v4  }
0x36b: {  	[tilespmem:s31+$0x0] =	vst.add.f32.msk $0xffff, v4  }
0x36c: {  	[tilespmem:s10+$0x0] =	vst.add.f32.msk $0xffff, v4  }
0x36d: {  	s24 =	sadd.s32 $0x1, s24  }
0x36e: {  	p0 =	sne.s32 s24, $0x8  }
.Ltmp9:
0x36f: {  	[tilespmem:s4+$0x0] =	vst.add.f32.msk $0xffff, v4;
	(pc) =	sbr.rel @p0 .LBB2_18-.Ltmp9, $4  }
0x370: {  	[tilespmem:s16+$0x6400] =	vst.add.f32.msk $0xffff, v3  }
0x371: {  	[tilespmem:s7+$0x0] =	vst.add.f32.msk $0xffff, v3  }
0x372: {  	[tilespmem:s11+$0x0] =	vst.add.f32.msk $0xffff, v3  }
0x373: {  	[tilespmem:s0+$0x0] =	vst.add.f32.msk $0xffff, v3  }
0x374: {  	s0 =	sld [smem:$0x7F0];
	_ =	sdelay $0x1  }
0x375: {  	s15 =	simm.s32 $0x0;
	s2 =	simm.s32 $0x6400;
	s28 =	sld [smem:$0x7EE]  }
0x376: {  	[hbm4b:s0+s15] =	stream.linear.scatter [tilespmem:s2], [sflag:$0x5], $0x1800, $0x38;
	[tilespmem:$0x1E400] =	vst v63  }
0x377: {  	s31 =	simm.s32 $0x7C00;
	s2 =	sld [smem:$0x7EF]  }
0x378: {  	[hbm4b:s28+s15] =	stream.linear.scatter [tilespmem:s31], [sflag:$0x5], $0x1800, $0x38;
	[tilespmem:$0x1E400] =	vst v63  }
0x379: {  	s4 =	simm.s32 $0x9400;
	s5 =	sld [smem:$0x7F1]  }
0x37a: {  	[hbm4b:s2+s15] =	stream.linear.scatter [tilespmem:s4], [sflag:$0x5], $0x1800, $0x38;
	[tilespmem:$0x1E400] =	vst v63  }
0x37b: {  	s6 =	simm.s32 $0xAC00;
	s29 =	simm.s32 $0x8  }
0x37c: {  	[hbm4b:s5+s15] =	stream.linear.scatter [tilespmem:s6], [sflag:$0x5], $0x1800, $0x38;
	[tilespmem:$0x1E400] =	vst v63  }
0x37d: {  	_ =	swait.ge [sflag:s29], $0x1800  }
0x37e: {  	[sflag:s29] =	ssyncset.done $0x0  }
0x37f: {  	[sflag:s29] =	ssyncadd.s32 $0xFFFFE800  }
0x380: {  	_ =	swait.ge [sflag:s29], $0x1800  }
0x381: {  	[sflag:s29] =	ssyncset.done $0x0  }
0x382: {  	[sflag:s29] =	ssyncadd.s32 $0xFFFFE800  }
0x383: {  	_ =	swait.ge [sflag:s29], $0x1800  }
0x384: {  	[sflag:s29] =	ssyncset.done $0x0  }
0x385: {  	[sflag:s29] =	ssyncadd.s32 $0xFFFFE800  }
0x386: {  	_ =	swait.ge [sflag:s29], $0x1800  }
0x387: {  	[sflag:s29] =	ssyncset.done $0x0  }
0x388: {  	[sflag:s29] =	ssyncadd.s32 $0xFFFFE800  }
0x389: {  	v3 =	vld [tilespmem:$0x380];
	_ =	sdelay $0x4  }
0x38a: {  	v4 =	vshrl.u32 v3, $0x3  }
0x38b: {  	v4 =	vmul.u32 $0x30, v4  }
0x38c: {  	v3 =	vand.u32 $0x7, v3  }
0x38d: {  	v3 =	vor.u32 v3, v4  }
0x38e: {  	v4 =	vperm.xlane v3, v0;
	_ =	sdelay $0x1  }
0x38f: {  	v4 =	vadd.s32 v1, v4;
	_ =	sdelay $0x3  }
0x390: {  	s7 =	simm.s32 $0x18400;
	v3 =	vperm.xlane v3, v2  }
0x391: {  	[tilespmem:s7], [sflag:$0x4] =	stream.indirect_vreg.gather [hbm4b:s13+s15], $0x80, v4, vm0, $0xb8;
	[tilespmem:$0x1E400] =	vst v63  }
0x392: {  	s8 =	simm.s32 $0x18C00;
	v3 =	vadd.s32 v1, v3  }
0x393: {  	[tilespmem:s8], [sflag:$0x4] =	stream.indirect_vreg.gather [hbm4b:s21+s15], $0x80, v4, vm0, $0xb8;
	[tilespmem:$0x1E400] =	vst v63  }
0x394: {  	s9 =	simm.s32 $0x19400  }
0x395: {  	[tilespmem:s9], [sflag:$0x4] =	stream.indirect_vreg.gather [hbm4b:s22+s15], $0x80, v4, vm0, $0xb8;
	[tilespmem:$0x1E400] =	vst v63  }
0x396: {  	s10 =	simm.s32 $0x19C00  }
0x397: {  	[tilespmem:s10], [sflag:$0x4] =	stream.indirect_vreg.gather [hbm4b:s13+s15], $0x80, v3, vm0, $0xb8;
	[tilespmem:$0x1E400] =	vst v63  }
0x398: {  	s11 =	simm.s32 $0x1A400  }
0x399: {  	[tilespmem:s11], [sflag:$0x4] =	stream.indirect_vreg.gather [hbm4b:s21+s15], $0x80, v3, vm0, $0xb8;
	[tilespmem:$0x1E400] =	vst v63  }
0x39a: {  	s12 =	simm.s32 $0x1AC00  }
0x39b: {  	[tilespmem:s12], [sflag:$0x4] =	stream.indirect_vreg.gather [hbm4b:s22+s15], $0x80, v3, vm0, $0xb8;
	[tilespmem:$0x1E400] =	vst v63  }
0x39c: {  	v3 =	vld [tilespmem:$0x390];
	_ =	sdelay $0x4  }
0x39d: {  	v63 =	vshrl.u32 v3, $0x3  }
0x39e: {  	v4 =	vmul.u32 $0x30, v63  }
0x39f: {  	v3 =	vand.u32 $0x7, v3  }
0x3a0: {  	v3 =	vor.u32 v3, v4  }
0x3a1: {  	v4 =	vperm.xlane v3, v0;
	_ =	sdelay $0x1  }
0x3a2: {  	v4 =	vadd.s32 v1, v4;
	_ =	sdelay $0x3  }
0x3a3: {  	s14 =	simm.s32 $0x1B400;
	v3 =	vperm.xlane v3, v2  }
0x3a4: {  	[tilespmem:s14], [sflag:$0x4] =	stream.indirect_vreg.gather [hbm4b:s13+s15], $0x80, v4, vm0, $0xb8;
	[tilespmem:$0x1E400] =	vst v63  }
0x3a5: {  	s16 =	simm.s32 $0x1BC00;
	v3 =	vadd.s32 v1, v3  }
0x3a6: {  	[tilespmem:s16], [sflag:$0x4] =	stream.indirect_vreg.gather [hbm4b:s21+s15], $0x80, v4, vm0, $0xb8;
	[tilespmem:$0x1E400] =	vst v63  }
0x3a7: {  	s17 =	simm.s32 $0x1C400  }
0x3a8: {  	[tilespmem:s17], [sflag:$0x4] =	stream.indirect_vreg.gather [hbm4b:s22+s15], $0x80, v4, vm0, $0xb8;
	[tilespmem:$0x1E400] =	vst v63  }
0x3a9: {  	s19 =	simm.s32 $0x1CC00  }
0x3aa: {  	[tilespmem:s19], [sflag:$0x4] =	stream.indirect_vreg.gather [hbm4b:s13+s15], $0x80, v3, vm0, $0xb8;
	[tilespmem:$0x1E400] =	vst v63  }
0x3ab: {  	s20 =	simm.s32 $0x1D400  }
0x3ac: {  	[tilespmem:s20], [sflag:$0x4] =	stream.indirect_vreg.gather [hbm4b:s21+s15], $0x80, v3, vm0, $0xb8;
	[tilespmem:$0x1E400] =	vst v63  }
0x3ad: {  	s23 =	simm.s32 $0x1DC00;
	s24 =	sld [smem:$0x7DC]  }
0x3ae: {  	[tilespmem:s23], [sflag:$0x4] =	stream.indirect_vreg.gather [hbm4b:s22+s15], $0x80, v3, vm0, $0xb8;
	[tilespmem:$0x1E400] =	vst v63  }
0x3af: {  	s25 =	simm.s32 $0x4C00;
	s26 =	simm.s32 $0xB  }
0x3b0: {  	[tilespmem:s25], [sflag:$0xD] =	stream.linear.gather [hbm4b:s24+s15], $0x1800, $0x38;
	[tilespmem:$0x1E400] =	vst v63  }
0x3b1: {  	_ =	swait.ge [sflag:s26], $0x1800  }
0x3b2: {  	[sflag:s26] =	ssyncset.done $0x0  }
0x3b3: {  	s28 =	simm.s32 $0x2;
	[sflag:s26] =	ssyncadd.s32 $0xFFFFE800  }
0x3b4: {  	_ =	swait.ge [sflag:s28], $0x6000  }
0x3b5: {  	[sflag:s28] =	ssyncset.done $0x0  }
0x3b6: {  	s24 =	simm.s32 $0x0;
	[sflag:s28] =	ssyncadd.s32 $0xFFFFA000  }
.LBB2_22:
0x3b7: {  	s0 =	sshll.u32 s24, $0x7  }
0x3b8: {  	s2 =	sadd.s32 $0x1C00, s0  }
0x3b9: {  	s28 =	simm.s32 $0x0;
	[dreg:$0xb] =	wrdreg s2  }
0x3ba: {  	s6 =	sand.u32 $0x1C00, s15;
	s4 =	sand.u32 $0x40, s28;
	s2 =	rddreg [dreg:$0xb]  }
0x3bb: {  	s5 =	sadd.s32 $0xC400, s0;
	s7 =	sor.u32 $0x30, s4;
	s2 =	sadd.s32 s6, s2  }
0x3bc: {  	[dreg:$0xc] =	wrdreg s5;
	s19 =	sadd.s32 s7, s2  }
0x3bd: {  	s20 =	sadd.s32 s4, s2;
	v5 =	vld [tilespmem:s19+$0x0]  }
0x3be: {  	s9 =	sor.u32 $0x10, s4;
	v6 =	vld [tilespmem:s20+$0x0]  }
0x3bf: {  	s10 =	sor.u32 $0x20, s4;
	s8 =	rddreg [dreg:$0xc];
	s11 =	sadd.s32 s9, s2  }
0x3c0: {  	s8 =	sadd.s32 s6, s8;
	s2 =	sadd.s32 s10, s2;
	v4 =	vld [tilespmem:s11+$0x0]  }
0x3c1: {  	s5 =	sadd.s32 $0xDC00, s0;
	s23 =	sadd.s32 s7, s8;
	v3 =	vld [tilespmem:s2+$0x0]  }
0x3c2: {  	s17 =	sadd.s32 s4, s8;
	s2 =	sadd.s32 s6, s5;
	[tilespmem:s23+$0x0] =	vst.add.f32.msk $0xffff, v5  }
0x3c3: {  	s14 =	sadd.s32 $0xF400, s0;
	s26 =	sadd.s32 s7, s2;
	[tilespmem:s17+$0x0] =	vst.add.f32.msk $0xffff, v6  }
0x3c4: {  	s12 =	sadd.s32 s6, s14;
	s19 =	sadd.s32 s4, s2;
	[tilespmem:s26+$0x0] =	vst.add.f32.msk $0xffff, v5  }
0x3c5: {  	s25 =	sadd.s32 $0x10C00, s0;
	s11 =	sadd.s32 s7, s12;
	[tilespmem:s19+$0x0] =	vst.add.f32.msk $0xffff, v6  }
0x3c6: {  	s6 =	sadd.s32 s6, s25;
	s20 =	sadd.s32 s4, s12;
	[tilespmem:s11+$0x0] =	vst.add.f32.msk $0xffff, v5  }
0x3c7: {  	s16 =	sadd.s32 s7, s6;
	[tilespmem:s20+$0x0] =	vst.add.f32.msk $0xffff, v6  }
0x3c8: {  	s4 =	sadd.s32 s4, s6;
	[tilespmem:s16+$0x0] =	vst.add.f32.msk $0xffff, v5  }
0x3c9: {  	s0 =	sadd.s32 s10, s8;
	s7 =	sadd.s32 s10, s2;
	s16 =	sadd.s32 s9, s8;
	[tilespmem:s4+$0x0] =	vst.add.f32.msk $0xffff, v6  }
0x3ca: {  	s23 =	sadd.s32 s9, s2;
	s2 =	simm.s32 $0x0;
	s26 =	sadd.s32 s10, s12;
	[tilespmem:s16+$0x0] =	vst.add.f32.msk $0xffff, v4  }
0x3cb: {  	s11 =	sadd.s32 s9, s12;
	s4 =	sadd.s32 s9, s6;
	s16 =	sadd.s32 s10, s6;
	[tilespmem:s23+$0x0] =	vst.add.f32.msk $0xffff, v4  }
.LBB2_23:
0x3cc: {  	[tilespmem:s11+$0x0] =	vst.add.f32.msk $0xffff, v4  }
0x3cd: {  	s28 =	sadd.s32 $0x40, s28;
	s2 =	sadd.s32 $0x200, s2;
	[tilespmem:s0+$0x0] =	vst.add.f32.msk $0xffff, v3  }
0x3ce: {  	s6 =	rddreg [dreg:$0xb];
	[tilespmem:s4+$0x0] =	vst.add.f32.msk $0xffff, v4;
	s8 =	sand.u32 $0x40, s28;
	s4 =	sand.u32 $0x1C00, s2  }
0x3cf: {  	[tilespmem:s7+$0x0] =	vst.add.f32.msk $0xffff, v3;
	s19 =	sadd.s32 s4, s6;
	s9 =	sor.u32 $0x30, s8  }
0x3d0: {  	[tilespmem:s26+$0x0] =	vst.add.f32.msk $0xffff, v3;
	s23 =	sadd.s32 s9, s19  }
0x3d1: {  	s6 =	sor.u32 $0x10, s8;
	s20 =	sadd.s32 s8, s19;
	v5 =	vld [tilespmem:s23+$0x0]  }
0x3d2: {  	s10 =	sor.u32 $0x20, s8;
	s17 =	sadd.s32 s6, s19;
	v6 =	vld [tilespmem:s20+$0x0]  }
0x3d3: {  	s12 =	rddreg [dreg:$0xc];
	s0 =	sadd.s32 s10, s19;
	v4 =	vld [tilespmem:s17+$0x0]  }
0x3d4: {  	s11 =	sadd.s32 s4, s12;
	v7 =	vld [tilespmem:s0+$0x0]  }
0x3d5: {  	s23 =	sadd.s32 s9, s11;
	[tilespmem:s16+$0x0] =	vst.add.f32.msk $0xffff, v3  }
0x3d6: {  	s12 =	sadd.s32 s8, s11;
	[tilespmem:s23+$0x0] =	vst.add.f32.msk $0xffff, v5  }
0x3d7: {  	s19 =	sadd.s32 s6, s11;
	s17 =	sadd.s32 s4, s5;
	[tilespmem:s12+$0x0] =	vst.add.f32.msk $0xffff, v6  }
0x3d8: {  	s26 =	sadd.s32 s9, s17;
	[tilespmem:s19+$0x0] =	vst.add.f32.msk $0xffff, v4  }
0x3d9: {  	s12 =	sadd.s32 s8, s17;
	[tilespmem:s26+$0x0] =	vst.add.f32.msk $0xffff, v5  }
0x3da: {  	p0 =	slt.u32 s28, $0x2C0;
	s16 =	sadd.s32 s4, s14;
	s23 =	sadd.s32 s6, s17;
	[tilespmem:s12+$0x0] =	vst.add.f32.msk $0xffff, v6  }
.Ltmp10:
0x3db: {  	s20 =	sadd.s32 s4, s25;
	s7 =	sadd.s32 s9, s16;
	[tilespmem:s23+$0x0] =	vst.add.f32.msk $0xffff, v4;
	(pc) =	sbr.rel @p0 .LBB2_23-.Ltmp10, $4  }
0x3dc: {  	s0 =	sadd.s32 s10, s11;
	s11 =	sadd.s32 s6, s16;
	s9 =	sadd.s32 s9, s20;
	[tilespmem:s7+$0x0] =	vst.add.f32.msk $0xffff, v5  }
0x3dd: {  	s4 =	sadd.s32 s6, s20;
	s7 =	sadd.s32 s10, s17;
	s17 =	sadd.s32 s8, s16;
	[tilespmem:s9+$0x0] =	vst.add.f32.msk $0xffff, v5  }
0x3de: {  	s26 =	sadd.s32 s10, s16;
	s16 =	sadd.s32 s10, s20;
	s20 =	sadd.s32 s8, s20;
	[tilespmem:s17+$0x0] =	vst.add.f32.msk $0xffff, v6  }
0x3df: {  	v3 =	vmov v7;
	[tilespmem:s20+$0x0] =	vst.add.f32.msk $0xffff, v6  }
0x3e0: {  	s24 =	sadd.s32 $0x1, s24  }
0x3e1: {  	[tilespmem:s11+$0x0] =	vst.add.f32.msk $0xffff, v4;
	p0 =	sne.s32 s24, $0x8  }
.Ltmp11:
0x3e2: {  	[tilespmem:s0+$0x0] =	vst.add.f32.msk $0xffff, v3;
	(pc) =	sbr.rel @p0 .LBB2_22-.Ltmp11, $4  }
0x3e3: {  	[tilespmem:s4+$0x0] =	vst.add.f32.msk $0xffff, v4  }
0x3e4: {  	[tilespmem:s7+$0x0] =	vst.add.f32.msk $0xffff, v3  }
0x3e5: {  	[tilespmem:s26+$0x0] =	vst.add.f32.msk $0xffff, v3  }
0x3e6: {  	[tilespmem:s16+$0x0] =	vst.add.f32.msk $0xffff, v3  }
0x3e7: {  	s0 =	sld [smem:$0x7F4];
	_ =	sdelay $0x1  }
0x3e8: {  	s15 =	simm.s32 $0x0;
	s2 =	simm.s32 $0xC400;
	s17 =	sld [smem:$0x7F2]  }
0x3e9: {  	[hbm4b:s0+s15] =	stream.linear.scatter [tilespmem:s2], [sflag:$0x6], $0x1800, $0x38;
	[tilespmem:$0x1E400] =	vst v63  }
0x3ea: {  	s19 =	simm.s32 $0xDC00;
	s20 =	sld [smem:$0x7F3]  }
0x3eb: {  	[hbm4b:s17+s15] =	stream.linear.scatter [tilespmem:s19], [sflag:$0x6], $0x1800, $0x38;
	[tilespmem:$0x1E400] =	vst v63  }
0x3ec: {  	s23 =	simm.s32 $0xF400;
	s24 =	sld [smem:$0x7F5]  }
0x3ed: {  	[hbm4b:s20+s15] =	stream.linear.scatter [tilespmem:s23], [sflag:$0x6], $0x1800, $0x38;
	[tilespmem:$0x1E400] =	vst v63  }
0x3ee: {  	s25 =	simm.s32 $0x10C00;
	s26 =	simm.s32 $0xC  }
0x3ef: {  	[hbm4b:s24+s15] =	stream.linear.scatter [tilespmem:s25], [sflag:$0x6], $0x1800, $0x38;
	[tilespmem:$0x1E400] =	vst v63  }
0x3f0: {  	_ =	swait.ge [sflag:s26], $0x1800  }
0x3f1: {  	[sflag:s26] =	ssyncset.done $0x0  }
0x3f2: {  	s28 =	simm.s32 $0x3;
	[sflag:s26] =	ssyncadd.s32 $0xFFFFE800  }
0x3f3: {  	_ =	swait.ge [sflag:s28], $0x6000  }
0x3f4: {  	[sflag:s28] =	ssyncset.done $0x0  }
0x3f5: {  	s24 =	simm.s32 $0x0;
	[sflag:s28] =	ssyncadd.s32 $0xFFFFA000  }
.LBB2_26:
0x3f6: {  	s0 =	sshll.u32 s24, $0x7  }
0x3f7: {  	s2 =	sadd.s32 $0x3400, s0  }
0x3f8: {  	s28 =	simm.s32 $0x0;
	[dreg:$0xd] =	wrdreg s2  }
0x3f9: {  	s6 =	sand.u32 $0x1C00, s15;
	s4 =	sand.u32 $0x40, s28;
	s2 =	rddreg [dreg:$0xd]  }
0x3fa: {  	s5 =	sadd.s32 $0x12400, s0;
	s7 =	sor.u32 $0x30, s4;
	s2 =	sadd.s32 s6, s2  }
0x3fb: {  	[dreg:$0xe] =	wrdreg s5;
	s19 =	sadd.s32 s7, s2  }
0x3fc: {  	s20 =	sadd.s32 s4, s2;
	v5 =	vld [tilespmem:s19+$0x0]  }
0x3fd: {  	s9 =	sor.u32 $0x10, s4;
	v6 =	vld [tilespmem:s20+$0x0]  }
0x3fe: {  	s10 =	sor.u32 $0x20, s4;
	s8 =	rddreg [dreg:$0xe];
	s11 =	sadd.s32 s9, s2  }
0x3ff: {  	s8 =	sadd.s32 s6, s8;
	s2 =	sadd.s32 s10, s2;
	v4 =	vld [tilespmem:s11+$0x0]  }
0x400: {  	s5 =	sadd.s32 $0x13C00, s0;
	s23 =	sadd.s32 s7, s8;
	v3 =	vld [tilespmem:s2+$0x0]  }
0x401: {  	s17 =	sadd.s32 s4, s8;
	s2 =	sadd.s32 s6, s5;
	[tilespmem:s23+$0x0] =	vst.add.f32.msk $0xffff, v5  }
0x402: {  	s14 =	sadd.s32 $0x15400, s0;
	s26 =	sadd.s32 s7, s2;
	[tilespmem:s17+$0x0] =	vst.add.f32.msk $0xffff, v6  }
0x403: {  	s12 =	sadd.s32 s6, s14;
	s19 =	sadd.s32 s4, s2;
	[tilespmem:s26+$0x0] =	vst.add.f32.msk $0xffff, v5  }
0x404: {  	s25 =	sadd.s32 $0x16C00, s0;
	s11 =	sadd.s32 s7, s12;
	[tilespmem:s19+$0x0] =	vst.add.f32.msk $0xffff, v6  }
0x405: {  	s6 =	sadd.s32 s6, s25;
	s20 =	sadd.s32 s4, s12;
	[tilespmem:s11+$0x0] =	vst.add.f32.msk $0xffff, v5  }
0x406: {  	s16 =	sadd.s32 s7, s6;
	[tilespmem:s20+$0x0] =	vst.add.f32.msk $0xffff, v6  }
0x407: {  	s4 =	sadd.s32 s4, s6;
	[tilespmem:s16+$0x0] =	vst.add.f32.msk $0xffff, v5  }
0x408: {  	s0 =	sadd.s32 s10, s8;
	s7 =	sadd.s32 s10, s2;
	s16 =	sadd.s32 s9, s8;
	[tilespmem:s4+$0x0] =	vst.add.f32.msk $0xffff, v6  }
0x409: {  	s23 =	sadd.s32 s9, s2;
	s2 =	simm.s32 $0x0;
	s26 =	sadd.s32 s10, s12;
	[tilespmem:s16+$0x0] =	vst.add.f32.msk $0xffff, v4  }
0x40a: {  	s11 =	sadd.s32 s9, s12;
	s4 =	sadd.s32 s9, s6;
	s16 =	sadd.s32 s10, s6;
	[tilespmem:s23+$0x0] =	vst.add.f32.msk $0xffff, v4  }
.LBB2_27:
0x40b: {  	[tilespmem:s11+$0x0] =	vst.add.f32.msk $0xffff, v4  }
0x40c: {  	s28 =	sadd.s32 $0x40, s28;
	s2 =	sadd.s32 $0x200, s2;
	[tilespmem:s0+$0x0] =	vst.add.f32.msk $0xffff, v3  }
0x40d: {  	s6 =	rddreg [dreg:$0xd];
	[tilespmem:s4+$0x0] =	vst.add.f32.msk $0xffff, v4;
	s8 =	sand.u32 $0x40, s28;
	s4 =	sand.u32 $0x1C00, s2  }
0x40e: {  	[tilespmem:s7+$0x0] =	vst.add.f32.msk $0xffff, v3;
	s19 =	sadd.s32 s4, s6;
	s9 =	sor.u32 $0x30, s8  }
0x40f: {  	[tilespmem:s26+$0x0] =	vst.add.f32.msk $0xffff, v3;
	s23 =	sadd.s32 s9, s19  }
0x410: {  	s6 =	sor.u32 $0x10, s8;
	s20 =	sadd.s32 s8, s19;
	v5 =	vld [tilespmem:s23+$0x0]  }
0x411: {  	s10 =	sor.u32 $0x20, s8;
	s17 =	sadd.s32 s6, s19;
	v6 =	vld [tilespmem:s20+$0x0]  }
0x412: {  	s12 =	rddreg [dreg:$0xe];
	s0 =	sadd.s32 s10, s19;
	v4 =	vld [tilespmem:s17+$0x0]  }
0x413: {  	s11 =	sadd.s32 s4, s12;
	v7 =	vld [tilespmem:s0+$0x0]  }
0x414: {  	s23 =	sadd.s32 s9, s11;
	[tilespmem:s16+$0x0] =	vst.add.f32.msk $0xffff, v3  }
0x415: {  	s12 =	sadd.s32 s8, s11;
	[tilespmem:s23+$0x0] =	vst.add.f32.msk $0xffff, v5  }
0x416: {  	s19 =	sadd.s32 s6, s11;
	s17 =	sadd.s32 s4, s5;
	[tilespmem:s12+$0x0] =	vst.add.f32.msk $0xffff, v6  }
0x417: {  	s26 =	sadd.s32 s9, s17;
	[tilespmem:s19+$0x0] =	vst.add.f32.msk $0xffff, v4  }
0x418: {  	s12 =	sadd.s32 s8, s17;
	[tilespmem:s26+$0x0] =	vst.add.f32.msk $0xffff, v5  }
0x419: {  	p0 =	slt.u32 s28, $0x2C0;
	s16 =	sadd.s32 s4, s14;
	s23 =	sadd.s32 s6, s17;
	[tilespmem:s12+$0x0] =	vst.add.f32.msk $0xffff, v6  }
.Ltmp12:
0x41a: {  	s20 =	sadd.s32 s4, s25;
	s7 =	sadd.s32 s9, s16;
	[tilespmem:s23+$0x0] =	vst.add.f32.msk $0xffff, v4;
	(pc) =	sbr.rel @p0 .LBB2_27-.Ltmp12, $4  }
0x41b: {  	s0 =	sadd.s32 s10, s11;
	s11 =	sadd.s32 s6, s16;
	s9 =	sadd.s32 s9, s20;
	[tilespmem:s7+$0x0] =	vst.add.f32.msk $0xffff, v5  }
0x41c: {  	s4 =	sadd.s32 s6, s20;
	s7 =	sadd.s32 s10, s17;
	s17 =	sadd.s32 s8, s16;
	[tilespmem:s9+$0x0] =	vst.add.f32.msk $0xffff, v5  }
0x41d: {  	s26 =	sadd.s32 s10, s16;
	s16 =	sadd.s32 s10, s20;
	s20 =	sadd.s32 s8, s20;
	[tilespmem:s17+$0x0] =	vst.add.f32.msk $0xffff, v6  }
0x41e: {  	v3 =	vmov v7;
	[tilespmem:s20+$0x0] =	vst.add.f32.msk $0xffff, v6  }
0x41f: {  	s24 =	sadd.s32 $0x1, s24  }
0x420: {  	[tilespmem:s11+$0x0] =	vst.add.f32.msk $0xffff, v4;
	p0 =	sne.s32 s24, $0x8  }
.Ltmp13:
0x421: {  	[tilespmem:s0+$0x0] =	vst.add.f32.msk $0xffff, v3;
	(pc) =	sbr.rel @p0 .LBB2_26-.Ltmp13, $4  }
0x422: {  	[tilespmem:s4+$0x0] =	vst.add.f32.msk $0xffff, v4  }
0x423: {  	[tilespmem:s7+$0x0] =	vst.add.f32.msk $0xffff, v3  }
0x424: {  	[tilespmem:s26+$0x0] =	vst.add.f32.msk $0xffff, v3  }
0x425: {  	[tilespmem:s16+$0x0] =	vst.add.f32.msk $0xffff, v3  }
0x426: {  	s0 =	sld [smem:$0x7F8];
	_ =	sdelay $0x1  }
0x427: {  	s15 =	simm.s32 $0x0;
	s2 =	simm.s32 $0x12400;
	s17 =	sld [smem:$0x7F6]  }
0x428: {  	[hbm4b:s0+s15] =	stream.linear.scatter [tilespmem:s2], [sflag:$0x7], $0x1800, $0x38;
	[tilespmem:$0x1E400] =	vst v63  }
0x429: {  	s19 =	simm.s32 $0x13C00;
	s20 =	sld [smem:$0x7F7]  }
0x42a: {  	[hbm4b:s17+s15] =	stream.linear.scatter [tilespmem:s19], [sflag:$0x7], $0x1800, $0x38;
	[tilespmem:$0x1E400] =	vst v63  }
0x42b: {  	s23 =	simm.s32 $0x15400;
	s24 =	sld [smem:$0x7F9]  }
0x42c: {  	[hbm4b:s20+s15] =	stream.linear.scatter [tilespmem:s23], [sflag:$0x7], $0x1800, $0x38;
	[tilespmem:$0x1E400] =	vst v63  }
0x42d: {  	s25 =	simm.s32 $0x16C00;
	s26 =	simm.s32 $0xD  }
0x42e: {  	[hbm4b:s24+s15] =	stream.linear.scatter [tilespmem:s25], [sflag:$0x7], $0x1800, $0x38;
	[tilespmem:$0x1E400] =	vst v63  }
0x42f: {  	_ =	swait.ge [sflag:s26], $0x1800  }
0x430: {  	[sflag:s26] =	ssyncset.done $0x0  }
0x431: {  	s28 =	simm.s32 $0x4;
	[sflag:s26] =	ssyncadd.s32 $0xFFFFE800  }
0x432: {  	_ =	swait.ge [sflag:s28], $0x6000  }
0x433: {  	[sflag:s28] =	ssyncset.done $0x0  }
0x434: {  	s24 =	simm.s32 $0x0;
	[sflag:s28] =	ssyncadd.s32 $0xFFFFA000  }
.LBB2_30:
0x435: {  	s0 =	sshll.u32 s24, $0x7  }
0x436: {  	s2 =	sadd.s32 $0x4C00, s0  }
0x437: {  	s28 =	simm.s32 $0x0;
	[dreg:$0xf] =	wrdreg s2  }
0x438: {  	s6 =	sand.u32 $0x1C00, s15;
	s4 =	sand.u32 $0x40, s28;
	s2 =	rddreg [dreg:$0xf]  }
0x439: {  	s5 =	sadd.s32 $0x18400, s0;
	s7 =	sor.u32 $0x30, s4;
	s2 =	sadd.s32 s6, s2  }
0x43a: {  	[dreg:$0x10] =	wrdreg s5;
	s19 =	sadd.s32 s7, s2  }
0x43b: {  	s20 =	sadd.s32 s4, s2;
	v5 =	vld [tilespmem:s19+$0x0]  }
0x43c: {  	s9 =	sor.u32 $0x10, s4;
	v6 =	vld [tilespmem:s20+$0x0]  }
0x43d: {  	s10 =	sor.u32 $0x20, s4;
	s8 =	rddreg [dreg:$0x10];
	s11 =	sadd.s32 s9, s2  }
0x43e: {  	s8 =	sadd.s32 s6, s8;
	s2 =	sadd.s32 s10, s2;
	v4 =	vld [tilespmem:s11+$0x0]  }
0x43f: {  	s5 =	sadd.s32 $0x19C00, s0;
	s23 =	sadd.s32 s7, s8;
	v3 =	vld [tilespmem:s2+$0x0]  }
0x440: {  	s17 =	sadd.s32 s4, s8;
	s2 =	sadd.s32 s6, s5;
	[tilespmem:s23+$0x0] =	vst.add.f32.msk $0xffff, v5  }
0x441: {  	s14 =	sadd.s32 $0x1B400, s0;
	s26 =	sadd.s32 s7, s2;
	[tilespmem:s17+$0x0] =	vst.add.f32.msk $0xffff, v6  }
0x442: {  	s12 =	sadd.s32 s6, s14;
	s19 =	sadd.s32 s4, s2;
	[tilespmem:s26+$0x0] =	vst.add.f32.msk $0xffff, v5  }
0x443: {  	s25 =	sadd.s32 $0x1CC00, s0;
	s11 =	sadd.s32 s7, s12;
	[tilespmem:s19+$0x0] =	vst.add.f32.msk $0xffff, v6  }
0x444: {  	s6 =	sadd.s32 s6, s25;
	s20 =	sadd.s32 s4, s12;
	[tilespmem:s11+$0x0] =	vst.add.f32.msk $0xffff, v5  }
0x445: {  	s16 =	sadd.s32 s7, s6;
	[tilespmem:s20+$0x0] =	vst.add.f32.msk $0xffff, v6  }
0x446: {  	s4 =	sadd.s32 s4, s6;
	[tilespmem:s16+$0x0] =	vst.add.f32.msk $0xffff, v5  }
0x447: {  	s0 =	sadd.s32 s10, s8;
	s7 =	sadd.s32 s10, s2;
	s16 =	sadd.s32 s9, s8;
	[tilespmem:s4+$0x0] =	vst.add.f32.msk $0xffff, v6  }
0x448: {  	s23 =	sadd.s32 s9, s2;
	s2 =	simm.s32 $0x0;
	s26 =	sadd.s32 s10, s12;
	[tilespmem:s16+$0x0] =	vst.add.f32.msk $0xffff, v4  }
0x449: {  	s11 =	sadd.s32 s9, s12;
	s4 =	sadd.s32 s9, s6;
	s16 =	sadd.s32 s10, s6;
	[tilespmem:s23+$0x0] =	vst.add.f32.msk $0xffff, v4  }
.LBB2_31:
0x44a: {  	[tilespmem:s11+$0x0] =	vst.add.f32.msk $0xffff, v4  }
0x44b: {  	s28 =	sadd.s32 $0x40, s28;
	s2 =	sadd.s32 $0x200, s2;
	[tilespmem:s0+$0x0] =	vst.add.f32.msk $0xffff, v3  }
0x44c: {  	s6 =	rddreg [dreg:$0xf];
	[tilespmem:s4+$0x0] =	vst.add.f32.msk $0xffff, v4;
	s8 =	sand.u32 $0x40, s28;
	s4 =	sand.u32 $0x1C00, s2  }
0x44d: {  	[tilespmem:s7+$0x0] =	vst.add.f32.msk $0xffff, v3;
	s19 =	sadd.s32 s4, s6;
	s9 =	sor.u32 $0x30, s8  }
0x44e: {  	[tilespmem:s26+$0x0] =	vst.add.f32.msk $0xffff, v3;
	s23 =	sadd.s32 s9, s19  }
0x44f: {  	s6 =	sor.u32 $0x10, s8;
	s20 =	sadd.s32 s8, s19;
	v5 =	vld [tilespmem:s23+$0x0]  }
0x450: {  	s10 =	sor.u32 $0x20, s8;
	s17 =	sadd.s32 s6, s19;
	v6 =	vld [tilespmem:s20+$0x0]  }
0x451: {  	s12 =	rddreg [dreg:$0x10];
	s0 =	sadd.s32 s10, s19;
	v4 =	vld [tilespmem:s17+$0x0]  }
0x452: {  	s11 =	sadd.s32 s4, s12;
	v7 =	vld [tilespmem:s0+$0x0]  }
0x453: {  	s23 =	sadd.s32 s9, s11;
	[tilespmem:s16+$0x0] =	vst.add.f32.msk $0xffff, v3  }
0x454: {  	s12 =	sadd.s32 s8, s11;
	[tilespmem:s23+$0x0] =	vst.add.f32.msk $0xffff, v5  }
0x455: {  	s19 =	sadd.s32 s6, s11;
	s17 =	sadd.s32 s4, s5;
	[tilespmem:s12+$0x0] =	vst.add.f32.msk $0xffff, v6  }
0x456: {  	s26 =	sadd.s32 s9, s17;
	[tilespmem:s19+$0x0] =	vst.add.f32.msk $0xffff, v4  }
0x457: {  	s12 =	sadd.s32 s8, s17;
	[tilespmem:s26+$0x0] =	vst.add.f32.msk $0xffff, v5  }
0x458: {  	p0 =	slt.u32 s28, $0x2C0;
	s16 =	sadd.s32 s4, s14;
	s23 =	sadd.s32 s6, s17;
	[tilespmem:s12+$0x0] =	vst.add.f32.msk $0xffff, v6  }
.Ltmp14:
0x459: {  	s20 =	sadd.s32 s4, s25;
	s7 =	sadd.s32 s9, s16;
	[tilespmem:s23+$0x0] =	vst.add.f32.msk $0xffff, v4;
	(pc) =	sbr.rel @p0 .LBB2_31-.Ltmp14, $4  }
0x45a: {  	s0 =	sadd.s32 s10, s11;
	s11 =	sadd.s32 s6, s16;
	s9 =	sadd.s32 s9, s20;
	[tilespmem:s7+$0x0] =	vst.add.f32.msk $0xffff, v5  }
0x45b: {  	s4 =	sadd.s32 s6, s20;
	s7 =	sadd.s32 s10, s17;
	s17 =	sadd.s32 s8, s16;
	[tilespmem:s9+$0x0] =	vst.add.f32.msk $0xffff, v5  }
0x45c: {  	s26 =	sadd.s32 s10, s16;
	s16 =	sadd.s32 s10, s20;
	s20 =	sadd.s32 s8, s20;
	[tilespmem:s17+$0x0] =	vst.add.f32.msk $0xffff, v6  }
0x45d: {  	v3 =	vmov v7;
	[tilespmem:s20+$0x0] =	vst.add.f32.msk $0xffff, v6  }
0x45e: {  	s24 =	sadd.s32 $0x1, s24  }
0x45f: {  	[tilespmem:s11+$0x0] =	vst.add.f32.msk $0xffff, v4;
	p0 =	sne.s32 s24, $0x8  }
.Ltmp15:
0x460: {  	[tilespmem:s0+$0x0] =	vst.add.f32.msk $0xffff, v3;
	(pc) =	sbr.rel @p0 .LBB2_30-.Ltmp15, $4  }
0x461: {  	[tilespmem:s4+$0x0] =	vst.add.f32.msk $0xffff, v4  }
0x462: {  	[tilespmem:s7+$0x0] =	vst.add.f32.msk $0xffff, v3  }
0x463: {  	[tilespmem:s26+$0x0] =	vst.add.f32.msk $0xffff, v3  }
0x464: {  	[tilespmem:s16+$0x0] =	vst.add.f32.msk $0xffff, v3  }
0x465: {  	s0 =	sld [smem:$0x7FC];
	_ =	sdelay $0x1  }
0x466: {  	s2 =	simm.s32 $0x18400;
	s16 =	sld [smem:$0x7FA]  }
0x467: {  	[hbm4b:s0+s1] =	stream.linear.scatter [tilespmem:s2], [sflag:$0x8], $0x1800, $0x38;
	[tilespmem:$0x1E400] =	vst v63  }
0x468: {  	s17 =	simm.s32 $0x19C00;
	s19 =	sld [smem:$0x7FB]  }
0x469: {  	[hbm4b:s16+s1] =	stream.linear.scatter [tilespmem:s17], [sflag:$0x8], $0x1800, $0x38;
	[tilespmem:$0x1E400] =	vst v63  }
0x46a: {  	s20 =	simm.s32 $0x1B400;
	s23 =	sld [smem:$0x7FD]  }
0x46b: {  	[hbm4b:s19+s1] =	stream.linear.scatter [tilespmem:s20], [sflag:$0x8], $0x1800, $0x38;
	[tilespmem:$0x1E400] =	vst v63  }
0x46c: {  	s24 =	simm.s32 $0x1CC00;
	s25 =	simm.s32 $0x5  }
0x46d: {  	[hbm4b:s23+s1] =	stream.linear.scatter [tilespmem:s24], [sflag:$0x8], $0x1800, $0x38;
	[tilespmem:$0x1E400] =	vst v63  }
0x46e: {  	_ =	swait.ge [sflag:s25], $0x1800  }
0x46f: {  	[sflag:s25] =	ssyncset.done $0x0  }
0x470: {  	[sflag:s25] =	ssyncadd.s32 $0xFFFFE800  }
0x471: {  	_ =	swait.ge [sflag:s25], $0x1800  }
0x472: {  	[sflag:s25] =	ssyncset.done $0x0  }
0x473: {  	[sflag:s25] =	ssyncadd.s32 $0xFFFFE800  }
0x474: {  	_ =	swait.ge [sflag:s25], $0x1800  }
0x475: {  	[sflag:s25] =	ssyncset.done $0x0  }
0x476: {  	[sflag:s25] =	ssyncadd.s32 $0xFFFFE800  }
0x477: {  	_ =	swait.ge [sflag:s25], $0x1800  }
0x478: {  	[sflag:s25] =	ssyncset.done $0x0  }
0x479: {  	[sflag:s25] =	ssyncadd.s32 $0xFFFFE800  }
0x47a: {  	_ =	swait.ge [sflag:s18], $0x1800  }
0x47b: {  	[sflag:s18] =	ssyncset.done $0x0  }
0x47c: {  	[sflag:s18] =	ssyncadd.s32 $0xFFFFE800  }
0x47d: {  	_ =	swait.ge [sflag:s18], $0x1800  }
0x47e: {  	[sflag:s18] =	ssyncset.done $0x0  }
0x47f: {  	[sflag:s18] =	ssyncadd.s32 $0xFFFFE800  }
0x480: {  	_ =	swait.ge [sflag:s18], $0x1800  }
0x481: {  	[sflag:s18] =	ssyncset.done $0x0  }
0x482: {  	[sflag:s18] =	ssyncadd.s32 $0xFFFFE800  }
0x483: {  	_ =	swait.ge [sflag:s18], $0x1800  }
0x484: {  	[sflag:s18] =	ssyncset.done $0x0  }
0x485: {  	[sflag:s18] =	ssyncadd.s32 $0xFFFFE800  }
0x486: {  	_ =	swait.ge [sflag:s3], $0x1800  }
0x487: {  	[sflag:s3] =	ssyncset.done $0x0  }
0x488: {  	[sflag:s3] =	ssyncadd.s32 $0xFFFFE800  }
0x489: {  	_ =	swait.ge [sflag:s3], $0x1800  }
0x48a: {  	[sflag:s3] =	ssyncset.done $0x0  }
0x48b: {  	[sflag:s3] =	ssyncadd.s32 $0xFFFFE800  }
0x48c: {  	_ =	swait.ge [sflag:s3], $0x1800  }
0x48d: {  	[sflag:s3] =	ssyncset.done $0x0  }
0x48e: {  	[sflag:s3] =	ssyncadd.s32 $0xFFFFE800  }
0x48f: {  	_ =	swait.ge [sflag:s3], $0x1800  }
0x490: {  	[sflag:s3] =	ssyncset.done $0x0  }
0x491: {  	[sflag:s3] =	ssyncadd.s32 $0xFFFFE800  }
0x492: {  	_ =	swait.ge [sflag:s29], $0x1800  }
0x493: {  	[sflag:s29] =	ssyncset.done $0x0  }
0x494: {  	[sflag:s29] =	ssyncadd.s32 $0xFFFFE800  }
0x495: {  	_ =	swait.ge [sflag:s29], $0x1800  }
0x496: {  	[sflag:s29] =	ssyncset.done $0x0  }
0x497: {  	[sflag:s29] =	ssyncadd.s32 $0xFFFFE800  }
0x498: {  	_ =	swait.ge [sflag:s29], $0x1800  }
0x499: {  	[sflag:s29] =	ssyncset.done $0x0  }
0x49a: {  	[sflag:s29] =	ssyncadd.s32 $0xFFFFE800  }
0x49b: {  	_ =	swait.ge [sflag:s29], $0x1800  }
0x49c: {  	s26 =	sld [smem:$0x7C3]  }
0x49d: {  	s28 =	sld [smem:$0x7DD];
	_ =	sdelay $0x1  }
0x49e: {  	s2 =	sadd.s32 $0x1, s26  }
0x49f: {  	p0 =	sne.s32 s2, s28  }
.Ltmp16:
0x4a0: {  	_ = 	snop;
	(pc) =	sbr.rel @p0 .LBB2_1-.Ltmp16, $3  }
0x4a1: {  	_ =	sdelay $0x1  }
0x4a2: {  	[sflag:s29] =	ssyncset.done $0x0  }
0x4a3: {  	s10 =	simm.s32 $0x6400;
	[sflag:s29] =	ssyncadd.s32 $0xFFFFE800  }
0x4a4: {  	_ =	sfence.sel $0x180000  }
0x4a5: {  	[bflag:$0x0] =	sbarrier.arrive $0xFFFF  }
0x4a6: {  	_ =	strace $0x90000047  }
0x4a7: {  	s0 =	stileid.u32;
	[bflag:$0x2] =	sbarrier.arrive $0xFFFF  }
0x4a8: {  	p0 =	sne.s32 s0, $0x0;
	s0 =	rddreg [dreg:$0x4]  }
0x4a9: {  	s0 =	sadd.s32 @!p0 $0x100000, s0  }
0x4aa: {  	[sflag:s0] =	ssyncadd.tile.s32 @!p0 $0x1;
	_ =	shalt  }
.Lfunc_end2:
_tile_overlayer_lowered:
.L_overlay_start_2:
0x4ab: {  	(tag) =	ssettag $0x2  }
0x4ac: {  	s0 =	rddreg [dreg:$0x0];
	s2 =	stileid.u32  }
0x4ad: {  	s1 =	rddreg [dreg:$0x1];
	p0 =	sne.s32 s2, $0x0  }
0x4ae: {  	s3 =	rddreg [dreg:$0x2];
	[bflag:$0x3] =	sbarrier.arrive $0xFFFF;
	s2 =	simm.s32 @!p0 $0x1C0E  }
0x4af: {  	[timem:s3], [sflag:s2] =	dma.local @!p0 [hbm:s0], s1  }
0x4b0: {  	s0 =	simm.s32 @!p0 $0xE  }
0x4b1: {  	_ =	swait.ge @!p0 [sflag:s0], s1  }
0x4b2: {  	s1 =	ssub.s32 @!p0 $0x0, s1;
	[sflag:s0] =	ssyncset.done @!p0 $0x0  }
0x4b3: {  	[sflag:s0] =	ssyncadd.s32 @!p0 s1  }
0x4b4: {  	[bflag:$0x3] =	sbarrier.arrive $0xFFFF  }
0x4b5: {  	_ =	shalt  }

</sc_bundles>
